<compile_context>
chip_gen: v7x
topology: tpu7x:2x2x1
jax: 0.10.2.dev20260603
libtpu: 0.0.44.dev20260713+nightly
codegen_flags: <defaults>
</compile_context>

<pallas_src>
import functools

import jax
import jax.numpy as jnp
from jax import lax
from jax.experimental import pallas as pl
from jax.experimental.pallas import tpu as pltpu
from jax.experimental.pallas import tpu_sc as plsc

N = 10000
F = 128
HID = 64
E = 320000
NT = 3
C = NT * HID
NC, NS = 2, 16
NW = NC * NS
EPW = E // NW
CH = C // NC
CHUNK = 80
NCHUNK = EPW // CHUNK
ESC = E // NS
NCHUNK_SC = ESC // CHUNK
SB = 10
NBLK = NCHUNK_SC // SB
NPH = 2
PHCH = NCHUNK_SC // NPH
SUBA = 624
SUBN = 640
ZR = 40
RB = 1000
GRID = N // RB

_mesh = plsc.VectorSubcoreMesh(core_axis_name="c", subcore_axis_name="s")



@functools.partial(
    pl.kernel,
    out_type=jax.ShapeDtypeStruct((NC * N, 16), jnp.float32),
    mesh=_mesh,
    scratch_types=[
        pltpu.VMEM((NCHUNK, CHUNK), jnp.int32),
        pltpu.VMEM((CHUNK, 16), jnp.float32),
        pltpu.VMEM((SUBN, 16), jnp.float32),
        pltpu.VMEM_SHARED((N, 16), jnp.float32),
        pltpu.SemaphoreType.DMA,
    ],
    compiler_params=pltpu.CompilerParams(use_tc_tiling_on_sc=False),
)
def _sc_degree(dst_hbm, deg_hbm, dstbuf, ones_v, zbuf, acc, sem):
    c = lax.axis_index("c")
    s = lax.axis_index("s")
    w = c * NS + s

    @pl.loop(0, CHUNK)
    def _fill_ones(i):
        ones_v[i, :] = jnp.ones((16,), jnp.float32)

    @pl.loop(0, SUBN)
    def _fill_zero(i):
        zbuf[i, :] = jnp.zeros((16,), jnp.float32)

    pltpu.sync_copy(zbuf, acc.at[pl.ds(s * SUBA, SUBN)])
    pltpu.sync_copy(dst_hbm.at[pl.ds(w * NCHUNK, NCHUNK)], dstbuf)
    plsc.subcore_barrier()

    GK = 5

    @pl.loop(0, NCHUNK // GK)
    def _edges(i):
        descs = [
            pltpu.async_copy(ones_v, acc.at[dstbuf.at[i * GK + j]], sem,
                             add=True)
            for j in range(GK)
        ]
        for d in descs:
            d.wait()

    plsc.subcore_barrier()
    pltpu.sync_copy(acc.at[pl.ds(s * SUBA, SUBN)],
                    deg_hbm.at[pl.ds(c * N + s * SUBA, SUBN)])


@functools.partial(
    pl.kernel,
    out_type=jax.ShapeDtypeStruct((NC * N, CH), jnp.float32),
    mesh=_mesh,
    scratch_types=[
        pltpu.VMEM((PHCH, CHUNK), jnp.int32),
        pltpu.VMEM((PHCH, CHUNK), jnp.int32),
        pltpu.VMEM((CHUNK, CH), jnp.float32),
        pltpu.VMEM((CHUNK, CH), jnp.float32),
        pltpu.VMEM((CHUNK, CH), jnp.float32),
        pltpu.VMEM((CHUNK, CH), jnp.float32),
        pltpu.VMEM((CHUNK, CH), jnp.float32),
        pltpu.VMEM((ZR, CH), jnp.float32),
        pltpu.VMEM_SHARED((N, CH), jnp.float32),
        pltpu.SemaphoreType.DMA,
        pltpu.SemaphoreType.DMA,
        pltpu.SemaphoreType.DMA,
        pltpu.SemaphoreType.DMA,
        pltpu.SemaphoreType.DMA,
        pltpu.SemaphoreType.DMA,
        pltpu.SemaphoreType.DMA,
        pltpu.SemaphoreType.DMA,
        pltpu.SemaphoreType.DMA,
        pltpu.SemaphoreType.DMA,
    ],
    compiler_params=pltpu.CompilerParams(use_tc_tiling_on_sc=False),
)
def _sc_spmm(p_hbm, src_hbm, dst_hbm, out_hbm, srcbuf, dstbuf, r0, r1, r2, r3,
             r4, zbuf, acc, g0, g1, g2, g3, g4, s0, s1, s2, s3, s4):
    c = lax.axis_index("c")
    s = lax.axis_index("s")

    @pl.loop(0, ZR)
    def _fill_zero(i):
        @pl.loop(0, CH // 16)
        def _fz2(j):
            zbuf[i, pl.ds(j * 16, 16)] = jnp.zeros((16,), jnp.float32)

    @pl.loop(0, SUBN // ZR)
    def _clear(k):
        pltpu.sync_copy(zbuf, acc.at[pl.ds(s * SUBA + k * ZR, ZR)])

    plsc.subcore_barrier()

    bufs = (r0, r1, r2, r3, r4)
    gsems = (g0, g1, g2, g3, g4)
    ssems = (s0, s1, s2, s3, s4)
    NB = 5

    def gather(row, k):
        pltpu.async_copy(p_hbm.at[srcbuf.at[row]], bufs[k], gsems[k])

    def gwait(k):
        pltpu.make_async_copy(p_hbm.at[srcbuf.at[0]], bufs[k], gsems[k]).wait()

    def scatter(row, k):
        pltpu.async_copy(bufs[k], acc.at[dstbuf.at[row]], ssems[k], add=True)

    def swait(k):
        pltpu.make_async_copy(p_hbm.at[srcbuf.at[0]], bufs[k], ssems[k]).wait()

    for ph in range(NPH):
        pltpu.sync_copy(
            src_hbm.at[pl.ds((c * NS + s) * NCHUNK_SC + ph * PHCH, PHCH)],
            srcbuf)
        pltpu.sync_copy(
            dst_hbm.at[pl.ds(s * NCHUNK_SC + ph * PHCH, PHCH)], dstbuf)

        for k in range(NB):
            gather(k, k)

        @pl.loop(0, PHCH // NB - 1)
        def _body(i):
            j = NB * i
            for k in range(NB):
                gwait(k)
                scatter(j + k, k)
            for k in range(NB):
                swait(k)
                gather(j + NB + k, k)

        j = PHCH - NB
        for k in range(NB):
            gwait(k)
            scatter(j + k, k)
        for k in range(NB):
            swait(k)

    plsc.subcore_barrier()
    pltpu.sync_copy(acc.at[pl.ds(s * SUBA, SUBN)],
                    out_hbm.at[pl.ds(c * N + s * SUBA, SUBN)])



def _dinv_from(deg_ref):
    d = deg_ref[0, :, 0:1] + deg_ref[1, :, 0:1] + 1.0
    dinv = lax.rsqrt(d)
    return dinv, 1.0 / d


def _ka_body(xs_ref, w1_ref, deg_ref, p_ref, u_ref):
    dinv, _ = _dinv_from(deg_ref)
    w1 = w1_ref[...]
    u = jnp.concatenate(
        [jnp.dot(xs_ref[t], w1, preferred_element_type=jnp.float32)
         for t in range(NT)], axis=1)
    u_ref[...] = u
    p = u * dinv
    p_ref[0] = p[:, :CH]
    p_ref[1] = p[:, CH:]


def _kb_body(g_ref, u1_ref, deg_ref, w2_ref, b1_ref, p2_ref, u2_ref):
    dinv, dinv2 = _dinv_from(deg_ref)
    g = jnp.concatenate([g_ref[0], g_ref[1]], axis=1)
    h1 = jnp.maximum(g * dinv + u1_ref[...] * dinv2 + b1_ref[...], 0.0)
    w2 = w2_ref[...]
    u2 = jnp.concatenate(
        [jnp.dot(h1[:, t * HID:(t + 1) * HID], w2,
                 preferred_element_type=jnp.float32)
         for t in range(NT)], axis=1)
    u2_ref[...] = u2
    p2 = u2 * dinv
    p2_ref[0] = p2[:, :CH]
    p2_ref[1] = p2[:, CH:]


def _kc_body(g_ref, u2_ref, deg_ref, b2_ref, a10_ref, a11_ref, bcat_ref,
             cb1_ref, cb2_ref, fcwt_ref, fcb_ref, out_ref):
    dinv, dinv2 = _dinv_from(deg_ref)
    g = jnp.concatenate([g_ref[0], g_ref[1]], axis=1)
    h2 = jnp.maximum(g * dinv + u2_ref[...] * dinv2 + b2_ref[...], 0.0)
    c10 = jnp.maximum(
        jnp.dot(h2, a10_ref[...], preferred_element_type=jnp.float32)
        + cb1_ref[...], 0.0)
    c11 = jnp.maximum(
        jnp.dot(h2, a11_ref[...], preferred_element_type=jnp.float32)
        + cb1_ref[...], 0.0)
    cc = jnp.concatenate([c10, c11], axis=1)
    hl = jnp.maximum(
        jnp.dot(cc, bcat_ref[...], preferred_element_type=jnp.float32)
        + cb2_ref[...], 0.0)
    out_ref[...] = jnp.sum(hl * fcwt_ref[...], axis=1, keepdims=True) \
        + fcb_ref[0, 0]


def _row_spec(shape):
    return pl.BlockSpec(shape, lambda i: (i,) + (0,) * (len(shape) - 1))


def _full_spec(shape):
    return pl.BlockSpec(shape, lambda i: (0,) * len(shape))


_DEG_SPEC = pl.BlockSpec((2, RB, 16), lambda i: (0, i, 0))
_G_SPEC = pl.BlockSpec((2, RB, CH), lambda i: (0, i, 0))


_ka = pl.pallas_call(
    _ka_body,
    grid=(GRID,),
    in_specs=[pl.BlockSpec((NT, RB, F), lambda i: (0, i, 0)),
              _full_spec((F, HID)),
              _DEG_SPEC],
    out_specs=[pl.BlockSpec((2, RB, CH), lambda i: (0, i, 0)),
               _row_spec((RB, C))],
    out_shape=[jax.ShapeDtypeStruct((2, N, CH), jnp.float32),
               jax.ShapeDtypeStruct((N, C), jnp.float32)],
)

_kb = pl.pallas_call(
    _kb_body,
    grid=(GRID,),
    in_specs=[_G_SPEC,
              _row_spec((RB, C)),
              _DEG_SPEC,
              _full_spec((HID, HID)),
              _full_spec((1, C))],
    out_specs=[pl.BlockSpec((2, RB, CH), lambda i: (0, i, 0)),
               _row_spec((RB, C))],
    out_shape=[jax.ShapeDtypeStruct((2, N, CH), jnp.float32),
               jax.ShapeDtypeStruct((N, C), jnp.float32)],
)

_kc = pl.pallas_call(
    _kc_body,
    grid=(GRID,),
    in_specs=[_G_SPEC,
              _row_spec((RB, C)),
              _DEG_SPEC,
              _full_spec((1, C)),
              _full_spec((C, 32)),
              _full_spec((C, 32)),
              _full_spec((2 * 32, 32)),
              _full_spec((1, 32)),
              _full_spec((1, 32)),
              _full_spec((1, 32)),
              _full_spec((1, 1))],
    out_specs=_row_spec((RB, 1)),
    out_shape=jax.ShapeDtypeStruct((N, 1), jnp.float32),
)


def kernel(x, edge_index, W1, b1, W2, b2, cw1, cb1, cw2, cb2, fcw, fcb):
    src = edge_index[0].astype(jnp.int32)
    dst = edge_index[1].astype(jnp.int32)
    xs = x[0, 12 - NT:]

    dst2d0 = dst.reshape(E // CHUNK, CHUNK)
    deg = _sc_degree(dst2d0).reshape(2, N, 16)

    p1, u1 = _ka(xs, W1, deg)
    src2d = src.reshape(E // CHUNK, CHUNK)
    srccat = jnp.concatenate([src2d, src2d + N], axis=0)
    dst2d = dst.reshape(E // CHUNK, CHUNK)
    g1 = _sc_spmm(p1.reshape(NC * N, CH), srccat, dst2d).reshape(2, N, CH)

    b1t = jnp.tile(b1, NT)[None, :]
    p2, u2 = _kb(g1, u1, deg, W2, b1t)
    g2 = _sc_spmm(p2.reshape(NC * N, CH), srccat, dst2d).reshape(2, N, CH)

    a0, a1, a2 = (cw1[:, :, k].T for k in range(3))
    a10 = jnp.concatenate([a0, a1, a2], axis=0)
    a11 = jnp.concatenate([jnp.zeros_like(a0), a0, a1], axis=0)
    bcat = jnp.concatenate([cw2[:, :, 0].T, cw2[:, :, 1].T], axis=0)
    b2t = jnp.tile(b2, NT)[None, :]
    out = _kc(g2, u2, deg, b2t, a10, a11, bcat,
              cb1[None, :], cb2[None, :], fcw.T, fcb.reshape(1, 1))
    return out.reshape(1, N)

# --- scband reference (transcript-rebuilt; emitter-appended) ---
"""Pipeline reference for scband-gnn-lstm-regressor-5746666242542 (READ-ONLY COPY).

The authoritative reference and input builder live on the scoring server;
editing this copy changes nothing except your own understanding.
"""

import jax, jax.numpy as jnp
import numpy as np

HIDDEN = 64
TEMPORAL = 32


def gcn_conv(x, edge_index, W, b):
    N = x.shape[0]
    src = edge_index[0]
    dst = edge_index[1]
    loops = jnp.arange(N, dtype=src.dtype)
    src = jnp.concatenate([src, loops])
    dst = jnp.concatenate([dst, loops])
    deg = jnp.zeros((N,), dtype=x.dtype).at[dst].add(1.0)
    dinv = jax.lax.rsqrt(deg)
    coef = dinv[src] * dinv[dst]
    xw = x @ W
    msg = xw[src] * coef[:, None]
    out = jnp.zeros((N, xw.shape[1]), dtype=x.dtype).at[dst].add(msg)
    return out + b


def conv1d(x, w, b):
    y = jax.lax.conv_general_dilated(x, w, (1,), ((1, 1),), dimension_numbers=('NCH', 'OIH', 'NCH'))
    return y + b[None, :, None]


def setup_inputs(seed: int = 0) -> dict:
    key = jax.random.key(seed)
    ks = jax.random.split(key, 12)
    N, F, W = 10000, 128, 12
    x = jax.random.normal(ks[0], (1, W, N, F), dtype=jnp.float32)
    edge_index = jax.random.randint(ks[1], (2, 320000), 0, N)
    W1 = jax.random.normal(ks[2], (F, HIDDEN), dtype=jnp.float32) * 0.05
    b1 = jnp.zeros((HIDDEN,), dtype=jnp.float32)
    W2 = jax.random.normal(ks[3], (HIDDEN, HIDDEN), dtype=jnp.float32) * 0.05
    b2 = jnp.zeros((HIDDEN,), dtype=jnp.float32)
    cw1 = jax.random.normal(ks[4], (TEMPORAL, HIDDEN, 3), dtype=jnp.float32) * 0.05
    cb1 = jnp.zeros((TEMPORAL,), dtype=jnp.float32)
    cw2 = jax.random.normal(ks[5], (TEMPORAL, TEMPORAL, 3), dtype=jnp.float32) * 0.05
    cb2 = jnp.zeros((TEMPORAL,), dtype=jnp.float32)
    fcw = jax.random.normal(ks[6], (TEMPORAL, 1), dtype=jnp.float32) * 0.05
    fcb = jnp.zeros((1,), dtype=jnp.float32)
    return {"x": x, "edge_index": edge_index, "W1": W1, "b1": b1, "W2": W2, "b2": b2,
            "cw1": cw1, "cb1": cb1, "cw2": cw2, "cb2": cb2, "fcw": fcw, "fcb": fcb}


def reference(x, edge_index, W1, b1, W2, b2, cw1, cb1, cw2, cb2, fcw, fcb):
    B, Wt, N, F = x.shape
    outputs = []
    for t in range(Wt):
        xt = x[:, t].reshape(B * N, F)
        h = jax.nn.relu(gcn_conv(xt, edge_index, W1, b1))
        h = jax.nn.relu(gcn_conv(h, edge_index, W2, b2))
        outputs.append(h.reshape(B, N, HIDDEN))
    H = jnp.stack(outputs, axis=1)  # [B, W, N, hidden]
    H = jnp.transpose(H, (0, 2, 3, 1)).reshape(B * N, HIDDEN, Wt)
    H = jax.nn.relu(conv1d(H, cw1, cb1))
    H = jax.nn.relu(conv1d(H, cw2, cb2))
    H_last = H[:, :, -1]
    out = (H_last @ fcw + fcb).reshape(B, N)
    return out

if __name__ == "__main__":
    import jax
    _d = setup_inputs()
    print(jax.jit(kernel)(*tuple(_d.values())))

</pallas_src>

<mosaic_0001>
#map = affine_map<(d0, d1) -> (0, 0)>
module attributes {stable_mosaic.version = 14 : i64} {
  func.func @_sc_degree(%arg0: i32, %arg1: i32, %arg2: memref<4000x80xi32, #tpu.memory_space<hbm>>, %arg3: memref<20000x16xf32, #tpu.memory_space<hbm>>, %arg4: memref<125x80xi32, #tpu.memory_space<vmem>>, %arg5: memref<80x16xf32, #tpu.memory_space<vmem>>, %arg6: memref<640x16xf32, #tpu.memory_space<vmem>>, %arg7: memref<10000x16xf32, #tpu.memory_space<vmem_shared>>, %arg8: memref<!tpu.dma_semaphore, #tpu.memory_space<semaphore_mem>>) attributes {dimension_semantics = [#tpu.dimension_semantics<core_parallel>, #tpu.dimension_semantics<subcore_parallel>], iteration_bounds = array<i64: 2, 16>, scalar_prefetch = 0 : i64, scratch_operands = 5 : i64, tpu.core_type = #tpu.core_type<sc_vector_subcore>, window_params = [{transform_indices = #map}, {transform_indices = #map}]} {
    %mul3A = arith.constant 16 : i32
    %mul3A_0 = arith.muli %arg0, %mul3A : i32
    %add3A = arith.addi %mul3A_0, %arg1 : i32
    %scan3A = arith.constant 0 : i32
    %scan3A_1 = arith.constant 80 : i32
    %scan3A_2 = arith.addi %scan3A, %scan3A_1 : i32
    %scan3A_3 = arith.constant 1 : i32
    scf.for %scan3A_27 = %scan3A to %scan3A_2 step %scan3A_3  : i32 {
      %mul3A_28 = arith.constant 1 : i32
      %mul3A_29 = arith.muli %scan3A_27, %mul3A_28 : i32
      %add3A_30 = arith.constant 0 : i32
      %add3A_31 = arith.addi %add3A_30, %mul3A_29 : i32
      %broadcast_in_dim3A = arith.constant 1.000000e+00 : f32
      %broadcast_in_dim3A_32 = vector.broadcast %broadcast_in_dim3A : f32 to vector<16xf32>
      %swap3A = arith.index_cast %add3A_31 : i32 to index
      %swap3A_33 = arith.constant 0 : index
      %swap3A_34 = tpu.vector_load %arg5[%swap3A, %swap3A_33] {strides = array<i32>} : memref<80x16xf32, #tpu.memory_space<vmem>>, vector<1x16xf32>,
      %swap3A_35 = vector.shape_cast %swap3A_34 : vector<1x16xf32> to vector<16xf32>
      %swap3A_36 = vector.shape_cast %broadcast_in_dim3A_32 : vector<16xf32> to vector<1x16xf32>
      tpu.vector_store %arg5[%swap3A, %swap3A_33], %swap3A_36 {strides = array<i32>} : memref<80x16xf32, #tpu.memory_space<vmem>>, vector<1x16xf32>,
    }
    %scan3A_4 = arith.constant 80 : i32
    %scan3A_5 = arith.constant 0 : i32
    %scan3A_6 = arith.constant 640 : i32
    %scan3A_7 = arith.addi %scan3A_5, %scan3A_6 : i32
    %scan3A_8 = arith.constant 1 : i32
    scf.for %scan3A_27 = %scan3A_5 to %scan3A_7 step %scan3A_8  : i32 {
      %mul3A_28 = arith.constant 1 : i32
      %mul3A_29 = arith.muli %scan3A_27, %mul3A_28 : i32
      %add3A_30 = arith.constant 0 : i32
      %add3A_31 = arith.addi %add3A_30, %mul3A_29 : i32
      %broadcast_in_dim3A = arith.constant 0.000000e+00 : f32
      %broadcast_in_dim3A_32 = vector.broadcast %broadcast_in_dim3A : f32 to vector<16xf32>
      %swap3A = arith.index_cast %add3A_31 : i32 to index
      %swap3A_33 = arith.constant 0 : index
      %swap3A_34 = tpu.vector_load %arg6[%swap3A, %swap3A_33] {strides = array<i32>} : memref<640x16xf32, #tpu.memory_space<vmem>>, vector<1x16xf32>,
      %swap3A_35 = vector.shape_cast %swap3A_34 : vector<1x16xf32> to vector<16xf32>
      %swap3A_36 = vector.shape_cast %broadcast_in_dim3A_32 : vector<16xf32> to vector<1x16xf32>
      tpu.vector_store %arg6[%swap3A, %swap3A_33], %swap3A_36 {strides = array<i32>} : memref<640x16xf32, #tpu.memory_space<vmem>>, vector<1x16xf32>,
    }
    %scan3A_9 = arith.constant 640 : i32
    %mul3A_10 = arith.constant 624 : i32
    %mul3A_11 = arith.muli %arg1, %mul3A_10 : i32
    "tpu.region"() ({
      %run_scoped3A = tpu.sem_alloc : memref<!tpu.dma_semaphore, #tpu.memory_space<semaphore_mem>>
      %dma_start3A = arith.constant 0 : i32
      %dma_start3A_27 = tpu.memref_slice %arg7[%mul3A_11, %dma_start3A] : memref<10000x16xf32, #tpu.memory_space<vmem_shared>> -> memref<640x16xf32, #tpu.memory_space<vmem_shared>>
      %dma_start3A_28 = arith.constant 0 : i32
      %dma_start3A_29 = tpu.memref_slice %arg7[%mul3A_11, %dma_start3A_28] : memref<10000x16xf32, #tpu.memory_space<vmem_shared>> -> memref<640x16xf32, #tpu.memory_space<vmem_shared>>
      tpu.enqueue_dma source(%arg6 : memref<640x16xf32, #tpu.memory_space<vmem>>) target(%dma_start3A_29 : memref<640x16xf32, #tpu.memory_space<vmem_shared>>) target_semaphore(%run_scoped3A : memref<!tpu.dma_semaphore, #tpu.memory_space<semaphore_mem>>)
      %dma_wait3A = arith.constant 0 : i32
      %dma_wait3A_30 = tpu.memref_slice %arg7[%mul3A_11, %dma_wait3A] : memref<10000x16xf32, #tpu.memory_space<vmem_shared>> -> memref<640x16xf32, #tpu.memory_space<vmem_shared>>
      %dma_wait3A_31 = arith.constant 0 : i32
      %dma_wait3A_32 = tpu.memref_slice %arg7[%mul3A_11, %dma_wait3A_31] : memref<10000x16xf32, #tpu.memory_space<vmem_shared>> -> memref<640x16xf32, #tpu.memory_space<vmem_shared>>
      tpu.wait_dma2 semaphore(%run_scoped3A : memref<!tpu.dma_semaphore, #tpu.memory_space<semaphore_mem>>) src(%arg6 : memref<640x16xf32, #tpu.memory_space<vmem>>) dst(%dma_wait3A_32 : memref<640x16xf32, #tpu.memory_space<vmem_shared>>)
      tpu.yield
    }) : () -> ()
    %mul3A_12 = arith.constant 125 : i32
    %mul3A_13 = arith.muli %add3A, %mul3A_12 : i32
    "tpu.region"() ({
      %run_scoped3A = tpu.sem_alloc : memref<!tpu.dma_semaphore, #tpu.memory_space<semaphore_mem>>
      %dma_start3A = arith.constant 0 : i32
      %dma_start3A_27 = tpu.memref_slice %arg2[%mul3A_13, %dma_start3A] : memref<4000x80xi32, #tpu.memory_space<hbm>> -> memref<125x80xi32, #tpu.memory_space<hbm>>
      %dma_start3A_28 = arith.constant 0 : i32
      %dma_start3A_29 = tpu.memref_slice %arg2[%mul3A_13, %dma_start3A_28] : memref<4000x80xi32, #tpu.memory_space<hbm>> -> memref<125x80xi32, #tpu.memory_space<hbm>>
      tpu.enqueue_dma source(%dma_start3A_29 : memref<125x80xi32, #tpu.memory_space<hbm>>) target(%arg4 : memref<125x80xi32, #tpu.memory_space<vmem>>) target_semaphore(%run_scoped3A : memref<!tpu.dma_semaphore, #tpu.memory_space<semaphore_mem>>)
      %dma_wait3A = arith.constant 0 : i32
      %dma_wait3A_30 = tpu.memref_slice %arg2[%mul3A_13, %dma_wait3A] : memref<4000x80xi32, #tpu.memory_space<hbm>> -> memref<125x80xi32, #tpu.memory_space<hbm>>
      %dma_wait3A_31 = arith.constant 0 : i32
      %dma_wait3A_32 = tpu.memref_slice %arg2[%mul3A_13, %dma_wait3A_31] : memref<4000x80xi32, #tpu.memory_space<hbm>> -> memref<125x80xi32, #tpu.memory_space<hbm>>
      tpu.wait_dma2 semaphore(%run_scoped3A : memref<!tpu.dma_semaphore, #tpu.memory_space<semaphore_mem>>) src(%dma_wait3A_32 : memref<125x80xi32, #tpu.memory_space<hbm>>) dst(%arg4 : memref<125x80xi32, #tpu.memory_space<vmem>>)
      tpu.yield
    }) : () -> ()
    %barrier3A = arith.constant 0 : index
    tpu.barrier barrier_id(%barrier3A)
    %scan3A_14 = arith.constant 0 : i32
    %scan3A_15 = arith.constant 25 : i32
    %scan3A_16 = arith.addi %scan3A_14, %scan3A_15 : i32
    %scan3A_17 = arith.constant 1 : i32
    scf.for %scan3A_27 = %scan3A_14 to %scan3A_16 step %scan3A_17  : i32 {
      %mul3A_28 = arith.constant 1 : i32
      %mul3A_29 = arith.muli %scan3A_27, %mul3A_28 : i32
      %add3A_30 = arith.constant 0 : i32
      %add3A_31 = arith.addi %add3A_30, %mul3A_29 : i32
      %mul3A_32 = arith.constant 5 : i32
      %mul3A_33 = arith.muli %add3A_31, %mul3A_32 : i32
      %add3A_34 = arith.constant 0 : i32
      %add3A_35 = arith.addi %mul3A_33, %add3A_34 : i32
      %dma_start3A = arith.constant 0 : i32
      %dma_start3A_36 = tpu.memref_slice %arg4[%add3A_35, %dma_start3A] : memref<125x80xi32, #tpu.memory_space<vmem>> -> memref<1x80xi32, #tpu.memory_space<vmem>>
      %dma_start3A_37 = tpu.memref_squeeze %dma_start3A_36 : memref<1x80xi32, #tpu.memory_space<vmem>> -> memref<80xi32, #tpu.memory_space<vmem>>
      %dma_start3A_38 = arith.constant 0 : i32
      %dma_start3A_39 = arith.constant 0 : i32
      %dma_start3A_40 = tpu.memref_slice %arg7[%dma_start3A_38, %dma_start3A_39] : memref<10000x16xf32, #tpu.memory_space<vmem_shared>> -> memref<10000x16xf32, #tpu.memory_space<vmem_shared>>
      tpu.enqueue_indirect_dma source(%arg5 : memref<80x16xf32, #tpu.memory_space<vmem>>) target(%dma_start3A_40 : memref<10000x16xf32, #tpu.memory_space<vmem_shared>>) offsets(%dma_start3A_37 : memref<80xi32, #tpu.memory_space<vmem>>) semaphore(%arg8 : memref<!tpu.dma_semaphore, #tpu.memory_space<semaphore_mem>>) {add = true}
      %mul3A_41 = arith.constant 5 : i32
      %mul3A_42 = arith.muli %add3A_31, %mul3A_41 : i32
      %add3A_43 = arith.constant 1 : i32
      %add3A_44 = arith.addi %mul3A_42, %add3A_43 : i32
      %dma_start3A_45 = arith.constant 0 : i32
      %dma_start3A_46 = tpu.memref_slice %arg4[%add3A_44, %dma_start3A_45] : memref<125x80xi32, #tpu.memory_space<vmem>> -> memref<1x80xi32, #tpu.memory_space<vmem>>
      %dma_start3A_47 = tpu.memref_squeeze %dma_start3A_46 : memref<1x80xi32, #tpu.memory_space<vmem>> -> memref<80xi32, #tpu.memory_space<vmem>>
      %dma_start3A_48 = arith.constant 0 : i32
      %dma_start3A_49 = arith.constant 0 : i32
      %dma_start3A_50 = tpu.memref_slice %arg7[%dma_start3A_48, %dma_start3A_49] : memref<10000x16xf32, #tpu.memory_space<vmem_shared>> -> memref<10000x16xf32, #tpu.memory_space<vmem_shared>>
      tpu.enqueue_indirect_dma source(%arg5 : memref<80x16xf32, #tpu.memory_space<vmem>>) target(%dma_start3A_50 : memref<10000x16xf32, #tpu.memory_space<vmem_shared>>) offsets(%dma_start3A_47 : memref<80xi32, #tpu.memory_space<vmem>>) semaphore(%arg8 : memref<!tpu.dma_semaphore, #tpu.memory_space<semaphore_mem>>) {add = true}
      %mul3A_51 = arith.constant 5 : i32
      %mul3A_52 = arith.muli %add3A_31, %mul3A_51 : i32
      %add3A_53 = arith.constant 2 : i32
      %add3A_54 = arith.addi %mul3A_52, %add3A_53 : i32
      %dma_start3A_55 = arith.constant 0 : i32
      %dma_start3A_56 = tpu.memref_slice %arg4[%add3A_54, %dma_start3A_55] : memref<125x80xi32, #tpu.memory_space<vmem>> -> memref<1x80xi32, #tpu.memory_space<vmem>>
      %dma_start3A_57 = tpu.memref_squeeze %dma_start3A_56 : memref<1x80xi32, #tpu.memory_space<vmem>> -> memref<80xi32, #tpu.memory_space<vmem>>
      %dma_start3A_58 = arith.constant 0 : i32
      %dma_start3A_59 = arith.constant 0 : i32
      %dma_start3A_60 = tpu.memref_slice %arg7[%dma_start3A_58, %dma_start3A_59] : memref<10000x16xf32, #tpu.memory_space<vmem_shared>> -> memref<10000x16xf32, #tpu.memory_space<vmem_shared>>
      tpu.enqueue_indirect_dma source(%arg5 : memref<80x16xf32, #tpu.memory_space<vmem>>) target(%dma_start3A_60 : memref<10000x16xf32, #tpu.memory_space<vmem_shared>>) offsets(%dma_start3A_57 : memref<80xi32, #tpu.memory_space<vmem>>) semaphore(%arg8 : memref<!tpu.dma_semaphore, #tpu.memory_space<semaphore_mem>>) {add = true}
      %mul3A_61 = arith.constant 5 : i32
      %mul3A_62 = arith.muli %add3A_31, %mul3A_61 : i32
      %add3A_63 = arith.constant 3 : i32
      %add3A_64 = arith.addi %mul3A_62, %add3A_63 : i32
      %dma_start3A_65 = arith.constant 0 : i32
      %dma_start3A_66 = tpu.memref_slice %arg4[%add3A_64, %dma_start3A_65] : memref<125x80xi32, #tpu.memory_space<vmem>> -> memref<1x80xi32, #tpu.memory_space<vmem>>
      %dma_start3A_67 = tpu.memref_squeeze %dma_start3A_66 : memref<1x80xi32, #tpu.memory_space<vmem>> -> memref<80xi32, #tpu.memory_space<vmem>>
      %dma_start3A_68 = arith.constant 0 : i32
      %dma_start3A_69 = arith.constant 0 : i32
      %dma_start3A_70 = tpu.memref_slice %arg7[%dma_start3A_68, %dma_start3A_69] : memref<10000x16xf32, #tpu.memory_space<vmem_shared>> -> memref<10000x16xf32, #tpu.memory_space<vmem_shared>>
      tpu.enqueue_indirect_dma source(%arg5 : memref<80x16xf32, #tpu.memory_space<vmem>>) target(%dma_start3A_70 : memref<10000x16xf32, #tpu.memory_space<vmem_shared>>) offsets(%dma_start3A_67 : memref<80xi32, #tpu.memory_space<vmem>>) semaphore(%arg8 : memref<!tpu.dma_semaphore, #tpu.memory_space<semaphore_mem>>) {add = true}
      %mul3A_71 = arith.constant 5 : i32
      %mul3A_72 = arith.muli %add3A_31, %mul3A_71 : i32
      %add3A_73 = arith.constant 4 : i32
      %add3A_74 = arith.addi %mul3A_72, %add3A_73 : i32
      %dma_start3A_75 = arith.constant 0 : i32
      %dma_start3A_76 = tpu.memref_slice %arg4[%add3A_74, %dma_start3A_75] : memref<125x80xi32, #tpu.memory_space<vmem>> -> memref<1x80xi32, #tpu.memory_space<vmem>>
      %dma_start3A_77 = tpu.memref_squeeze %dma_start3A_76 : memref<1x80xi32, #tpu.memory_space<vmem>> -> memref<80xi32, #tpu.memory_space<vmem>>
      %dma_start3A_78 = arith.constant 0 : i32
      %dma_start3A_79 = arith.constant 0 : i32
      %dma_start3A_80 = tpu.memref_slice %arg7[%dma_start3A_78, %dma_start3A_79] : memref<10000x16xf32, #tpu.memory_space<vmem_shared>> -> memref<10000x16xf32, #tpu.memory_space<vmem_shared>>
      tpu.enqueue_indirect_dma source(%arg5 : memref<80x16xf32, #tpu.memory_space<vmem>>) target(%dma_start3A_80 : memref<10000x16xf32, #tpu.memory_space<vmem_shared>>) offsets(%dma_start3A_77 : memref<80xi32, #tpu.memory_space<vmem>>) semaphore(%arg8 : memref<!tpu.dma_semaphore, #tpu.memory_space<semaphore_mem>>) {add = true}
      %dma_wait3A = arith.constant 0 : i32
      %dma_wait3A_81 = tpu.memref_slice %arg4[%add3A_35, %dma_wait3A] : memref<125x80xi32, #tpu.memory_space<vmem>> -> memref<1x80xi32, #tpu.memory_space<vmem>>
      %dma_wait3A_82 = tpu.memref_squeeze %dma_wait3A_81 : memref<1x80xi32, #tpu.memory_space<vmem>> -> memref<80xi32, #tpu.memory_space<vmem>>
      %dma_wait3A_83 = arith.constant 0 : i32
      %dma_wait3A_84 = arith.constant 0 : i32
      %dma_wait3A_85 = tpu.memref_slice %arg7[%dma_wait3A_83, %dma_wait3A_84] : memref<10000x16xf32, #tpu.memory_space<vmem_shared>> -> memref<10000x16xf32, #tpu.memory_space<vmem_shared>>
      tpu.wait_indirect_dma semaphore(%arg8 : memref<!tpu.dma_semaphore, #tpu.memory_space<semaphore_mem>>) src(%arg5 : memref<80x16xf32, #tpu.memory_space<vmem>>) dst(%dma_wait3A_85 : memref<10000x16xf32, #tpu.memory_space<vmem_shared>>)
      %dma_wait3A_86 = arith.constant 0 : i32
      %dma_wait3A_87 = tpu.memref_slice %arg4[%add3A_44, %dma_wait3A_86] : memref<125x80xi32, #tpu.memory_space<vmem>> -> memref<1x80xi32, #tpu.memory_space<vmem>>
      %dma_wait3A_88 = tpu.memref_squeeze %dma_wait3A_87 : memref<1x80xi32, #tpu.memory_space<vmem>> -> memref<80xi32, #tpu.memory_space<vmem>>
      %dma_wait3A_89 = arith.constant 0 : i32
      %dma_wait3A_90 = arith.constant 0 : i32
      %dma_wait3A_91 = tpu.memref_slice %arg7[%dma_wait3A_89, %dma_wait3A_90] : memref<10000x16xf32, #tpu.memory_space<vmem_shared>> -> memref<10000x16xf32, #tpu.memory_space<vmem_shared>>
      tpu.wait_indirect_dma semaphore(%arg8 : memref<!tpu.dma_semaphore, #tpu.memory_space<semaphore_mem>>) src(%arg5 : memref<80x16xf32, #tpu.memory_space<vmem>>) dst(%dma_wait3A_91 : memref<10000x16xf32, #tpu.memory_space<vmem_shared>>)
      %dma_wait3A_92 = arith.constant 0 : i32
      %dma_wait3A_93 = tpu.memref_slice %arg4[%add3A_54, %dma_wait3A_92] : memref<125x80xi32, #tpu.memory_space<vmem>> -> memref<1x80xi32, #tpu.memory_space<vmem>>
      %dma_wait3A_94 = tpu.memref_squeeze %dma_wait3A_93 : memref<1x80xi32, #tpu.memory_space<vmem>> -> memref<80xi32, #tpu.memory_space<vmem>>
      %dma_wait3A_95 = arith.constant 0 : i32
      %dma_wait3A_96 = arith.constant 0 : i32
      %dma_wait3A_97 = tpu.memref_slice %arg7[%dma_wait3A_95, %dma_wait3A_96] : memref<10000x16xf32, #tpu.memory_space<vmem_shared>> -> memref<10000x16xf32, #tpu.memory_space<vmem_shared>>
      tpu.wait_indirect_dma semaphore(%arg8 : memref<!tpu.dma_semaphore, #tpu.memory_space<semaphore_mem>>) src(%arg5 : memref<80x16xf32, #tpu.memory_space<vmem>>) dst(%dma_wait3A_97 : memref<10000x16xf32, #tpu.memory_space<vmem_shared>>)
      %dma_wait3A_98 = arith.constant 0 : i32
      %dma_wait3A_99 = tpu.memref_slice %arg4[%add3A_64, %dma_wait3A_98] : memref<125x80xi32, #tpu.memory_space<vmem>> -> memref<1x80xi32, #tpu.memory_space<vmem>>
      %dma_wait3A_100 = tpu.memref_squeeze %dma_wait3A_99 : memref<1x80xi32, #tpu.memory_space<vmem>> -> memref<80xi32, #tpu.memory_space<vmem>>
      %dma_wait3A_101 = arith.constant 0 : i32
      %dma_wait3A_102 = arith.constant 0 : i32
      %dma_wait3A_103 = tpu.memref_slice %arg7[%dma_wait3A_101, %dma_wait3A_102] : memref<10000x16xf32, #tpu.memory_space<vmem_shared>> -> memref<10000x16xf32, #tpu.memory_space<vmem_shared>>
      tpu.wait_indirect_dma semaphore(%arg8 : memref<!tpu.dma_semaphore, #tpu.memory_space<semaphore_mem>>) src(%arg5 : memref<80x16xf32, #tpu.memory_space<vmem>>) dst(%dma_wait3A_103 : memref<10000x16xf32, #tpu.memory_space<vmem_shared>>)
      %dma_wait3A_104 = arith.constant 0 : i32
      %dma_wait3A_105 = tpu.memref_slice %arg4[%add3A_74, %dma_wait3A_104] : memref<125x80xi32, #tpu.memory_space<vmem>> -> memref<1x80xi32, #tpu.memory_space<vmem>>
      %dma_wait3A_106 = tpu.memref_squeeze %dma_wait3A_105 : memref<1x80xi32, #tpu.memory_space<vmem>> -> memref<80xi32, #tpu.memory_space<vmem>>
      %dma_wait3A_107 = arith.constant 0 : i32
      %dma_wait3A_108 = arith.constant 0 : i32
      %dma_wait3A_109 = tpu.memref_slice %arg7[%dma_wait3A_107, %dma_wait3A_108] : memref<10000x16xf32, #tpu.memory_space<vmem_shared>> -> memref<10000x16xf32, #tpu.memory_space<vmem_shared>>
      tpu.wait_indirect_dma semaphore(%arg8 : memref<!tpu.dma_semaphore, #tpu.memory_space<semaphore_mem>>) src(%arg5 : memref<80x16xf32, #tpu.memory_space<vmem>>) dst(%dma_wait3A_109 : memref<10000x16xf32, #tpu.memory_space<vmem_shared>>)
    }
    %scan3A_18 = arith.constant 25 : i32
    %barrier3A_19 = arith.constant 0 : index
    tpu.barrier barrier_id(%barrier3A_19)
    %mul3A_20 = arith.constant 624 : i32
    %mul3A_21 = arith.muli %arg1, %mul3A_20 : i32
    %mul3A_22 = arith.constant 10000 : i32
    %mul3A_23 = arith.muli %arg0, %mul3A_22 : i32
    %mul3A_24 = arith.constant 624 : i32
    %mul3A_25 = arith.muli %arg1, %mul3A_24 : i32
    %add3A_26 = arith.addi %mul3A_23, %mul3A_25 : i32
    "tpu.region"() ({
      %run_scoped3A = tpu.sem_alloc : memref<!tpu.dma_semaphore, #tpu.memory_space<semaphore_mem>>
      %dma_start3A = arith.constant 0 : i32
      %dma_start3A_27 = tpu.memref_slice %arg3[%add3A_26, %dma_start3A] : memref<20000x16xf32, #tpu.memory_space<hbm>> -> memref<640x16xf32, #tpu.memory_space<hbm>>
      %dma_start3A_28 = arith.constant 0 : i32
      %dma_start3A_29 = tpu.memref_slice %arg7[%mul3A_21, %dma_start3A_28] : memref<10000x16xf32, #tpu.memory_space<vmem_shared>> -> memref<640x16xf32, #tpu.memory_space<vmem_shared>>
      tpu.enqueue_dma source(%dma_start3A_29 : memref<640x16xf32, #tpu.memory_space<vmem_shared>>) target(%dma_start3A_27 : memref<640x16xf32, #tpu.memory_space<hbm>>) target_semaphore(%run_scoped3A : memref<!tpu.dma_semaphore, #tpu.memory_space<semaphore_mem>>)
      %dma_wait3A = arith.constant 0 : i32
      %dma_wait3A_30 = tpu.memref_slice %arg3[%add3A_26, %dma_wait3A] : memref<20000x16xf32, #tpu.memory_space<hbm>> -> memref<640x16xf32, #tpu.memory_space<hbm>>
      %dma_wait3A_31 = arith.constant 0 : i32
      %dma_wait3A_32 = tpu.memref_slice %arg7[%mul3A_21, %dma_wait3A_31] : memref<10000x16xf32, #tpu.memory_space<vmem_shared>> -> memref<640x16xf32, #tpu.memory_space<vmem_shared>>
      tpu.wait_dma2 semaphore(%run_scoped3A : memref<!tpu.dma_semaphore, #tpu.memory_space<semaphore_mem>>) src(%dma_wait3A_32 : memref<640x16xf32, #tpu.memory_space<vmem_shared>>) dst(%dma_wait3A_30 : memref<640x16xf32, #tpu.memory_space<hbm>>)
      tpu.yield
    }) : () -> ()
    return
  }
}

#map = affine_map<(d0, d1) -> (0, 0)>
module attributes {stable_mosaic.version = 14 : i64} {
  func.func @_sc_spmm(%arg0: i32, %arg1: i32, %arg2: memref<20000x96xf32, #tpu.memory_space<hbm>>, %arg3: memref<8000x80xi32, #tpu.memory_space<hbm>>, %arg4: memref<4000x80xi32, #tpu.memory_space<hbm>>, %arg5: memref<20000x96xf32, #tpu.memory_space<hbm>>, %arg6: memref<125x80xi32, #tpu.memory_space<vmem>>, %arg7: memref<125x80xi32, #tpu.memory_space<vmem>>, %arg8: memref<80x96xf32, #tpu.memory_space<vmem>>, %arg9: memref<80x96xf32, #tpu.memory_space<vmem>>, %arg10: memref<80x96xf32, #tpu.memory_space<vmem>>, %arg11: memref<80x96xf32, #tpu.memory_space<vmem>>, %arg12: memref<80x96xf32, #tpu.memory_space<vmem>>, %arg13: memref<40x96xf32, #tpu.memory_space<vmem>>, %arg14: memref<10000x96xf32, #tpu.memory_space<vmem_shared>>, %arg15: memref<!tpu.dma_semaphore, #tpu.memory_space<semaphore_mem>>, %arg16: memref<!tpu.dma_semaphore, #tpu.memory_space<semaphore_mem>>, %arg17: memref<!tpu.dma_semaphore, #tpu.memory_space<semaphore_mem>>, %arg18: memref<!tpu.dma_semaphore, #tpu.memory_space<semaphore_mem>>, %arg19: memref<!tpu.dma_semaphore, #tpu.memory_space<semaphore_mem>>, %arg20: memref<!tpu.dma_semaphore, #tpu.memory_space<semaphore_mem>>, %arg21: memref<!tpu.dma_semaphore, #tpu.memory_space<semaphore_mem>>, %arg22: memref<!tpu.dma_semaphore, #tpu.memory_space<semaphore_mem>>, %arg23: memref<!tpu.dma_semaphore, #tpu.memory_space<semaphore_mem>>, %arg24: memref<!tpu.dma_semaphore, #tpu.memory_space<semaphore_mem>>) attributes {dimension_semantics = [#tpu.dimension_semantics<core_parallel>, #tpu.dimension_semantics<subcore_parallel>], iteration_bounds = array<i64: 2, 16>, scalar_prefetch = 0 : i64, scratch_operands = 19 : i64, tpu.core_type = #tpu.core_type<sc_vector_subcore>, window_params = [{transform_indices = #map}, {transform_indices = #map}, {transform_indices = #map}, {transform_indices = #map}]} {
    %scan3A = arith.constant 0 : i32
    %scan3A_0 = arith.constant 40 : i32
    %scan3A_1 = arith.addi %scan3A, %scan3A_0 : i32
    %scan3A_2 = arith.constant 1 : i32
    scf.for %scan3A_325 = %scan3A to %scan3A_1 step %scan3A_2  : i32 {
      %mul3A_326 = arith.constant 1 : i32
      %mul3A_327 = arith.muli %scan3A_325, %mul3A_326 : i32
      %add3A_328 = arith.constant 0 : i32
      %add3A_329 = arith.addi %add3A_328, %mul3A_327 : i32
      %scan3A_330 = arith.constant 0 : i32
      %scan3A_331 = arith.constant 6 : i32
      %scan3A_332 = arith.addi %scan3A_330, %scan3A_331 : i32
      %scan3A_333 = arith.constant 1 : i32
      scf.for %scan3A_335 = %scan3A_330 to %scan3A_332 step %scan3A_333  : i32 {
        %mul3A_336 = arith.constant 1 : i32
        %mul3A_337 = arith.muli %scan3A_335, %mul3A_336 : i32
        %add3A_338 = arith.constant 0 : i32
        %add3A_339 = arith.addi %add3A_338, %mul3A_337 : i32
        %broadcast_in_dim3A = arith.constant 0.000000e+00 : f32
        %broadcast_in_dim3A_340 = vector.broadcast %broadcast_in_dim3A : f32 to vector<16xf32>
        %mul3A_341 = arith.constant 16 : i32
        %mul3A_342 = arith.muli %add3A_339, %mul3A_341 : i32
        %swap3A = arith.index_cast %add3A_329 : i32 to index
        %swap3A_343 = arith.index_cast %mul3A_342 : i32 to index
        %swap3A_344 = tpu.vector_load %arg13[%swap3A, %swap3A_343] {strides = array<i32>} : memref<40x96xf32, #tpu.memory_space<vmem>>, vector<1x16xf32>,
        %swap3A_345 = vector.shape_cast %swap3A_344 : vector<1x16xf32> to vector<16xf32>
        %swap3A_346 = vector.shape_cast %broadcast_in_dim3A_340 : vector<16xf32> to vector<1x16xf32>
        tpu.vector_store %arg13[%swap3A, %swap3A_343], %swap3A_346 {strides = array<i32>} : memref<40x96xf32, #tpu.memory_space<vmem>>, vector<1x16xf32>,
      }
      %scan3A_334 = arith.constant 6 : i32
    }
    %scan3A_3 = arith.constant 40 : i32
    %scan3A_4 = arith.constant 0 : i32
    %scan3A_5 = arith.constant 16 : i32
    %scan3A_6 = arith.addi %scan3A_4, %scan3A_5 : i32
    %scan3A_7 = arith.constant 1 : i32
    scf.for %scan3A_325 = %scan3A_4 to %scan3A_6 step %scan3A_7  : i32 {
      %mul3A_326 = arith.constant 1 : i32
      %mul3A_327 = arith.muli %scan3A_325, %mul3A_326 : i32
      %add3A_328 = arith.constant 0 : i32
      %add3A_329 = arith.addi %add3A_328, %mul3A_327 : i32
      %mul3A_330 = arith.constant 624 : i32
      %mul3A_331 = arith.muli %arg1, %mul3A_330 : i32
      %mul3A_332 = arith.constant 40 : i32
      %mul3A_333 = arith.muli %add3A_329, %mul3A_332 : i32
      %add3A_334 = arith.addi %mul3A_331, %mul3A_333 : i32
      "tpu.region"() ({
        %run_scoped3A = tpu.sem_alloc : memref<!tpu.dma_semaphore, #tpu.memory_space<semaphore_mem>>
        %dma_start3A_335 = arith.constant 0 : i32
        %dma_start3A_336 = tpu.memref_slice %arg14[%add3A_334, %dma_start3A_335] : memref<10000x96xf32, #tpu.memory_space<vmem_shared>> -> memref<40x96xf32, #tpu.memory_space<vmem_shared>>
        %dma_start3A_337 = arith.constant 0 : i32
        %dma_start3A_338 = tpu.memref_slice %arg14[%add3A_334, %dma_start3A_337] : memref<10000x96xf32, #tpu.memory_space<vmem_shared>> -> memref<40x96xf32, #tpu.memory_space<vmem_shared>>
        tpu.enqueue_dma source(%arg13 : memref<40x96xf32, #tpu.memory_space<vmem>>) target(%dma_start3A_338 : memref<40x96xf32, #tpu.memory_space<vmem_shared>>) target_semaphore(%run_scoped3A : memref<!tpu.dma_semaphore, #tpu.memory_space<semaphore_mem>>)
        %dma_wait3A_339 = arith.constant 0 : i32
        %dma_wait3A_340 = tpu.memref_slice %arg14[%add3A_334, %dma_wait3A_339] : memref<10000x96xf32, #tpu.memory_space<vmem_shared>> -> memref<40x96xf32, #tpu.memory_space<vmem_shared>>
        %dma_wait3A_341 = arith.constant 0 : i32
        %dma_wait3A_342 = tpu.memref_slice %arg14[%add3A_334, %dma_wait3A_341] : memref<10000x96xf32, #tpu.memory_space<vmem_shared>> -> memref<40x96xf32, #tpu.memory_space<vmem_shared>>
        tpu.wait_dma2 semaphore(%run_scoped3A : memref<!tpu.dma_semaphore, #tpu.memory_space<semaphore_mem>>) src(%arg13 : memref<40x96xf32, #tpu.memory_space<vmem>>) dst(%dma_wait3A_342 : memref<40x96xf32, #tpu.memory_space<vmem_shared>>)
        tpu.yield
      }) : () -> ()
    }
    %scan3A_8 = arith.constant 16 : i32
    %barrier3A = arith.constant 0 : index
    tpu.barrier barrier_id(%barrier3A)
    %mul3A = arith.constant 16 : i32
    %mul3A_9 = arith.muli %arg0, %mul3A : i32
    %add3A = arith.addi %mul3A_9, %arg1 : i32
    %mul3A_10 = arith.constant 250 : i32
    %mul3A_11 = arith.muli %add3A, %mul3A_10 : i32
    %add3A_12 = arith.constant 0 : i32
    %add3A_13 = arith.addi %mul3A_11, %add3A_12 : i32
    "tpu.region"() ({
      %run_scoped3A = tpu.sem_alloc : memref<!tpu.dma_semaphore, #tpu.memory_space<semaphore_mem>>
      %dma_start3A_325 = arith.constant 0 : i32
      %dma_start3A_326 = tpu.memref_slice %arg3[%add3A_13, %dma_start3A_325] : memref<8000x80xi32, #tpu.memory_space<hbm>> -> memref<125x80xi32, #tpu.memory_space<hbm>>
      %dma_start3A_327 = arith.constant 0 : i32
      %dma_start3A_328 = tpu.memref_slice %arg3[%add3A_13, %dma_start3A_327] : memref<8000x80xi32, #tpu.memory_space<hbm>> -> memref<125x80xi32, #tpu.memory_space<hbm>>
      tpu.enqueue_dma source(%dma_start3A_328 : memref<125x80xi32, #tpu.memory_space<hbm>>) target(%arg6 : memref<125x80xi32, #tpu.memory_space<vmem>>) target_semaphore(%run_scoped3A : memref<!tpu.dma_semaphore, #tpu.memory_space<semaphore_mem>>)
      %dma_wait3A_329 = arith.constant 0 : i32
      %dma_wait3A_330 = tpu.memref_slice %arg3[%add3A_13, %dma_wait3A_329] : memref<8000x80xi32, #tpu.memory_space<hbm>> -> memref<125x80xi32, #tpu.memory_space<hbm>>
      %dma_wait3A_331 = arith.constant 0 : i32
      %dma_wait3A_332 = tpu.memref_slice %arg3[%add3A_13, %dma_wait3A_331] : memref<8000x80xi32, #tpu.memory_space<hbm>> -> memref<125x80xi32, #tpu.memory_space<hbm>>
      tpu.wait_dma2 semaphore(%run_scoped3A : memref<!tpu.dma_semaphore, #tpu.memory_space<semaphore_mem>>) src(%dma_wait3A_332 : memref<125x80xi32, #tpu.memory_space<hbm>>) dst(%arg6 : memref<125x80xi32, #tpu.memory_space<vmem>>)
      tpu.yield
    }) : () -> ()
    %mul3A_14 = arith.constant 250 : i32
    %mul3A_15 = arith.muli %arg1, %mul3A_14 : i32
    %add3A_16 = arith.constant 0 : i32
    %add3A_17 = arith.addi %mul3A_15, %add3A_16 : i32
    "tpu.region"() ({
      %run_scoped3A = tpu.sem_alloc : memref<!tpu.dma_semaphore, #tpu.memory_space<semaphore_mem>>
      %dma_start3A_325 = arith.constant 0 : i32
      %dma_start3A_326 = tpu.memref_slice %arg4[%add3A_17, %dma_start3A_325] : memref<4000x80xi32, #tpu.memory_space<hbm>> -> memref<125x80xi32, #tpu.memory_space<hbm>>
      %dma_start3A_327 = arith.constant 0 : i32
      %dma_start3A_328 = tpu.memref_slice %arg4[%add3A_17, %dma_start3A_327] : memref<4000x80xi32, #tpu.memory_space<hbm>> -> memref<125x80xi32, #tpu.memory_space<hbm>>
      tpu.enqueue_dma source(%dma_start3A_328 : memref<125x80xi32, #tpu.memory_space<hbm>>) target(%arg7 : memref<125x80xi32, #tpu.memory_space<vmem>>) target_semaphore(%run_scoped3A : memref<!tpu.dma_semaphore, #tpu.memory_space<semaphore_mem>>)
      %dma_wait3A_329 = arith.constant 0 : i32
      %dma_wait3A_330 = tpu.memref_slice %arg4[%add3A_17, %dma_wait3A_329] : memref<4000x80xi32, #tpu.memory_space<hbm>> -> memref<125x80xi32, #tpu.memory_space<hbm>>
      %dma_wait3A_331 = arith.constant 0 : i32
      %dma_wait3A_332 = tpu.memref_slice %arg4[%add3A_17, %dma_wait3A_331] : memref<4000x80xi32, #tpu.memory_space<hbm>> -> memref<125x80xi32, #tpu.memory_space<hbm>>
      tpu.wait_dma2 semaphore(%run_scoped3A : memref<!tpu.dma_semaphore, #tpu.memory_space<semaphore_mem>>) src(%dma_wait3A_332 : memref<125x80xi32, #tpu.memory_space<hbm>>) dst(%arg7 : memref<125x80xi32, #tpu.memory_space<vmem>>)
      tpu.yield
    }) : () -> ()
    %dma_start3A = arith.constant 0 : i32
    %dma_start3A_18 = arith.constant 0 : i32
    %dma_start3A_19 = tpu.memref_slice %arg6[%dma_start3A, %dma_start3A_18] : memref<125x80xi32, #tpu.memory_space<vmem>> -> memref<1x80xi32, #tpu.memory_space<vmem>>
    %dma_start3A_20 = tpu.memref_squeeze %dma_start3A_19 : memref<1x80xi32, #tpu.memory_space<vmem>> -> memref<80xi32, #tpu.memory_space<vmem>>
    %dma_start3A_21 = arith.constant 0 : i32
    %dma_start3A_22 = arith.constant 0 : i32
    %dma_start3A_23 = tpu.memref_slice %arg2[%dma_start3A_21, %dma_start3A_22] : memref<20000x96xf32, #tpu.memory_space<hbm>> -> memref<20000x96xf32, #tpu.memory_space<hbm>>
    tpu.enqueue_indirect_dma source(%dma_start3A_23 : memref<20000x96xf32, #tpu.memory_space<hbm>>) target(%arg8 : memref<80x96xf32, #tpu.memory_space<vmem>>) offsets(%dma_start3A_20 : memref<80xi32, #tpu.memory_space<vmem>>) semaphore(%arg15 : memref<!tpu.dma_semaphore, #tpu.memory_space<semaphore_mem>>)
    %dma_start3A_24 = arith.constant 1 : i32
    %dma_start3A_25 = arith.constant 0 : i32
    %dma_start3A_26 = tpu.memref_slice %arg6[%dma_start3A_24, %dma_start3A_25] : memref<125x80xi32, #tpu.memory_space<vmem>> -> memref<1x80xi32, #tpu.memory_space<vmem>>
    %dma_start3A_27 = tpu.memref_squeeze %dma_start3A_26 : memref<1x80xi32, #tpu.memory_space<vmem>> -> memref<80xi32, #tpu.memory_space<vmem>>
    %dma_start3A_28 = arith.constant 0 : i32
    %dma_start3A_29 = arith.constant 0 : i32
    %dma_start3A_30 = tpu.memref_slice %arg2[%dma_start3A_28, %dma_start3A_29] : memref<20000x96xf32, #tpu.memory_space<hbm>> -> memref<20000x96xf32, #tpu.memory_space<hbm>>
    tpu.enqueue_indirect_dma source(%dma_start3A_30 : memref<20000x96xf32, #tpu.memory_space<hbm>>) target(%arg9 : memref<80x96xf32, #tpu.memory_space<vmem>>) offsets(%dma_start3A_27 : memref<80xi32, #tpu.memory_space<vmem>>) semaphore(%arg16 : memref<!tpu.dma_semaphore, #tpu.memory_space<semaphore_mem>>)
    %dma_start3A_31 = arith.constant 2 : i32
    %dma_start3A_32 = arith.constant 0 : i32
    %dma_start3A_33 = tpu.memref_slice %arg6[%dma_start3A_31, %dma_start3A_32] : memref<125x80xi32, #tpu.memory_space<vmem>> -> memref<1x80xi32, #tpu.memory_space<vmem>>
    %dma_start3A_34 = tpu.memref_squeeze %dma_start3A_33 : memref<1x80xi32, #tpu.memory_space<vmem>> -> memref<80xi32, #tpu.memory_space<vmem>>
    %dma_start3A_35 = arith.constant 0 : i32
    %dma_start3A_36 = arith.constant 0 : i32
    %dma_start3A_37 = tpu.memref_slice %arg2[%dma_start3A_35, %dma_start3A_36] : memref<20000x96xf32, #tpu.memory_space<hbm>> -> memref<20000x96xf32, #tpu.memory_space<hbm>>
    tpu.enqueue_indirect_dma source(%dma_start3A_37 : memref<20000x96xf32, #tpu.memory_space<hbm>>) target(%arg10 : memref<80x96xf32, #tpu.memory_space<vmem>>) offsets(%dma_start3A_34 : memref<80xi32, #tpu.memory_space<vmem>>) semaphore(%arg17 : memref<!tpu.dma_semaphore, #tpu.memory_space<semaphore_mem>>)
    %dma_start3A_38 = arith.constant 3 : i32
    %dma_start3A_39 = arith.constant 0 : i32
    %dma_start3A_40 = tpu.memref_slice %arg6[%dma_start3A_38, %dma_start3A_39] : memref<125x80xi32, #tpu.memory_space<vmem>> -> memref<1x80xi32, #tpu.memory_space<vmem>>
    %dma_start3A_41 = tpu.memref_squeeze %dma_start3A_40 : memref<1x80xi32, #tpu.memory_space<vmem>> -> memref<80xi32, #tpu.memory_space<vmem>>
    %dma_start3A_42 = arith.constant 0 : i32
    %dma_start3A_43 = arith.constant 0 : i32
    %dma_start3A_44 = tpu.memref_slice %arg2[%dma_start3A_42, %dma_start3A_43] : memref<20000x96xf32, #tpu.memory_space<hbm>> -> memref<20000x96xf32, #tpu.memory_space<hbm>>
    tpu.enqueue_indirect_dma source(%dma_start3A_44 : memref<20000x96xf32, #tpu.memory_space<hbm>>) target(%arg11 : memref<80x96xf32, #tpu.memory_space<vmem>>) offsets(%dma_start3A_41 : memref<80xi32, #tpu.memory_space<vmem>>) semaphore(%arg18 : memref<!tpu.dma_semaphore, #tpu.memory_space<semaphore_mem>>)
    %dma_start3A_45 = arith.constant 4 : i32
    %dma_start3A_46 = arith.constant 0 : i32
    %dma_start3A_47 = tpu.memref_slice %arg6[%dma_start3A_45, %dma_start3A_46] : memref<125x80xi32, #tpu.memory_space<vmem>> -> memref<1x80xi32, #tpu.memory_space<vmem>>
    %dma_start3A_48 = tpu.memref_squeeze %dma_start3A_47 : memref<1x80xi32, #tpu.memory_space<vmem>> -> memref<80xi32, #tpu.memory_space<vmem>>
    %dma_start3A_49 = arith.constant 0 : i32
    %dma_start3A_50 = arith.constant 0 : i32
    %dma_start3A_51 = tpu.memref_slice %arg2[%dma_start3A_49, %dma_start3A_50] : memref<20000x96xf32, #tpu.memory_space<hbm>> -> memref<20000x96xf32, #tpu.memory_space<hbm>>
    tpu.enqueue_indirect_dma source(%dma_start3A_51 : memref<20000x96xf32, #tpu.memory_space<hbm>>) target(%arg12 : memref<80x96xf32, #tpu.memory_space<vmem>>) offsets(%dma_start3A_48 : memref<80xi32, #tpu.memory_space<vmem>>) semaphore(%arg19 : memref<!tpu.dma_semaphore, #tpu.memory_space<semaphore_mem>>)
    %scan3A_52 = arith.constant 0 : i32
    %scan3A_53 = arith.constant 24 : i32
    %scan3A_54 = arith.addi %scan3A_52, %scan3A_53 : i32
    %scan3A_55 = arith.constant 1 : i32
    scf.for %scan3A_325 = %scan3A_52 to %scan3A_54 step %scan3A_55  : i32 {
      %mul3A_326 = arith.constant 1 : i32
      %mul3A_327 = arith.muli %scan3A_325, %mul3A_326 : i32
      %add3A_328 = arith.constant 0 : i32
      %add3A_329 = arith.addi %add3A_328, %mul3A_327 : i32
      %mul3A_330 = arith.constant 5 : i32
      %mul3A_331 = arith.muli %mul3A_330, %add3A_329 : i32
      %dma_wait3A_332 = arith.constant 0 : i32
      %dma_wait3A_333 = arith.constant 0 : i32
      %dma_wait3A_334 = tpu.memref_slice %arg6[%dma_wait3A_332, %dma_wait3A_333] : memref<125x80xi32, #tpu.memory_space<vmem>> -> memref<1x80xi32, #tpu.memory_space<vmem>>
      %dma_wait3A_335 = tpu.memref_squeeze %dma_wait3A_334 : memref<1x80xi32, #tpu.memory_space<vmem>> -> memref<80xi32, #tpu.memory_space<vmem>>
      %dma_wait3A_336 = arith.constant 0 : i32
      %dma_wait3A_337 = arith.constant 0 : i32
      %dma_wait3A_338 = tpu.memref_slice %arg2[%dma_wait3A_336, %dma_wait3A_337] : memref<20000x96xf32, #tpu.memory_space<hbm>> -> memref<20000x96xf32, #tpu.memory_space<hbm>>
      tpu.wait_indirect_dma semaphore(%arg15 : memref<!tpu.dma_semaphore, #tpu.memory_space<semaphore_mem>>) src(%dma_wait3A_338 : memref<20000x96xf32, #tpu.memory_space<hbm>>) dst(%arg8 : memref<80x96xf32, #tpu.memory_space<vmem>>)
      %add3A_339 = arith.constant 0 : i32
      %add3A_340 = arith.addi %mul3A_331, %add3A_339 : i32
      %dma_start3A_341 = arith.constant 0 : i32
      %dma_start3A_342 = tpu.memref_slice %arg7[%add3A_340, %dma_start3A_341] : memref<125x80xi32, #tpu.memory_space<vmem>> -> memref<1x80xi32, #tpu.memory_space<vmem>>
      %dma_start3A_343 = tpu.memref_squeeze %dma_start3A_342 : memref<1x80xi32, #tpu.memory_space<vmem>> -> memref<80xi32, #tpu.memory_space<vmem>>
      %dma_start3A_344 = arith.constant 0 : i32
      %dma_start3A_345 = arith.constant 0 : i32
      %dma_start3A_346 = tpu.memref_slice %arg14[%dma_start3A_344, %dma_start3A_345] : memref<10000x96xf32, #tpu.memory_space<vmem_shared>> -> memref<10000x96xf32, #tpu.memory_space<vmem_shared>>
      tpu.enqueue_indirect_dma source(%arg8 : memref<80x96xf32, #tpu.memory_space<vmem>>) target(%dma_start3A_346 : memref<10000x96xf32, #tpu.memory_space<vmem_shared>>) offsets(%dma_start3A_343 : memref<80xi32, #tpu.memory_space<vmem>>) semaphore(%arg20 : memref<!tpu.dma_semaphore, #tpu.memory_space<semaphore_mem>>) {add = true}
      %dma_wait3A_347 = arith.constant 0 : i32
      %dma_wait3A_348 = arith.constant 0 : i32
      %dma_wait3A_349 = tpu.memref_slice %arg6[%dma_wait3A_347, %dma_wait3A_348] : memref<125x80xi32, #tpu.memory_space<vmem>> -> memref<1x80xi32, #tpu.memory_space<vmem>>
      %dma_wait3A_350 = tpu.memref_squeeze %dma_wait3A_349 : memref<1x80xi32, #tpu.memory_space<vmem>> -> memref<80xi32, #tpu.memory_space<vmem>>
      %dma_wait3A_351 = arith.constant 0 : i32
      %dma_wait3A_352 = arith.constant 0 : i32
      %dma_wait3A_353 = tpu.memref_slice %arg2[%dma_wait3A_351, %dma_wait3A_352] : memref<20000x96xf32, #tpu.memory_space<hbm>> -> memref<20000x96xf32, #tpu.memory_space<hbm>>
      tpu.wait_indirect_dma semaphore(%arg16 : memref<!tpu.dma_semaphore, #tpu.memory_space<semaphore_mem>>) src(%dma_wait3A_353 : memref<20000x96xf32, #tpu.memory_space<hbm>>) dst(%arg9 : memref<80x96xf32, #tpu.memory_space<vmem>>)
      %add3A_354 = arith.constant 1 : i32
      %add3A_355 = arith.addi %mul3A_331, %add3A_354 : i32
      %dma_start3A_356 = arith.constant 0 : i32
      %dma_start3A_357 = tpu.memref_slice %arg7[%add3A_355, %dma_start3A_356] : memref<125x80xi32, #tpu.memory_space<vmem>> -> memref<1x80xi32, #tpu.memory_space<vmem>>
      %dma_start3A_358 = tpu.memref_squeeze %dma_start3A_357 : memref<1x80xi32, #tpu.memory_space<vmem>> -> memref<80xi32, #tpu.memory_space<vmem>>
      %dma_start3A_359 = arith.constant 0 : i32
      %dma_start3A_360 = arith.constant 0 : i32
      %dma_start3A_361 = tpu.memref_slice %arg14[%dma_start3A_359, %dma_start3A_360] : memref<10000x96xf32, #tpu.memory_space<vmem_shared>> -> memref<10000x96xf32, #tpu.memory_space<vmem_shared>>
      tpu.enqueue_indirect_dma source(%arg9 : memref<80x96xf32, #tpu.memory_space<vmem>>) target(%dma_start3A_361 : memref<10000x96xf32, #tpu.memory_space<vmem_shared>>) offsets(%dma_start3A_358 : memref<80xi32, #tpu.memory_space<vmem>>) semaphore(%arg21 : memref<!tpu.dma_semaphore, #tpu.memory_space<semaphore_mem>>) {add = true}
      %dma_wait3A_362 = arith.constant 0 : i32
      %dma_wait3A_363 = arith.constant 0 : i32
      %dma_wait3A_364 = tpu.memref_slice %arg6[%dma_wait3A_362, %dma_wait3A_363] : memref<125x80xi32, #tpu.memory_space<vmem>> -> memref<1x80xi32, #tpu.memory_space<vmem>>
      %dma_wait3A_365 = tpu.memref_squeeze %dma_wait3A_364 : memref<1x80xi32, #tpu.memory_space<vmem>> -> memref<80xi32, #tpu.memory_space<vmem>>
      %dma_wait3A_366 = arith.constant 0 : i32
      %dma_wait3A_367 = arith.constant 0 : i32
      %dma_wait3A_368 = tpu.memref_slice %arg2[%dma_wait3A_366, %dma_wait3A_367] : memref<20000x96xf32, #tpu.memory_space<hbm>> -> memref<20000x96xf32, #tpu.memory_space<hbm>>
      tpu.wait_indirect_dma semaphore(%arg17 : memref<!tpu.dma_semaphore, #tpu.memory_space<semaphore_mem>>) src(%dma_wait3A_368 : memref<20000x96xf32, #tpu.memory_space<hbm>>) dst(%arg10 : memref<80x96xf32, #tpu.memory_space<vmem>>)
      %add3A_369 = arith.constant 2 : i32
      %add3A_370 = arith.addi %mul3A_331, %add3A_369 : i32
      %dma_start3A_371 = arith.constant 0 : i32
      %dma_start3A_372 = tpu.memref_slice %arg7[%add3A_370, %dma_start3A_371] : memref<125x80xi32, #tpu.memory_space<vmem>> -> memref<1x80xi32, #tpu.memory_space<vmem>>
      %dma_start3A_373 = tpu.memref_squeeze %dma_start3A_372 : memref<1x80xi32, #tpu.memory_space<vmem>> -> memref<80xi32, #tpu.memory_space<vmem>>
      %dma_start3A_374 = arith.constant 0 : i32
      %dma_start3A_375 = arith.constant 0 : i32
      %dma_start3A_376 = tpu.memref_slice %arg14[%dma_start3A_374, %dma_start3A_375] : memref<10000x96xf32, #tpu.memory_space<vmem_shared>> -> memref<10000x96xf32, #tpu.memory_space<vmem_shared>>
      tpu.enqueue_indirect_dma source(%arg10 : memref<80x96xf32, #tpu.memory_space<vmem>>) target(%dma_start3A_376 : memref<10000x96xf32, #tpu.memory_space<vmem_shared>>) offsets(%dma_start3A_373 : memref<80xi32, #tpu.memory_space<vmem>>) semaphore(%arg22 : memref<!tpu.dma_semaphore, #tpu.memory_space<semaphore_mem>>) {add = true}
      %dma_wait3A_377 = arith.constant 0 : i32
      %dma_wait3A_378 = arith.constant 0 : i32
      %dma_wait3A_379 = tpu.memref_slice %arg6[%dma_wait3A_377, %dma_wait3A_378] : memref<125x80xi32, #tpu.memory_space<vmem>> -> memref<1x80xi32, #tpu.memory_space<vmem>>
      %dma_wait3A_380 = tpu.memref_squeeze %dma_wait3A_379 : memref<1x80xi32, #tpu.memory_space<vmem>> -> memref<80xi32, #tpu.memory_space<vmem>>
      %dma_wait3A_381 = arith.constant 0 : i32
      %dma_wait3A_382 = arith.constant 0 : i32
      %dma_wait3A_383 = tpu.memref_slice %arg2[%dma_wait3A_381, %dma_wait3A_382] : memref<20000x96xf32, #tpu.memory_space<hbm>> -> memref<20000x96xf32, #tpu.memory_space<hbm>>
      tpu.wait_indirect_dma semaphore(%arg18 : memref<!tpu.dma_semaphore, #tpu.memory_space<semaphore_mem>>) src(%dma_wait3A_383 : memref<20000x96xf32, #tpu.memory_space<hbm>>) dst(%arg11 : memref<80x96xf32, #tpu.memory_space<vmem>>)
      %add3A_384 = arith.constant 3 : i32
      %add3A_385 = arith.addi %mul3A_331, %add3A_384 : i32
      %dma_start3A_386 = arith.constant 0 : i32
      %dma_start3A_387 = tpu.memref_slice %arg7[%add3A_385, %dma_start3A_386] : memref<125x80xi32, #tpu.memory_space<vmem>> -> memref<1x80xi32, #tpu.memory_space<vmem>>
      %dma_start3A_388 = tpu.memref_squeeze %dma_start3A_387 : memref<1x80xi32, #tpu.memory_space<vmem>> -> memref<80xi32, #tpu.memory_space<vmem>>
      %dma_start3A_389 = arith.constant 0 : i32
      %dma_start3A_390 = arith.constant 0 : i32
      %dma_start3A_391 = tpu.memref_slice %arg14[%dma_start3A_389, %dma_start3A_390] : memref<10000x96xf32, #tpu.memory_space<vmem_shared>> -> memref<10000x96xf32, #tpu.memory_space<vmem_shared>>
      tpu.enqueue_indirect_dma source(%arg11 : memref<80x96xf32, #tpu.memory_space<vmem>>) target(%dma_start3A_391 : memref<10000x96xf32, #tpu.memory_space<vmem_shared>>) offsets(%dma_start3A_388 : memref<80xi32, #tpu.memory_space<vmem>>) semaphore(%arg23 : memref<!tpu.dma_semaphore, #tpu.memory_space<semaphore_mem>>) {add = true}
      %dma_wait3A_392 = arith.constant 0 : i32
      %dma_wait3A_393 = arith.constant 0 : i32
      %dma_wait3A_394 = tpu.memref_slice %arg6[%dma_wait3A_392, %dma_wait3A_393] : memref<125x80xi32, #tpu.memory_space<vmem>> -> memref<1x80xi32, #tpu.memory_space<vmem>>
      %dma_wait3A_395 = tpu.memref_squeeze %dma_wait3A_394 : memref<1x80xi32, #tpu.memory_space<vmem>> -> memref<80xi32, #tpu.memory_space<vmem>>
      %dma_wait3A_396 = arith.constant 0 : i32
      %dma_wait3A_397 = arith.constant 0 : i32
      %dma_wait3A_398 = tpu.memref_slice %arg2[%dma_wait3A_396, %dma_wait3A_397] : memref<20000x96xf32, #tpu.memory_space<hbm>> -> memref<20000x96xf32, #tpu.memory_space<hbm>>
      tpu.wait_indirect_dma semaphore(%arg19 : memref<!tpu.dma_semaphore, #tpu.memory_space<semaphore_mem>>) src(%dma_wait3A_398 : memref<20000x96xf32, #tpu.memory_space<hbm>>) dst(%arg12 : memref<80x96xf32, #tpu.memory_space<vmem>>)
      %add3A_399 = arith.constant 4 : i32
      %add3A_400 = arith.addi %mul3A_331, %add3A_399 : i32
      %dma_start3A_401 = arith.constant 0 : i32
      %dma_start3A_402 = tpu.memref_slice %arg7[%add3A_400, %dma_start3A_401] : memref<125x80xi32, #tpu.memory_space<vmem>> -> memref<1x80xi32, #tpu.memory_space<vmem>>
      %dma_start3A_403 = tpu.memref_squeeze %dma_start3A_402 : memref<1x80xi32, #tpu.memory_space<vmem>> -> memref<80xi32, #tpu.memory_space<vmem>>
      %dma_start3A_404 = arith.constant 0 : i32
      %dma_start3A_405 = arith.constant 0 : i32
      %dma_start3A_406 = tpu.memref_slice %arg14[%dma_start3A_404, %dma_start3A_405] : memref<10000x96xf32, #tpu.memory_space<vmem_shared>> -> memref<10000x96xf32, #tpu.memory_space<vmem_shared>>
      tpu.enqueue_indirect_dma source(%arg12 : memref<80x96xf32, #tpu.memory_space<vmem>>) target(%dma_start3A_406 : memref<10000x96xf32, #tpu.memory_space<vmem_shared>>) offsets(%dma_start3A_403 : memref<80xi32, #tpu.memory_space<vmem>>) semaphore(%arg24 : memref<!tpu.dma_semaphore, #tpu.memory_space<semaphore_mem>>) {add = true}
      %dma_wait3A_407 = arith.constant 0 : i32
      %dma_wait3A_408 = arith.constant 0 : i32
      %dma_wait3A_409 = tpu.memref_slice %arg6[%dma_wait3A_407, %dma_wait3A_408] : memref<125x80xi32, #tpu.memory_space<vmem>> -> memref<1x80xi32, #tpu.memory_space<vmem>>
      %dma_wait3A_410 = tpu.memref_squeeze %dma_wait3A_409 : memref<1x80xi32, #tpu.memory_space<vmem>> -> memref<80xi32, #tpu.memory_space<vmem>>
      %dma_wait3A_411 = arith.constant 0 : i32
      %dma_wait3A_412 = arith.constant 0 : i32
      %dma_wait3A_413 = tpu.memref_slice %arg2[%dma_wait3A_411, %dma_wait3A_412] : memref<20000x96xf32, #tpu.memory_space<hbm>> -> memref<20000x96xf32, #tpu.memory_space<hbm>>
      tpu.wait_indirect_dma semaphore(%arg20 : memref<!tpu.dma_semaphore, #tpu.memory_space<semaphore_mem>>) src(%dma_wait3A_413 : memref<20000x96xf32, #tpu.memory_space<hbm>>) dst(%arg8 : memref<80x96xf32, #tpu.memory_space<vmem>>)
      %add3A_414 = arith.constant 5 : i32
      %add3A_415 = arith.addi %mul3A_331, %add3A_414 : i32
      %add3A_416 = arith.constant 0 : i32
      %add3A_417 = arith.addi %add3A_415, %add3A_416 : i32
      %dma_start3A_418 = arith.constant 0 : i32
      %dma_start3A_419 = tpu.memref_slice %arg6[%add3A_417, %dma_start3A_418] : memref<125x80xi32, #tpu.memory_space<vmem>> -> memref<1x80xi32, #tpu.memory_space<vmem>>
      %dma_start3A_420 = tpu.memref_squeeze %dma_start3A_419 : memref<1x80xi32, #tpu.memory_space<vmem>> -> memref<80xi32, #tpu.memory_space<vmem>>
      %dma_start3A_421 = arith.constant 0 : i32
      %dma_start3A_422 = arith.constant 0 : i32
      %dma_start3A_423 = tpu.memref_slice %arg2[%dma_start3A_421, %dma_start3A_422] : memref<20000x96xf32, #tpu.memory_space<hbm>> -> memref<20000x96xf32, #tpu.memory_space<hbm>>
      tpu.enqueue_indirect_dma source(%dma_start3A_423 : memref<20000x96xf32, #tpu.memory_space<hbm>>) target(%arg8 : memref<80x96xf32, #tpu.memory_space<vmem>>) offsets(%dma_start3A_420 : memref<80xi32, #tpu.memory_space<vmem>>) semaphore(%arg15 : memref<!tpu.dma_semaphore, #tpu.memory_space<semaphore_mem>>)
      %dma_wait3A_424 = arith.constant 0 : i32
      %dma_wait3A_425 = arith.constant 0 : i32
      %dma_wait3A_426 = tpu.memref_slice %arg6[%dma_wait3A_424, %dma_wait3A_425] : memref<125x80xi32, #tpu.memory_space<vmem>> -> memref<1x80xi32, #tpu.memory_space<vmem>>
      %dma_wait3A_427 = tpu.memref_squeeze %dma_wait3A_426 : memref<1x80xi32, #tpu.memory_space<vmem>> -> memref<80xi32, #tpu.memory_space<vmem>>
      %dma_wait3A_428 = arith.constant 0 : i32
      %dma_wait3A_429 = arith.constant 0 : i32
      %dma_wait3A_430 = tpu.memref_slice %arg2[%dma_wait3A_428, %dma_wait3A_429] : memref<20000x96xf32, #tpu.memory_space<hbm>> -> memref<20000x96xf32, #tpu.memory_space<hbm>>
      tpu.wait_indirect_dma semaphore(%arg21 : memref<!tpu.dma_semaphore, #tpu.memory_space<semaphore_mem>>) src(%dma_wait3A_430 : memref<20000x96xf32, #tpu.memory_space<hbm>>) dst(%arg9 : memref<80x96xf32, #tpu.memory_space<vmem>>)
      %add3A_431 = arith.constant 5 : i32
      %add3A_432 = arith.addi %mul3A_331, %add3A_431 : i32
      %add3A_433 = arith.constant 1 : i32
      %add3A_434 = arith.addi %add3A_432, %add3A_433 : i32
      %dma_start3A_435 = arith.constant 0 : i32
      %dma_start3A_436 = tpu.memref_slice %arg6[%add3A_434, %dma_start3A_435] : memref<125x80xi32, #tpu.memory_space<vmem>> -> memref<1x80xi32, #tpu.memory_space<vmem>>
      %dma_start3A_437 = tpu.memref_squeeze %dma_start3A_436 : memref<1x80xi32, #tpu.memory_space<vmem>> -> memref<80xi32, #tpu.memory_space<vmem>>
      %dma_start3A_438 = arith.constant 0 : i32
      %dma_start3A_439 = arith.constant 0 : i32
      %dma_start3A_440 = tpu.memref_slice %arg2[%dma_start3A_438, %dma_start3A_439] : memref<20000x96xf32, #tpu.memory_space<hbm>> -> memref<20000x96xf32, #tpu.memory_space<hbm>>
      tpu.enqueue_indirect_dma source(%dma_start3A_440 : memref<20000x96xf32, #tpu.memory_space<hbm>>) target(%arg9 : memref<80x96xf32, #tpu.memory_space<vmem>>) offsets(%dma_start3A_437 : memref<80xi32, #tpu.memory_space<vmem>>) semaphore(%arg16 : memref<!tpu.dma_semaphore, #tpu.memory_space<semaphore_mem>>)
      %dma_wait3A_441 = arith.constant 0 : i32
      %dma_wait3A_442 = arith.constant 0 : i32
      %dma_wait3A_443 = tpu.memref_slice %arg6[%dma_wait3A_441, %dma_wait3A_442] : memref<125x80xi32, #tpu.memory_space<vmem>> -> memref<1x80xi32, #tpu.memory_space<vmem>>
      %dma_wait3A_444 = tpu.memref_squeeze %dma_wait3A_443 : memref<1x80xi32, #tpu.memory_space<vmem>> -> memref<80xi32, #tpu.memory_space<vmem>>
      %dma_wait3A_445 = arith.constant 0 : i32
      %dma_wait3A_446 = arith.constant 0 : i32
      %dma_wait3A_447 = tpu.memref_slice %arg2[%dma_wait3A_445, %dma_wait3A_446] : memref<20000x96xf32, #tpu.memory_space<hbm>> -> memref<20000x96xf32, #tpu.memory_space<hbm>>
      tpu.wait_indirect_dma semaphore(%arg22 : memref<!tpu.dma_semaphore, #tpu.memory_space<semaphore_mem>>) src(%dma_wait3A_447 : memref<20000x96xf32, #tpu.memory_space<hbm>>) dst(%arg10 : memref<80x96xf32, #tpu.memory_space<vmem>>)
      %add3A_448 = arith.constant 5 : i32
      %add3A_449 = arith.addi %mul3A_331, %add3A_448 : i32
      %add3A_450 = arith.constant 2 : i32
      %add3A_451 = arith.addi %add3A_449, %add3A_450 : i32
      %dma_start3A_452 = arith.constant 0 : i32
      %dma_start3A_453 = tpu.memref_slice %arg6[%add3A_451, %dma_start3A_452] : memref<125x80xi32, #tpu.memory_space<vmem>> -> memref<1x80xi32, #tpu.memory_space<vmem>>
      %dma_start3A_454 = tpu.memref_squeeze %dma_start3A_453 : memref<1x80xi32, #tpu.memory_space<vmem>> -> memref<80xi32, #tpu.memory_space<vmem>>
      %dma_start3A_455 = arith.constant 0 : i32
      %dma_start3A_456 = arith.constant 0 : i32
      %dma_start3A_457 = tpu.memref_slice %arg2[%dma_start3A_455, %dma_start3A_456] : memref<20000x96xf32, #tpu.memory_space<hbm>> -> memref<20000x96xf32, #tpu.memory_space<hbm>>
      tpu.enqueue_indirect_dma source(%dma_start3A_457 : memref<20000x96xf32, #tpu.memory_space<hbm>>) target(%arg10 : memref<80x96xf32, #tpu.memory_space<vmem>>) offsets(%dma_start3A_454 : memref<80xi32, #tpu.memory_space<vmem>>) semaphore(%arg17 : memref<!tpu.dma_semaphore, #tpu.memory_space<semaphore_mem>>)
      %dma_wait3A_458 = arith.constant 0 : i32
      %dma_wait3A_459 = arith.constant 0 : i32
      %dma_wait3A_460 = tpu.memref_slice %arg6[%dma_wait3A_458, %dma_wait3A_459] : memref<125x80xi32, #tpu.memory_space<vmem>> -> memref<1x80xi32, #tpu.memory_space<vmem>>
      %dma_wait3A_461 = tpu.memref_squeeze %dma_wait3A_460 : memref<1x80xi32, #tpu.memory_space<vmem>> -> memref<80xi32, #tpu.memory_space<vmem>>
      %dma_wait3A_462 = arith.constant 0 : i32
      %dma_wait3A_463 = arith.constant 0 : i32
      %dma_wait3A_464 = tpu.memref_slice %arg2[%dma_wait3A_462, %dma_wait3A_463] : memref<20000x96xf32, #tpu.memory_space<hbm>> -> memref<20000x96xf32, #tpu.memory_space<hbm>>
      tpu.wait_indirect_dma semaphore(%arg23 : memref<!tpu.dma_semaphore, #tpu.memory_space<semaphore_mem>>) src(%dma_wait3A_464 : memref<20000x96xf32, #tpu.memory_space<hbm>>) dst(%arg11 : memref<80x96xf32, #tpu.memory_space<vmem>>)
      %add3A_465 = arith.constant 5 : i32
      %add3A_466 = arith.addi %mul3A_331, %add3A_465 : i32
      %add3A_467 = arith.constant 3 : i32
      %add3A_468 = arith.addi %add3A_466, %add3A_467 : i32
      %dma_start3A_469 = arith.constant 0 : i32
      %dma_start3A_470 = tpu.memref_slice %arg6[%add3A_468, %dma_start3A_469] : memref<125x80xi32, #tpu.memory_space<vmem>> -> memref<1x80xi32, #tpu.memory_space<vmem>>
      %dma_start3A_471 = tpu.memref_squeeze %dma_start3A_470 : memref<1x80xi32, #tpu.memory_space<vmem>> -> memref<80xi32, #tpu.memory_space<vmem>>
      %dma_start3A_472 = arith.constant 0 : i32
      %dma_start3A_473 = arith.constant 0 : i32
      %dma_start3A_474 = tpu.memref_slice %arg2[%dma_start3A_472, %dma_start3A_473] : memref<20000x96xf32, #tpu.memory_space<hbm>> -> memref<20000x96xf32, #tpu.memory_space<hbm>>
      tpu.enqueue_indirect_dma source(%dma_start3A_474 : memref<20000x96xf32, #tpu.memory_space<hbm>>) target(%arg11 : memref<80x96xf32, #tpu.memory_space<vmem>>) offsets(%dma_start3A_471 : memref<80xi32, #tpu.memory_space<vmem>>) semaphore(%arg18 : memref<!tpu.dma_semaphore, #tpu.memory_space<semaphore_mem>>)
      %dma_wait3A_475 = arith.constant 0 : i32
      %dma_wait3A_476 = arith.constant 0 : i32
      %dma_wait3A_477 = tpu.memref_slice %arg6[%dma_wait3A_475, %dma_wait3A_476] : memref<125x80xi32, #tpu.memory_space<vmem>> -> memref<1x80xi32, #tpu.memory_space<vmem>>
      %dma_wait3A_478 = tpu.memref_squeeze %dma_wait3A_477 : memref<1x80xi32, #tpu.memory_space<vmem>> -> memref<80xi32, #tpu.memory_space<vmem>>
      %dma_wait3A_479 = arith.constant 0 : i32
      %dma_wait3A_480 = arith.constant 0 : i32
      %dma_wait3A_481 = tpu.memref_slice %arg2[%dma_wait3A_479, %dma_wait3A_480] : memref<20000x96xf32, #tpu.memory_space<hbm>> -> memref<20000x96xf32, #tpu.memory_space<hbm>>
      tpu.wait_indirect_dma semaphore(%arg24 : memref<!tpu.dma_semaphore, #tpu.memory_space<semaphore_mem>>) src(%dma_wait3A_481 : memref<20000x96xf32, #tpu.memory_space<hbm>>) dst(%arg12 : memref<80x96xf32, #tpu.memory_space<vmem>>)
      %add3A_482 = arith.constant 5 : i32
      %add3A_483 = arith.addi %mul3A_331, %add3A_482 : i32
      %add3A_484 = arith.constant 4 : i32
      %add3A_485 = arith.addi %add3A_483, %add3A_484 : i32
      %dma_start3A_486 = arith.constant 0 : i32
      %dma_start3A_487 = tpu.memref_slice %arg6[%add3A_485, %dma_start3A_486] : memref<125x80xi32, #tpu.memory_space<vmem>> -> memref<1x80xi32, #tpu.memory_space<vmem>>
      %dma_start3A_488 = tpu.memref_squeeze %dma_start3A_487 : memref<1x80xi32, #tpu.memory_space<vmem>> -> memref<80xi32, #tpu.memory_space<vmem>>
      %dma_start3A_489 = arith.constant 0 : i32
      %dma_start3A_490 = arith.constant 0 : i32
      %dma_start3A_491 = tpu.memref_slice %arg2[%dma_start3A_489, %dma_start3A_490] : memref<20000x96xf32, #tpu.memory_space<hbm>> -> memref<20000x96xf32, #tpu.memory_space<hbm>>
      tpu.enqueue_indirect_dma source(%dma_start3A_491 : memref<20000x96xf32, #tpu.memory_space<hbm>>) target(%arg12 : memref<80x96xf32, #tpu.memory_space<vmem>>) offsets(%dma_start3A_488 : memref<80xi32, #tpu.memory_space<vmem>>) semaphore(%arg19 : memref<!tpu.dma_semaphore, #tpu.memory_space<semaphore_mem>>)
    }
    %scan3A_56 = arith.constant 24 : i32
    %dma_wait3A = arith.constant 0 : i32
    %dma_wait3A_57 = arith.constant 0 : i32
    %dma_wait3A_58 = tpu.memref_slice %arg6[%dma_wait3A, %dma_wait3A_57] : memref<125x80xi32, #tpu.memory_space<vmem>> -> memref<1x80xi32, #tpu.memory_space<vmem>>
    %dma_wait3A_59 = tpu.memref_squeeze %dma_wait3A_58 : memref<1x80xi32, #tpu.memory_space<vmem>> -> memref<80xi32, #tpu.memory_space<vmem>>
    %dma_wait3A_60 = arith.constant 0 : i32
    %dma_wait3A_61 = arith.constant 0 : i32
    %dma_wait3A_62 = tpu.memref_slice %arg2[%dma_wait3A_60, %dma_wait3A_61] : memref<20000x96xf32, #tpu.memory_space<hbm>> -> memref<20000x96xf32, #tpu.memory_space<hbm>>
    tpu.wait_indirect_dma semaphore(%arg15 : memref<!tpu.dma_semaphore, #tpu.memory_space<semaphore_mem>>) src(%dma_wait3A_62 : memref<20000x96xf32, #tpu.memory_space<hbm>>) dst(%arg8 : memref<80x96xf32, #tpu.memory_space<vmem>>)
    %dma_start3A_63 = arith.constant 120 : i32
    %dma_start3A_64 = arith.constant 0 : i32
    %dma_start3A_65 = tpu.memref_slice %arg7[%dma_start3A_63, %dma_start3A_64] : memref<125x80xi32, #tpu.memory_space<vmem>> -> memref<1x80xi32, #tpu.memory_space<vmem>>
    %dma_start3A_66 = tpu.memref_squeeze %dma_start3A_65 : memref<1x80xi32, #tpu.memory_space<vmem>> -> memref<80xi32, #tpu.memory_space<vmem>>
    %dma_start3A_67 = arith.constant 0 : i32
    %dma_start3A_68 = arith.constant 0 : i32
    %dma_start3A_69 = tpu.memref_slice %arg14[%dma_start3A_67, %dma_start3A_68] : memref<10000x96xf32, #tpu.memory_space<vmem_shared>> -> memref<10000x96xf32, #tpu.memory_space<vmem_shared>>
    tpu.enqueue_indirect_dma source(%arg8 : memref<80x96xf32, #tpu.memory_space<vmem>>) target(%dma_start3A_69 : memref<10000x96xf32, #tpu.memory_space<vmem_shared>>) offsets(%dma_start3A_66 : memref<80xi32, #tpu.memory_space<vmem>>) semaphore(%arg20 : memref<!tpu.dma_semaphore, #tpu.memory_space<semaphore_mem>>) {add = true}
    %dma_wait3A_70 = arith.constant 0 : i32
    %dma_wait3A_71 = arith.constant 0 : i32
    %dma_wait3A_72 = tpu.memref_slice %arg6[%dma_wait3A_70, %dma_wait3A_71] : memref<125x80xi32, #tpu.memory_space<vmem>> -> memref<1x80xi32, #tpu.memory_space<vmem>>
    %dma_wait3A_73 = tpu.memref_squeeze %dma_wait3A_72 : memref<1x80xi32, #tpu.memory_space<vmem>> -> memref<80xi32, #tpu.memory_space<vmem>>
    %dma_wait3A_74 = arith.constant 0 : i32
    %dma_wait3A_75 = arith.constant 0 : i32
    %dma_wait3A_76 = tpu.memref_slice %arg2[%dma_wait3A_74, %dma_wait3A_75] : memref<20000x96xf32, #tpu.memory_space<hbm>> -> memref<20000x96xf32, #tpu.memory_space<hbm>>
    tpu.wait_indirect_dma semaphore(%arg16 : memref<!tpu.dma_semaphore, #tpu.memory_space<semaphore_mem>>) src(%dma_wait3A_76 : memref<20000x96xf32, #tpu.memory_space<hbm>>) dst(%arg9 : memref<80x96xf32, #tpu.memory_space<vmem>>)
    %dma_start3A_77 = arith.constant 121 : i32
    %dma_start3A_78 = arith.constant 0 : i32
    %dma_start3A_79 = tpu.memref_slice %arg7[%dma_start3A_77, %dma_start3A_78] : memref<125x80xi32, #tpu.memory_space<vmem>> -> memref<1x80xi32, #tpu.memory_space<vmem>>
    %dma_start3A_80 = tpu.memref_squeeze %dma_start3A_79 : memref<1x80xi32, #tpu.memory_space<vmem>> -> memref<80xi32, #tpu.memory_space<vmem>>
    %dma_start3A_81 = arith.constant 0 : i32
    %dma_start3A_82 = arith.constant 0 : i32
    %dma_start3A_83 = tpu.memref_slice %arg14[%dma_start3A_81, %dma_start3A_82] : memref<10000x96xf32, #tpu.memory_space<vmem_shared>> -> memref<10000x96xf32, #tpu.memory_space<vmem_shared>>
    tpu.enqueue_indirect_dma source(%arg9 : memref<80x96xf32, #tpu.memory_space<vmem>>) target(%dma_start3A_83 : memref<10000x96xf32, #tpu.memory_space<vmem_shared>>) offsets(%dma_start3A_80 : memref<80xi32, #tpu.memory_space<vmem>>) semaphore(%arg21 : memref<!tpu.dma_semaphore, #tpu.memory_space<semaphore_mem>>) {add = true}
    %dma_wait3A_84 = arith.constant 0 : i32
    %dma_wait3A_85 = arith.constant 0 : i32
    %dma_wait3A_86 = tpu.memref_slice %arg6[%dma_wait3A_84, %dma_wait3A_85] : memref<125x80xi32, #tpu.memory_space<vmem>> -> memref<1x80xi32, #tpu.memory_space<vmem>>
    %dma_wait3A_87 = tpu.memref_squeeze %dma_wait3A_86 : memref<1x80xi32, #tpu.memory_space<vmem>> -> memref<80xi32, #tpu.memory_space<vmem>>
    %dma_wait3A_88 = arith.constant 0 : i32
    %dma_wait3A_89 = arith.constant 0 : i32
    %dma_wait3A_90 = tpu.memref_slice %arg2[%dma_wait3A_88, %dma_wait3A_89] : memref<20000x96xf32, #tpu.memory_space<hbm>> -> memref<20000x96xf32, #tpu.memory_space<hbm>>
    tpu.wait_indirect_dma semaphore(%arg17 : memref<!tpu.dma_semaphore, #tpu.memory_space<semaphore_mem>>) src(%dma_wait3A_90 : memref<20000x96xf32, #tpu.memory_space<hbm>>) dst(%arg10 : memref<80x96xf32, #tpu.memory_space<vmem>>)
    %dma_start3A_91 = arith.constant 122 : i32
    %dma_start3A_92 = arith.constant 0 : i32
    %dma_start3A_93 = tpu.memref_slice %arg7[%dma_start3A_91, %dma_start3A_92] : memref<125x80xi32, #tpu.memory_space<vmem>> -> memref<1x80xi32, #tpu.memory_space<vmem>>
    %dma_start3A_94 = tpu.memref_squeeze %dma_start3A_93 : memref<1x80xi32, #tpu.memory_space<vmem>> -> memref<80xi32, #tpu.memory_space<vmem>>
    %dma_start3A_95 = arith.constant 0 : i32
    %dma_start3A_96 = arith.constant 0 : i32
    %dma_start3A_97 = tpu.memref_slice %arg14[%dma_start3A_95, %dma_start3A_96] : memref<10000x96xf32, #tpu.memory_space<vmem_shared>> -> memref<10000x96xf32, #tpu.memory_space<vmem_shared>>
    tpu.enqueue_indirect_dma source(%arg10 : memref<80x96xf32, #tpu.memory_space<vmem>>) target(%dma_start3A_97 : memref<10000x96xf32, #tpu.memory_space<vmem_shared>>) offsets(%dma_start3A_94 : memref<80xi32, #tpu.memory_space<vmem>>) semaphore(%arg22 : memref<!tpu.dma_semaphore, #tpu.memory_space<semaphore_mem>>) {add = true}
    %dma_wait3A_98 = arith.constant 0 : i32
    %dma_wait3A_99 = arith.constant 0 : i32
    %dma_wait3A_100 = tpu.memref_slice %arg6[%dma_wait3A_98, %dma_wait3A_99] : memref<125x80xi32, #tpu.memory_space<vmem>> -> memref<1x80xi32, #tpu.memory_space<vmem>>
    %dma_wait3A_101 = tpu.memref_squeeze %dma_wait3A_100 : memref<1x80xi32, #tpu.memory_space<vmem>> -> memref<80xi32, #tpu.memory_space<vmem>>
    %dma_wait3A_102 = arith.constant 0 : i32
    %dma_wait3A_103 = arith.constant 0 : i32
    %dma_wait3A_104 = tpu.memref_slice %arg2[%dma_wait3A_102, %dma_wait3A_103] : memref<20000x96xf32, #tpu.memory_space<hbm>> -> memref<20000x96xf32, #tpu.memory_space<hbm>>
    tpu.wait_indirect_dma semaphore(%arg18 : memref<!tpu.dma_semaphore, #tpu.memory_space<semaphore_mem>>) src(%dma_wait3A_104 : memref<20000x96xf32, #tpu.memory_space<hbm>>) dst(%arg11 : memref<80x96xf32, #tpu.memory_space<vmem>>)
    %dma_start3A_105 = arith.constant 123 : i32
    %dma_start3A_106 = arith.constant 0 : i32
    %dma_start3A_107 = tpu.memref_slice %arg7[%dma_start3A_105, %dma_start3A_106] : memref<125x80xi32, #tpu.memory_space<vmem>> -> memref<1x80xi32, #tpu.memory_space<vmem>>
    %dma_start3A_108 = tpu.memref_squeeze %dma_start3A_107 : memref<1x80xi32, #tpu.memory_space<vmem>> -> memref<80xi32, #tpu.memory_space<vmem>>
    %dma_start3A_109 = arith.constant 0 : i32
    %dma_start3A_110 = arith.constant 0 : i32
    %dma_start3A_111 = tpu.memref_slice %arg14[%dma_start3A_109, %dma_start3A_110] : memref<10000x96xf32, #tpu.memory_space<vmem_shared>> -> memref<10000x96xf32, #tpu.memory_space<vmem_shared>>
    tpu.enqueue_indirect_dma source(%arg11 : memref<80x96xf32, #tpu.memory_space<vmem>>) target(%dma_start3A_111 : memref<10000x96xf32, #tpu.memory_space<vmem_shared>>) offsets(%dma_start3A_108 : memref<80xi32, #tpu.memory_space<vmem>>) semaphore(%arg23 : memref<!tpu.dma_semaphore, #tpu.memory_space<semaphore_mem>>) {add = true}
    %dma_wait3A_112 = arith.constant 0 : i32
    %dma_wait3A_113 = arith.constant 0 : i32
    %dma_wait3A_114 = tpu.memref_slice %arg6[%dma_wait3A_112, %dma_wait3A_113] : memref<125x80xi32, #tpu.memory_space<vmem>> -> memref<1x80xi32, #tpu.memory_space<vmem>>
    %dma_wait3A_115 = tpu.memref_squeeze %dma_wait3A_114 : memref<1x80xi32, #tpu.memory_space<vmem>> -> memref<80xi32, #tpu.memory_space<vmem>>
    %dma_wait3A_116 = arith.constant 0 : i32
    %dma_wait3A_117 = arith.constant 0 : i32
    %dma_wait3A_118 = tpu.memref_slice %arg2[%dma_wait3A_116, %dma_wait3A_117] : memref<20000x96xf32, #tpu.memory_space<hbm>> -> memref<20000x96xf32, #tpu.memory_space<hbm>>
    tpu.wait_indirect_dma semaphore(%arg19 : memref<!tpu.dma_semaphore, #tpu.memory_space<semaphore_mem>>) src(%dma_wait3A_118 : memref<20000x96xf32, #tpu.memory_space<hbm>>) dst(%arg12 : memref<80x96xf32, #tpu.memory_space<vmem>>)
    %dma_start3A_119 = arith.constant 124 : i32
    %dma_start3A_120 = arith.constant 0 : i32
    %dma_start3A_121 = tpu.memref_slice %arg7[%dma_start3A_119, %dma_start3A_120] : memref<125x80xi32, #tpu.memory_space<vmem>> -> memref<1x80xi32, #tpu.memory_space<vmem>>
    %dma_start3A_122 = tpu.memref_squeeze %dma_start3A_121 : memref<1x80xi32, #tpu.memory_space<vmem>> -> memref<80xi32, #tpu.memory_space<vmem>>
    %dma_start3A_123 = arith.constant 0 : i32
    %dma_start3A_124 = arith.constant 0 : i32
    %dma_start3A_125 = tpu.memref_slice %arg14[%dma_start3A_123, %dma_start3A_124] : memref<10000x96xf32, #tpu.memory_space<vmem_shared>> -> memref<10000x96xf32, #tpu.memory_space<vmem_shared>>
    tpu.enqueue_indirect_dma source(%arg12 : memref<80x96xf32, #tpu.memory_space<vmem>>) target(%dma_start3A_125 : memref<10000x96xf32, #tpu.memory_space<vmem_shared>>) offsets(%dma_start3A_122 : memref<80xi32, #tpu.memory_space<vmem>>) semaphore(%arg24 : memref<!tpu.dma_semaphore, #tpu.memory_space<semaphore_mem>>) {add = true}
    %dma_wait3A_126 = arith.constant 0 : i32
    %dma_wait3A_127 = arith.constant 0 : i32
    %dma_wait3A_128 = tpu.memref_slice %arg6[%dma_wait3A_126, %dma_wait3A_127] : memref<125x80xi32, #tpu.memory_space<vmem>> -> memref<1x80xi32, #tpu.memory_space<vmem>>
    %dma_wait3A_129 = tpu.memref_squeeze %dma_wait3A_128 : memref<1x80xi32, #tpu.memory_space<vmem>> -> memref<80xi32, #tpu.memory_space<vmem>>
    %dma_wait3A_130 = arith.constant 0 : i32
    %dma_wait3A_131 = arith.constant 0 : i32
    %dma_wait3A_132 = tpu.memref_slice %arg2[%dma_wait3A_130, %dma_wait3A_131] : memref<20000x96xf32, #tpu.memory_space<hbm>> -> memref<20000x96xf32, #tpu.memory_space<hbm>>
    tpu.wait_indirect_dma semaphore(%arg20 : memref<!tpu.dma_semaphore, #tpu.memory_space<semaphore_mem>>) src(%dma_wait3A_132 : memref<20000x96xf32, #tpu.memory_space<hbm>>) dst(%arg8 : memref<80x96xf32, #tpu.memory_space<vmem>>)
    %dma_wait3A_133 = arith.constant 0 : i32
    %dma_wait3A_134 = arith.constant 0 : i32
    %dma_wait3A_135 = tpu.memref_slice %arg6[%dma_wait3A_133, %dma_wait3A_134] : memref<125x80xi32, #tpu.memory_space<vmem>> -> memref<1x80xi32, #tpu.memory_space<vmem>>
    %dma_wait3A_136 = tpu.memref_squeeze %dma_wait3A_135 : memref<1x80xi32, #tpu.memory_space<vmem>> -> memref<80xi32, #tpu.memory_space<vmem>>
    %dma_wait3A_137 = arith.constant 0 : i32
    %dma_wait3A_138 = arith.constant 0 : i32
    %dma_wait3A_139 = tpu.memref_slice %arg2[%dma_wait3A_137, %dma_wait3A_138] : memref<20000x96xf32, #tpu.memory_space<hbm>> -> memref<20000x96xf32, #tpu.memory_space<hbm>>
    tpu.wait_indirect_dma semaphore(%arg21 : memref<!tpu.dma_semaphore, #tpu.memory_space<semaphore_mem>>) src(%dma_wait3A_139 : memref<20000x96xf32, #tpu.memory_space<hbm>>) dst(%arg9 : memref<80x96xf32, #tpu.memory_space<vmem>>)
    %dma_wait3A_140 = arith.constant 0 : i32
    %dma_wait3A_141 = arith.constant 0 : i32
    %dma_wait3A_142 = tpu.memref_slice %arg6[%dma_wait3A_140, %dma_wait3A_141] : memref<125x80xi32, #tpu.memory_space<vmem>> -> memref<1x80xi32, #tpu.memory_space<vmem>>
    %dma_wait3A_143 = tpu.memref_squeeze %dma_wait3A_142 : memref<1x80xi32, #tpu.memory_space<vmem>> -> memref<80xi32, #tpu.memory_space<vmem>>
    %dma_wait3A_144 = arith.constant 0 : i32
    %dma_wait3A_145 = arith.constant 0 : i32
    %dma_wait3A_146 = tpu.memref_slice %arg2[%dma_wait3A_144, %dma_wait3A_145] : memref<20000x96xf32, #tpu.memory_space<hbm>> -> memref<20000x96xf32, #tpu.memory_space<hbm>>
    tpu.wait_indirect_dma semaphore(%arg22 : memref<!tpu.dma_semaphore, #tpu.memory_space<semaphore_mem>>) src(%dma_wait3A_146 : memref<20000x96xf32, #tpu.memory_space<hbm>>) dst(%arg10 : memref<80x96xf32, #tpu.memory_space<vmem>>)
    %dma_wait3A_147 = arith.constant 0 : i32
    %dma_wait3A_148 = arith.constant 0 : i32
    %dma_wait3A_149 = tpu.memref_slice %arg6[%dma_wait3A_147, %dma_wait3A_148] : memref<125x80xi32, #tpu.memory_space<vmem>> -> memref<1x80xi32, #tpu.memory_space<vmem>>
    %dma_wait3A_150 = tpu.memref_squeeze %dma_wait3A_149 : memref<1x80xi32, #tpu.memory_space<vmem>> -> memref<80xi32, #tpu.memory_space<vmem>>
    %dma_wait3A_151 = arith.constant 0 : i32
    %dma_wait3A_152 = arith.constant 0 : i32
    %dma_wait3A_153 = tpu.memref_slice %arg2[%dma_wait3A_151, %dma_wait3A_152] : memref<20000x96xf32, #tpu.memory_space<hbm>> -> memref<20000x96xf32, #tpu.memory_space<hbm>>
    tpu.wait_indirect_dma semaphore(%arg23 : memref<!tpu.dma_semaphore, #tpu.memory_space<semaphore_mem>>) src(%dma_wait3A_153 : memref<20000x96xf32, #tpu.memory_space<hbm>>) dst(%arg11 : memref<80x96xf32, #tpu.memory_space<vmem>>)
    %dma_wait3A_154 = arith.constant 0 : i32
    %dma_wait3A_155 = arith.constant 0 : i32
    %dma_wait3A_156 = tpu.memref_slice %arg6[%dma_wait3A_154, %dma_wait3A_155] : memref<125x80xi32, #tpu.memory_space<vmem>> -> memref<1x80xi32, #tpu.memory_space<vmem>>
    %dma_wait3A_157 = tpu.memref_squeeze %dma_wait3A_156 : memref<1x80xi32, #tpu.memory_space<vmem>> -> memref<80xi32, #tpu.memory_space<vmem>>
    %dma_wait3A_158 = arith.constant 0 : i32
    %dma_wait3A_159 = arith.constant 0 : i32
    %dma_wait3A_160 = tpu.memref_slice %arg2[%dma_wait3A_158, %dma_wait3A_159] : memref<20000x96xf32, #tpu.memory_space<hbm>> -> memref<20000x96xf32, #tpu.memory_space<hbm>>
    tpu.wait_indirect_dma semaphore(%arg24 : memref<!tpu.dma_semaphore, #tpu.memory_space<semaphore_mem>>) src(%dma_wait3A_160 : memref<20000x96xf32, #tpu.memory_space<hbm>>) dst(%arg12 : memref<80x96xf32, #tpu.memory_space<vmem>>)
    %mul3A_161 = arith.constant 16 : i32
    %mul3A_162 = arith.muli %arg0, %mul3A_161 : i32
    %add3A_163 = arith.addi %mul3A_162, %arg1 : i32
    %mul3A_164 = arith.constant 250 : i32
    %mul3A_165 = arith.muli %add3A_163, %mul3A_164 : i32
    %add3A_166 = arith.constant 125 : i32
    %add3A_167 = arith.addi %mul3A_165, %add3A_166 : i32
    "tpu.region"() ({
      %run_scoped3A = tpu.sem_alloc : memref<!tpu.dma_semaphore, #tpu.memory_space<semaphore_mem>>
      %dma_start3A_325 = arith.constant 0 : i32
      %dma_start3A_326 = tpu.memref_slice %arg3[%add3A_167, %dma_start3A_325] : memref<8000x80xi32, #tpu.memory_space<hbm>> -> memref<125x80xi32, #tpu.memory_space<hbm>>
      %dma_start3A_327 = arith.constant 0 : i32
      %dma_start3A_328 = tpu.memref_slice %arg3[%add3A_167, %dma_start3A_327] : memref<8000x80xi32, #tpu.memory_space<hbm>> -> memref<125x80xi32, #tpu.memory_space<hbm>>
      tpu.enqueue_dma source(%dma_start3A_328 : memref<125x80xi32, #tpu.memory_space<hbm>>) target(%arg6 : memref<125x80xi32, #tpu.memory_space<vmem>>) target_semaphore(%run_scoped3A : memref<!tpu.dma_semaphore, #tpu.memory_space<semaphore_mem>>)
      %dma_wait3A_329 = arith.constant 0 : i32
      %dma_wait3A_330 = tpu.memref_slice %arg3[%add3A_167, %dma_wait3A_329] : memref<8000x80xi32, #tpu.memory_space<hbm>> -> memref<125x80xi32, #tpu.memory_space<hbm>>
      %dma_wait3A_331 = arith.constant 0 : i32
      %dma_wait3A_332 = tpu.memref_slice %arg3[%add3A_167, %dma_wait3A_331] : memref<8000x80xi32, #tpu.memory_space<hbm>> -> memref<125x80xi32, #tpu.memory_space<hbm>>
      tpu.wait_dma2 semaphore(%run_scoped3A : memref<!tpu.dma_semaphore, #tpu.memory_space<semaphore_mem>>) src(%dma_wait3A_332 : memref<125x80xi32, #tpu.memory_space<hbm>>) dst(%arg6 : memref<125x80xi32, #tpu.memory_space<vmem>>)
      tpu.yield
    }) : () -> ()
    %mul3A_168 = arith.constant 250 : i32
    %mul3A_169 = arith.muli %arg1, %mul3A_168 : i32
    %add3A_170 = arith.constant 125 : i32
    %add3A_171 = arith.addi %mul3A_169, %add3A_170 : i32
    "tpu.region"() ({
      %run_scoped3A = tpu.sem_alloc : memref<!tpu.dma_semaphore, #tpu.memory_space<semaphore_mem>>
      %dma_start3A_325 = arith.constant 0 : i32
      %dma_start3A_326 = tpu.memref_slice %arg4[%add3A_171, %dma_start3A_325] : memref<4000x80xi32, #tpu.memory_space<hbm>> -> memref<125x80xi32, #tpu.memory_space<hbm>>
      %dma_start3A_327 = arith.constant 0 : i32
      %dma_start3A_328 = tpu.memref_slice %arg4[%add3A_171, %dma_start3A_327] : memref<4000x80xi32, #tpu.memory_space<hbm>> -> memref<125x80xi32, #tpu.memory_space<hbm>>
      tpu.enqueue_dma source(%dma_start3A_328 : memref<125x80xi32, #tpu.memory_space<hbm>>) target(%arg7 : memref<125x80xi32, #tpu.memory_space<vmem>>) target_semaphore(%run_scoped3A : memref<!tpu.dma_semaphore, #tpu.memory_space<semaphore_mem>>)
      %dma_wait3A_329 = arith.constant 0 : i32
      %dma_wait3A_330 = tpu.memref_slice %arg4[%add3A_171, %dma_wait3A_329] : memref<4000x80xi32, #tpu.memory_space<hbm>> -> memref<125x80xi32, #tpu.memory_space<hbm>>
      %dma_wait3A_331 = arith.constant 0 : i32
      %dma_wait3A_332 = tpu.memref_slice %arg4[%add3A_171, %dma_wait3A_331] : memref<4000x80xi32, #tpu.memory_space<hbm>> -> memref<125x80xi32, #tpu.memory_space<hbm>>
      tpu.wait_dma2 semaphore(%run_scoped3A : memref<!tpu.dma_semaphore, #tpu.memory_space<semaphore_mem>>) src(%dma_wait3A_332 : memref<125x80xi32, #tpu.memory_space<hbm>>) dst(%arg7 : memref<125x80xi32, #tpu.memory_space<vmem>>)
      tpu.yield
    }) : () -> ()
    %dma_start3A_172 = arith.constant 0 : i32
    %dma_start3A_173 = arith.constant 0 : i32
    %dma_start3A_174 = tpu.memref_slice %arg6[%dma_start3A_172, %dma_start3A_173] : memref<125x80xi32, #tpu.memory_space<vmem>> -> memref<1x80xi32, #tpu.memory_space<vmem>>
    %dma_start3A_175 = tpu.memref_squeeze %dma_start3A_174 : memref<1x80xi32, #tpu.memory_space<vmem>> -> memref<80xi32, #tpu.memory_space<vmem>>
    %dma_start3A_176 = arith.constant 0 : i32
    %dma_start3A_177 = arith.constant 0 : i32
    %dma_start3A_178 = tpu.memref_slice %arg2[%dma_start3A_176, %dma_start3A_177] : memref<20000x96xf32, #tpu.memory_space<hbm>> -> memref<20000x96xf32, #tpu.memory_space<hbm>>
    tpu.enqueue_indirect_dma source(%dma_start3A_178 : memref<20000x96xf32, #tpu.memory_space<hbm>>) target(%arg8 : memref<80x96xf32, #tpu.memory_space<vmem>>) offsets(%dma_start3A_175 : memref<80xi32, #tpu.memory_space<vmem>>) semaphore(%arg15 : memref<!tpu.dma_semaphore, #tpu.memory_space<semaphore_mem>>)
    %dma_start3A_179 = arith.constant 1 : i32
    %dma_start3A_180 = arith.constant 0 : i32
    %dma_start3A_181 = tpu.memref_slice %arg6[%dma_start3A_179, %dma_start3A_180] : memref<125x80xi32, #tpu.memory_space<vmem>> -> memref<1x80xi32, #tpu.memory_space<vmem>>
    %dma_start3A_182 = tpu.memref_squeeze %dma_start3A_181 : memref<1x80xi32, #tpu.memory_space<vmem>> -> memref<80xi32, #tpu.memory_space<vmem>>
    %dma_start3A_183 = arith.constant 0 : i32
    %dma_start3A_184 = arith.constant 0 : i32
    %dma_start3A_185 = tpu.memref_slice %arg2[%dma_start3A_183, %dma_start3A_184] : memref<20000x96xf32, #tpu.memory_space<hbm>> -> memref<20000x96xf32, #tpu.memory_space<hbm>>
    tpu.enqueue_indirect_dma source(%dma_start3A_185 : memref<20000x96xf32, #tpu.memory_space<hbm>>) target(%arg9 : memref<80x96xf32, #tpu.memory_space<vmem>>) offsets(%dma_start3A_182 : memref<80xi32, #tpu.memory_space<vmem>>) semaphore(%arg16 : memref<!tpu.dma_semaphore, #tpu.memory_space<semaphore_mem>>)
    %dma_start3A_186 = arith.constant 2 : i32
    %dma_start3A_187 = arith.constant 0 : i32
    %dma_start3A_188 = tpu.memref_slice %arg6[%dma_start3A_186, %dma_start3A_187] : memref<125x80xi32, #tpu.memory_space<vmem>> -> memref<1x80xi32, #tpu.memory_space<vmem>>
    %dma_start3A_189 = tpu.memref_squeeze %dma_start3A_188 : memref<1x80xi32, #tpu.memory_space<vmem>> -> memref<80xi32, #tpu.memory_space<vmem>>
    %dma_start3A_190 = arith.constant 0 : i32
    %dma_start3A_191 = arith.constant 0 : i32
    %dma_start3A_192 = tpu.memref_slice %arg2[%dma_start3A_190, %dma_start3A_191] : memref<20000x96xf32, #tpu.memory_space<hbm>> -> memref<20000x96xf32, #tpu.memory_space<hbm>>
    tpu.enqueue_indirect_dma source(%dma_start3A_192 : memref<20000x96xf32, #tpu.memory_space<hbm>>) target(%arg10 : memref<80x96xf32, #tpu.memory_space<vmem>>) offsets(%dma_start3A_189 : memref<80xi32, #tpu.memory_space<vmem>>) semaphore(%arg17 : memref<!tpu.dma_semaphore, #tpu.memory_space<semaphore_mem>>)
    %dma_start3A_193 = arith.constant 3 : i32
    %dma_start3A_194 = arith.constant 0 : i32
    %dma_start3A_195 = tpu.memref_slice %arg6[%dma_start3A_193, %dma_start3A_194] : memref<125x80xi32, #tpu.memory_space<vmem>> -> memref<1x80xi32, #tpu.memory_space<vmem>>
    %dma_start3A_196 = tpu.memref_squeeze %dma_start3A_195 : memref<1x80xi32, #tpu.memory_space<vmem>> -> memref<80xi32, #tpu.memory_space<vmem>>
    %dma_start3A_197 = arith.constant 0 : i32
    %dma_start3A_198 = arith.constant 0 : i32
    %dma_start3A_199 = tpu.memref_slice %arg2[%dma_start3A_197, %dma_start3A_198] : memref<20000x96xf32, #tpu.memory_space<hbm>> -> memref<20000x96xf32, #tpu.memory_space<hbm>>
    tpu.enqueue_indirect_dma source(%dma_start3A_199 : memref<20000x96xf32, #tpu.memory_space<hbm>>) target(%arg11 : memref<80x96xf32, #tpu.memory_space<vmem>>) offsets(%dma_start3A_196 : memref<80xi32, #tpu.memory_space<vmem>>) semaphore(%arg18 : memref<!tpu.dma_semaphore, #tpu.memory_space<semaphore_mem>>)
    %dma_start3A_200 = arith.constant 4 : i32
    %dma_start3A_201 = arith.constant 0 : i32
    %dma_start3A_202 = tpu.memref_slice %arg6[%dma_start3A_200, %dma_start3A_201] : memref<125x80xi32, #tpu.memory_space<vmem>> -> memref<1x80xi32, #tpu.memory_space<vmem>>
    %dma_start3A_203 = tpu.memref_squeeze %dma_start3A_202 : memref<1x80xi32, #tpu.memory_space<vmem>> -> memref<80xi32, #tpu.memory_space<vmem>>
    %dma_start3A_204 = arith.constant 0 : i32
    %dma_start3A_205 = arith.constant 0 : i32
    %dma_start3A_206 = tpu.memref_slice %arg2[%dma_start3A_204, %dma_start3A_205] : memref<20000x96xf32, #tpu.memory_space<hbm>> -> memref<20000x96xf32, #tpu.memory_space<hbm>>
    tpu.enqueue_indirect_dma source(%dma_start3A_206 : memref<20000x96xf32, #tpu.memory_space<hbm>>) target(%arg12 : memref<80x96xf32, #tpu.memory_space<vmem>>) offsets(%dma_start3A_203 : memref<80xi32, #tpu.memory_space<vmem>>) semaphore(%arg19 : memref<!tpu.dma_semaphore, #tpu.memory_space<semaphore_mem>>)
    %scan3A_207 = arith.constant 0 : i32
    %scan3A_208 = arith.constant 24 : i32
    %scan3A_209 = arith.addi %scan3A_207, %scan3A_208 : i32
    %scan3A_210 = arith.constant 1 : i32
    scf.for %scan3A_325 = %scan3A_207 to %scan3A_209 step %scan3A_210  : i32 {
      %mul3A_326 = arith.constant 1 : i32
      %mul3A_327 = arith.muli %scan3A_325, %mul3A_326 : i32
      %add3A_328 = arith.constant 0 : i32
      %add3A_329 = arith.addi %add3A_328, %mul3A_327 : i32
      %mul3A_330 = arith.constant 5 : i32
      %mul3A_331 = arith.muli %mul3A_330, %add3A_329 : i32
      %dma_wait3A_332 = arith.constant 0 : i32
      %dma_wait3A_333 = arith.constant 0 : i32
      %dma_wait3A_334 = tpu.memref_slice %arg6[%dma_wait3A_332, %dma_wait3A_333] : memref<125x80xi32, #tpu.memory_space<vmem>> -> memref<1x80xi32, #tpu.memory_space<vmem>>
      %dma_wait3A_335 = tpu.memref_squeeze %dma_wait3A_334 : memref<1x80xi32, #tpu.memory_space<vmem>> -> memref<80xi32, #tpu.memory_space<vmem>>
      %dma_wait3A_336 = arith.constant 0 : i32
      %dma_wait3A_337 = arith.constant 0 : i32
      %dma_wait3A_338 = tpu.memref_slice %arg2[%dma_wait3A_336, %dma_wait3A_337] : memref<20000x96xf32, #tpu.memory_space<hbm>> -> memref<20000x96xf32, #tpu.memory_space<hbm>>
      tpu.wait_indirect_dma semaphore(%arg15 : memref<!tpu.dma_semaphore, #tpu.memory_space<semaphore_mem>>) src(%dma_wait3A_338 : memref<20000x96xf32, #tpu.memory_space<hbm>>) dst(%arg8 : memref<80x96xf32, #tpu.memory_space<vmem>>)
      %add3A_339 = arith.constant 0 : i32
      %add3A_340 = arith.addi %mul3A_331, %add3A_339 : i32
      %dma_start3A_341 = arith.constant 0 : i32
      %dma_start3A_342 = tpu.memref_slice %arg7[%add3A_340, %dma_start3A_341] : memref<125x80xi32, #tpu.memory_space<vmem>> -> memref<1x80xi32, #tpu.memory_space<vmem>>
      %dma_start3A_343 = tpu.memref_squeeze %dma_start3A_342 : memref<1x80xi32, #tpu.memory_space<vmem>> -> memref<80xi32, #tpu.memory_space<vmem>>
      %dma_start3A_344 = arith.constant 0 : i32
      %dma_start3A_345 = arith.constant 0 : i32
      %dma_start3A_346 = tpu.memref_slice %arg14[%dma_start3A_344, %dma_start3A_345] : memref<10000x96xf32, #tpu.memory_space<vmem_shared>> -> memref<10000x96xf32, #tpu.memory_space<vmem_shared>>
      tpu.enqueue_indirect_dma source(%arg8 : memref<80x96xf32, #tpu.memory_space<vmem>>) target(%dma_start3A_346 : memref<10000x96xf32, #tpu.memory_space<vmem_shared>>) offsets(%dma_start3A_343 : memref<80xi32, #tpu.memory_space<vmem>>) semaphore(%arg20 : memref<!tpu.dma_semaphore, #tpu.memory_space<semaphore_mem>>) {add = true}
      %dma_wait3A_347 = arith.constant 0 : i32
      %dma_wait3A_348 = arith.constant 0 : i32
      %dma_wait3A_349 = tpu.memref_slice %arg6[%dma_wait3A_347, %dma_wait3A_348] : memref<125x80xi32, #tpu.memory_space<vmem>> -> memref<1x80xi32, #tpu.memory_space<vmem>>
      %dma_wait3A_350 = tpu.memref_squeeze %dma_wait3A_349 : memref<1x80xi32, #tpu.memory_space<vmem>> -> memref<80xi32, #tpu.memory_space<vmem>>
      %dma_wait3A_351 = arith.constant 0 : i32
      %dma_wait3A_352 = arith.constant 0 : i32
      %dma_wait3A_353 = tpu.memref_slice %arg2[%dma_wait3A_351, %dma_wait3A_352] : memref<20000x96xf32, #tpu.memory_space<hbm>> -> memref<20000x96xf32, #tpu.memory_space<hbm>>
      tpu.wait_indirect_dma semaphore(%arg16 : memref<!tpu.dma_semaphore, #tpu.memory_space<semaphore_mem>>) src(%dma_wait3A_353 : memref<20000x96xf32, #tpu.memory_space<hbm>>) dst(%arg9 : memref<80x96xf32, #tpu.memory_space<vmem>>)
      %add3A_354 = arith.constant 1 : i32
      %add3A_355 = arith.addi %mul3A_331, %add3A_354 : i32
      %dma_start3A_356 = arith.constant 0 : i32
      %dma_start3A_357 = tpu.memref_slice %arg7[%add3A_355, %dma_start3A_356] : memref<125x80xi32, #tpu.memory_space<vmem>> -> memref<1x80xi32, #tpu.memory_space<vmem>>
      %dma_start3A_358 = tpu.memref_squeeze %dma_start3A_357 : memref<1x80xi32, #tpu.memory_space<vmem>> -> memref<80xi32, #tpu.memory_space<vmem>>
      %dma_start3A_359 = arith.constant 0 : i32
      %dma_start3A_360 = arith.constant 0 : i32
      %dma_start3A_361 = tpu.memref_slice %arg14[%dma_start3A_359, %dma_start3A_360] : memref<10000x96xf32, #tpu.memory_space<vmem_shared>> -> memref<10000x96xf32, #tpu.memory_space<vmem_shared>>
      tpu.enqueue_indirect_dma source(%arg9 : memref<80x96xf32, #tpu.memory_space<vmem>>) target(%dma_start3A_361 : memref<10000x96xf32, #tpu.memory_space<vmem_shared>>) offsets(%dma_start3A_358 : memref<80xi32, #tpu.memory_space<vmem>>) semaphore(%arg21 : memref<!tpu.dma_semaphore, #tpu.memory_space<semaphore_mem>>) {add = true}
      %dma_wait3A_362 = arith.constant 0 : i32
      %dma_wait3A_363 = arith.constant 0 : i32
      %dma_wait3A_364 = tpu.memref_slice %arg6[%dma_wait3A_362, %dma_wait3A_363] : memref<125x80xi32, #tpu.memory_space<vmem>> -> memref<1x80xi32, #tpu.memory_space<vmem>>
      %dma_wait3A_365 = tpu.memref_squeeze %dma_wait3A_364 : memref<1x80xi32, #tpu.memory_space<vmem>> -> memref<80xi32, #tpu.memory_space<vmem>>
      %dma_wait3A_366 = arith.constant 0 : i32
      %dma_wait3A_367 = arith.constant 0 : i32
      %dma_wait3A_368 = tpu.memref_slice %arg2[%dma_wait3A_366, %dma_wait3A_367] : memref<20000x96xf32, #tpu.memory_space<hbm>> -> memref<20000x96xf32, #tpu.memory_space<hbm>>
      tpu.wait_indirect_dma semaphore(%arg17 : memref<!tpu.dma_semaphore, #tpu.memory_space<semaphore_mem>>) src(%dma_wait3A_368 : memref<20000x96xf32, #tpu.memory_space<hbm>>) dst(%arg10 : memref<80x96xf32, #tpu.memory_space<vmem>>)
      %add3A_369 = arith.constant 2 : i32
      %add3A_370 = arith.addi %mul3A_331, %add3A_369 : i32
      %dma_start3A_371 = arith.constant 0 : i32
      %dma_start3A_372 = tpu.memref_slice %arg7[%add3A_370, %dma_start3A_371] : memref<125x80xi32, #tpu.memory_space<vmem>> -> memref<1x80xi32, #tpu.memory_space<vmem>>
      %dma_start3A_373 = tpu.memref_squeeze %dma_start3A_372 : memref<1x80xi32, #tpu.memory_space<vmem>> -> memref<80xi32, #tpu.memory_space<vmem>>
      %dma_start3A_374 = arith.constant 0 : i32
      %dma_start3A_375 = arith.constant 0 : i32
      %dma_start3A_376 = tpu.memref_slice %arg14[%dma_start3A_374, %dma_start3A_375] : memref<10000x96xf32, #tpu.memory_space<vmem_shared>> -> memref<10000x96xf32, #tpu.memory_space<vmem_shared>>
      tpu.enqueue_indirect_dma source(%arg10 : memref<80x96xf32, #tpu.memory_space<vmem>>) target(%dma_start3A_376 : memref<10000x96xf32, #tpu.memory_space<vmem_shared>>) offsets(%dma_start3A_373 : memref<80xi32, #tpu.memory_space<vmem>>) semaphore(%arg22 : memref<!tpu.dma_semaphore, #tpu.memory_space<semaphore_mem>>) {add = true}
      %dma_wait3A_377 = arith.constant 0 : i32
      %dma_wait3A_378 = arith.constant 0 : i32
      %dma_wait3A_379 = tpu.memref_slice %arg6[%dma_wait3A_377, %dma_wait3A_378] : memref<125x80xi32, #tpu.memory_space<vmem>> -> memref<1x80xi32, #tpu.memory_space<vmem>>
      %dma_wait3A_380 = tpu.memref_squeeze %dma_wait3A_379 : memref<1x80xi32, #tpu.memory_space<vmem>> -> memref<80xi32, #tpu.memory_space<vmem>>
      %dma_wait3A_381 = arith.constant 0 : i32
      %dma_wait3A_382 = arith.constant 0 : i32
      %dma_wait3A_383 = tpu.memref_slice %arg2[%dma_wait3A_381, %dma_wait3A_382] : memref<20000x96xf32, #tpu.memory_space<hbm>> -> memref<20000x96xf32, #tpu.memory_space<hbm>>
      tpu.wait_indirect_dma semaphore(%arg18 : memref<!tpu.dma_semaphore, #tpu.memory_space<semaphore_mem>>) src(%dma_wait3A_383 : memref<20000x96xf32, #tpu.memory_space<hbm>>) dst(%arg11 : memref<80x96xf32, #tpu.memory_space<vmem>>)
      %add3A_384 = arith.constant 3 : i32
      %add3A_385 = arith.addi %mul3A_331, %add3A_384 : i32
      %dma_start3A_386 = arith.constant 0 : i32
      %dma_start3A_387 = tpu.memref_slice %arg7[%add3A_385, %dma_start3A_386] : memref<125x80xi32, #tpu.memory_space<vmem>> -> memref<1x80xi32, #tpu.memory_space<vmem>>
      %dma_start3A_388 = tpu.memref_squeeze %dma_start3A_387 : memref<1x80xi32, #tpu.memory_space<vmem>> -> memref<80xi32, #tpu.memory_space<vmem>>
      %dma_start3A_389 = arith.constant 0 : i32
      %dma_start3A_390 = arith.constant 0 : i32
      %dma_start3A_391 = tpu.memref_slice %arg14[%dma_start3A_389, %dma_start3A_390] : memref<10000x96xf32, #tpu.memory_space<vmem_shared>> -> memref<10000x96xf32, #tpu.memory_space<vmem_shared>>
      tpu.enqueue_indirect_dma source(%arg11 : memref<80x96xf32, #tpu.memory_space<vmem>>) target(%dma_start3A_391 : memref<10000x96xf32, #tpu.memory_space<vmem_shared>>) offsets(%dma_start3A_388 : memref<80xi32, #tpu.memory_space<vmem>>) semaphore(%arg23 : memref<!tpu.dma_semaphore, #tpu.memory_space<semaphore_mem>>) {add = true}
      %dma_wait3A_392 = arith.constant 0 : i32
      %dma_wait3A_393 = arith.constant 0 : i32
      %dma_wait3A_394 = tpu.memref_slice %arg6[%dma_wait3A_392, %dma_wait3A_393] : memref<125x80xi32, #tpu.memory_space<vmem>> -> memref<1x80xi32, #tpu.memory_space<vmem>>
      %dma_wait3A_395 = tpu.memref_squeeze %dma_wait3A_394 : memref<1x80xi32, #tpu.memory_space<vmem>> -> memref<80xi32, #tpu.memory_space<vmem>>
      %dma_wait3A_396 = arith.constant 0 : i32
      %dma_wait3A_397 = arith.constant 0 : i32
      %dma_wait3A_398 = tpu.memref_slice %arg2[%dma_wait3A_396, %dma_wait3A_397] : memref<20000x96xf32, #tpu.memory_space<hbm>> -> memref<20000x96xf32, #tpu.memory_space<hbm>>
      tpu.wait_indirect_dma semaphore(%arg19 : memref<!tpu.dma_semaphore, #tpu.memory_space<semaphore_mem>>) src(%dma_wait3A_398 : memref<20000x96xf32, #tpu.memory_space<hbm>>) dst(%arg12 : memref<80x96xf32, #tpu.memory_space<vmem>>)
      %add3A_399 = arith.constant 4 : i32
      %add3A_400 = arith.addi %mul3A_331, %add3A_399 : i32
      %dma_start3A_401 = arith.constant 0 : i32
      %dma_start3A_402 = tpu.memref_slice %arg7[%add3A_400, %dma_start3A_401] : memref<125x80xi32, #tpu.memory_space<vmem>> -> memref<1x80xi32, #tpu.memory_space<vmem>>
      %dma_start3A_403 = tpu.memref_squeeze %dma_start3A_402 : memref<1x80xi32, #tpu.memory_space<vmem>> -> memref<80xi32, #tpu.memory_space<vmem>>
      %dma_start3A_404 = arith.constant 0 : i32
      %dma_start3A_405 = arith.constant 0 : i32
      %dma_start3A_406 = tpu.memref_slice %arg14[%dma_start3A_404, %dma_start3A_405] : memref<10000x96xf32, #tpu.memory_space<vmem_shared>> -> memref<10000x96xf32, #tpu.memory_space<vmem_shared>>
      tpu.enqueue_indirect_dma source(%arg12 : memref<80x96xf32, #tpu.memory_space<vmem>>) target(%dma_start3A_406 : memref<10000x96xf32, #tpu.memory_space<vmem_shared>>) offsets(%dma_start3A_403 : memref<80xi32, #tpu.memory_space<vmem>>) semaphore(%arg24 : memref<!tpu.dma_semaphore, #tpu.memory_space<semaphore_mem>>) {add = true}
      %dma_wait3A_407 = arith.constant 0 : i32
      %dma_wait3A_408 = arith.constant 0 : i32
      %dma_wait3A_409 = tpu.memref_slice %arg6[%dma_wait3A_407, %dma_wait3A_408] : memref<125x80xi32, #tpu.memory_space<vmem>> -> memref<1x80xi32, #tpu.memory_space<vmem>>
      %dma_wait3A_410 = tpu.memref_squeeze %dma_wait3A_409 : memref<1x80xi32, #tpu.memory_space<vmem>> -> memref<80xi32, #tpu.memory_space<vmem>>
      %dma_wait3A_411 = arith.constant 0 : i32
      %dma_wait3A_412 = arith.constant 0 : i32
      %dma_wait3A_413 = tpu.memref_slice %arg2[%dma_wait3A_411, %dma_wait3A_412] : memref<20000x96xf32, #tpu.memory_space<hbm>> -> memref<20000x96xf32, #tpu.memory_space<hbm>>
      tpu.wait_indirect_dma semaphore(%arg20 : memref<!tpu.dma_semaphore, #tpu.memory_space<semaphore_mem>>) src(%dma_wait3A_413 : memref<20000x96xf32, #tpu.memory_space<hbm>>) dst(%arg8 : memref<80x96xf32, #tpu.memory_space<vmem>>)
      %add3A_414 = arith.constant 5 : i32
      %add3A_415 = arith.addi %mul3A_331, %add3A_414 : i32
      %add3A_416 = arith.constant 0 : i32
      %add3A_417 = arith.addi %add3A_415, %add3A_416 : i32
      %dma_start3A_418 = arith.constant 0 : i32
      %dma_start3A_419 = tpu.memref_slice %arg6[%add3A_417, %dma_start3A_418] : memref<125x80xi32, #tpu.memory_space<vmem>> -> memref<1x80xi32, #tpu.memory_space<vmem>>
      %dma_start3A_420 = tpu.memref_squeeze %dma_start3A_419 : memref<1x80xi32, #tpu.memory_space<vmem>> -> memref<80xi32, #tpu.memory_space<vmem>>
      %dma_start3A_421 = arith.constant 0 : i32
      %dma_start3A_422 = arith.constant 0 : i32
      %dma_start3A_423 = tpu.memref_slice %arg2[%dma_start3A_421, %dma_start3A_422] : memref<20000x96xf32, #tpu.memory_space<hbm>> -> memref<20000x96xf32, #tpu.memory_space<hbm>>
      tpu.enqueue_indirect_dma source(%dma_start3A_423 : memref<20000x96xf32, #tpu.memory_space<hbm>>) target(%arg8 : memref<80x96xf32, #tpu.memory_space<vmem>>) offsets(%dma_start3A_420 : memref<80xi32, #tpu.memory_space<vmem>>) semaphore(%arg15 : memref<!tpu.dma_semaphore, #tpu.memory_space<semaphore_mem>>)
      %dma_wait3A_424 = arith.constant 0 : i32
      %dma_wait3A_425 = arith.constant 0 : i32
      %dma_wait3A_426 = tpu.memref_slice %arg6[%dma_wait3A_424, %dma_wait3A_425] : memref<125x80xi32, #tpu.memory_space<vmem>> -> memref<1x80xi32, #tpu.memory_space<vmem>>
      %dma_wait3A_427 = tpu.memref_squeeze %dma_wait3A_426 : memref<1x80xi32, #tpu.memory_space<vmem>> -> memref<80xi32, #tpu.memory_space<vmem>>
      %dma_wait3A_428 = arith.constant 0 : i32
      %dma_wait3A_429 = arith.constant 0 : i32
      %dma_wait3A_430 = tpu.memref_slice %arg2[%dma_wait3A_428, %dma_wait3A_429] : memref<20000x96xf32, #tpu.memory_space<hbm>> -> memref<20000x96xf32, #tpu.memory_space<hbm>>
      tpu.wait_indirect_dma semaphore(%arg21 : memref<!tpu.dma_semaphore, #tpu.memory_space<semaphore_mem>>) src(%dma_wait3A_430 : memref<20000x96xf32, #tpu.memory_space<hbm>>) dst(%arg9 : memref<80x96xf32, #tpu.memory_space<vmem>>)
      %add3A_431 = arith.constant 5 : i32
      %add3A_432 = arith.addi %mul3A_331, %add3A_431 : i32
      %add3A_433 = arith.constant 1 : i32
      %add3A_434 = arith.addi %add3A_432, %add3A_433 : i32
      %dma_start3A_435 = arith.constant 0 : i32
      %dma_start3A_436 = tpu.memref_slice %arg6[%add3A_434, %dma_start3A_435] : memref<125x80xi32, #tpu.memory_space<vmem>> -> memref<1x80xi32, #tpu.memory_space<vmem>>
      %dma_start3A_437 = tpu.memref_squeeze %dma_start3A_436 : memref<1x80xi32, #tpu.memory_space<vmem>> -> memref<80xi32, #tpu.memory_space<vmem>>
      %dma_start3A_438 = arith.constant 0 : i32
      %dma_start3A_439 = arith.constant 0 : i32
      %dma_start3A_440 = tpu.memref_slice %arg2[%dma_start3A_438, %dma_start3A_439] : memref<20000x96xf32, #tpu.memory_space<hbm>> -> memref<20000x96xf32, #tpu.memory_space<hbm>>
      tpu.enqueue_indirect_dma source(%dma_start3A_440 : memref<20000x96xf32, #tpu.memory_space<hbm>>) target(%arg9 : memref<80x96xf32, #tpu.memory_space<vmem>>) offsets(%dma_start3A_437 : memref<80xi32, #tpu.memory_space<vmem>>) semaphore(%arg16 : memref<!tpu.dma_semaphore, #tpu.memory_space<semaphore_mem>>)
      %dma_wait3A_441 = arith.constant 0 : i32
      %dma_wait3A_442 = arith.constant 0 : i32
      %dma_wait3A_443 = tpu.memref_slice %arg6[%dma_wait3A_441, %dma_wait3A_442] : memref<125x80xi32, #tpu.memory_space<vmem>> -> memref<1x80xi32, #tpu.memory_space<vmem>>
      %dma_wait3A_444 = tpu.memref_squeeze %dma_wait3A_443 : memref<1x80xi32, #tpu.memory_space<vmem>> -> memref<80xi32, #tpu.memory_space<vmem>>
      %dma_wait3A_445 = arith.constant 0 : i32
      %dma_wait3A_446 = arith.constant 0 : i32
      %dma_wait3A_447 = tpu.memref_slice %arg2[%dma_wait3A_445, %dma_wait3A_446] : memref<20000x96xf32, #tpu.memory_space<hbm>> -> memref<20000x96xf32, #tpu.memory_space<hbm>>
      tpu.wait_indirect_dma semaphore(%arg22 : memref<!tpu.dma_semaphore, #tpu.memory_space<semaphore_mem>>) src(%dma_wait3A_447 : memref<20000x96xf32, #tpu.memory_space<hbm>>) dst(%arg10 : memref<80x96xf32, #tpu.memory_space<vmem>>)
      %add3A_448 = arith.constant 5 : i32
      %add3A_449 = arith.addi %mul3A_331, %add3A_448 : i32
      %add3A_450 = arith.constant 2 : i32
      %add3A_451 = arith.addi %add3A_449, %add3A_450 : i32
      %dma_start3A_452 = arith.constant 0 : i32
      %dma_start3A_453 = tpu.memref_slice %arg6[%add3A_451, %dma_start3A_452] : memref<125x80xi32, #tpu.memory_space<vmem>> -> memref<1x80xi32, #tpu.memory_space<vmem>>
      %dma_start3A_454 = tpu.memref_squeeze %dma_start3A_453 : memref<1x80xi32, #tpu.memory_space<vmem>> -> memref<80xi32, #tpu.memory_space<vmem>>
      %dma_start3A_455 = arith.constant 0 : i32
      %dma_start3A_456 = arith.constant 0 : i32
      %dma_start3A_457 = tpu.memref_slice %arg2[%dma_start3A_455, %dma_start3A_456] : memref<20000x96xf32, #tpu.memory_space<hbm>> -> memref<20000x96xf32, #tpu.memory_space<hbm>>
      tpu.enqueue_indirect_dma source(%dma_start3A_457 : memref<20000x96xf32, #tpu.memory_space<hbm>>) target(%arg10 : memref<80x96xf32, #tpu.memory_space<vmem>>) offsets(%dma_start3A_454 : memref<80xi32, #tpu.memory_space<vmem>>) semaphore(%arg17 : memref<!tpu.dma_semaphore, #tpu.memory_space<semaphore_mem>>)
      %dma_wait3A_458 = arith.constant 0 : i32
      %dma_wait3A_459 = arith.constant 0 : i32
      %dma_wait3A_460 = tpu.memref_slice %arg6[%dma_wait3A_458, %dma_wait3A_459] : memref<125x80xi32, #tpu.memory_space<vmem>> -> memref<1x80xi32, #tpu.memory_space<vmem>>
      %dma_wait3A_461 = tpu.memref_squeeze %dma_wait3A_460 : memref<1x80xi32, #tpu.memory_space<vmem>> -> memref<80xi32, #tpu.memory_space<vmem>>
      %dma_wait3A_462 = arith.constant 0 : i32
      %dma_wait3A_463 = arith.constant 0 : i32
      %dma_wait3A_464 = tpu.memref_slice %arg2[%dma_wait3A_462, %dma_wait3A_463] : memref<20000x96xf32, #tpu.memory_space<hbm>> -> memref<20000x96xf32, #tpu.memory_space<hbm>>
      tpu.wait_indirect_dma semaphore(%arg23 : memref<!tpu.dma_semaphore, #tpu.memory_space<semaphore_mem>>) src(%dma_wait3A_464 : memref<20000x96xf32, #tpu.memory_space<hbm>>) dst(%arg11 : memref<80x96xf32, #tpu.memory_space<vmem>>)
      %add3A_465 = arith.constant 5 : i32
      %add3A_466 = arith.addi %mul3A_331, %add3A_465 : i32
      %add3A_467 = arith.constant 3 : i32
      %add3A_468 = arith.addi %add3A_466, %add3A_467 : i32
      %dma_start3A_469 = arith.constant 0 : i32
      %dma_start3A_470 = tpu.memref_slice %arg6[%add3A_468, %dma_start3A_469] : memref<125x80xi32, #tpu.memory_space<vmem>> -> memref<1x80xi32, #tpu.memory_space<vmem>>
      %dma_start3A_471 = tpu.memref_squeeze %dma_start3A_470 : memref<1x80xi32, #tpu.memory_space<vmem>> -> memref<80xi32, #tpu.memory_space<vmem>>
      %dma_start3A_472 = arith.constant 0 : i32
      %dma_start3A_473 = arith.constant 0 : i32
      %dma_start3A_474 = tpu.memref_slice %arg2[%dma_start3A_472, %dma_start3A_473] : memref<20000x96xf32, #tpu.memory_space<hbm>> -> memref<20000x96xf32, #tpu.memory_space<hbm>>
      tpu.enqueue_indirect_dma source(%dma_start3A_474 : memref<20000x96xf32, #tpu.memory_space<hbm>>) target(%arg11 : memref<80x96xf32, #tpu.memory_space<vmem>>) offsets(%dma_start3A_471 : memref<80xi32, #tpu.memory_space<vmem>>) semaphore(%arg18 : memref<!tpu.dma_semaphore, #tpu.memory_space<semaphore_mem>>)
      %dma_wait3A_475 = arith.constant 0 : i32
      %dma_wait3A_476 = arith.constant 0 : i32
      %dma_wait3A_477 = tpu.memref_slice %arg6[%dma_wait3A_475, %dma_wait3A_476] : memref<125x80xi32, #tpu.memory_space<vmem>> -> memref<1x80xi32, #tpu.memory_space<vmem>>
      %dma_wait3A_478 = tpu.memref_squeeze %dma_wait3A_477 : memref<1x80xi32, #tpu.memory_space<vmem>> -> memref<80xi32, #tpu.memory_space<vmem>>
      %dma_wait3A_479 = arith.constant 0 : i32
      %dma_wait3A_480 = arith.constant 0 : i32
      %dma_wait3A_481 = tpu.memref_slice %arg2[%dma_wait3A_479, %dma_wait3A_480] : memref<20000x96xf32, #tpu.memory_space<hbm>> -> memref<20000x96xf32, #tpu.memory_space<hbm>>
      tpu.wait_indirect_dma semaphore(%arg24 : memref<!tpu.dma_semaphore, #tpu.memory_space<semaphore_mem>>) src(%dma_wait3A_481 : memref<20000x96xf32, #tpu.memory_space<hbm>>) dst(%arg12 : memref<80x96xf32, #tpu.memory_space<vmem>>)
      %add3A_482 = arith.constant 5 : i32
      %add3A_483 = arith.addi %mul3A_331, %add3A_482 : i32
      %add3A_484 = arith.constant 4 : i32
      %add3A_485 = arith.addi %add3A_483, %add3A_484 : i32
      %dma_start3A_486 = arith.constant 0 : i32
      %dma_start3A_487 = tpu.memref_slice %arg6[%add3A_485, %dma_start3A_486] : memref<125x80xi32, #tpu.memory_space<vmem>> -> memref<1x80xi32, #tpu.memory_space<vmem>>
      %dma_start3A_488 = tpu.memref_squeeze %dma_start3A_487 : memref<1x80xi32, #tpu.memory_space<vmem>> -> memref<80xi32, #tpu.memory_space<vmem>>
      %dma_start3A_489 = arith.constant 0 : i32
      %dma_start3A_490 = arith.constant 0 : i32
      %dma_start3A_491 = tpu.memref_slice %arg2[%dma_start3A_489, %dma_start3A_490] : memref<20000x96xf32, #tpu.memory_space<hbm>> -> memref<20000x96xf32, #tpu.memory_space<hbm>>
      tpu.enqueue_indirect_dma source(%dma_start3A_491 : memref<20000x96xf32, #tpu.memory_space<hbm>>) target(%arg12 : memref<80x96xf32, #tpu.memory_space<vmem>>) offsets(%dma_start3A_488 : memref<80xi32, #tpu.memory_space<vmem>>) semaphore(%arg19 : memref<!tpu.dma_semaphore, #tpu.memory_space<semaphore_mem>>)
    }
    %scan3A_211 = arith.constant 24 : i32
    %dma_wait3A_212 = arith.constant 0 : i32
    %dma_wait3A_213 = arith.constant 0 : i32
    %dma_wait3A_214 = tpu.memref_slice %arg6[%dma_wait3A_212, %dma_wait3A_213] : memref<125x80xi32, #tpu.memory_space<vmem>> -> memref<1x80xi32, #tpu.memory_space<vmem>>
    %dma_wait3A_215 = tpu.memref_squeeze %dma_wait3A_214 : memref<1x80xi32, #tpu.memory_space<vmem>> -> memref<80xi32, #tpu.memory_space<vmem>>
    %dma_wait3A_216 = arith.constant 0 : i32
    %dma_wait3A_217 = arith.constant 0 : i32
    %dma_wait3A_218 = tpu.memref_slice %arg2[%dma_wait3A_216, %dma_wait3A_217] : memref<20000x96xf32, #tpu.memory_space<hbm>> -> memref<20000x96xf32, #tpu.memory_space<hbm>>
    tpu.wait_indirect_dma semaphore(%arg15 : memref<!tpu.dma_semaphore, #tpu.memory_space<semaphore_mem>>) src(%dma_wait3A_218 : memref<20000x96xf32, #tpu.memory_space<hbm>>) dst(%arg8 : memref<80x96xf32, #tpu.memory_space<vmem>>)
    %dma_start3A_219 = arith.constant 120 : i32
    %dma_start3A_220 = arith.constant 0 : i32
    %dma_start3A_221 = tpu.memref_slice %arg7[%dma_start3A_219, %dma_start3A_220] : memref<125x80xi32, #tpu.memory_space<vmem>> -> memref<1x80xi32, #tpu.memory_space<vmem>>
    %dma_start3A_222 = tpu.memref_squeeze %dma_start3A_221 : memref<1x80xi32, #tpu.memory_space<vmem>> -> memref<80xi32, #tpu.memory_space<vmem>>
    %dma_start3A_223 = arith.constant 0 : i32
    %dma_start3A_224 = arith.constant 0 : i32
    %dma_start3A_225 = tpu.memref_slice %arg14[%dma_start3A_223, %dma_start3A_224] : memref<10000x96xf32, #tpu.memory_space<vmem_shared>> -> memref<10000x96xf32, #tpu.memory_space<vmem_shared>>
    tpu.enqueue_indirect_dma source(%arg8 : memref<80x96xf32, #tpu.memory_space<vmem>>) target(%dma_start3A_225 : memref<10000x96xf32, #tpu.memory_space<vmem_shared>>) offsets(%dma_start3A_222 : memref<80xi32, #tpu.memory_space<vmem>>) semaphore(%arg20 : memref<!tpu.dma_semaphore, #tpu.memory_space<semaphore_mem>>) {add = true}
    %dma_wait3A_226 = arith.constant 0 : i32
    %dma_wait3A_227 = arith.constant 0 : i32
    %dma_wait3A_228 = tpu.memref_slice %arg6[%dma_wait3A_226, %dma_wait3A_227] : memref<125x80xi32, #tpu.memory_space<vmem>> -> memref<1x80xi32, #tpu.memory_space<vmem>>
    %dma_wait3A_229 = tpu.memref_squeeze %dma_wait3A_228 : memref<1x80xi32, #tpu.memory_space<vmem>> -> memref<80xi32, #tpu.memory_space<vmem>>
    %dma_wait3A_230 = arith.constant 0 : i32
    %dma_wait3A_231 = arith.constant 0 : i32
    %dma_wait3A_232 = tpu.memref_slice %arg2[%dma_wait3A_230, %dma_wait3A_231] : memref<20000x96xf32, #tpu.memory_space<hbm>> -> memref<20000x96xf32, #tpu.memory_space<hbm>>
    tpu.wait_indirect_dma semaphore(%arg16 : memref<!tpu.dma_semaphore, #tpu.memory_space<semaphore_mem>>) src(%dma_wait3A_232 : memref<20000x96xf32, #tpu.memory_space<hbm>>) dst(%arg9 : memref<80x96xf32, #tpu.memory_space<vmem>>)
    %dma_start3A_233 = arith.constant 121 : i32
    %dma_start3A_234 = arith.constant 0 : i32
    %dma_start3A_235 = tpu.memref_slice %arg7[%dma_start3A_233, %dma_start3A_234] : memref<125x80xi32, #tpu.memory_space<vmem>> -> memref<1x80xi32, #tpu.memory_space<vmem>>
    %dma_start3A_236 = tpu.memref_squeeze %dma_start3A_235 : memref<1x80xi32, #tpu.memory_space<vmem>> -> memref<80xi32, #tpu.memory_space<vmem>>
    %dma_start3A_237 = arith.constant 0 : i32
    %dma_start3A_238 = arith.constant 0 : i32
    %dma_start3A_239 = tpu.memref_slice %arg14[%dma_start3A_237, %dma_start3A_238] : memref<10000x96xf32, #tpu.memory_space<vmem_shared>> -> memref<10000x96xf32, #tpu.memory_space<vmem_shared>>
    tpu.enqueue_indirect_dma source(%arg9 : memref<80x96xf32, #tpu.memory_space<vmem>>) target(%dma_start3A_239 : memref<10000x96xf32, #tpu.memory_space<vmem_shared>>) offsets(%dma_start3A_236 : memref<80xi32, #tpu.memory_space<vmem>>) semaphore(%arg21 : memref<!tpu.dma_semaphore, #tpu.memory_space<semaphore_mem>>) {add = true}
    %dma_wait3A_240 = arith.constant 0 : i32
    %dma_wait3A_241 = arith.constant 0 : i32
    %dma_wait3A_242 = tpu.memref_slice %arg6[%dma_wait3A_240, %dma_wait3A_241] : memref<125x80xi32, #tpu.memory_space<vmem>> -> memref<1x80xi32, #tpu.memory_space<vmem>>
    %dma_wait3A_243 = tpu.memref_squeeze %dma_wait3A_242 : memref<1x80xi32, #tpu.memory_space<vmem>> -> memref<80xi32, #tpu.memory_space<vmem>>
    %dma_wait3A_244 = arith.constant 0 : i32
    %dma_wait3A_245 = arith.constant 0 : i32
    %dma_wait3A_246 = tpu.memref_slice %arg2[%dma_wait3A_244, %dma_wait3A_245] : memref<20000x96xf32, #tpu.memory_space<hbm>> -> memref<20000x96xf32, #tpu.memory_space<hbm>>
    tpu.wait_indirect_dma semaphore(%arg17 : memref<!tpu.dma_semaphore, #tpu.memory_space<semaphore_mem>>) src(%dma_wait3A_246 : memref<20000x96xf32, #tpu.memory_space<hbm>>) dst(%arg10 : memref<80x96xf32, #tpu.memory_space<vmem>>)
    %dma_start3A_247 = arith.constant 122 : i32
    %dma_start3A_248 = arith.constant 0 : i32
    %dma_start3A_249 = tpu.memref_slice %arg7[%dma_start3A_247, %dma_start3A_248] : memref<125x80xi32, #tpu.memory_space<vmem>> -> memref<1x80xi32, #tpu.memory_space<vmem>>
    %dma_start3A_250 = tpu.memref_squeeze %dma_start3A_249 : memref<1x80xi32, #tpu.memory_space<vmem>> -> memref<80xi32, #tpu.memory_space<vmem>>
    %dma_start3A_251 = arith.constant 0 : i32
    %dma_start3A_252 = arith.constant 0 : i32
    %dma_start3A_253 = tpu.memref_slice %arg14[%dma_start3A_251, %dma_start3A_252] : memref<10000x96xf32, #tpu.memory_space<vmem_shared>> -> memref<10000x96xf32, #tpu.memory_space<vmem_shared>>
    tpu.enqueue_indirect_dma source(%arg10 : memref<80x96xf32, #tpu.memory_space<vmem>>) target(%dma_start3A_253 : memref<10000x96xf32, #tpu.memory_space<vmem_shared>>) offsets(%dma_start3A_250 : memref<80xi32, #tpu.memory_space<vmem>>) semaphore(%arg22 : memref<!tpu.dma_semaphore, #tpu.memory_space<semaphore_mem>>) {add = true}
    %dma_wait3A_254 = arith.constant 0 : i32
    %dma_wait3A_255 = arith.constant 0 : i32
    %dma_wait3A_256 = tpu.memref_slice %arg6[%dma_wait3A_254, %dma_wait3A_255] : memref<125x80xi32, #tpu.memory_space<vmem>> -> memref<1x80xi32, #tpu.memory_space<vmem>>
    %dma_wait3A_257 = tpu.memref_squeeze %dma_wait3A_256 : memref<1x80xi32, #tpu.memory_space<vmem>> -> memref<80xi32, #tpu.memory_space<vmem>>
    %dma_wait3A_258 = arith.constant 0 : i32
    %dma_wait3A_259 = arith.constant 0 : i32
    %dma_wait3A_260 = tpu.memref_slice %arg2[%dma_wait3A_258, %dma_wait3A_259] : memref<20000x96xf32, #tpu.memory_space<hbm>> -> memref<20000x96xf32, #tpu.memory_space<hbm>>
    tpu.wait_indirect_dma semaphore(%arg18 : memref<!tpu.dma_semaphore, #tpu.memory_space<semaphore_mem>>) src(%dma_wait3A_260 : memref<20000x96xf32, #tpu.memory_space<hbm>>) dst(%arg11 : memref<80x96xf32, #tpu.memory_space<vmem>>)
    %dma_start3A_261 = arith.constant 123 : i32
    %dma_start3A_262 = arith.constant 0 : i32
    %dma_start3A_263 = tpu.memref_slice %arg7[%dma_start3A_261, %dma_start3A_262] : memref<125x80xi32, #tpu.memory_space<vmem>> -> memref<1x80xi32, #tpu.memory_space<vmem>>
    %dma_start3A_264 = tpu.memref_squeeze %dma_start3A_263 : memref<1x80xi32, #tpu.memory_space<vmem>> -> memref<80xi32, #tpu.memory_space<vmem>>
    %dma_start3A_265 = arith.constant 0 : i32
    %dma_start3A_266 = arith.constant 0 : i32
    %dma_start3A_267 = tpu.memref_slice %arg14[%dma_start3A_265, %dma_start3A_266] : memref<10000x96xf32, #tpu.memory_space<vmem_shared>> -> memref<10000x96xf32, #tpu.memory_space<vmem_shared>>
    tpu.enqueue_indirect_dma source(%arg11 : memref<80x96xf32, #tpu.memory_space<vmem>>) target(%dma_start3A_267 : memref<10000x96xf32, #tpu.memory_space<vmem_shared>>) offsets(%dma_start3A_264 : memref<80xi32, #tpu.memory_space<vmem>>) semaphore(%arg23 : memref<!tpu.dma_semaphore, #tpu.memory_space<semaphore_mem>>) {add = true}
    %dma_wait3A_268 = arith.constant 0 : i32
    %dma_wait3A_269 = arith.constant 0 : i32
    %dma_wait3A_270 = tpu.memref_slice %arg6[%dma_wait3A_268, %dma_wait3A_269] : memref<125x80xi32, #tpu.memory_space<vmem>> -> memref<1x80xi32, #tpu.memory_space<vmem>>
    %dma_wait3A_271 = tpu.memref_squeeze %dma_wait3A_270 : memref<1x80xi32, #tpu.memory_space<vmem>> -> memref<80xi32, #tpu.memory_space<vmem>>
    %dma_wait3A_272 = arith.constant 0 : i32
    %dma_wait3A_273 = arith.constant 0 : i32
    %dma_wait3A_274 = tpu.memref_slice %arg2[%dma_wait3A_272, %dma_wait3A_273] : memref<20000x96xf32, #tpu.memory_space<hbm>> -> memref<20000x96xf32, #tpu.memory_space<hbm>>
    tpu.wait_indirect_dma semaphore(%arg19 : memref<!tpu.dma_semaphore, #tpu.memory_space<semaphore_mem>>) src(%dma_wait3A_274 : memref<20000x96xf32, #tpu.memory_space<hbm>>) dst(%arg12 : memref<80x96xf32, #tpu.memory_space<vmem>>)
    %dma_start3A_275 = arith.constant 124 : i32
    %dma_start3A_276 = arith.constant 0 : i32
    %dma_start3A_277 = tpu.memref_slice %arg7[%dma_start3A_275, %dma_start3A_276] : memref<125x80xi32, #tpu.memory_space<vmem>> -> memref<1x80xi32, #tpu.memory_space<vmem>>
    %dma_start3A_278 = tpu.memref_squeeze %dma_start3A_277 : memref<1x80xi32, #tpu.memory_space<vmem>> -> memref<80xi32, #tpu.memory_space<vmem>>
    %dma_start3A_279 = arith.constant 0 : i32
    %dma_start3A_280 = arith.constant 0 : i32
    %dma_start3A_281 = tpu.memref_slice %arg14[%dma_start3A_279, %dma_start3A_280] : memref<10000x96xf32, #tpu.memory_space<vmem_shared>> -> memref<10000x96xf32, #tpu.memory_space<vmem_shared>>
    tpu.enqueue_indirect_dma source(%arg12 : memref<80x96xf32, #tpu.memory_space<vmem>>) target(%dma_start3A_281 : memref<10000x96xf32, #tpu.memory_space<vmem_shared>>) offsets(%dma_start3A_278 : memref<80xi32, #tpu.memory_space<vmem>>) semaphore(%arg24 : memref<!tpu.dma_semaphore, #tpu.memory_space<semaphore_mem>>) {add = true}
    %dma_wait3A_282 = arith.constant 0 : i32
    %dma_wait3A_283 = arith.constant 0 : i32
    %dma_wait3A_284 = tpu.memref_slice %arg6[%dma_wait3A_282, %dma_wait3A_283] : memref<125x80xi32, #tpu.memory_space<vmem>> -> memref<1x80xi32, #tpu.memory_space<vmem>>
    %dma_wait3A_285 = tpu.memref_squeeze %dma_wait3A_284 : memref<1x80xi32, #tpu.memory_space<vmem>> -> memref<80xi32, #tpu.memory_space<vmem>>
    %dma_wait3A_286 = arith.constant 0 : i32
    %dma_wait3A_287 = arith.constant 0 : i32
    %dma_wait3A_288 = tpu.memref_slice %arg2[%dma_wait3A_286, %dma_wait3A_287] : memref<20000x96xf32, #tpu.memory_space<hbm>> -> memref<20000x96xf32, #tpu.memory_space<hbm>>
    tpu.wait_indirect_dma semaphore(%arg20 : memref<!tpu.dma_semaphore, #tpu.memory_space<semaphore_mem>>) src(%dma_wait3A_288 : memref<20000x96xf32, #tpu.memory_space<hbm>>) dst(%arg8 : memref<80x96xf32, #tpu.memory_space<vmem>>)
    %dma_wait3A_289 = arith.constant 0 : i32
    %dma_wait3A_290 = arith.constant 0 : i32
    %dma_wait3A_291 = tpu.memref_slice %arg6[%dma_wait3A_289, %dma_wait3A_290] : memref<125x80xi32, #tpu.memory_space<vmem>> -> memref<1x80xi32, #tpu.memory_space<vmem>>
    %dma_wait3A_292 = tpu.memref_squeeze %dma_wait3A_291 : memref<1x80xi32, #tpu.memory_space<vmem>> -> memref<80xi32, #tpu.memory_space<vmem>>
    %dma_wait3A_293 = arith.constant 0 : i32
    %dma_wait3A_294 = arith.constant 0 : i32
    %dma_wait3A_295 = tpu.memref_slice %arg2[%dma_wait3A_293, %dma_wait3A_294] : memref<20000x96xf32, #tpu.memory_space<hbm>> -> memref<20000x96xf32, #tpu.memory_space<hbm>>
    tpu.wait_indirect_dma semaphore(%arg21 : memref<!tpu.dma_semaphore, #tpu.memory_space<semaphore_mem>>) src(%dma_wait3A_295 : memref<20000x96xf32, #tpu.memory_space<hbm>>) dst(%arg9 : memref<80x96xf32, #tpu.memory_space<vmem>>)
    %dma_wait3A_296 = arith.constant 0 : i32
    %dma_wait3A_297 = arith.constant 0 : i32
    %dma_wait3A_298 = tpu.memref_slice %arg6[%dma_wait3A_296, %dma_wait3A_297] : memref<125x80xi32, #tpu.memory_space<vmem>> -> memref<1x80xi32, #tpu.memory_space<vmem>>
    %dma_wait3A_299 = tpu.memref_squeeze %dma_wait3A_298 : memref<1x80xi32, #tpu.memory_space<vmem>> -> memref<80xi32, #tpu.memory_space<vmem>>
    %dma_wait3A_300 = arith.constant 0 : i32
    %dma_wait3A_301 = arith.constant 0 : i32
    %dma_wait3A_302 = tpu.memref_slice %arg2[%dma_wait3A_300, %dma_wait3A_301] : memref<20000x96xf32, #tpu.memory_space<hbm>> -> memref<20000x96xf32, #tpu.memory_space<hbm>>
    tpu.wait_indirect_dma semaphore(%arg22 : memref<!tpu.dma_semaphore, #tpu.memory_space<semaphore_mem>>) src(%dma_wait3A_302 : memref<20000x96xf32, #tpu.memory_space<hbm>>) dst(%arg10 : memref<80x96xf32, #tpu.memory_space<vmem>>)
    %dma_wait3A_303 = arith.constant 0 : i32
    %dma_wait3A_304 = arith.constant 0 : i32
    %dma_wait3A_305 = tpu.memref_slice %arg6[%dma_wait3A_303, %dma_wait3A_304] : memref<125x80xi32, #tpu.memory_space<vmem>> -> memref<1x80xi32, #tpu.memory_space<vmem>>
    %dma_wait3A_306 = tpu.memref_squeeze %dma_wait3A_305 : memref<1x80xi32, #tpu.memory_space<vmem>> -> memref<80xi32, #tpu.memory_space<vmem>>
    %dma_wait3A_307 = arith.constant 0 : i32
    %dma_wait3A_308 = arith.constant 0 : i32
    %dma_wait3A_309 = tpu.memref_slice %arg2[%dma_wait3A_307, %dma_wait3A_308] : memref<20000x96xf32, #tpu.memory_space<hbm>> -> memref<20000x96xf32, #tpu.memory_space<hbm>>
    tpu.wait_indirect_dma semaphore(%arg23 : memref<!tpu.dma_semaphore, #tpu.memory_space<semaphore_mem>>) src(%dma_wait3A_309 : memref<20000x96xf32, #tpu.memory_space<hbm>>) dst(%arg11 : memref<80x96xf32, #tpu.memory_space<vmem>>)
    %dma_wait3A_310 = arith.constant 0 : i32
    %dma_wait3A_311 = arith.constant 0 : i32
    %dma_wait3A_312 = tpu.memref_slice %arg6[%dma_wait3A_310, %dma_wait3A_311] : memref<125x80xi32, #tpu.memory_space<vmem>> -> memref<1x80xi32, #tpu.memory_space<vmem>>
    %dma_wait3A_313 = tpu.memref_squeeze %dma_wait3A_312 : memref<1x80xi32, #tpu.memory_space<vmem>> -> memref<80xi32, #tpu.memory_space<vmem>>
    %dma_wait3A_314 = arith.constant 0 : i32
    %dma_wait3A_315 = arith.constant 0 : i32
    %dma_wait3A_316 = tpu.memref_slice %arg2[%dma_wait3A_314, %dma_wait3A_315] : memref<20000x96xf32, #tpu.memory_space<hbm>> -> memref<20000x96xf32, #tpu.memory_space<hbm>>
    tpu.wait_indirect_dma semaphore(%arg24 : memref<!tpu.dma_semaphore, #tpu.memory_space<semaphore_mem>>) src(%dma_wait3A_316 : memref<20000x96xf32, #tpu.memory_space<hbm>>) dst(%arg12 : memref<80x96xf32, #tpu.memory_space<vmem>>)
    %barrier3A_317 = arith.constant 0 : index
    tpu.barrier barrier_id(%barrier3A_317)
    %mul3A_318 = arith.constant 624 : i32
    %mul3A_319 = arith.muli %arg1, %mul3A_318 : i32
    %mul3A_320 = arith.constant 10000 : i32
    %mul3A_321 = arith.muli %arg0, %mul3A_320 : i32
    %mul3A_322 = arith.constant 624 : i32
    %mul3A_323 = arith.muli %arg1, %mul3A_322 : i32
    %add3A_324 = arith.addi %mul3A_321, %mul3A_323 : i32
    "tpu.region"() ({
      %run_scoped3A = tpu.sem_alloc : memref<!tpu.dma_semaphore, #tpu.memory_space<semaphore_mem>>
      %dma_start3A_325 = arith.constant 0 : i32
      %dma_start3A_326 = tpu.memref_slice %arg5[%add3A_324, %dma_start3A_325] : memref<20000x96xf32, #tpu.memory_space<hbm>> -> memref<640x96xf32, #tpu.memory_space<hbm>>
      %dma_start3A_327 = arith.constant 0 : i32
      %dma_start3A_328 = tpu.memref_slice %arg14[%mul3A_319, %dma_start3A_327] : memref<10000x96xf32, #tpu.memory_space<vmem_shared>> -> memref<640x96xf32, #tpu.memory_space<vmem_shared>>
      tpu.enqueue_dma source(%dma_start3A_328 : memref<640x96xf32, #tpu.memory_space<vmem_shared>>) target(%dma_start3A_326 : memref<640x96xf32, #tpu.memory_space<hbm>>) target_semaphore(%run_scoped3A : memref<!tpu.dma_semaphore, #tpu.memory_space<semaphore_mem>>)
      %dma_wait3A_329 = arith.constant 0 : i32
      %dma_wait3A_330 = tpu.memref_slice %arg5[%add3A_324, %dma_wait3A_329] : memref<20000x96xf32, #tpu.memory_space<hbm>> -> memref<640x96xf32, #tpu.memory_space<hbm>>
      %dma_wait3A_331 = arith.constant 0 : i32
      %dma_wait3A_332 = tpu.memref_slice %arg14[%mul3A_319, %dma_wait3A_331] : memref<10000x96xf32, #tpu.memory_space<vmem_shared>> -> memref<640x96xf32, #tpu.memory_space<vmem_shared>>
      tpu.wait_dma2 semaphore(%run_scoped3A : memref<!tpu.dma_semaphore, #tpu.memory_space<semaphore_mem>>) src(%dma_wait3A_332 : memref<640x96xf32, #tpu.memory_space<vmem_shared>>) dst(%dma_wait3A_330 : memref<640x96xf32, #tpu.memory_space<hbm>>)
      tpu.yield
    }) : () -> ()
    return
  }
}

#map = affine_map<(d0, d1) -> (0, 0)>
module attributes {stable_mosaic.version = 14 : i64} {
  func.func @_sc_spmm(%arg0: i32, %arg1: i32, %arg2: memref<20000x96xf32, #tpu.memory_space<hbm>>, %arg3: memref<8000x80xi32, #tpu.memory_space<hbm>>, %arg4: memref<4000x80xi32, #tpu.memory_space<hbm>>, %arg5: memref<20000x96xf32, #tpu.memory_space<hbm>>, %arg6: memref<125x80xi32, #tpu.memory_space<vmem>>, %arg7: memref<125x80xi32, #tpu.memory_space<vmem>>, %arg8: memref<80x96xf32, #tpu.memory_space<vmem>>, %arg9: memref<80x96xf32, #tpu.memory_space<vmem>>, %arg10: memref<80x96xf32, #tpu.memory_space<vmem>>, %arg11: memref<80x96xf32, #tpu.memory_space<vmem>>, %arg12: memref<80x96xf32, #tpu.memory_space<vmem>>, %arg13: memref<40x96xf32, #tpu.memory_space<vmem>>, %arg14: memref<10000x96xf32, #tpu.memory_space<vmem_shared>>, %arg15: memref<!tpu.dma_semaphore, #tpu.memory_space<semaphore_mem>>, %arg16: memref<!tpu.dma_semaphore, #tpu.memory_space<semaphore_mem>>, %arg17: memref<!tpu.dma_semaphore, #tpu.memory_space<semaphore_mem>>, %arg18: memref<!tpu.dma_semaphore, #tpu.memory_space<semaphore_mem>>, %arg19: memref<!tpu.dma_semaphore, #tpu.memory_space<semaphore_mem>>, %arg20: memref<!tpu.dma_semaphore, #tpu.memory_space<semaphore_mem>>, %arg21: memref<!tpu.dma_semaphore, #tpu.memory_space<semaphore_mem>>, %arg22: memref<!tpu.dma_semaphore, #tpu.memory_space<semaphore_mem>>, %arg23: memref<!tpu.dma_semaphore, #tpu.memory_space<semaphore_mem>>, %arg24: memref<!tpu.dma_semaphore, #tpu.memory_space<semaphore_mem>>) attributes {dimension_semantics = [#tpu.dimension_semantics<core_parallel>, #tpu.dimension_semantics<subcore_parallel>], iteration_bounds = array<i64: 2, 16>, scalar_prefetch = 0 : i64, scratch_operands = 19 : i64, tpu.core_type = #tpu.core_type<sc_vector_subcore>, window_params = [{transform_indices = #map}, {transform_indices = #map}, {transform_indices = #map}, {transform_indices = #map}]} {
    %scan3A = arith.constant 0 : i32
    %scan3A_0 = arith.constant 40 : i32
    %scan3A_1 = arith.addi %scan3A, %scan3A_0 : i32
    %scan3A_2 = arith.constant 1 : i32
    scf.for %scan3A_325 = %scan3A to %scan3A_1 step %scan3A_2  : i32 {
      %mul3A_326 = arith.constant 1 : i32
      %mul3A_327 = arith.muli %scan3A_325, %mul3A_326 : i32
      %add3A_328 = arith.constant 0 : i32
      %add3A_329 = arith.addi %add3A_328, %mul3A_327 : i32
      %scan3A_330 = arith.constant 0 : i32
      %scan3A_331 = arith.constant 6 : i32
      %scan3A_332 = arith.addi %scan3A_330, %scan3A_331 : i32
      %scan3A_333 = arith.constant 1 : i32
      scf.for %scan3A_335 = %scan3A_330 to %scan3A_332 step %scan3A_333  : i32 {
        %mul3A_336 = arith.constant 1 : i32
        %mul3A_337 = arith.muli %scan3A_335, %mul3A_336 : i32
        %add3A_338 = arith.constant 0 : i32
        %add3A_339 = arith.addi %add3A_338, %mul3A_337 : i32
        %broadcast_in_dim3A = arith.constant 0.000000e+00 : f32
        %broadcast_in_dim3A_340 = vector.broadcast %broadcast_in_dim3A : f32 to vector<16xf32>
        %mul3A_341 = arith.constant 16 : i32
        %mul3A_342 = arith.muli %add3A_339, %mul3A_341 : i32
        %swap3A = arith.index_cast %add3A_329 : i32 to index
        %swap3A_343 = arith.index_cast %mul3A_342 : i32 to index
        %swap3A_344 = tpu.vector_load %arg13[%swap3A, %swap3A_343] {strides = array<i32>} : memref<40x96xf32, #tpu.memory_space<vmem>>, vector<1x16xf32>,
        %swap3A_345 = vector.shape_cast %swap3A_344 : vector<1x16xf32> to vector<16xf32>
        %swap3A_346 = vector.shape_cast %broadcast_in_dim3A_340 : vector<16xf32> to vector<1x16xf32>
        tpu.vector_store %arg13[%swap3A, %swap3A_343], %swap3A_346 {strides = array<i32>} : memref<40x96xf32, #tpu.memory_space<vmem>>, vector<1x16xf32>,
      }
      %scan3A_334 = arith.constant 6 : i32
    }
    %scan3A_3 = arith.constant 40 : i32
    %scan3A_4 = arith.constant 0 : i32
    %scan3A_5 = arith.constant 16 : i32
    %scan3A_6 = arith.addi %scan3A_4, %scan3A_5 : i32
    %scan3A_7 = arith.constant 1 : i32
    scf.for %scan3A_325 = %scan3A_4 to %scan3A_6 step %scan3A_7  : i32 {
      %mul3A_326 = arith.constant 1 : i32
      %mul3A_327 = arith.muli %scan3A_325, %mul3A_326 : i32
      %add3A_328 = arith.constant 0 : i32
      %add3A_329 = arith.addi %add3A_328, %mul3A_327 : i32
      %mul3A_330 = arith.constant 624 : i32
      %mul3A_331 = arith.muli %arg1, %mul3A_330 : i32
      %mul3A_332 = arith.constant 40 : i32
      %mul3A_333 = arith.muli %add3A_329, %mul3A_332 : i32
      %add3A_334 = arith.addi %mul3A_331, %mul3A_333 : i32
      "tpu.region"() ({
        %run_scoped3A = tpu.sem_alloc : memref<!tpu.dma_semaphore, #tpu.memory_space<semaphore_mem>>
        %dma_start3A_335 = arith.constant 0 : i32
        %dma_start3A_336 = tpu.memref_slice %arg14[%add3A_334, %dma_start3A_335] : memref<10000x96xf32, #tpu.memory_space<vmem_shared>> -> memref<40x96xf32, #tpu.memory_space<vmem_shared>>
        %dma_start3A_337 = arith.constant 0 : i32
        %dma_start3A_338 = tpu.memref_slice %arg14[%add3A_334, %dma_start3A_337] : memref<10000x96xf32, #tpu.memory_space<vmem_shared>> -> memref<40x96xf32, #tpu.memory_space<vmem_shared>>
        tpu.enqueue_dma source(%arg13 : memref<40x96xf32, #tpu.memory_space<vmem>>) target(%dma_start3A_338 : memref<40x96xf32, #tpu.memory_space<vmem_shared>>) target_semaphore(%run_scoped3A : memref<!tpu.dma_semaphore, #tpu.memory_space<semaphore_mem>>)
        %dma_wait3A_339 = arith.constant 0 : i32
        %dma_wait3A_340 = tpu.memref_slice %arg14[%add3A_334, %dma_wait3A_339] : memref<10000x96xf32, #tpu.memory_space<vmem_shared>> -> memref<40x96xf32, #tpu.memory_space<vmem_shared>>
        %dma_wait3A_341 = arith.constant 0 : i32
        %dma_wait3A_342 = tpu.memref_slice %arg14[%add3A_334, %dma_wait3A_341] : memref<10000x96xf32, #tpu.memory_space<vmem_shared>> -> memref<40x96xf32, #tpu.memory_space<vmem_shared>>
        tpu.wait_dma2 semaphore(%run_scoped3A : memref<!tpu.dma_semaphore, #tpu.memory_space<semaphore_mem>>) src(%arg13 : memref<40x96xf32, #tpu.memory_space<vmem>>) dst(%dma_wait3A_342 : memref<40x96xf32, #tpu.memory_space<vmem_shared>>)
        tpu.yield
      }) : () -> ()
    }
    %scan3A_8 = arith.constant 16 : i32
    %barrier3A = arith.constant 0 : index
    tpu.barrier barrier_id(%barrier3A)
    %mul3A = arith.constant 16 : i32
    %mul3A_9 = arith.muli %arg0, %mul3A : i32
    %add3A = arith.addi %mul3A_9, %arg1 : i32
    %mul3A_10 = arith.constant 250 : i32
    %mul3A_11 = arith.muli %add3A, %mul3A_10 : i32
    %add3A_12 = arith.constant 0 : i32
    %add3A_13 = arith.addi %mul3A_11, %add3A_12 : i32
    "tpu.region"() ({
      %run_scoped3A = tpu.sem_alloc : memref<!tpu.dma_semaphore, #tpu.memory_space<semaphore_mem>>
      %dma_start3A_325 = arith.constant 0 : i32
      %dma_start3A_326 = tpu.memref_slice %arg3[%add3A_13, %dma_start3A_325] : memref<8000x80xi32, #tpu.memory_space<hbm>> -> memref<125x80xi32, #tpu.memory_space<hbm>>
      %dma_start3A_327 = arith.constant 0 : i32
      %dma_start3A_328 = tpu.memref_slice %arg3[%add3A_13, %dma_start3A_327] : memref<8000x80xi32, #tpu.memory_space<hbm>> -> memref<125x80xi32, #tpu.memory_space<hbm>>
      tpu.enqueue_dma source(%dma_start3A_328 : memref<125x80xi32, #tpu.memory_space<hbm>>) target(%arg6 : memref<125x80xi32, #tpu.memory_space<vmem>>) target_semaphore(%run_scoped3A : memref<!tpu.dma_semaphore, #tpu.memory_space<semaphore_mem>>)
      %dma_wait3A_329 = arith.constant 0 : i32
      %dma_wait3A_330 = tpu.memref_slice %arg3[%add3A_13, %dma_wait3A_329] : memref<8000x80xi32, #tpu.memory_space<hbm>> -> memref<125x80xi32, #tpu.memory_space<hbm>>
      %dma_wait3A_331 = arith.constant 0 : i32
      %dma_wait3A_332 = tpu.memref_slice %arg3[%add3A_13, %dma_wait3A_331] : memref<8000x80xi32, #tpu.memory_space<hbm>> -> memref<125x80xi32, #tpu.memory_space<hbm>>
      tpu.wait_dma2 semaphore(%run_scoped3A : memref<!tpu.dma_semaphore, #tpu.memory_space<semaphore_mem>>) src(%dma_wait3A_332 : memref<125x80xi32, #tpu.memory_space<hbm>>) dst(%arg6 : memref<125x80xi32, #tpu.memory_space<vmem>>)
      tpu.yield
    }) : () -> ()
    %mul3A_14 = arith.constant 250 : i32
    %mul3A_15 = arith.muli %arg1, %mul3A_14 : i32
    %add3A_16 = arith.constant 0 : i32
    %add3A_17 = arith.addi %mul3A_15, %add3A_16 : i32
    "tpu.region"() ({
      %run_scoped3A = tpu.sem_alloc : memref<!tpu.dma_semaphore, #tpu.memory_space<semaphore_mem>>
      %dma_start3A_325 = arith.constant 0 : i32
      %dma_start3A_326 = tpu.memref_slice %arg4[%add3A_17, %dma_start3A_325] : memref<4000x80xi32, #tpu.memory_space<hbm>> -> memref<125x80xi32, #tpu.memory_space<hbm>>
      %dma_start3A_327 = arith.constant 0 : i32
      %dma_start3A_328 = tpu.memref_slice %arg4[%add3A_17, %dma_start3A_327] : memref<4000x80xi32, #tpu.memory_space<hbm>> -> memref<125x80xi32, #tpu.memory_space<hbm>>
      tpu.enqueue_dma source(%dma_start3A_328 : memref<125x80xi32, #tpu.memory_space<hbm>>) target(%arg7 : memref<125x80xi32, #tpu.memory_space<vmem>>) target_semaphore(%run_scoped3A : memref<!tpu.dma_semaphore, #tpu.memory_space<semaphore_mem>>)
      %dma_wait3A_329 = arith.constant 0 : i32
      %dma_wait3A_330 = tpu.memref_slice %arg4[%add3A_17, %dma_wait3A_329] : memref<4000x80xi32, #tpu.memory_space<hbm>> -> memref<125x80xi32, #tpu.memory_space<hbm>>
      %dma_wait3A_331 = arith.constant 0 : i32
      %dma_wait3A_332 = tpu.memref_slice %arg4[%add3A_17, %dma_wait3A_331] : memref<4000x80xi32, #tpu.memory_space<hbm>> -> memref<125x80xi32, #tpu.memory_space<hbm>>
      tpu.wait_dma2 semaphore(%run_scoped3A : memref<!tpu.dma_semaphore, #tpu.memory_space<semaphore_mem>>) src(%dma_wait3A_332 : memref<125x80xi32, #tpu.memory_space<hbm>>) dst(%arg7 : memref<125x80xi32, #tpu.memory_space<vmem>>)
      tpu.yield
    }) : () -> ()
    %dma_start3A = arith.constant 0 : i32
    %dma_start3A_18 = arith.constant 0 : i32
    %dma_start3A_19 = tpu.memref_slice %arg6[%dma_start3A, %dma_start3A_18] : memref<125x80xi32, #tpu.memory_space<vmem>> -> memref<1x80xi32, #tpu.memory_space<vmem>>
    %dma_start3A_20 = tpu.memref_squeeze %dma_start3A_19 : memref<1x80xi32, #tpu.memory_space<vmem>> -> memref<80xi32, #tpu.memory_space<vmem>>
    %dma_start3A_21 = arith.constant 0 : i32
    %dma_start3A_22 = arith.constant 0 : i32
    %dma_start3A_23 = tpu.memref_slice %arg2[%dma_start3A_21, %dma_start3A_22] : memref<20000x96xf32, #tpu.memory_space<hbm>> -> memref<20000x96xf32, #tpu.memory_space<hbm>>
    tpu.enqueue_indirect_dma source(%dma_start3A_23 : memref<20000x96xf32, #tpu.memory_space<hbm>>) target(%arg8 : memref<80x96xf32, #tpu.memory_space<vmem>>) offsets(%dma_start3A_20 : memref<80xi32, #tpu.memory_space<vmem>>) semaphore(%arg15 : memref<!tpu.dma_semaphore, #tpu.memory_space<semaphore_mem>>)
    %dma_start3A_24 = arith.constant 1 : i32
    %dma_start3A_25 = arith.constant 0 : i32
    %dma_start3A_26 = tpu.memref_slice %arg6[%dma_start3A_24, %dma_start3A_25] : memref<125x80xi32, #tpu.memory_space<vmem>> -> memref<1x80xi32, #tpu.memory_space<vmem>>
    %dma_start3A_27 = tpu.memref_squeeze %dma_start3A_26 : memref<1x80xi32, #tpu.memory_space<vmem>> -> memref<80xi32, #tpu.memory_space<vmem>>
    %dma_start3A_28 = arith.constant 0 : i32
    %dma_start3A_29 = arith.constant 0 : i32
    %dma_start3A_30 = tpu.memref_slice %arg2[%dma_start3A_28, %dma_start3A_29] : memref<20000x96xf32, #tpu.memory_space<hbm>> -> memref<20000x96xf32, #tpu.memory_space<hbm>>
    tpu.enqueue_indirect_dma source(%dma_start3A_30 : memref<20000x96xf32, #tpu.memory_space<hbm>>) target(%arg9 : memref<80x96xf32, #tpu.memory_space<vmem>>) offsets(%dma_start3A_27 : memref<80xi32, #tpu.memory_space<vmem>>) semaphore(%arg16 : memref<!tpu.dma_semaphore, #tpu.memory_space<semaphore_mem>>)
    %dma_start3A_31 = arith.constant 2 : i32
    %dma_start3A_32 = arith.constant 0 : i32
    %dma_start3A_33 = tpu.memref_slice %arg6[%dma_start3A_31, %dma_start3A_32] : memref<125x80xi32, #tpu.memory_space<vmem>> -> memref<1x80xi32, #tpu.memory_space<vmem>>
    %dma_start3A_34 = tpu.memref_squeeze %dma_start3A_33 : memref<1x80xi32, #tpu.memory_space<vmem>> -> memref<80xi32, #tpu.memory_space<vmem>>
    %dma_start3A_35 = arith.constant 0 : i32
    %dma_start3A_36 = arith.constant 0 : i32
    %dma_start3A_37 = tpu.memref_slice %arg2[%dma_start3A_35, %dma_start3A_36] : memref<20000x96xf32, #tpu.memory_space<hbm>> -> memref<20000x96xf32, #tpu.memory_space<hbm>>
    tpu.enqueue_indirect_dma source(%dma_start3A_37 : memref<20000x96xf32, #tpu.memory_space<hbm>>) target(%arg10 : memref<80x96xf32, #tpu.memory_space<vmem>>) offsets(%dma_start3A_34 : memref<80xi32, #tpu.memory_space<vmem>>) semaphore(%arg17 : memref<!tpu.dma_semaphore, #tpu.memory_space<semaphore_mem>>)
    %dma_start3A_38 = arith.constant 3 : i32
    %dma_start3A_39 = arith.constant 0 : i32
    %dma_start3A_40 = tpu.memref_slice %arg6[%dma_start3A_38, %dma_start3A_39] : memref<125x80xi32, #tpu.memory_space<vmem>> -> memref<1x80xi32, #tpu.memory_space<vmem>>
    %dma_start3A_41 = tpu.memref_squeeze %dma_start3A_40 : memref<1x80xi32, #tpu.memory_space<vmem>> -> memref<80xi32, #tpu.memory_space<vmem>>
    %dma_start3A_42 = arith.constant 0 : i32
    %dma_start3A_43 = arith.constant 0 : i32
    %dma_start3A_44 = tpu.memref_slice %arg2[%dma_start3A_42, %dma_start3A_43] : memref<20000x96xf32, #tpu.memory_space<hbm>> -> memref<20000x96xf32, #tpu.memory_space<hbm>>
    tpu.enqueue_indirect_dma source(%dma_start3A_44 : memref<20000x96xf32, #tpu.memory_space<hbm>>) target(%arg11 : memref<80x96xf32, #tpu.memory_space<vmem>>) offsets(%dma_start3A_41 : memref<80xi32, #tpu.memory_space<vmem>>) semaphore(%arg18 : memref<!tpu.dma_semaphore, #tpu.memory_space<semaphore_mem>>)
    %dma_start3A_45 = arith.constant 4 : i32
    %dma_start3A_46 = arith.constant 0 : i32
    %dma_start3A_47 = tpu.memref_slice %arg6[%dma_start3A_45, %dma_start3A_46] : memref<125x80xi32, #tpu.memory_space<vmem>> -> memref<1x80xi32, #tpu.memory_space<vmem>>
    %dma_start3A_48 = tpu.memref_squeeze %dma_start3A_47 : memref<1x80xi32, #tpu.memory_space<vmem>> -> memref<80xi32, #tpu.memory_space<vmem>>
    %dma_start3A_49 = arith.constant 0 : i32
    %dma_start3A_50 = arith.constant 0 : i32
    %dma_start3A_51 = tpu.memref_slice %arg2[%dma_start3A_49, %dma_start3A_50] : memref<20000x96xf32, #tpu.memory_space<hbm>> -> memref<20000x96xf32, #tpu.memory_space<hbm>>
    tpu.enqueue_indirect_dma source(%dma_start3A_51 : memref<20000x96xf32, #tpu.memory_space<hbm>>) target(%arg12 : memref<80x96xf32, #tpu.memory_space<vmem>>) offsets(%dma_start3A_48 : memref<80xi32, #tpu.memory_space<vmem>>) semaphore(%arg19 : memref<!tpu.dma_semaphore, #tpu.memory_space<semaphore_mem>>)
    %scan3A_52 = arith.constant 0 : i32
    %scan3A_53 = arith.constant 24 : i32
    %scan3A_54 = arith.addi %scan3A_52, %scan3A_53 : i32
    %scan3A_55 = arith.constant 1 : i32
    scf.for %scan3A_325 = %scan3A_52 to %scan3A_54 step %scan3A_55  : i32 {
      %mul3A_326 = arith.constant 1 : i32
      %mul3A_327 = arith.muli %scan3A_325, %mul3A_326 : i32
      %add3A_328 = arith.constant 0 : i32
      %add3A_329 = arith.addi %add3A_328, %mul3A_327 : i32
      %mul3A_330 = arith.constant 5 : i32
      %mul3A_331 = arith.muli %mul3A_330, %add3A_329 : i32
      %dma_wait3A_332 = arith.constant 0 : i32
      %dma_wait3A_333 = arith.constant 0 : i32
      %dma_wait3A_334 = tpu.memref_slice %arg6[%dma_wait3A_332, %dma_wait3A_333] : memref<125x80xi32, #tpu.memory_space<vmem>> -> memref<1x80xi32, #tpu.memory_space<vmem>>
      %dma_wait3A_335 = tpu.memref_squeeze %dma_wait3A_334 : memref<1x80xi32, #tpu.memory_space<vmem>> -> memref<80xi32, #tpu.memory_space<vmem>>
      %dma_wait3A_336 = arith.constant 0 : i32
      %dma_wait3A_337 = arith.constant 0 : i32
      %dma_wait3A_338 = tpu.memref_slice %arg2[%dma_wait3A_336, %dma_wait3A_337] : memref<20000x96xf32, #tpu.memory_space<hbm>> -> memref<20000x96xf32, #tpu.memory_space<hbm>>
      tpu.wait_indirect_dma semaphore(%arg15 : memref<!tpu.dma_semaphore, #tpu.memory_space<semaphore_mem>>) src(%dma_wait3A_338 : memref<20000x96xf32, #tpu.memory_space<hbm>>) dst(%arg8 : memref<80x96xf32, #tpu.memory_space<vmem>>)
      %add3A_339 = arith.constant 0 : i32
      %add3A_340 = arith.addi %mul3A_331, %add3A_339 : i32
      %dma_start3A_341 = arith.constant 0 : i32
      %dma_start3A_342 = tpu.memref_slice %arg7[%add3A_340, %dma_start3A_341] : memref<125x80xi32, #tpu.memory_space<vmem>> -> memref<1x80xi32, #tpu.memory_space<vmem>>
      %dma_start3A_343 = tpu.memref_squeeze %dma_start3A_342 : memref<1x80xi32, #tpu.memory_space<vmem>> -> memref<80xi32, #tpu.memory_space<vmem>>
      %dma_start3A_344 = arith.constant 0 : i32
      %dma_start3A_345 = arith.constant 0 : i32
      %dma_start3A_346 = tpu.memref_slice %arg14[%dma_start3A_344, %dma_start3A_345] : memref<10000x96xf32, #tpu.memory_space<vmem_shared>> -> memref<10000x96xf32, #tpu.memory_space<vmem_shared>>
      tpu.enqueue_indirect_dma source(%arg8 : memref<80x96xf32, #tpu.memory_space<vmem>>) target(%dma_start3A_346 : memref<10000x96xf32, #tpu.memory_space<vmem_shared>>) offsets(%dma_start3A_343 : memref<80xi32, #tpu.memory_space<vmem>>) semaphore(%arg20 : memref<!tpu.dma_semaphore, #tpu.memory_space<semaphore_mem>>) {add = true}
      %dma_wait3A_347 = arith.constant 0 : i32
      %dma_wait3A_348 = arith.constant 0 : i32
      %dma_wait3A_349 = tpu.memref_slice %arg6[%dma_wait3A_347, %dma_wait3A_348] : memref<125x80xi32, #tpu.memory_space<vmem>> -> memref<1x80xi32, #tpu.memory_space<vmem>>
      %dma_wait3A_350 = tpu.memref_squeeze %dma_wait3A_349 : memref<1x80xi32, #tpu.memory_space<vmem>> -> memref<80xi32, #tpu.memory_space<vmem>>
      %dma_wait3A_351 = arith.constant 0 : i32
      %dma_wait3A_352 = arith.constant 0 : i32
      %dma_wait3A_353 = tpu.memref_slice %arg2[%dma_wait3A_351, %dma_wait3A_352] : memref<20000x96xf32, #tpu.memory_space<hbm>> -> memref<20000x96xf32, #tpu.memory_space<hbm>>
      tpu.wait_indirect_dma semaphore(%arg16 : memref<!tpu.dma_semaphore, #tpu.memory_space<semaphore_mem>>) src(%dma_wait3A_353 : memref<20000x96xf32, #tpu.memory_space<hbm>>) dst(%arg9 : memref<80x96xf32, #tpu.memory_space<vmem>>)
      %add3A_354 = arith.constant 1 : i32
      %add3A_355 = arith.addi %mul3A_331, %add3A_354 : i32
      %dma_start3A_356 = arith.constant 0 : i32
      %dma_start3A_357 = tpu.memref_slice %arg7[%add3A_355, %dma_start3A_356] : memref<125x80xi32, #tpu.memory_space<vmem>> -> memref<1x80xi32, #tpu.memory_space<vmem>>
      %dma_start3A_358 = tpu.memref_squeeze %dma_start3A_357 : memref<1x80xi32, #tpu.memory_space<vmem>> -> memref<80xi32, #tpu.memory_space<vmem>>
      %dma_start3A_359 = arith.constant 0 : i32
      %dma_start3A_360 = arith.constant 0 : i32
      %dma_start3A_361 = tpu.memref_slice %arg14[%dma_start3A_359, %dma_start3A_360] : memref<10000x96xf32, #tpu.memory_space<vmem_shared>> -> memref<10000x96xf32, #tpu.memory_space<vmem_shared>>
      tpu.enqueue_indirect_dma source(%arg9 : memref<80x96xf32, #tpu.memory_space<vmem>>) target(%dma_start3A_361 : memref<10000x96xf32, #tpu.memory_space<vmem_shared>>) offsets(%dma_start3A_358 : memref<80xi32, #tpu.memory_space<vmem>>) semaphore(%arg21 : memref<!tpu.dma_semaphore, #tpu.memory_space<semaphore_mem>>) {add = true}
      %dma_wait3A_362 = arith.constant 0 : i32
      %dma_wait3A_363 = arith.constant 0 : i32
      %dma_wait3A_364 = tpu.memref_slice %arg6[%dma_wait3A_362, %dma_wait3A_363] : memref<125x80xi32, #tpu.memory_space<vmem>> -> memref<1x80xi32, #tpu.memory_space<vmem>>
      %dma_wait3A_365 = tpu.memref_squeeze %dma_wait3A_364 : memref<1x80xi32, #tpu.memory_space<vmem>> -> memref<80xi32, #tpu.memory_space<vmem>>
      %dma_wait3A_366 = arith.constant 0 : i32
      %dma_wait3A_367 = arith.constant 0 : i32
      %dma_wait3A_368 = tpu.memref_slice %arg2[%dma_wait3A_366, %dma_wait3A_367] : memref<20000x96xf32, #tpu.memory_space<hbm>> -> memref<20000x96xf32, #tpu.memory_space<hbm>>
      tpu.wait_indirect_dma semaphore(%arg17 : memref<!tpu.dma_semaphore, #tpu.memory_space<semaphore_mem>>) src(%dma_wait3A_368 : memref<20000x96xf32, #tpu.memory_space<hbm>>) dst(%arg10 : memref<80x96xf32, #tpu.memory_space<vmem>>)
      %add3A_369 = arith.constant 2 : i32
      %add3A_370 = arith.addi %mul3A_331, %add3A_369 : i32
      %dma_start3A_371 = arith.constant 0 : i32
      %dma_start3A_372 = tpu.memref_slice %arg7[%add3A_370, %dma_start3A_371] : memref<125x80xi32, #tpu.memory_space<vmem>> -> memref<1x80xi32, #tpu.memory_space<vmem>>
      %dma_start3A_373 = tpu.memref_squeeze %dma_start3A_372 : memref<1x80xi32, #tpu.memory_space<vmem>> -> memref<80xi32, #tpu.memory_space<vmem>>
      %dma_start3A_374 = arith.constant 0 : i32
      %dma_start3A_375 = arith.constant 0 : i32
      %dma_start3A_376 = tpu.memref_slice %arg14[%dma_start3A_374, %dma_start3A_375] : memref<10000x96xf32, #tpu.memory_space<vmem_shared>> -> memref<10000x96xf32, #tpu.memory_space<vmem_shared>>
      tpu.enqueue_indirect_dma source(%arg10 : memref<80x96xf32, #tpu.memory_space<vmem>>) target(%dma_start3A_376 : memref<10000x96xf32, #tpu.memory_space<vmem_shared>>) offsets(%dma_start3A_373 : memref<80xi32, #tpu.memory_space<vmem>>) semaphore(%arg22 : memref<!tpu.dma_semaphore, #tpu.memory_space<semaphore_mem>>) {add = true}
      %dma_wait3A_377 = arith.constant 0 : i32
      %dma_wait3A_378 = arith.constant 0 : i32
      %dma_wait3A_379 = tpu.memref_slice %arg6[%dma_wait3A_377, %dma_wait3A_378] : memref<125x80xi32, #tpu.memory_space<vmem>> -> memref<1x80xi32, #tpu.memory_space<vmem>>
      %dma_wait3A_380 = tpu.memref_squeeze %dma_wait3A_379 : memref<1x80xi32, #tpu.memory_space<vmem>> -> memref<80xi32, #tpu.memory_space<vmem>>
      %dma_wait3A_381 = arith.constant 0 : i32
      %dma_wait3A_382 = arith.constant 0 : i32
      %dma_wait3A_383 = tpu.memref_slice %arg2[%dma_wait3A_381, %dma_wait3A_382] : memref<20000x96xf32, #tpu.memory_space<hbm>> -> memref<20000x96xf32, #tpu.memory_space<hbm>>
      tpu.wait_indirect_dma semaphore(%arg18 : memref<!tpu.dma_semaphore, #tpu.memory_space<semaphore_mem>>) src(%dma_wait3A_383 : memref<20000x96xf32, #tpu.memory_space<hbm>>) dst(%arg11 : memref<80x96xf32, #tpu.memory_space<vmem>>)
      %add3A_384 = arith.constant 3 : i32
      %add3A_385 = arith.addi %mul3A_331, %add3A_384 : i32
      %dma_start3A_386 = arith.constant 0 : i32
      %dma_start3A_387 = tpu.memref_slice %arg7[%add3A_385, %dma_start3A_386] : memref<125x80xi32, #tpu.memory_space<vmem>> -> memref<1x80xi32, #tpu.memory_space<vmem>>
      %dma_start3A_388 = tpu.memref_squeeze %dma_start3A_387 : memref<1x80xi32, #tpu.memory_space<vmem>> -> memref<80xi32, #tpu.memory_space<vmem>>
      %dma_start3A_389 = arith.constant 0 : i32
      %dma_start3A_390 = arith.constant 0 : i32
      %dma_start3A_391 = tpu.memref_slice %arg14[%dma_start3A_389, %dma_start3A_390] : memref<10000x96xf32, #tpu.memory_space<vmem_shared>> -> memref<10000x96xf32, #tpu.memory_space<vmem_shared>>
      tpu.enqueue_indirect_dma source(%arg11 : memref<80x96xf32, #tpu.memory_space<vmem>>) target(%dma_start3A_391 : memref<10000x96xf32, #tpu.memory_space<vmem_shared>>) offsets(%dma_start3A_388 : memref<80xi32, #tpu.memory_space<vmem>>) semaphore(%arg23 : memref<!tpu.dma_semaphore, #tpu.memory_space<semaphore_mem>>) {add = true}
      %dma_wait3A_392 = arith.constant 0 : i32
      %dma_wait3A_393 = arith.constant 0 : i32
      %dma_wait3A_394 = tpu.memref_slice %arg6[%dma_wait3A_392, %dma_wait3A_393] : memref<125x80xi32, #tpu.memory_space<vmem>> -> memref<1x80xi32, #tpu.memory_space<vmem>>
      %dma_wait3A_395 = tpu.memref_squeeze %dma_wait3A_394 : memref<1x80xi32, #tpu.memory_space<vmem>> -> memref<80xi32, #tpu.memory_space<vmem>>
      %dma_wait3A_396 = arith.constant 0 : i32
      %dma_wait3A_397 = arith.constant 0 : i32
      %dma_wait3A_398 = tpu.memref_slice %arg2[%dma_wait3A_396, %dma_wait3A_397] : memref<20000x96xf32, #tpu.memory_space<hbm>> -> memref<20000x96xf32, #tpu.memory_space<hbm>>
      tpu.wait_indirect_dma semaphore(%arg19 : memref<!tpu.dma_semaphore, #tpu.memory_space<semaphore_mem>>) src(%dma_wait3A_398 : memref<20000x96xf32, #tpu.memory_space<hbm>>) dst(%arg12 : memref<80x96xf32, #tpu.memory_space<vmem>>)
      %add3A_399 = arith.constant 4 : i32
      %add3A_400 = arith.addi %mul3A_331, %add3A_399 : i32
      %dma_start3A_401 = arith.constant 0 : i32
      %dma_start3A_402 = tpu.memref_slice %arg7[%add3A_400, %dma_start3A_401] : memref<125x80xi32, #tpu.memory_space<vmem>> -> memref<1x80xi32, #tpu.memory_space<vmem>>
      %dma_start3A_403 = tpu.memref_squeeze %dma_start3A_402 : memref<1x80xi32, #tpu.memory_space<vmem>> -> memref<80xi32, #tpu.memory_space<vmem>>
      %dma_start3A_404 = arith.constant 0 : i32
      %dma_start3A_405 = arith.constant 0 : i32
      %dma_start3A_406 = tpu.memref_slice %arg14[%dma_start3A_404, %dma_start3A_405] : memref<10000x96xf32, #tpu.memory_space<vmem_shared>> -> memref<10000x96xf32, #tpu.memory_space<vmem_shared>>
      tpu.enqueue_indirect_dma source(%arg12 : memref<80x96xf32, #tpu.memory_space<vmem>>) target(%dma_start3A_406 : memref<10000x96xf32, #tpu.memory_space<vmem_shared>>) offsets(%dma_start3A_403 : memref<80xi32, #tpu.memory_space<vmem>>) semaphore(%arg24 : memref<!tpu.dma_semaphore, #tpu.memory_space<semaphore_mem>>) {add = true}
      %dma_wait3A_407 = arith.constant 0 : i32
      %dma_wait3A_408 = arith.constant 0 : i32
      %dma_wait3A_409 = tpu.memref_slice %arg6[%dma_wait3A_407, %dma_wait3A_408] : memref<125x80xi32, #tpu.memory_space<vmem>> -> memref<1x80xi32, #tpu.memory_space<vmem>>
      %dma_wait3A_410 = tpu.memref_squeeze %dma_wait3A_409 : memref<1x80xi32, #tpu.memory_space<vmem>> -> memref<80xi32, #tpu.memory_space<vmem>>
      %dma_wait3A_411 = arith.constant 0 : i32
      %dma_wait3A_412 = arith.constant 0 : i32
      %dma_wait3A_413 = tpu.memref_slice %arg2[%dma_wait3A_411, %dma_wait3A_412] : memref<20000x96xf32, #tpu.memory_space<hbm>> -> memref<20000x96xf32, #tpu.memory_space<hbm>>
      tpu.wait_indirect_dma semaphore(%arg20 : memref<!tpu.dma_semaphore, #tpu.memory_space<semaphore_mem>>) src(%dma_wait3A_413 : memref<20000x96xf32, #tpu.memory_space<hbm>>) dst(%arg8 : memref<80x96xf32, #tpu.memory_space<vmem>>)
      %add3A_414 = arith.constant 5 : i32
      %add3A_415 = arith.addi %mul3A_331, %add3A_414 : i32
      %add3A_416 = arith.constant 0 : i32
      %add3A_417 = arith.addi %add3A_415, %add3A_416 : i32
      %dma_start3A_418 = arith.constant 0 : i32
      %dma_start3A_419 = tpu.memref_slice %arg6[%add3A_417, %dma_start3A_418] : memref<125x80xi32, #tpu.memory_space<vmem>> -> memref<1x80xi32, #tpu.memory_space<vmem>>
      %dma_start3A_420 = tpu.memref_squeeze %dma_start3A_419 : memref<1x80xi32, #tpu.memory_space<vmem>> -> memref<80xi32, #tpu.memory_space<vmem>>
      %dma_start3A_421 = arith.constant 0 : i32
      %dma_start3A_422 = arith.constant 0 : i32
      %dma_start3A_423 = tpu.memref_slice %arg2[%dma_start3A_421, %dma_start3A_422] : memref<20000x96xf32, #tpu.memory_space<hbm>> -> memref<20000x96xf32, #tpu.memory_space<hbm>>
      tpu.enqueue_indirect_dma source(%dma_start3A_423 : memref<20000x96xf32, #tpu.memory_space<hbm>>) target(%arg8 : memref<80x96xf32, #tpu.memory_space<vmem>>) offsets(%dma_start3A_420 : memref<80xi32, #tpu.memory_space<vmem>>) semaphore(%arg15 : memref<!tpu.dma_semaphore, #tpu.memory_space<semaphore_mem>>)
      %dma_wait3A_424 = arith.constant 0 : i32
      %dma_wait3A_425 = arith.constant 0 : i32
      %dma_wait3A_426 = tpu.memref_slice %arg6[%dma_wait3A_424, %dma_wait3A_425] : memref<125x80xi32, #tpu.memory_space<vmem>> -> memref<1x80xi32, #tpu.memory_space<vmem>>
      %dma_wait3A_427 = tpu.memref_squeeze %dma_wait3A_426 : memref<1x80xi32, #tpu.memory_space<vmem>> -> memref<80xi32, #tpu.memory_space<vmem>>
      %dma_wait3A_428 = arith.constant 0 : i32
      %dma_wait3A_429 = arith.constant 0 : i32
      %dma_wait3A_430 = tpu.memref_slice %arg2[%dma_wait3A_428, %dma_wait3A_429] : memref<20000x96xf32, #tpu.memory_space<hbm>> -> memref<20000x96xf32, #tpu.memory_space<hbm>>
      tpu.wait_indirect_dma semaphore(%arg21 : memref<!tpu.dma_semaphore, #tpu.memory_space<semaphore_mem>>) src(%dma_wait3A_430 : memref<20000x96xf32, #tpu.memory_space<hbm>>) dst(%arg9 : memref<80x96xf32, #tpu.memory_space<vmem>>)
      %add3A_431 = arith.constant 5 : i32
      %add3A_432 = arith.addi %mul3A_331, %add3A_431 : i32
      %add3A_433 = arith.constant 1 : i32
      %add3A_434 = arith.addi %add3A_432, %add3A_433 : i32
      %dma_start3A_435 = arith.constant 0 : i32
      %dma_start3A_436 = tpu.memref_slice %arg6[%add3A_434, %dma_start3A_435] : memref<125x80xi32, #tpu.memory_space<vmem>> -> memref<1x80xi32, #tpu.memory_space<vmem>>
      %dma_start3A_437 = tpu.memref_squeeze %dma_start3A_436 : memref<1x80xi32, #tpu.memory_space<vmem>> -> memref<80xi32, #tpu.memory_space<vmem>>
      %dma_start3A_438 = arith.constant 0 : i32
      %dma_start3A_439 = arith.constant 0 : i32
      %dma_start3A_440 = tpu.memref_slice %arg2[%dma_start3A_438, %dma_start3A_439] : memref<20000x96xf32, #tpu.memory_space<hbm>> -> memref<20000x96xf32, #tpu.memory_space<hbm>>
      tpu.enqueue_indirect_dma source(%dma_start3A_440 : memref<20000x96xf32, #tpu.memory_space<hbm>>) target(%arg9 : memref<80x96xf32, #tpu.memory_space<vmem>>) offsets(%dma_start3A_437 : memref<80xi32, #tpu.memory_space<vmem>>) semaphore(%arg16 : memref<!tpu.dma_semaphore, #tpu.memory_space<semaphore_mem>>)
      %dma_wait3A_441 = arith.constant 0 : i32
      %dma_wait3A_442 = arith.constant 0 : i32
      %dma_wait3A_443 = tpu.memref_slice %arg6[%dma_wait3A_441, %dma_wait3A_442] : memref<125x80xi32, #tpu.memory_space<vmem>> -> memref<1x80xi32, #tpu.memory_space<vmem>>
      %dma_wait3A_444 = tpu.memref_squeeze %dma_wait3A_443 : memref<1x80xi32, #tpu.memory_space<vmem>> -> memref<80xi32, #tpu.memory_space<vmem>>
      %dma_wait3A_445 = arith.constant 0 : i32
      %dma_wait3A_446 = arith.constant 0 : i32
      %dma_wait3A_447 = tpu.memref_slice %arg2[%dma_wait3A_445, %dma_wait3A_446] : memref<20000x96xf32, #tpu.memory_space<hbm>> -> memref<20000x96xf32, #tpu.memory_space<hbm>>
      tpu.wait_indirect_dma semaphore(%arg22 : memref<!tpu.dma_semaphore, #tpu.memory_space<semaphore_mem>>) src(%dma_wait3A_447 : memref<20000x96xf32, #tpu.memory_space<hbm>>) dst(%arg10 : memref<80x96xf32, #tpu.memory_space<vmem>>)
      %add3A_448 = arith.constant 5 : i32
      %add3A_449 = arith.addi %mul3A_331, %add3A_448 : i32
      %add3A_450 = arith.constant 2 : i32
      %add3A_451 = arith.addi %add3A_449, %add3A_450 : i32
      %dma_start3A_452 = arith.constant 0 : i32
      %dma_start3A_453 = tpu.memref_slice %arg6[%add3A_451, %dma_start3A_452] : memref<125x80xi32, #tpu.memory_space<vmem>> -> memref<1x80xi32, #tpu.memory_space<vmem>>
      %dma_start3A_454 = tpu.memref_squeeze %dma_start3A_453 : memref<1x80xi32, #tpu.memory_space<vmem>> -> memref<80xi32, #tpu.memory_space<vmem>>
      %dma_start3A_455 = arith.constant 0 : i32
      %dma_start3A_456 = arith.constant 0 : i32
      %dma_start3A_457 = tpu.memref_slice %arg2[%dma_start3A_455, %dma_start3A_456] : memref<20000x96xf32, #tpu.memory_space<hbm>> -> memref<20000x96xf32, #tpu.memory_space<hbm>>
      tpu.enqueue_indirect_dma source(%dma_start3A_457 : memref<20000x96xf32, #tpu.memory_space<hbm>>) target(%arg10 : memref<80x96xf32, #tpu.memory_space<vmem>>) offsets(%dma_start3A_454 : memref<80xi32, #tpu.memory_space<vmem>>) semaphore(%arg17 : memref<!tpu.dma_semaphore, #tpu.memory_space<semaphore_mem>>)
      %dma_wait3A_458 = arith.constant 0 : i32
      %dma_wait3A_459 = arith.constant 0 : i32
      %dma_wait3A_460 = tpu.memref_slice %arg6[%dma_wait3A_458, %dma_wait3A_459] : memref<125x80xi32, #tpu.memory_space<vmem>> -> memref<1x80xi32, #tpu.memory_space<vmem>>
      %dma_wait3A_461 = tpu.memref_squeeze %dma_wait3A_460 : memref<1x80xi32, #tpu.memory_space<vmem>> -> memref<80xi32, #tpu.memory_space<vmem>>
      %dma_wait3A_462 = arith.constant 0 : i32
      %dma_wait3A_463 = arith.constant 0 : i32
      %dma_wait3A_464 = tpu.memref_slice %arg2[%dma_wait3A_462, %dma_wait3A_463] : memref<20000x96xf32, #tpu.memory_space<hbm>> -> memref<20000x96xf32, #tpu.memory_space<hbm>>
      tpu.wait_indirect_dma semaphore(%arg23 : memref<!tpu.dma_semaphore, #tpu.memory_space<semaphore_mem>>) src(%dma_wait3A_464 : memref<20000x96xf32, #tpu.memory_space<hbm>>) dst(%arg11 : memref<80x96xf32, #tpu.memory_space<vmem>>)
      %add3A_465 = arith.constant 5 : i32
      %add3A_466 = arith.addi %mul3A_331, %add3A_465 : i32
      %add3A_467 = arith.constant 3 : i32
      %add3A_468 = arith.addi %add3A_466, %add3A_467 : i32
      %dma_start3A_469 = arith.constant 0 : i32
      %dma_start3A_470 = tpu.memref_slice %arg6[%add3A_468, %dma_start3A_469] : memref<125x80xi32, #tpu.memory_space<vmem>> -> memref<1x80xi32, #tpu.memory_space<vmem>>
      %dma_start3A_471 = tpu.memref_squeeze %dma_start3A_470 : memref<1x80xi32, #tpu.memory_space<vmem>> -> memref<80xi32, #tpu.memory_space<vmem>>
      %dma_start3A_472 = arith.constant 0 : i32
      %dma_start3A_473 = arith.constant 0 : i32
      %dma_start3A_474 = tpu.memref_slice %arg2[%dma_start3A_472, %dma_start3A_473] : memref<20000x96xf32, #tpu.memory_space<hbm>> -> memref<20000x96xf32, #tpu.memory_space<hbm>>
      tpu.enqueue_indirect_dma source(%dma_start3A_474 : memref<20000x96xf32, #tpu.memory_space<hbm>>) target(%arg11 : memref<80x96xf32, #tpu.memory_space<vmem>>) offsets(%dma_start3A_471 : memref<80xi32, #tpu.memory_space<vmem>>) semaphore(%arg18 : memref<!tpu.dma_semaphore, #tpu.memory_space<semaphore_mem>>)
      %dma_wait3A_475 = arith.constant 0 : i32
      %dma_wait3A_476 = arith.constant 0 : i32
      %dma_wait3A_477 = tpu.memref_slice %arg6[%dma_wait3A_475, %dma_wait3A_476] : memref<125x80xi32, #tpu.memory_space<vmem>> -> memref<1x80xi32, #tpu.memory_space<vmem>>
      %dma_wait3A_478 = tpu.memref_squeeze %dma_wait3A_477 : memref<1x80xi32, #tpu.memory_space<vmem>> -> memref<80xi32, #tpu.memory_space<vmem>>
      %dma_wait3A_479 = arith.constant 0 : i32
      %dma_wait3A_480 = arith.constant 0 : i32
      %dma_wait3A_481 = tpu.memref_slice %arg2[%dma_wait3A_479, %dma_wait3A_480] : memref<20000x96xf32, #tpu.memory_space<hbm>> -> memref<20000x96xf32, #tpu.memory_space<hbm>>
      tpu.wait_indirect_dma semaphore(%arg24 : memref<!tpu.dma_semaphore, #tpu.memory_space<semaphore_mem>>) src(%dma_wait3A_481 : memref<20000x96xf32, #tpu.memory_space<hbm>>) dst(%arg12 : memref<80x96xf32, #tpu.memory_space<vmem>>)
      %add3A_482 = arith.constant 5 : i32
      %add3A_483 = arith.addi %mul3A_331, %add3A_482 : i32
      %add3A_484 = arith.constant 4 : i32
      %add3A_485 = arith.addi %add3A_483, %add3A_484 : i32
      %dma_start3A_486 = arith.constant 0 : i32
      %dma_start3A_487 = tpu.memref_slice %arg6[%add3A_485, %dma_start3A_486] : memref<125x80xi32, #tpu.memory_space<vmem>> -> memref<1x80xi32, #tpu.memory_space<vmem>>
      %dma_start3A_488 = tpu.memref_squeeze %dma_start3A_487 : memref<1x80xi32, #tpu.memory_space<vmem>> -> memref<80xi32, #tpu.memory_space<vmem>>
      %dma_start3A_489 = arith.constant 0 : i32
      %dma_start3A_490 = arith.constant 0 : i32
      %dma_start3A_491 = tpu.memref_slice %arg2[%dma_start3A_489, %dma_start3A_490] : memref<20000x96xf32, #tpu.memory_space<hbm>> -> memref<20000x96xf32, #tpu.memory_space<hbm>>
      tpu.enqueue_indirect_dma source(%dma_start3A_491 : memref<20000x96xf32, #tpu.memory_space<hbm>>) target(%arg12 : memref<80x96xf32, #tpu.memory_space<vmem>>) offsets(%dma_start3A_488 : memref<80xi32, #tpu.memory_space<vmem>>) semaphore(%arg19 : memref<!tpu.dma_semaphore, #tpu.memory_space<semaphore_mem>>)
    }
    %scan3A_56 = arith.constant 24 : i32
    %dma_wait3A = arith.constant 0 : i32
    %dma_wait3A_57 = arith.constant 0 : i32
    %dma_wait3A_58 = tpu.memref_slice %arg6[%dma_wait3A, %dma_wait3A_57] : memref<125x80xi32, #tpu.memory_space<vmem>> -> memref<1x80xi32, #tpu.memory_space<vmem>>
    %dma_wait3A_59 = tpu.memref_squeeze %dma_wait3A_58 : memref<1x80xi32, #tpu.memory_space<vmem>> -> memref<80xi32, #tpu.memory_space<vmem>>
    %dma_wait3A_60 = arith.constant 0 : i32
    %dma_wait3A_61 = arith.constant 0 : i32
    %dma_wait3A_62 = tpu.memref_slice %arg2[%dma_wait3A_60, %dma_wait3A_61] : memref<20000x96xf32, #tpu.memory_space<hbm>> -> memref<20000x96xf32, #tpu.memory_space<hbm>>
    tpu.wait_indirect_dma semaphore(%arg15 : memref<!tpu.dma_semaphore, #tpu.memory_space<semaphore_mem>>) src(%dma_wait3A_62 : memref<20000x96xf32, #tpu.memory_space<hbm>>) dst(%arg8 : memref<80x96xf32, #tpu.memory_space<vmem>>)
    %dma_start3A_63 = arith.constant 120 : i32
    %dma_start3A_64 = arith.constant 0 : i32
    %dma_start3A_65 = tpu.memref_slice %arg7[%dma_start3A_63, %dma_start3A_64] : memref<125x80xi32, #tpu.memory_space<vmem>> -> memref<1x80xi32, #tpu.memory_space<vmem>>
    %dma_start3A_66 = tpu.memref_squeeze %dma_start3A_65 : memref<1x80xi32, #tpu.memory_space<vmem>> -> memref<80xi32, #tpu.memory_space<vmem>>
    %dma_start3A_67 = arith.constant 0 : i32
    %dma_start3A_68 = arith.constant 0 : i32
    %dma_start3A_69 = tpu.memref_slice %arg14[%dma_start3A_67, %dma_start3A_68] : memref<10000x96xf32, #tpu.memory_space<vmem_shared>> -> memref<10000x96xf32, #tpu.memory_space<vmem_shared>>
    tpu.enqueue_indirect_dma source(%arg8 : memref<80x96xf32, #tpu.memory_space<vmem>>) target(%dma_start3A_69 : memref<10000x96xf32, #tpu.memory_space<vmem_shared>>) offsets(%dma_start3A_66 : memref<80xi32, #tpu.memory_space<vmem>>) semaphore(%arg20 : memref<!tpu.dma_semaphore, #tpu.memory_space<semaphore_mem>>) {add = true}
    %dma_wait3A_70 = arith.constant 0 : i32
    %dma_wait3A_71 = arith.constant 0 : i32
    %dma_wait3A_72 = tpu.memref_slice %arg6[%dma_wait3A_70, %dma_wait3A_71] : memref<125x80xi32, #tpu.memory_space<vmem>> -> memref<1x80xi32, #tpu.memory_space<vmem>>
    %dma_wait3A_73 = tpu.memref_squeeze %dma_wait3A_72 : memref<1x80xi32, #tpu.memory_space<vmem>> -> memref<80xi32, #tpu.memory_space<vmem>>
    %dma_wait3A_74 = arith.constant 0 : i32
    %dma_wait3A_75 = arith.constant 0 : i32
    %dma_wait3A_76 = tpu.memref_slice %arg2[%dma_wait3A_74, %dma_wait3A_75] : memref<20000x96xf32, #tpu.memory_space<hbm>> -> memref<20000x96xf32, #tpu.memory_space<hbm>>
    tpu.wait_indirect_dma semaphore(%arg16 : memref<!tpu.dma_semaphore, #tpu.memory_space<semaphore_mem>>) src(%dma_wait3A_76 : memref<20000x96xf32, #tpu.memory_space<hbm>>) dst(%arg9 : memref<80x96xf32, #tpu.memory_space<vmem>>)
    %dma_start3A_77 = arith.constant 121 : i32
    %dma_start3A_78 = arith.constant 0 : i32
    %dma_start3A_79 = tpu.memref_slice %arg7[%dma_start3A_77, %dma_start3A_78] : memref<125x80xi32, #tpu.memory_space<vmem>> -> memref<1x80xi32, #tpu.memory_space<vmem>>
    %dma_start3A_80 = tpu.memref_squeeze %dma_start3A_79 : memref<1x80xi32, #tpu.memory_space<vmem>> -> memref<80xi32, #tpu.memory_space<vmem>>
    %dma_start3A_81 = arith.constant 0 : i32
    %dma_start3A_82 = arith.constant 0 : i32
    %dma_start3A_83 = tpu.memref_slice %arg14[%dma_start3A_81, %dma_start3A_82] : memref<10000x96xf32, #tpu.memory_space<vmem_shared>> -> memref<10000x96xf32, #tpu.memory_space<vmem_shared>>
    tpu.enqueue_indirect_dma source(%arg9 : memref<80x96xf32, #tpu.memory_space<vmem>>) target(%dma_start3A_83 : memref<10000x96xf32, #tpu.memory_space<vmem_shared>>) offsets(%dma_start3A_80 : memref<80xi32, #tpu.memory_space<vmem>>) semaphore(%arg21 : memref<!tpu.dma_semaphore, #tpu.memory_space<semaphore_mem>>) {add = true}
    %dma_wait3A_84 = arith.constant 0 : i32
    %dma_wait3A_85 = arith.constant 0 : i32
    %dma_wait3A_86 = tpu.memref_slice %arg6[%dma_wait3A_84, %dma_wait3A_85] : memref<125x80xi32, #tpu.memory_space<vmem>> -> memref<1x80xi32, #tpu.memory_space<vmem>>
    %dma_wait3A_87 = tpu.memref_squeeze %dma_wait3A_86 : memref<1x80xi32, #tpu.memory_space<vmem>> -> memref<80xi32, #tpu.memory_space<vmem>>
    %dma_wait3A_88 = arith.constant 0 : i32
    %dma_wait3A_89 = arith.constant 0 : i32
    %dma_wait3A_90 = tpu.memref_slice %arg2[%dma_wait3A_88, %dma_wait3A_89] : memref<20000x96xf32, #tpu.memory_space<hbm>> -> memref<20000x96xf32, #tpu.memory_space<hbm>>
    tpu.wait_indirect_dma semaphore(%arg17 : memref<!tpu.dma_semaphore, #tpu.memory_space<semaphore_mem>>) src(%dma_wait3A_90 : memref<20000x96xf32, #tpu.memory_space<hbm>>) dst(%arg10 : memref<80x96xf32, #tpu.memory_space<vmem>>)
    %dma_start3A_91 = arith.constant 122 : i32
    %dma_start3A_92 = arith.constant 0 : i32
    %dma_start3A_93 = tpu.memref_slice %arg7[%dma_start3A_91, %dma_start3A_92] : memref<125x80xi32, #tpu.memory_space<vmem>> -> memref<1x80xi32, #tpu.memory_space<vmem>>
    %dma_start3A_94 = tpu.memref_squeeze %dma_start3A_93 : memref<1x80xi32, #tpu.memory_space<vmem>> -> memref<80xi32, #tpu.memory_space<vmem>>
    %dma_start3A_95 = arith.constant 0 : i32
    %dma_start3A_96 = arith.constant 0 : i32
    %dma_start3A_97 = tpu.memref_slice %arg14[%dma_start3A_95, %dma_start3A_96] : memref<10000x96xf32, #tpu.memory_space<vmem_shared>> -> memref<10000x96xf32, #tpu.memory_space<vmem_shared>>
    tpu.enqueue_indirect_dma source(%arg10 : memref<80x96xf32, #tpu.memory_space<vmem>>) target(%dma_start3A_97 : memref<10000x96xf32, #tpu.memory_space<vmem_shared>>) offsets(%dma_start3A_94 : memref<80xi32, #tpu.memory_space<vmem>>) semaphore(%arg22 : memref<!tpu.dma_semaphore, #tpu.memory_space<semaphore_mem>>) {add = true}
    %dma_wait3A_98 = arith.constant 0 : i32
    %dma_wait3A_99 = arith.constant 0 : i32
    %dma_wait3A_100 = tpu.memref_slice %arg6[%dma_wait3A_98, %dma_wait3A_99] : memref<125x80xi32, #tpu.memory_space<vmem>> -> memref<1x80xi32, #tpu.memory_space<vmem>>
    %dma_wait3A_101 = tpu.memref_squeeze %dma_wait3A_100 : memref<1x80xi32, #tpu.memory_space<vmem>> -> memref<80xi32, #tpu.memory_space<vmem>>
    %dma_wait3A_102 = arith.constant 0 : i32
    %dma_wait3A_103 = arith.constant 0 : i32
    %dma_wait3A_104 = tpu.memref_slice %arg2[%dma_wait3A_102, %dma_wait3A_103] : memref<20000x96xf32, #tpu.memory_space<hbm>> -> memref<20000x96xf32, #tpu.memory_space<hbm>>
    tpu.wait_indirect_dma semaphore(%arg18 : memref<!tpu.dma_semaphore, #tpu.memory_space<semaphore_mem>>) src(%dma_wait3A_104 : memref<20000x96xf32, #tpu.memory_space<hbm>>) dst(%arg11 : memref<80x96xf32, #tpu.memory_space<vmem>>)
    %dma_start3A_105 = arith.constant 123 : i32
    %dma_start3A_106 = arith.constant 0 : i32
    %dma_start3A_107 = tpu.memref_slice %arg7[%dma_start3A_105, %dma_start3A_106] : memref<125x80xi32, #tpu.memory_space<vmem>> -> memref<1x80xi32, #tpu.memory_space<vmem>>
    %dma_start3A_108 = tpu.memref_squeeze %dma_start3A_107 : memref<1x80xi32, #tpu.memory_space<vmem>> -> memref<80xi32, #tpu.memory_space<vmem>>
    %dma_start3A_109 = arith.constant 0 : i32
    %dma_start3A_110 = arith.constant 0 : i32
    %dma_start3A_111 = tpu.memref_slice %arg14[%dma_start3A_109, %dma_start3A_110] : memref<10000x96xf32, #tpu.memory_space<vmem_shared>> -> memref<10000x96xf32, #tpu.memory_space<vmem_shared>>
    tpu.enqueue_indirect_dma source(%arg11 : memref<80x96xf32, #tpu.memory_space<vmem>>) target(%dma_start3A_111 : memref<10000x96xf32, #tpu.memory_space<vmem_shared>>) offsets(%dma_start3A_108 : memref<80xi32, #tpu.memory_space<vmem>>) semaphore(%arg23 : memref<!tpu.dma_semaphore, #tpu.memory_space<semaphore_mem>>) {add = true}
    %dma_wait3A_112 = arith.constant 0 : i32
    %dma_wait3A_113 = arith.constant 0 : i32
    %dma_wait3A_114 = tpu.memref_slice %arg6[%dma_wait3A_112, %dma_wait3A_113] : memref<125x80xi32, #tpu.memory_space<vmem>> -> memref<1x80xi32, #tpu.memory_space<vmem>>
    %dma_wait3A_115 = tpu.memref_squeeze %dma_wait3A_114 : memref<1x80xi32, #tpu.memory_space<vmem>> -> memref<80xi32, #tpu.memory_space<vmem>>
    %dma_wait3A_116 = arith.constant 0 : i32
    %dma_wait3A_117 = arith.constant 0 : i32
    %dma_wait3A_118 = tpu.memref_slice %arg2[%dma_wait3A_116, %dma_wait3A_117] : memref<20000x96xf32, #tpu.memory_space<hbm>> -> memref<20000x96xf32, #tpu.memory_space<hbm>>
    tpu.wait_indirect_dma semaphore(%arg19 : memref<!tpu.dma_semaphore, #tpu.memory_space<semaphore_mem>>) src(%dma_wait3A_118 : memref<20000x96xf32, #tpu.memory_space<hbm>>) dst(%arg12 : memref<80x96xf32, #tpu.memory_space<vmem>>)
    %dma_start3A_119 = arith.constant 124 : i32
    %dma_start3A_120 = arith.constant 0 : i32
    %dma_start3A_121 = tpu.memref_slice %arg7[%dma_start3A_119, %dma_start3A_120] : memref<125x80xi32, #tpu.memory_space<vmem>> -> memref<1x80xi32, #tpu.memory_space<vmem>>
    %dma_start3A_122 = tpu.memref_squeeze %dma_start3A_121 : memref<1x80xi32, #tpu.memory_space<vmem>> -> memref<80xi32, #tpu.memory_space<vmem>>
    %dma_start3A_123 = arith.constant 0 : i32
    %dma_start3A_124 = arith.constant 0 : i32
    %dma_start3A_125 = tpu.memref_slice %arg14[%dma_start3A_123, %dma_start3A_124] : memref<10000x96xf32, #tpu.memory_space<vmem_shared>> -> memref<10000x96xf32, #tpu.memory_space<vmem_shared>>
    tpu.enqueue_indirect_dma source(%arg12 : memref<80x96xf32, #tpu.memory_space<vmem>>) target(%dma_start3A_125 : memref<10000x96xf32, #tpu.memory_space<vmem_shared>>) offsets(%dma_start3A_122 : memref<80xi32, #tpu.memory_space<vmem>>) semaphore(%arg24 : memref<!tpu.dma_semaphore, #tpu.memory_space<semaphore_mem>>) {add = true}
    %dma_wait3A_126 = arith.constant 0 : i32
    %dma_wait3A_127 = arith.constant 0 : i32
    %dma_wait3A_128 = tpu.memref_slice %arg6[%dma_wait3A_126, %dma_wait3A_127] : memref<125x80xi32, #tpu.memory_space<vmem>> -> memref<1x80xi32, #tpu.memory_space<vmem>>
    %dma_wait3A_129 = tpu.memref_squeeze %dma_wait3A_128 : memref<1x80xi32, #tpu.memory_space<vmem>> -> memref<80xi32, #tpu.memory_space<vmem>>
    %dma_wait3A_130 = arith.constant 0 : i32
    %dma_wait3A_131 = arith.constant 0 : i32
    %dma_wait3A_132 = tpu.memref_slice %arg2[%dma_wait3A_130, %dma_wait3A_131] : memref<20000x96xf32, #tpu.memory_space<hbm>> -> memref<20000x96xf32, #tpu.memory_space<hbm>>
    tpu.wait_indirect_dma semaphore(%arg20 : memref<!tpu.dma_semaphore, #tpu.memory_space<semaphore_mem>>) src(%dma_wait3A_132 : memref<20000x96xf32, #tpu.memory_space<hbm>>) dst(%arg8 : memref<80x96xf32, #tpu.memory_space<vmem>>)
    %dma_wait3A_133 = arith.constant 0 : i32
    %dma_wait3A_134 = arith.constant 0 : i32
    %dma_wait3A_135 = tpu.memref_slice %arg6[%dma_wait3A_133, %dma_wait3A_134] : memref<125x80xi32, #tpu.memory_space<vmem>> -> memref<1x80xi32, #tpu.memory_space<vmem>>
    %dma_wait3A_136 = tpu.memref_squeeze %dma_wait3A_135 : memref<1x80xi32, #tpu.memory_space<vmem>> -> memref<80xi32, #tpu.memory_space<vmem>>
    %dma_wait3A_137 = arith.constant 0 : i32
    %dma_wait3A_138 = arith.constant 0 : i32
    %dma_wait3A_139 = tpu.memref_slice %arg2[%dma_wait3A_137, %dma_wait3A_138] : memref<20000x96xf32, #tpu.memory_space<hbm>> -> memref<20000x96xf32, #tpu.memory_space<hbm>>
    tpu.wait_indirect_dma semaphore(%arg21 : memref<!tpu.dma_semaphore, #tpu.memory_space<semaphore_mem>>) src(%dma_wait3A_139 : memref<20000x96xf32, #tpu.memory_space<hbm>>) dst(%arg9 : memref<80x96xf32, #tpu.memory_space<vmem>>)
    %dma_wait3A_140 = arith.constant 0 : i32
    %dma_wait3A_141 = arith.constant 0 : i32
    %dma_wait3A_142 = tpu.memref_slice %arg6[%dma_wait3A_140, %dma_wait3A_141] : memref<125x80xi32, #tpu.memory_space<vmem>> -> memref<1x80xi32, #tpu.memory_space<vmem>>
    %dma_wait3A_143 = tpu.memref_squeeze %dma_wait3A_142 : memref<1x80xi32, #tpu.memory_space<vmem>> -> memref<80xi32, #tpu.memory_space<vmem>>
    %dma_wait3A_144 = arith.constant 0 : i32
    %dma_wait3A_145 = arith.constant 0 : i32
    %dma_wait3A_146 = tpu.memref_slice %arg2[%dma_wait3A_144, %dma_wait3A_145] : memref<20000x96xf32, #tpu.memory_space<hbm>> -> memref<20000x96xf32, #tpu.memory_space<hbm>>
    tpu.wait_indirect_dma semaphore(%arg22 : memref<!tpu.dma_semaphore, #tpu.memory_space<semaphore_mem>>) src(%dma_wait3A_146 : memref<20000x96xf32, #tpu.memory_space<hbm>>) dst(%arg10 : memref<80x96xf32, #tpu.memory_space<vmem>>)
    %dma_wait3A_147 = arith.constant 0 : i32
    %dma_wait3A_148 = arith.constant 0 : i32
    %dma_wait3A_149 = tpu.memref_slice %arg6[%dma_wait3A_147, %dma_wait3A_148] : memref<125x80xi32, #tpu.memory_space<vmem>> -> memref<1x80xi32, #tpu.memory_space<vmem>>
    %dma_wait3A_150 = tpu.memref_squeeze %dma_wait3A_149 : memref<1x80xi32, #tpu.memory_space<vmem>> -> memref<80xi32, #tpu.memory_space<vmem>>
    %dma_wait3A_151 = arith.constant 0 : i32
    %dma_wait3A_152 = arith.constant 0 : i32
    %dma_wait3A_153 = tpu.memref_slice %arg2[%dma_wait3A_151, %dma_wait3A_152] : memref<20000x96xf32, #tpu.memory_space<hbm>> -> memref<20000x96xf32, #tpu.memory_space<hbm>>
    tpu.wait_indirect_dma semaphore(%arg23 : memref<!tpu.dma_semaphore, #tpu.memory_space<semaphore_mem>>) src(%dma_wait3A_153 : memref<20000x96xf32, #tpu.memory_space<hbm>>) dst(%arg11 : memref<80x96xf32, #tpu.memory_space<vmem>>)
    %dma_wait3A_154 = arith.constant 0 : i32
    %dma_wait3A_155 = arith.constant 0 : i32
    %dma_wait3A_156 = tpu.memref_slice %arg6[%dma_wait3A_154, %dma_wait3A_155] : memref<125x80xi32, #tpu.memory_space<vmem>> -> memref<1x80xi32, #tpu.memory_space<vmem>>
    %dma_wait3A_157 = tpu.memref_squeeze %dma_wait3A_156 : memref<1x80xi32, #tpu.memory_space<vmem>> -> memref<80xi32, #tpu.memory_space<vmem>>
    %dma_wait3A_158 = arith.constant 0 : i32
    %dma_wait3A_159 = arith.constant 0 : i32
    %dma_wait3A_160 = tpu.memref_slice %arg2[%dma_wait3A_158, %dma_wait3A_159] : memref<20000x96xf32, #tpu.memory_space<hbm>> -> memref<20000x96xf32, #tpu.memory_space<hbm>>
    tpu.wait_indirect_dma semaphore(%arg24 : memref<!tpu.dma_semaphore, #tpu.memory_space<semaphore_mem>>) src(%dma_wait3A_160 : memref<20000x96xf32, #tpu.memory_space<hbm>>) dst(%arg12 : memref<80x96xf32, #tpu.memory_space<vmem>>)
    %mul3A_161 = arith.constant 16 : i32
    %mul3A_162 = arith.muli %arg0, %mul3A_161 : i32
    %add3A_163 = arith.addi %mul3A_162, %arg1 : i32
    %mul3A_164 = arith.constant 250 : i32
    %mul3A_165 = arith.muli %add3A_163, %mul3A_164 : i32
    %add3A_166 = arith.constant 125 : i32
    %add3A_167 = arith.addi %mul3A_165, %add3A_166 : i32
    "tpu.region"() ({
      %run_scoped3A = tpu.sem_alloc : memref<!tpu.dma_semaphore, #tpu.memory_space<semaphore_mem>>
      %dma_start3A_325 = arith.constant 0 : i32
      %dma_start3A_326 = tpu.memref_slice %arg3[%add3A_167, %dma_start3A_325] : memref<8000x80xi32, #tpu.memory_space<hbm>> -> memref<125x80xi32, #tpu.memory_space<hbm>>
      %dma_start3A_327 = arith.constant 0 : i32
      %dma_start3A_328 = tpu.memref_slice %arg3[%add3A_167, %dma_start3A_327] : memref<8000x80xi32, #tpu.memory_space<hbm>> -> memref<125x80xi32, #tpu.memory_space<hbm>>
      tpu.enqueue_dma source(%dma_start3A_328 : memref<125x80xi32, #tpu.memory_space<hbm>>) target(%arg6 : memref<125x80xi32, #tpu.memory_space<vmem>>) target_semaphore(%run_scoped3A : memref<!tpu.dma_semaphore, #tpu.memory_space<semaphore_mem>>)
      %dma_wait3A_329 = arith.constant 0 : i32
      %dma_wait3A_330 = tpu.memref_slice %arg3[%add3A_167, %dma_wait3A_329] : memref<8000x80xi32, #tpu.memory_space<hbm>> -> memref<125x80xi32, #tpu.memory_space<hbm>>
      %dma_wait3A_331 = arith.constant 0 : i32
      %dma_wait3A_332 = tpu.memref_slice %arg3[%add3A_167, %dma_wait3A_331] : memref<8000x80xi32, #tpu.memory_space<hbm>> -> memref<125x80xi32, #tpu.memory_space<hbm>>
      tpu.wait_dma2 semaphore(%run_scoped3A : memref<!tpu.dma_semaphore, #tpu.memory_space<semaphore_mem>>) src(%dma_wait3A_332 : memref<125x80xi32, #tpu.memory_space<hbm>>) dst(%arg6 : memref<125x80xi32, #tpu.memory_space<vmem>>)
      tpu.yield
    }) : () -> ()
    %mul3A_168 = arith.constant 250 : i32
    %mul3A_169 = arith.muli %arg1, %mul3A_168 : i32
    %add3A_170 = arith.constant 125 : i32
    %add3A_171 = arith.addi %mul3A_169, %add3A_170 : i32
    "tpu.region"() ({
      %run_scoped3A = tpu.sem_alloc : memref<!tpu.dma_semaphore, #tpu.memory_space<semaphore_mem>>
      %dma_start3A_325 = arith.constant 0 : i32
      %dma_start3A_326 = tpu.memref_slice %arg4[%add3A_171, %dma_start3A_325] : memref<4000x80xi32, #tpu.memory_space<hbm>> -> memref<125x80xi32, #tpu.memory_space<hbm>>
      %dma_start3A_327 = arith.constant 0 : i32
      %dma_start3A_328 = tpu.memref_slice %arg4[%add3A_171, %dma_start3A_327] : memref<4000x80xi32, #tpu.memory_space<hbm>> -> memref<125x80xi32, #tpu.memory_space<hbm>>
      tpu.enqueue_dma source(%dma_start3A_328 : memref<125x80xi32, #tpu.memory_space<hbm>>) target(%arg7 : memref<125x80xi32, #tpu.memory_space<vmem>>) target_semaphore(%run_scoped3A : memref<!tpu.dma_semaphore, #tpu.memory_space<semaphore_mem>>)
      %dma_wait3A_329 = arith.constant 0 : i32
      %dma_wait3A_330 = tpu.memref_slice %arg4[%add3A_171, %dma_wait3A_329] : memref<4000x80xi32, #tpu.memory_space<hbm>> -> memref<125x80xi32, #tpu.memory_space<hbm>>
      %dma_wait3A_331 = arith.constant 0 : i32
      %dma_wait3A_332 = tpu.memref_slice %arg4[%add3A_171, %dma_wait3A_331] : memref<4000x80xi32, #tpu.memory_space<hbm>> -> memref<125x80xi32, #tpu.memory_space<hbm>>
      tpu.wait_dma2 semaphore(%run_scoped3A : memref<!tpu.dma_semaphore, #tpu.memory_space<semaphore_mem>>) src(%dma_wait3A_332 : memref<125x80xi32, #tpu.memory_space<hbm>>) dst(%arg7 : memref<125x80xi32, #tpu.memory_space<vmem>>)
      tpu.yield
    }) : () -> ()
    %dma_start3A_172 = arith.constant 0 : i32
    %dma_start3A_173 = arith.constant 0 : i32
    %dma_start3A_174 = tpu.memref_slice %arg6[%dma_start3A_172, %dma_start3A_173] : memref<125x80xi32, #tpu.memory_space<vmem>> -> memref<1x80xi32, #tpu.memory_space<vmem>>
    %dma_start3A_175 = tpu.memref_squeeze %dma_start3A_174 : memref<1x80xi32, #tpu.memory_space<vmem>> -> memref<80xi32, #tpu.memory_space<vmem>>
    %dma_start3A_176 = arith.constant 0 : i32
    %dma_start3A_177 = arith.constant 0 : i32
    %dma_start3A_178 = tpu.memref_slice %arg2[%dma_start3A_176, %dma_start3A_177] : memref<20000x96xf32, #tpu.memory_space<hbm>> -> memref<20000x96xf32, #tpu.memory_space<hbm>>
    tpu.enqueue_indirect_dma source(%dma_start3A_178 : memref<20000x96xf32, #tpu.memory_space<hbm>>) target(%arg8 : memref<80x96xf32, #tpu.memory_space<vmem>>) offsets(%dma_start3A_175 : memref<80xi32, #tpu.memory_space<vmem>>) semaphore(%arg15 : memref<!tpu.dma_semaphore, #tpu.memory_space<semaphore_mem>>)
    %dma_start3A_179 = arith.constant 1 : i32
    %dma_start3A_180 = arith.constant 0 : i32
    %dma_start3A_181 = tpu.memref_slice %arg6[%dma_start3A_179, %dma_start3A_180] : memref<125x80xi32, #tpu.memory_space<vmem>> -> memref<1x80xi32, #tpu.memory_space<vmem>>
    %dma_start3A_182 = tpu.memref_squeeze %dma_start3A_181 : memref<1x80xi32, #tpu.memory_space<vmem>> -> memref<80xi32, #tpu.memory_space<vmem>>
    %dma_start3A_183 = arith.constant 0 : i32
    %dma_start3A_184 = arith.constant 0 : i32
    %dma_start3A_185 = tpu.memref_slice %arg2[%dma_start3A_183, %dma_start3A_184] : memref<20000x96xf32, #tpu.memory_space<hbm>> -> memref<20000x96xf32, #tpu.memory_space<hbm>>
    tpu.enqueue_indirect_dma source(%dma_start3A_185 : memref<20000x96xf32, #tpu.memory_space<hbm>>) target(%arg9 : memref<80x96xf32, #tpu.memory_space<vmem>>) offsets(%dma_start3A_182 : memref<80xi32, #tpu.memory_space<vmem>>) semaphore(%arg16 : memref<!tpu.dma_semaphore, #tpu.memory_space<semaphore_mem>>)
    %dma_start3A_186 = arith.constant 2 : i32
    %dma_start3A_187 = arith.constant 0 : i32
    %dma_start3A_188 = tpu.memref_slice %arg6[%dma_start3A_186, %dma_start3A_187] : memref<125x80xi32, #tpu.memory_space<vmem>> -> memref<1x80xi32, #tpu.memory_space<vmem>>
    %dma_start3A_189 = tpu.memref_squeeze %dma_start3A_188 : memref<1x80xi32, #tpu.memory_space<vmem>> -> memref<80xi32, #tpu.memory_space<vmem>>
    %dma_start3A_190 = arith.constant 0 : i32
    %dma_start3A_191 = arith.constant 0 : i32
    %dma_start3A_192 = tpu.memref_slice %arg2[%dma_start3A_190, %dma_start3A_191] : memref<20000x96xf32, #tpu.memory_space<hbm>> -> memref<20000x96xf32, #tpu.memory_space<hbm>>
    tpu.enqueue_indirect_dma source(%dma_start3A_192 : memref<20000x96xf32, #tpu.memory_space<hbm>>) target(%arg10 : memref<80x96xf32, #tpu.memory_space<vmem>>) offsets(%dma_start3A_189 : memref<80xi32, #tpu.memory_space<vmem>>) semaphore(%arg17 : memref<!tpu.dma_semaphore, #tpu.memory_space<semaphore_mem>>)
    %dma_start3A_193 = arith.constant 3 : i32
    %dma_start3A_194 = arith.constant 0 : i32
    %dma_start3A_195 = tpu.memref_slice %arg6[%dma_start3A_193, %dma_start3A_194] : memref<125x80xi32, #tpu.memory_space<vmem>> -> memref<1x80xi32, #tpu.memory_space<vmem>>
    %dma_start3A_196 = tpu.memref_squeeze %dma_start3A_195 : memref<1x80xi32, #tpu.memory_space<vmem>> -> memref<80xi32, #tpu.memory_space<vmem>>
    %dma_start3A_197 = arith.constant 0 : i32
    %dma_start3A_198 = arith.constant 0 : i32
    %dma_start3A_199 = tpu.memref_slice %arg2[%dma_start3A_197, %dma_start3A_198] : memref<20000x96xf32, #tpu.memory_space<hbm>> -> memref<20000x96xf32, #tpu.memory_space<hbm>>
    tpu.enqueue_indirect_dma source(%dma_start3A_199 : memref<20000x96xf32, #tpu.memory_space<hbm>>) target(%arg11 : memref<80x96xf32, #tpu.memory_space<vmem>>) offsets(%dma_start3A_196 : memref<80xi32, #tpu.memory_space<vmem>>) semaphore(%arg18 : memref<!tpu.dma_semaphore, #tpu.memory_space<semaphore_mem>>)
    %dma_start3A_200 = arith.constant 4 : i32
    %dma_start3A_201 = arith.constant 0 : i32
    %dma_start3A_202 = tpu.memref_slice %arg6[%dma_start3A_200, %dma_start3A_201] : memref<125x80xi32, #tpu.memory_space<vmem>> -> memref<1x80xi32, #tpu.memory_space<vmem>>
    %dma_start3A_203 = tpu.memref_squeeze %dma_start3A_202 : memref<1x80xi32, #tpu.memory_space<vmem>> -> memref<80xi32, #tpu.memory_space<vmem>>
    %dma_start3A_204 = arith.constant 0 : i32
    %dma_start3A_205 = arith.constant 0 : i32
    %dma_start3A_206 = tpu.memref_slice %arg2[%dma_start3A_204, %dma_start3A_205] : memref<20000x96xf32, #tpu.memory_space<hbm>> -> memref<20000x96xf32, #tpu.memory_space<hbm>>
    tpu.enqueue_indirect_dma source(%dma_start3A_206 : memref<20000x96xf32, #tpu.memory_space<hbm>>) target(%arg12 : memref<80x96xf32, #tpu.memory_space<vmem>>) offsets(%dma_start3A_203 : memref<80xi32, #tpu.memory_space<vmem>>) semaphore(%arg19 : memref<!tpu.dma_semaphore, #tpu.memory_space<semaphore_mem>>)
    %scan3A_207 = arith.constant 0 : i32
    %scan3A_208 = arith.constant 24 : i32
    %scan3A_209 = arith.addi %scan3A_207, %scan3A_208 : i32
    %scan3A_210 = arith.constant 1 : i32
    scf.for %scan3A_325 = %scan3A_207 to %scan3A_209 step %scan3A_210  : i32 {
      %mul3A_326 = arith.constant 1 : i32
      %mul3A_327 = arith.muli %scan3A_325, %mul3A_326 : i32
      %add3A_328 = arith.constant 0 : i32
      %add3A_329 = arith.addi %add3A_328, %mul3A_327 : i32
      %mul3A_330 = arith.constant 5 : i32
      %mul3A_331 = arith.muli %mul3A_330, %add3A_329 : i32
      %dma_wait3A_332 = arith.constant 0 : i32
      %dma_wait3A_333 = arith.constant 0 : i32
      %dma_wait3A_334 = tpu.memref_slice %arg6[%dma_wait3A_332, %dma_wait3A_333] : memref<125x80xi32, #tpu.memory_space<vmem>> -> memref<1x80xi32, #tpu.memory_space<vmem>>
      %dma_wait3A_335 = tpu.memref_squeeze %dma_wait3A_334 : memref<1x80xi32, #tpu.memory_space<vmem>> -> memref<80xi32, #tpu.memory_space<vmem>>
      %dma_wait3A_336 = arith.constant 0 : i32
      %dma_wait3A_337 = arith.constant 0 : i32
      %dma_wait3A_338 = tpu.memref_slice %arg2[%dma_wait3A_336, %dma_wait3A_337] : memref<20000x96xf32, #tpu.memory_space<hbm>> -> memref<20000x96xf32, #tpu.memory_space<hbm>>
      tpu.wait_indirect_dma semaphore(%arg15 : memref<!tpu.dma_semaphore, #tpu.memory_space<semaphore_mem>>) src(%dma_wait3A_338 : memref<20000x96xf32, #tpu.memory_space<hbm>>) dst(%arg8 : memref<80x96xf32, #tpu.memory_space<vmem>>)
      %add3A_339 = arith.constant 0 : i32
      %add3A_340 = arith.addi %mul3A_331, %add3A_339 : i32
      %dma_start3A_341 = arith.constant 0 : i32
      %dma_start3A_342 = tpu.memref_slice %arg7[%add3A_340, %dma_start3A_341] : memref<125x80xi32, #tpu.memory_space<vmem>> -> memref<1x80xi32, #tpu.memory_space<vmem>>
      %dma_start3A_343 = tpu.memref_squeeze %dma_start3A_342 : memref<1x80xi32, #tpu.memory_space<vmem>> -> memref<80xi32, #tpu.memory_space<vmem>>
      %dma_start3A_344 = arith.constant 0 : i32
      %dma_start3A_345 = arith.constant 0 : i32
      %dma_start3A_346 = tpu.memref_slice %arg14[%dma_start3A_344, %dma_start3A_345] : memref<10000x96xf32, #tpu.memory_space<vmem_shared>> -> memref<10000x96xf32, #tpu.memory_space<vmem_shared>>
      tpu.enqueue_indirect_dma source(%arg8 : memref<80x96xf32, #tpu.memory_space<vmem>>) target(%dma_start3A_346 : memref<10000x96xf32, #tpu.memory_space<vmem_shared>>) offsets(%dma_start3A_343 : memref<80xi32, #tpu.memory_space<vmem>>) semaphore(%arg20 : memref<!tpu.dma_semaphore, #tpu.memory_space<semaphore_mem>>) {add = true}
      %dma_wait3A_347 = arith.constant 0 : i32
      %dma_wait3A_348 = arith.constant 0 : i32
      %dma_wait3A_349 = tpu.memref_slice %arg6[%dma_wait3A_347, %dma_wait3A_348] : memref<125x80xi32, #tpu.memory_space<vmem>> -> memref<1x80xi32, #tpu.memory_space<vmem>>
      %dma_wait3A_350 = tpu.memref_squeeze %dma_wait3A_349 : memref<1x80xi32, #tpu.memory_space<vmem>> -> memref<80xi32, #tpu.memory_space<vmem>>
      %dma_wait3A_351 = arith.constant 0 : i32
      %dma_wait3A_352 = arith.constant 0 : i32
      %dma_wait3A_353 = tpu.memref_slice %arg2[%dma_wait3A_351, %dma_wait3A_352] : memref<20000x96xf32, #tpu.memory_space<hbm>> -> memref<20000x96xf32, #tpu.memory_space<hbm>>
      tpu.wait_indirect_dma semaphore(%arg16 : memref<!tpu.dma_semaphore, #tpu.memory_space<semaphore_mem>>) src(%dma_wait3A_353 : memref<20000x96xf32, #tpu.memory_space<hbm>>) dst(%arg9 : memref<80x96xf32, #tpu.memory_space<vmem>>)
      %add3A_354 = arith.constant 1 : i32
      %add3A_355 = arith.addi %mul3A_331, %add3A_354 : i32
      %dma_start3A_356 = arith.constant 0 : i32
      %dma_start3A_357 = tpu.memref_slice %arg7[%add3A_355, %dma_start3A_356] : memref<125x80xi32, #tpu.memory_space<vmem>> -> memref<1x80xi32, #tpu.memory_space<vmem>>
      %dma_start3A_358 = tpu.memref_squeeze %dma_start3A_357 : memref<1x80xi32, #tpu.memory_space<vmem>> -> memref<80xi32, #tpu.memory_space<vmem>>
      %dma_start3A_359 = arith.constant 0 : i32
      %dma_start3A_360 = arith.constant 0 : i32
      %dma_start3A_361 = tpu.memref_slice %arg14[%dma_start3A_359, %dma_start3A_360] : memref<10000x96xf32, #tpu.memory_space<vmem_shared>> -> memref<10000x96xf32, #tpu.memory_space<vmem_shared>>
      tpu.enqueue_indirect_dma source(%arg9 : memref<80x96xf32, #tpu.memory_space<vmem>>) target(%dma_start3A_361 : memref<10000x96xf32, #tpu.memory_space<vmem_shared>>) offsets(%dma_start3A_358 : memref<80xi32, #tpu.memory_space<vmem>>) semaphore(%arg21 : memref<!tpu.dma_semaphore, #tpu.memory_space<semaphore_mem>>) {add = true}
      %dma_wait3A_362 = arith.constant 0 : i32
      %dma_wait3A_363 = arith.constant 0 : i32
      %dma_wait3A_364 = tpu.memref_slice %arg6[%dma_wait3A_362, %dma_wait3A_363] : memref<125x80xi32, #tpu.memory_space<vmem>> -> memref<1x80xi32, #tpu.memory_space<vmem>>
      %dma_wait3A_365 = tpu.memref_squeeze %dma_wait3A_364 : memref<1x80xi32, #tpu.memory_space<vmem>> -> memref<80xi32, #tpu.memory_space<vmem>>
      %dma_wait3A_366 = arith.constant 0 : i32
      %dma_wait3A_367 = arith.constant 0 : i32
      %dma_wait3A_368 = tpu.memref_slice %arg2[%dma_wait3A_366, %dma_wait3A_367] : memref<20000x96xf32, #tpu.memory_space<hbm>> -> memref<20000x96xf32, #tpu.memory_space<hbm>>
      tpu.wait_indirect_dma semaphore(%arg17 : memref<!tpu.dma_semaphore, #tpu.memory_space<semaphore_mem>>) src(%dma_wait3A_368 : memref<20000x96xf32, #tpu.memory_space<hbm>>) dst(%arg10 : memref<80x96xf32, #tpu.memory_space<vmem>>)
      %add3A_369 = arith.constant 2 : i32
      %add3A_370 = arith.addi %mul3A_331, %add3A_369 : i32
      %dma_start3A_371 = arith.constant 0 : i32
      %dma_start3A_372 = tpu.memref_slice %arg7[%add3A_370, %dma_start3A_371] : memref<125x80xi32, #tpu.memory_space<vmem>> -> memref<1x80xi32, #tpu.memory_space<vmem>>
      %dma_start3A_373 = tpu.memref_squeeze %dma_start3A_372 : memref<1x80xi32, #tpu.memory_space<vmem>> -> memref<80xi32, #tpu.memory_space<vmem>>
      %dma_start3A_374 = arith.constant 0 : i32
      %dma_start3A_375 = arith.constant 0 : i32
      %dma_start3A_376 = tpu.memref_slice %arg14[%dma_start3A_374, %dma_start3A_375] : memref<10000x96xf32, #tpu.memory_space<vmem_shared>> -> memref<10000x96xf32, #tpu.memory_space<vmem_shared>>
      tpu.enqueue_indirect_dma source(%arg10 : memref<80x96xf32, #tpu.memory_space<vmem>>) target(%dma_start3A_376 : memref<10000x96xf32, #tpu.memory_space<vmem_shared>>) offsets(%dma_start3A_373 : memref<80xi32, #tpu.memory_space<vmem>>) semaphore(%arg22 : memref<!tpu.dma_semaphore, #tpu.memory_space<semaphore_mem>>) {add = true}
      %dma_wait3A_377 = arith.constant 0 : i32
      %dma_wait3A_378 = arith.constant 0 : i32
      %dma_wait3A_379 = tpu.memref_slice %arg6[%dma_wait3A_377, %dma_wait3A_378] : memref<125x80xi32, #tpu.memory_space<vmem>> -> memref<1x80xi32, #tpu.memory_space<vmem>>
      %dma_wait3A_380 = tpu.memref_squeeze %dma_wait3A_379 : memref<1x80xi32, #tpu.memory_space<vmem>> -> memref<80xi32, #tpu.memory_space<vmem>>
      %dma_wait3A_381 = arith.constant 0 : i32
      %dma_wait3A_382 = arith.constant 0 : i32
      %dma_wait3A_383 = tpu.memref_slice %arg2[%dma_wait3A_381, %dma_wait3A_382] : memref<20000x96xf32, #tpu.memory_space<hbm>> -> memref<20000x96xf32, #tpu.memory_space<hbm>>
      tpu.wait_indirect_dma semaphore(%arg18 : memref<!tpu.dma_semaphore, #tpu.memory_space<semaphore_mem>>) src(%dma_wait3A_383 : memref<20000x96xf32, #tpu.memory_space<hbm>>) dst(%arg11 : memref<80x96xf32, #tpu.memory_space<vmem>>)
      %add3A_384 = arith.constant 3 : i32
      %add3A_385 = arith.addi %mul3A_331, %add3A_384 : i32
      %dma_start3A_386 = arith.constant 0 : i32
      %dma_start3A_387 = tpu.memref_slice %arg7[%add3A_385, %dma_start3A_386] : memref<125x80xi32, #tpu.memory_space<vmem>> -> memref<1x80xi32, #tpu.memory_space<vmem>>
      %dma_start3A_388 = tpu.memref_squeeze %dma_start3A_387 : memref<1x80xi32, #tpu.memory_space<vmem>> -> memref<80xi32, #tpu.memory_space<vmem>>
      %dma_start3A_389 = arith.constant 0 : i32
      %dma_start3A_390 = arith.constant 0 : i32
      %dma_start3A_391 = tpu.memref_slice %arg14[%dma_start3A_389, %dma_start3A_390] : memref<10000x96xf32, #tpu.memory_space<vmem_shared>> -> memref<10000x96xf32, #tpu.memory_space<vmem_shared>>
      tpu.enqueue_indirect_dma source(%arg11 : memref<80x96xf32, #tpu.memory_space<vmem>>) target(%dma_start3A_391 : memref<10000x96xf32, #tpu.memory_space<vmem_shared>>) offsets(%dma_start3A_388 : memref<80xi32, #tpu.memory_space<vmem>>) semaphore(%arg23 : memref<!tpu.dma_semaphore, #tpu.memory_space<semaphore_mem>>) {add = true}
      %dma_wait3A_392 = arith.constant 0 : i32
      %dma_wait3A_393 = arith.constant 0 : i32
      %dma_wait3A_394 = tpu.memref_slice %arg6[%dma_wait3A_392, %dma_wait3A_393] : memref<125x80xi32, #tpu.memory_space<vmem>> -> memref<1x80xi32, #tpu.memory_space<vmem>>
      %dma_wait3A_395 = tpu.memref_squeeze %dma_wait3A_394 : memref<1x80xi32, #tpu.memory_space<vmem>> -> memref<80xi32, #tpu.memory_space<vmem>>
      %dma_wait3A_396 = arith.constant 0 : i32
      %dma_wait3A_397 = arith.constant 0 : i32
      %dma_wait3A_398 = tpu.memref_slice %arg2[%dma_wait3A_396, %dma_wait3A_397] : memref<20000x96xf32, #tpu.memory_space<hbm>> -> memref<20000x96xf32, #tpu.memory_space<hbm>>
      tpu.wait_indirect_dma semaphore(%arg19 : memref<!tpu.dma_semaphore, #tpu.memory_space<semaphore_mem>>) src(%dma_wait3A_398 : memref<20000x96xf32, #tpu.memory_space<hbm>>) dst(%arg12 : memref<80x96xf32, #tpu.memory_space<vmem>>)
      %add3A_399 = arith.constant 4 : i32
      %add3A_400 = arith.addi %mul3A_331, %add3A_399 : i32
      %dma_start3A_401 = arith.constant 0 : i32
      %dma_start3A_402 = tpu.memref_slice %arg7[%add3A_400, %dma_start3A_401] : memref<125x80xi32, #tpu.memory_space<vmem>> -> memref<1x80xi32, #tpu.memory_space<vmem>>
      %dma_start3A_403 = tpu.memref_squeeze %dma_start3A_402 : memref<1x80xi32, #tpu.memory_space<vmem>> -> memref<80xi32, #tpu.memory_space<vmem>>
      %dma_start3A_404 = arith.constant 0 : i32
      %dma_start3A_405 = arith.constant 0 : i32
      %dma_start3A_406 = tpu.memref_slice %arg14[%dma_start3A_404, %dma_start3A_405] : memref<10000x96xf32, #tpu.memory_space<vmem_shared>> -> memref<10000x96xf32, #tpu.memory_space<vmem_shared>>
      tpu.enqueue_indirect_dma source(%arg12 : memref<80x96xf32, #tpu.memory_space<vmem>>) target(%dma_start3A_406 : memref<10000x96xf32, #tpu.memory_space<vmem_shared>>) offsets(%dma_start3A_403 : memref<80xi32, #tpu.memory_space<vmem>>) semaphore(%arg24 : memref<!tpu.dma_semaphore, #tpu.memory_space<semaphore_mem>>) {add = true}
      %dma_wait3A_407 = arith.constant 0 : i32
      %dma_wait3A_408 = arith.constant 0 : i32
      %dma_wait3A_409 = tpu.memref_slice %arg6[%dma_wait3A_407, %dma_wait3A_408] : memref<125x80xi32, #tpu.memory_space<vmem>> -> memref<1x80xi32, #tpu.memory_space<vmem>>
      %dma_wait3A_410 = tpu.memref_squeeze %dma_wait3A_409 : memref<1x80xi32, #tpu.memory_space<vmem>> -> memref<80xi32, #tpu.memory_space<vmem>>
      %dma_wait3A_411 = arith.constant 0 : i32
      %dma_wait3A_412 = arith.constant 0 : i32
      %dma_wait3A_413 = tpu.memref_slice %arg2[%dma_wait3A_411, %dma_wait3A_412] : memref<20000x96xf32, #tpu.memory_space<hbm>> -> memref<20000x96xf32, #tpu.memory_space<hbm>>
      tpu.wait_indirect_dma semaphore(%arg20 : memref<!tpu.dma_semaphore, #tpu.memory_space<semaphore_mem>>) src(%dma_wait3A_413 : memref<20000x96xf32, #tpu.memory_space<hbm>>) dst(%arg8 : memref<80x96xf32, #tpu.memory_space<vmem>>)
      %add3A_414 = arith.constant 5 : i32
      %add3A_415 = arith.addi %mul3A_331, %add3A_414 : i32
      %add3A_416 = arith.constant 0 : i32
      %add3A_417 = arith.addi %add3A_415, %add3A_416 : i32
      %dma_start3A_418 = arith.constant 0 : i32
      %dma_start3A_419 = tpu.memref_slice %arg6[%add3A_417, %dma_start3A_418] : memref<125x80xi32, #tpu.memory_space<vmem>> -> memref<1x80xi32, #tpu.memory_space<vmem>>
      %dma_start3A_420 = tpu.memref_squeeze %dma_start3A_419 : memref<1x80xi32, #tpu.memory_space<vmem>> -> memref<80xi32, #tpu.memory_space<vmem>>
      %dma_start3A_421 = arith.constant 0 : i32
      %dma_start3A_422 = arith.constant 0 : i32
      %dma_start3A_423 = tpu.memref_slice %arg2[%dma_start3A_421, %dma_start3A_422] : memref<20000x96xf32, #tpu.memory_space<hbm>> -> memref<20000x96xf32, #tpu.memory_space<hbm>>
      tpu.enqueue_indirect_dma source(%dma_start3A_423 : memref<20000x96xf32, #tpu.memory_space<hbm>>) target(%arg8 : memref<80x96xf32, #tpu.memory_space<vmem>>) offsets(%dma_start3A_420 : memref<80xi32, #tpu.memory_space<vmem>>) semaphore(%arg15 : memref<!tpu.dma_semaphore, #tpu.memory_space<semaphore_mem>>)
      %dma_wait3A_424 = arith.constant 0 : i32
      %dma_wait3A_425 = arith.constant 0 : i32
      %dma_wait3A_426 = tpu.memref_slice %arg6[%dma_wait3A_424, %dma_wait3A_425] : memref<125x80xi32, #tpu.memory_space<vmem>> -> memref<1x80xi32, #tpu.memory_space<vmem>>
      %dma_wait3A_427 = tpu.memref_squeeze %dma_wait3A_426 : memref<1x80xi32, #tpu.memory_space<vmem>> -> memref<80xi32, #tpu.memory_space<vmem>>
      %dma_wait3A_428 = arith.constant 0 : i32
      %dma_wait3A_429 = arith.constant 0 : i32
      %dma_wait3A_430 = tpu.memref_slice %arg2[%dma_wait3A_428, %dma_wait3A_429] : memref<20000x96xf32, #tpu.memory_space<hbm>> -> memref<20000x96xf32, #tpu.memory_space<hbm>>
      tpu.wait_indirect_dma semaphore(%arg21 : memref<!tpu.dma_semaphore, #tpu.memory_space<semaphore_mem>>) src(%dma_wait3A_430 : memref<20000x96xf32, #tpu.memory_space<hbm>>) dst(%arg9 : memref<80x96xf32, #tpu.memory_space<vmem>>)
      %add3A_431 = arith.constant 5 : i32
      %add3A_432 = arith.addi %mul3A_331, %add3A_431 : i32
      %add3A_433 = arith.constant 1 : i32
      %add3A_434 = arith.addi %add3A_432, %add3A_433 : i32
      %dma_start3A_435 = arith.constant 0 : i32
      %dma_start3A_436 = tpu.memref_slice %arg6[%add3A_434, %dma_start3A_435] : memref<125x80xi32, #tpu.memory_space<vmem>> -> memref<1x80xi32, #tpu.memory_space<vmem>>
      %dma_start3A_437 = tpu.memref_squeeze %dma_start3A_436 : memref<1x80xi32, #tpu.memory_space<vmem>> -> memref<80xi32, #tpu.memory_space<vmem>>
      %dma_start3A_438 = arith.constant 0 : i32
      %dma_start3A_439 = arith.constant 0 : i32
      %dma_start3A_440 = tpu.memref_slice %arg2[%dma_start3A_438, %dma_start3A_439] : memref<20000x96xf32, #tpu.memory_space<hbm>> -> memref<20000x96xf32, #tpu.memory_space<hbm>>
      tpu.enqueue_indirect_dma source(%dma_start3A_440 : memref<20000x96xf32, #tpu.memory_space<hbm>>) target(%arg9 : memref<80x96xf32, #tpu.memory_space<vmem>>) offsets(%dma_start3A_437 : memref<80xi32, #tpu.memory_space<vmem>>) semaphore(%arg16 : memref<!tpu.dma_semaphore, #tpu.memory_space<semaphore_mem>>)
      %dma_wait3A_441 = arith.constant 0 : i32
      %dma_wait3A_442 = arith.constant 0 : i32
      %dma_wait3A_443 = tpu.memref_slice %arg6[%dma_wait3A_441, %dma_wait3A_442] : memref<125x80xi32, #tpu.memory_space<vmem>> -> memref<1x80xi32, #tpu.memory_space<vmem>>
      %dma_wait3A_444 = tpu.memref_squeeze %dma_wait3A_443 : memref<1x80xi32, #tpu.memory_space<vmem>> -> memref<80xi32, #tpu.memory_space<vmem>>
      %dma_wait3A_445 = arith.constant 0 : i32
      %dma_wait3A_446 = arith.constant 0 : i32
      %dma_wait3A_447 = tpu.memref_slice %arg2[%dma_wait3A_445, %dma_wait3A_446] : memref<20000x96xf32, #tpu.memory_space<hbm>> -> memref<20000x96xf32, #tpu.memory_space<hbm>>
      tpu.wait_indirect_dma semaphore(%arg22 : memref<!tpu.dma_semaphore, #tpu.memory_space<semaphore_mem>>) src(%dma_wait3A_447 : memref<20000x96xf32, #tpu.memory_space<hbm>>) dst(%arg10 : memref<80x96xf32, #tpu.memory_space<vmem>>)
      %add3A_448 = arith.constant 5 : i32
      %add3A_449 = arith.addi %mul3A_331, %add3A_448 : i32
      %add3A_450 = arith.constant 2 : i32
      %add3A_451 = arith.addi %add3A_449, %add3A_450 : i32
      %dma_start3A_452 = arith.constant 0 : i32
      %dma_start3A_453 = tpu.memref_slice %arg6[%add3A_451, %dma_start3A_452] : memref<125x80xi32, #tpu.memory_space<vmem>> -> memref<1x80xi32, #tpu.memory_space<vmem>>
      %dma_start3A_454 = tpu.memref_squeeze %dma_start3A_453 : memref<1x80xi32, #tpu.memory_space<vmem>> -> memref<80xi32, #tpu.memory_space<vmem>>
      %dma_start3A_455 = arith.constant 0 : i32
      %dma_start3A_456 = arith.constant 0 : i32
      %dma_start3A_457 = tpu.memref_slice %arg2[%dma_start3A_455, %dma_start3A_456] : memref<20000x96xf32, #tpu.memory_space<hbm>> -> memref<20000x96xf32, #tpu.memory_space<hbm>>
      tpu.enqueue_indirect_dma source(%dma_start3A_457 : memref<20000x96xf32, #tpu.memory_space<hbm>>) target(%arg10 : memref<80x96xf32, #tpu.memory_space<vmem>>) offsets(%dma_start3A_454 : memref<80xi32, #tpu.memory_space<vmem>>) semaphore(%arg17 : memref<!tpu.dma_semaphore, #tpu.memory_space<semaphore_mem>>)
      %dma_wait3A_458 = arith.constant 0 : i32
      %dma_wait3A_459 = arith.constant 0 : i32
      %dma_wait3A_460 = tpu.memref_slice %arg6[%dma_wait3A_458, %dma_wait3A_459] : memref<125x80xi32, #tpu.memory_space<vmem>> -> memref<1x80xi32, #tpu.memory_space<vmem>>
      %dma_wait3A_461 = tpu.memref_squeeze %dma_wait3A_460 : memref<1x80xi32, #tpu.memory_space<vmem>> -> memref<80xi32, #tpu.memory_space<vmem>>
      %dma_wait3A_462 = arith.constant 0 : i32
      %dma_wait3A_463 = arith.constant 0 : i32
      %dma_wait3A_464 = tpu.memref_slice %arg2[%dma_wait3A_462, %dma_wait3A_463] : memref<20000x96xf32, #tpu.memory_space<hbm>> -> memref<20000x96xf32, #tpu.memory_space<hbm>>
      tpu.wait_indirect_dma semaphore(%arg23 : memref<!tpu.dma_semaphore, #tpu.memory_space<semaphore_mem>>) src(%dma_wait3A_464 : memref<20000x96xf32, #tpu.memory_space<hbm>>) dst(%arg11 : memref<80x96xf32, #tpu.memory_space<vmem>>)
      %add3A_465 = arith.constant 5 : i32
      %add3A_466 = arith.addi %mul3A_331, %add3A_465 : i32
      %add3A_467 = arith.constant 3 : i32
      %add3A_468 = arith.addi %add3A_466, %add3A_467 : i32
      %dma_start3A_469 = arith.constant 0 : i32
      %dma_start3A_470 = tpu.memref_slice %arg6[%add3A_468, %dma_start3A_469] : memref<125x80xi32, #tpu.memory_space<vmem>> -> memref<1x80xi32, #tpu.memory_space<vmem>>
      %dma_start3A_471 = tpu.memref_squeeze %dma_start3A_470 : memref<1x80xi32, #tpu.memory_space<vmem>> -> memref<80xi32, #tpu.memory_space<vmem>>
      %dma_start3A_472 = arith.constant 0 : i32
      %dma_start3A_473 = arith.constant 0 : i32
      %dma_start3A_474 = tpu.memref_slice %arg2[%dma_start3A_472, %dma_start3A_473] : memref<20000x96xf32, #tpu.memory_space<hbm>> -> memref<20000x96xf32, #tpu.memory_space<hbm>>
      tpu.enqueue_indirect_dma source(%dma_start3A_474 : memref<20000x96xf32, #tpu.memory_space<hbm>>) target(%arg11 : memref<80x96xf32, #tpu.memory_space<vmem>>) offsets(%dma_start3A_471 : memref<80xi32, #tpu.memory_space<vmem>>) semaphore(%arg18 : memref<!tpu.dma_semaphore, #tpu.memory_space<semaphore_mem>>)
      %dma_wait3A_475 = arith.constant 0 : i32
      %dma_wait3A_476 = arith.constant 0 : i32
      %dma_wait3A_477 = tpu.memref_slice %arg6[%dma_wait3A_475, %dma_wait3A_476] : memref<125x80xi32, #tpu.memory_space<vmem>> -> memref<1x80xi32, #tpu.memory_space<vmem>>
      %dma_wait3A_478 = tpu.memref_squeeze %dma_wait3A_477 : memref<1x80xi32, #tpu.memory_space<vmem>> -> memref<80xi32, #tpu.memory_space<vmem>>
      %dma_wait3A_479 = arith.constant 0 : i32
      %dma_wait3A_480 = arith.constant 0 : i32
      %dma_wait3A_481 = tpu.memref_slice %arg2[%dma_wait3A_479, %dma_wait3A_480] : memref<20000x96xf32, #tpu.memory_space<hbm>> -> memref<20000x96xf32, #tpu.memory_space<hbm>>
      tpu.wait_indirect_dma semaphore(%arg24 : memref<!tpu.dma_semaphore, #tpu.memory_space<semaphore_mem>>) src(%dma_wait3A_481 : memref<20000x96xf32, #tpu.memory_space<hbm>>) dst(%arg12 : memref<80x96xf32, #tpu.memory_space<vmem>>)
      %add3A_482 = arith.constant 5 : i32
      %add3A_483 = arith.addi %mul3A_331, %add3A_482 : i32
      %add3A_484 = arith.constant 4 : i32
      %add3A_485 = arith.addi %add3A_483, %add3A_484 : i32
      %dma_start3A_486 = arith.constant 0 : i32
      %dma_start3A_487 = tpu.memref_slice %arg6[%add3A_485, %dma_start3A_486] : memref<125x80xi32, #tpu.memory_space<vmem>> -> memref<1x80xi32, #tpu.memory_space<vmem>>
      %dma_start3A_488 = tpu.memref_squeeze %dma_start3A_487 : memref<1x80xi32, #tpu.memory_space<vmem>> -> memref<80xi32, #tpu.memory_space<vmem>>
      %dma_start3A_489 = arith.constant 0 : i32
      %dma_start3A_490 = arith.constant 0 : i32
      %dma_start3A_491 = tpu.memref_slice %arg2[%dma_start3A_489, %dma_start3A_490] : memref<20000x96xf32, #tpu.memory_space<hbm>> -> memref<20000x96xf32, #tpu.memory_space<hbm>>
      tpu.enqueue_indirect_dma source(%dma_start3A_491 : memref<20000x96xf32, #tpu.memory_space<hbm>>) target(%arg12 : memref<80x96xf32, #tpu.memory_space<vmem>>) offsets(%dma_start3A_488 : memref<80xi32, #tpu.memory_space<vmem>>) semaphore(%arg19 : memref<!tpu.dma_semaphore, #tpu.memory_space<semaphore_mem>>)
    }
    %scan3A_211 = arith.constant 24 : i32
    %dma_wait3A_212 = arith.constant 0 : i32
    %dma_wait3A_213 = arith.constant 0 : i32
    %dma_wait3A_214 = tpu.memref_slice %arg6[%dma_wait3A_212, %dma_wait3A_213] : memref<125x80xi32, #tpu.memory_space<vmem>> -> memref<1x80xi32, #tpu.memory_space<vmem>>
    %dma_wait3A_215 = tpu.memref_squeeze %dma_wait3A_214 : memref<1x80xi32, #tpu.memory_space<vmem>> -> memref<80xi32, #tpu.memory_space<vmem>>
    %dma_wait3A_216 = arith.constant 0 : i32
    %dma_wait3A_217 = arith.constant 0 : i32
    %dma_wait3A_218 = tpu.memref_slice %arg2[%dma_wait3A_216, %dma_wait3A_217] : memref<20000x96xf32, #tpu.memory_space<hbm>> -> memref<20000x96xf32, #tpu.memory_space<hbm>>
    tpu.wait_indirect_dma semaphore(%arg15 : memref<!tpu.dma_semaphore, #tpu.memory_space<semaphore_mem>>) src(%dma_wait3A_218 : memref<20000x96xf32, #tpu.memory_space<hbm>>) dst(%arg8 : memref<80x96xf32, #tpu.memory_space<vmem>>)
    %dma_start3A_219 = arith.constant 120 : i32
    %dma_start3A_220 = arith.constant 0 : i32
    %dma_start3A_221 = tpu.memref_slice %arg7[%dma_start3A_219, %dma_start3A_220] : memref<125x80xi32, #tpu.memory_space<vmem>> -> memref<1x80xi32, #tpu.memory_space<vmem>>
    %dma_start3A_222 = tpu.memref_squeeze %dma_start3A_221 : memref<1x80xi32, #tpu.memory_space<vmem>> -> memref<80xi32, #tpu.memory_space<vmem>>
    %dma_start3A_223 = arith.constant 0 : i32
    %dma_start3A_224 = arith.constant 0 : i32
    %dma_start3A_225 = tpu.memref_slice %arg14[%dma_start3A_223, %dma_start3A_224] : memref<10000x96xf32, #tpu.memory_space<vmem_shared>> -> memref<10000x96xf32, #tpu.memory_space<vmem_shared>>
    tpu.enqueue_indirect_dma source(%arg8 : memref<80x96xf32, #tpu.memory_space<vmem>>) target(%dma_start3A_225 : memref<10000x96xf32, #tpu.memory_space<vmem_shared>>) offsets(%dma_start3A_222 : memref<80xi32, #tpu.memory_space<vmem>>) semaphore(%arg20 : memref<!tpu.dma_semaphore, #tpu.memory_space<semaphore_mem>>) {add = true}
    %dma_wait3A_226 = arith.constant 0 : i32
    %dma_wait3A_227 = arith.constant 0 : i32
    %dma_wait3A_228 = tpu.memref_slice %arg6[%dma_wait3A_226, %dma_wait3A_227] : memref<125x80xi32, #tpu.memory_space<vmem>> -> memref<1x80xi32, #tpu.memory_space<vmem>>
    %dma_wait3A_229 = tpu.memref_squeeze %dma_wait3A_228 : memref<1x80xi32, #tpu.memory_space<vmem>> -> memref<80xi32, #tpu.memory_space<vmem>>
    %dma_wait3A_230 = arith.constant 0 : i32
    %dma_wait3A_231 = arith.constant 0 : i32
    %dma_wait3A_232 = tpu.memref_slice %arg2[%dma_wait3A_230, %dma_wait3A_231] : memref<20000x96xf32, #tpu.memory_space<hbm>> -> memref<20000x96xf32, #tpu.memory_space<hbm>>
    tpu.wait_indirect_dma semaphore(%arg16 : memref<!tpu.dma_semaphore, #tpu.memory_space<semaphore_mem>>) src(%dma_wait3A_232 : memref<20000x96xf32, #tpu.memory_space<hbm>>) dst(%arg9 : memref<80x96xf32, #tpu.memory_space<vmem>>)
    %dma_start3A_233 = arith.constant 121 : i32
    %dma_start3A_234 = arith.constant 0 : i32
    %dma_start3A_235 = tpu.memref_slice %arg7[%dma_start3A_233, %dma_start3A_234] : memref<125x80xi32, #tpu.memory_space<vmem>> -> memref<1x80xi32, #tpu.memory_space<vmem>>
    %dma_start3A_236 = tpu.memref_squeeze %dma_start3A_235 : memref<1x80xi32, #tpu.memory_space<vmem>> -> memref<80xi32, #tpu.memory_space<vmem>>
    %dma_start3A_237 = arith.constant 0 : i32
    %dma_start3A_238 = arith.constant 0 : i32
    %dma_start3A_239 = tpu.memref_slice %arg14[%dma_start3A_237, %dma_start3A_238] : memref<10000x96xf32, #tpu.memory_space<vmem_shared>> -> memref<10000x96xf32, #tpu.memory_space<vmem_shared>>
    tpu.enqueue_indirect_dma source(%arg9 : memref<80x96xf32, #tpu.memory_space<vmem>>) target(%dma_start3A_239 : memref<10000x96xf32, #tpu.memory_space<vmem_shared>>) offsets(%dma_start3A_236 : memref<80xi32, #tpu.memory_space<vmem>>) semaphore(%arg21 : memref<!tpu.dma_semaphore, #tpu.memory_space<semaphore_mem>>) {add = true}
    %dma_wait3A_240 = arith.constant 0 : i32
    %dma_wait3A_241 = arith.constant 0 : i32
    %dma_wait3A_242 = tpu.memref_slice %arg6[%dma_wait3A_240, %dma_wait3A_241] : memref<125x80xi32, #tpu.memory_space<vmem>> -> memref<1x80xi32, #tpu.memory_space<vmem>>
    %dma_wait3A_243 = tpu.memref_squeeze %dma_wait3A_242 : memref<1x80xi32, #tpu.memory_space<vmem>> -> memref<80xi32, #tpu.memory_space<vmem>>
    %dma_wait3A_244 = arith.constant 0 : i32
    %dma_wait3A_245 = arith.constant 0 : i32
    %dma_wait3A_246 = tpu.memref_slice %arg2[%dma_wait3A_244, %dma_wait3A_245] : memref<20000x96xf32, #tpu.memory_space<hbm>> -> memref<20000x96xf32, #tpu.memory_space<hbm>>
    tpu.wait_indirect_dma semaphore(%arg17 : memref<!tpu.dma_semaphore, #tpu.memory_space<semaphore_mem>>) src(%dma_wait3A_246 : memref<20000x96xf32, #tpu.memory_space<hbm>>) dst(%arg10 : memref<80x96xf32, #tpu.memory_space<vmem>>)
    %dma_start3A_247 = arith.constant 122 : i32
    %dma_start3A_248 = arith.constant 0 : i32
    %dma_start3A_249 = tpu.memref_slice %arg7[%dma_start3A_247, %dma_start3A_248] : memref<125x80xi32, #tpu.memory_space<vmem>> -> memref<1x80xi32, #tpu.memory_space<vmem>>
    %dma_start3A_250 = tpu.memref_squeeze %dma_start3A_249 : memref<1x80xi32, #tpu.memory_space<vmem>> -> memref<80xi32, #tpu.memory_space<vmem>>
    %dma_start3A_251 = arith.constant 0 : i32
    %dma_start3A_252 = arith.constant 0 : i32
    %dma_start3A_253 = tpu.memref_slice %arg14[%dma_start3A_251, %dma_start3A_252] : memref<10000x96xf32, #tpu.memory_space<vmem_shared>> -> memref<10000x96xf32, #tpu.memory_space<vmem_shared>>
    tpu.enqueue_indirect_dma source(%arg10 : memref<80x96xf32, #tpu.memory_space<vmem>>) target(%dma_start3A_253 : memref<10000x96xf32, #tpu.memory_space<vmem_shared>>) offsets(%dma_start3A_250 : memref<80xi32, #tpu.memory_space<vmem>>) semaphore(%arg22 : memref<!tpu.dma_semaphore, #tpu.memory_space<semaphore_mem>>) {add = true}
    %dma_wait3A_254 = arith.constant 0 : i32
    %dma_wait3A_255 = arith.constant 0 : i32
    %dma_wait3A_256 = tpu.memref_slice %arg6[%dma_wait3A_254, %dma_wait3A_255] : memref<125x80xi32, #tpu.memory_space<vmem>> -> memref<1x80xi32, #tpu.memory_space<vmem>>
    %dma_wait3A_257 = tpu.memref_squeeze %dma_wait3A_256 : memref<1x80xi32, #tpu.memory_space<vmem>> -> memref<80xi32, #tpu.memory_space<vmem>>
    %dma_wait3A_258 = arith.constant 0 : i32
    %dma_wait3A_259 = arith.constant 0 : i32
    %dma_wait3A_260 = tpu.memref_slice %arg2[%dma_wait3A_258, %dma_wait3A_259] : memref<20000x96xf32, #tpu.memory_space<hbm>> -> memref<20000x96xf32, #tpu.memory_space<hbm>>
    tpu.wait_indirect_dma semaphore(%arg18 : memref<!tpu.dma_semaphore, #tpu.memory_space<semaphore_mem>>) src(%dma_wait3A_260 : memref<20000x96xf32, #tpu.memory_space<hbm>>) dst(%arg11 : memref<80x96xf32, #tpu.memory_space<vmem>>)
    %dma_start3A_261 = arith.constant 123 : i32
    %dma_start3A_262 = arith.constant 0 : i32
    %dma_start3A_263 = tpu.memref_slice %arg7[%dma_start3A_261, %dma_start3A_262] : memref<125x80xi32, #tpu.memory_space<vmem>> -> memref<1x80xi32, #tpu.memory_space<vmem>>
    %dma_start3A_264 = tpu.memref_squeeze %dma_start3A_263 : memref<1x80xi32, #tpu.memory_space<vmem>> -> memref<80xi32, #tpu.memory_space<vmem>>
    %dma_start3A_265 = arith.constant 0 : i32
    %dma_start3A_266 = arith.constant 0 : i32
    %dma_start3A_267 = tpu.memref_slice %arg14[%dma_start3A_265, %dma_start3A_266] : memref<10000x96xf32, #tpu.memory_space<vmem_shared>> -> memref<10000x96xf32, #tpu.memory_space<vmem_shared>>
    tpu.enqueue_indirect_dma source(%arg11 : memref<80x96xf32, #tpu.memory_space<vmem>>) target(%dma_start3A_267 : memref<10000x96xf32, #tpu.memory_space<vmem_shared>>) offsets(%dma_start3A_264 : memref<80xi32, #tpu.memory_space<vmem>>) semaphore(%arg23 : memref<!tpu.dma_semaphore, #tpu.memory_space<semaphore_mem>>) {add = true}
    %dma_wait3A_268 = arith.constant 0 : i32
    %dma_wait3A_269 = arith.constant 0 : i32
    %dma_wait3A_270 = tpu.memref_slice %arg6[%dma_wait3A_268, %dma_wait3A_269] : memref<125x80xi32, #tpu.memory_space<vmem>> -> memref<1x80xi32, #tpu.memory_space<vmem>>
    %dma_wait3A_271 = tpu.memref_squeeze %dma_wait3A_270 : memref<1x80xi32, #tpu.memory_space<vmem>> -> memref<80xi32, #tpu.memory_space<vmem>>
    %dma_wait3A_272 = arith.constant 0 : i32
    %dma_wait3A_273 = arith.constant 0 : i32
    %dma_wait3A_274 = tpu.memref_slice %arg2[%dma_wait3A_272, %dma_wait3A_273] : memref<20000x96xf32, #tpu.memory_space<hbm>> -> memref<20000x96xf32, #tpu.memory_space<hbm>>
    tpu.wait_indirect_dma semaphore(%arg19 : memref<!tpu.dma_semaphore, #tpu.memory_space<semaphore_mem>>) src(%dma_wait3A_274 : memref<20000x96xf32, #tpu.memory_space<hbm>>) dst(%arg12 : memref<80x96xf32, #tpu.memory_space<vmem>>)
    %dma_start3A_275 = arith.constant 124 : i32
    %dma_start3A_276 = arith.constant 0 : i32
    %dma_start3A_277 = tpu.memref_slice %arg7[%dma_start3A_275, %dma_start3A_276] : memref<125x80xi32, #tpu.memory_space<vmem>> -> memref<1x80xi32, #tpu.memory_space<vmem>>
    %dma_start3A_278 = tpu.memref_squeeze %dma_start3A_277 : memref<1x80xi32, #tpu.memory_space<vmem>> -> memref<80xi32, #tpu.memory_space<vmem>>
    %dma_start3A_279 = arith.constant 0 : i32
    %dma_start3A_280 = arith.constant 0 : i32
    %dma_start3A_281 = tpu.memref_slice %arg14[%dma_start3A_279, %dma_start3A_280] : memref<10000x96xf32, #tpu.memory_space<vmem_shared>> -> memref<10000x96xf32, #tpu.memory_space<vmem_shared>>
    tpu.enqueue_indirect_dma source(%arg12 : memref<80x96xf32, #tpu.memory_space<vmem>>) target(%dma_start3A_281 : memref<10000x96xf32, #tpu.memory_space<vmem_shared>>) offsets(%dma_start3A_278 : memref<80xi32, #tpu.memory_space<vmem>>) semaphore(%arg24 : memref<!tpu.dma_semaphore, #tpu.memory_space<semaphore_mem>>) {add = true}
    %dma_wait3A_282 = arith.constant 0 : i32
    %dma_wait3A_283 = arith.constant 0 : i32
    %dma_wait3A_284 = tpu.memref_slice %arg6[%dma_wait3A_282, %dma_wait3A_283] : memref<125x80xi32, #tpu.memory_space<vmem>> -> memref<1x80xi32, #tpu.memory_space<vmem>>
    %dma_wait3A_285 = tpu.memref_squeeze %dma_wait3A_284 : memref<1x80xi32, #tpu.memory_space<vmem>> -> memref<80xi32, #tpu.memory_space<vmem>>
    %dma_wait3A_286 = arith.constant 0 : i32
    %dma_wait3A_287 = arith.constant 0 : i32
    %dma_wait3A_288 = tpu.memref_slice %arg2[%dma_wait3A_286, %dma_wait3A_287] : memref<20000x96xf32, #tpu.memory_space<hbm>> -> memref<20000x96xf32, #tpu.memory_space<hbm>>
    tpu.wait_indirect_dma semaphore(%arg20 : memref<!tpu.dma_semaphore, #tpu.memory_space<semaphore_mem>>) src(%dma_wait3A_288 : memref<20000x96xf32, #tpu.memory_space<hbm>>) dst(%arg8 : memref<80x96xf32, #tpu.memory_space<vmem>>)
    %dma_wait3A_289 = arith.constant 0 : i32
    %dma_wait3A_290 = arith.constant 0 : i32
    %dma_wait3A_291 = tpu.memref_slice %arg6[%dma_wait3A_289, %dma_wait3A_290] : memref<125x80xi32, #tpu.memory_space<vmem>> -> memref<1x80xi32, #tpu.memory_space<vmem>>
    %dma_wait3A_292 = tpu.memref_squeeze %dma_wait3A_291 : memref<1x80xi32, #tpu.memory_space<vmem>> -> memref<80xi32, #tpu.memory_space<vmem>>
    %dma_wait3A_293 = arith.constant 0 : i32
    %dma_wait3A_294 = arith.constant 0 : i32
    %dma_wait3A_295 = tpu.memref_slice %arg2[%dma_wait3A_293, %dma_wait3A_294] : memref<20000x96xf32, #tpu.memory_space<hbm>> -> memref<20000x96xf32, #tpu.memory_space<hbm>>
    tpu.wait_indirect_dma semaphore(%arg21 : memref<!tpu.dma_semaphore, #tpu.memory_space<semaphore_mem>>) src(%dma_wait3A_295 : memref<20000x96xf32, #tpu.memory_space<hbm>>) dst(%arg9 : memref<80x96xf32, #tpu.memory_space<vmem>>)
    %dma_wait3A_296 = arith.constant 0 : i32
    %dma_wait3A_297 = arith.constant 0 : i32
    %dma_wait3A_298 = tpu.memref_slice %arg6[%dma_wait3A_296, %dma_wait3A_297] : memref<125x80xi32, #tpu.memory_space<vmem>> -> memref<1x80xi32, #tpu.memory_space<vmem>>
    %dma_wait3A_299 = tpu.memref_squeeze %dma_wait3A_298 : memref<1x80xi32, #tpu.memory_space<vmem>> -> memref<80xi32, #tpu.memory_space<vmem>>
    %dma_wait3A_300 = arith.constant 0 : i32
    %dma_wait3A_301 = arith.constant 0 : i32
    %dma_wait3A_302 = tpu.memref_slice %arg2[%dma_wait3A_300, %dma_wait3A_301] : memref<20000x96xf32, #tpu.memory_space<hbm>> -> memref<20000x96xf32, #tpu.memory_space<hbm>>
    tpu.wait_indirect_dma semaphore(%arg22 : memref<!tpu.dma_semaphore, #tpu.memory_space<semaphore_mem>>) src(%dma_wait3A_302 : memref<20000x96xf32, #tpu.memory_space<hbm>>) dst(%arg10 : memref<80x96xf32, #tpu.memory_space<vmem>>)
    %dma_wait3A_303 = arith.constant 0 : i32
    %dma_wait3A_304 = arith.constant 0 : i32
    %dma_wait3A_305 = tpu.memref_slice %arg6[%dma_wait3A_303, %dma_wait3A_304] : memref<125x80xi32, #tpu.memory_space<vmem>> -> memref<1x80xi32, #tpu.memory_space<vmem>>
    %dma_wait3A_306 = tpu.memref_squeeze %dma_wait3A_305 : memref<1x80xi32, #tpu.memory_space<vmem>> -> memref<80xi32, #tpu.memory_space<vmem>>
    %dma_wait3A_307 = arith.constant 0 : i32
    %dma_wait3A_308 = arith.constant 0 : i32
    %dma_wait3A_309 = tpu.memref_slice %arg2[%dma_wait3A_307, %dma_wait3A_308] : memref<20000x96xf32, #tpu.memory_space<hbm>> -> memref<20000x96xf32, #tpu.memory_space<hbm>>
    tpu.wait_indirect_dma semaphore(%arg23 : memref<!tpu.dma_semaphore, #tpu.memory_space<semaphore_mem>>) src(%dma_wait3A_309 : memref<20000x96xf32, #tpu.memory_space<hbm>>) dst(%arg11 : memref<80x96xf32, #tpu.memory_space<vmem>>)
    %dma_wait3A_310 = arith.constant 0 : i32
    %dma_wait3A_311 = arith.constant 0 : i32
    %dma_wait3A_312 = tpu.memref_slice %arg6[%dma_wait3A_310, %dma_wait3A_311] : memref<125x80xi32, #tpu.memory_space<vmem>> -> memref<1x80xi32, #tpu.memory_space<vmem>>
    %dma_wait3A_313 = tpu.memref_squeeze %dma_wait3A_312 : memref<1x80xi32, #tpu.memory_space<vmem>> -> memref<80xi32, #tpu.memory_space<vmem>>
    %dma_wait3A_314 = arith.constant 0 : i32
    %dma_wait3A_315 = arith.constant 0 : i32
    %dma_wait3A_316 = tpu.memref_slice %arg2[%dma_wait3A_314, %dma_wait3A_315] : memref<20000x96xf32, #tpu.memory_space<hbm>> -> memref<20000x96xf32, #tpu.memory_space<hbm>>
    tpu.wait_indirect_dma semaphore(%arg24 : memref<!tpu.dma_semaphore, #tpu.memory_space<semaphore_mem>>) src(%dma_wait3A_316 : memref<20000x96xf32, #tpu.memory_space<hbm>>) dst(%arg12 : memref<80x96xf32, #tpu.memory_space<vmem>>)
    %barrier3A_317 = arith.constant 0 : index
    tpu.barrier barrier_id(%barrier3A_317)
    %mul3A_318 = arith.constant 624 : i32
    %mul3A_319 = arith.muli %arg1, %mul3A_318 : i32
    %mul3A_320 = arith.constant 10000 : i32
    %mul3A_321 = arith.muli %arg0, %mul3A_320 : i32
    %mul3A_322 = arith.constant 624 : i32
    %mul3A_323 = arith.muli %arg1, %mul3A_322 : i32
    %add3A_324 = arith.addi %mul3A_321, %mul3A_323 : i32
    "tpu.region"() ({
      %run_scoped3A = tpu.sem_alloc : memref<!tpu.dma_semaphore, #tpu.memory_space<semaphore_mem>>
      %dma_start3A_325 = arith.constant 0 : i32
      %dma_start3A_326 = tpu.memref_slice %arg5[%add3A_324, %dma_start3A_325] : memref<20000x96xf32, #tpu.memory_space<hbm>> -> memref<640x96xf32, #tpu.memory_space<hbm>>
      %dma_start3A_327 = arith.constant 0 : i32
      %dma_start3A_328 = tpu.memref_slice %arg14[%mul3A_319, %dma_start3A_327] : memref<10000x96xf32, #tpu.memory_space<vmem_shared>> -> memref<640x96xf32, #tpu.memory_space<vmem_shared>>
      tpu.enqueue_dma source(%dma_start3A_328 : memref<640x96xf32, #tpu.memory_space<vmem_shared>>) target(%dma_start3A_326 : memref<640x96xf32, #tpu.memory_space<hbm>>) target_semaphore(%run_scoped3A : memref<!tpu.dma_semaphore, #tpu.memory_space<semaphore_mem>>)
      %dma_wait3A_329 = arith.constant 0 : i32
      %dma_wait3A_330 = tpu.memref_slice %arg5[%add3A_324, %dma_wait3A_329] : memref<20000x96xf32, #tpu.memory_space<hbm>> -> memref<640x96xf32, #tpu.memory_space<hbm>>
      %dma_wait3A_331 = arith.constant 0 : i32
      %dma_wait3A_332 = tpu.memref_slice %arg14[%mul3A_319, %dma_wait3A_331] : memref<10000x96xf32, #tpu.memory_space<vmem_shared>> -> memref<640x96xf32, #tpu.memory_space<vmem_shared>>
      tpu.wait_dma2 semaphore(%run_scoped3A : memref<!tpu.dma_semaphore, #tpu.memory_space<semaphore_mem>>) src(%dma_wait3A_332 : memref<640x96xf32, #tpu.memory_space<vmem_shared>>) dst(%dma_wait3A_330 : memref<640x96xf32, #tpu.memory_space<hbm>>)
      tpu.yield
    }) : () -> ()
    return
  }
}

module attributes {stable_mosaic.version = 14 : i64} {
  func.func @_ka_body(%arg0: i32, %arg1: memref<3x1000x128xf32, #tpu.memory_space<vmem>>, %arg2: memref<128x64xf32, #tpu.memory_space<vmem>>, %arg3: memref<2x1000x16xf32, #tpu.memory_space<vmem>>, %arg4: memref<2x1000x96xf32, #tpu.memory_space<vmem>>, %arg5: memref<1000x192xf32, #tpu.memory_space<vmem>>) attributes {dimension_semantics = [#tpu.dimension_semantics<arbitrary>], iteration_bounds = array<i64: 10>, scalar_prefetch = 0 : i64, scratch_operands = 0 : i64, tpu.core_type = #tpu.core_type<tc>, window_params = [{transform_indices = @transform_0, window_bounds = array<i64: 3, 1000, 128>}, {pipeline_mode = #tpu.pipeline_mode<synchronous>, transform_indices = @transform_1, window_bounds = array<i64: 128, 64>}, {transform_indices = @transform_2, window_bounds = array<i64: 2, 1000, 16>}, {transform_indices = @transform_3, window_bounds = array<i64: 2, 1000, 96>}, {transform_indices = @transform_4, window_bounds = array<i64: 1000, 192>}]} {
    %get3A = arith.constant 0 : index
    %get3A_0 = arith.constant 0 : index
    %get3A_1 = arith.constant 0 : index
    %get3A_2 = vector.load %arg3[%get3A, %get3A_0, %get3A_1] : memref<2x1000x16xf32, #tpu.memory_space<vmem>>, vector<1x1000x1xf32>
    %get3A_3 = vector.shape_cast %get3A_2 : vector<1x1000x1xf32> to vector<1000x1xf32>
    %get3A_4 = arith.constant 1 : index
    %get3A_5 = arith.constant 0 : index
    %get3A_6 = arith.constant 0 : index
    %get3A_7 = vector.load %arg3[%get3A_4, %get3A_5, %get3A_6] : memref<2x1000x16xf32, #tpu.memory_space<vmem>>, vector<1x1000x1xf32>
    %get3A_8 = vector.shape_cast %get3A_7 : vector<1x1000x1xf32> to vector<1000x1xf32>
    %add3A = arith.addf %get3A_3, %get3A_8 : vector<1000x1xf32>
    %add3A_9 = arith.constant 1.000000e+00 : f32
    %add3A_10 = vector.broadcast %add3A_9 : f32 to vector<1000x1xf32>
    %add3A_11 = arith.addf %add3A, %add3A_10 : vector<1000x1xf32>
    %rsqrt3A = math.rsqrt %add3A_11 : vector<1000x1xf32>
    %get3A_12 = arith.constant 0 : index
    %get3A_13 = arith.constant 0 : index
    %get3A_14 = vector.load %arg2[%get3A_12, %get3A_13] : memref<128x64xf32, #tpu.memory_space<vmem>>, vector<128x64xf32>
    %get3A_15 = arith.constant 0 : index
    %get3A_16 = arith.constant 0 : index
    %get3A_17 = arith.constant 0 : index
    %get3A_18 = vector.load %arg1[%get3A_15, %get3A_16, %get3A_17] : memref<3x1000x128xf32, #tpu.memory_space<vmem>>, vector<1x1000x128xf32>
    %get3A_19 = vector.shape_cast %get3A_18 : vector<1x1000x128xf32> to vector<1000x128xf32>
    %dot_general3A = arith.constant dense<0.000000e+00> : vector<1000x64xf32>
    %dot_general3A_20 = tpu.matmul %get3A_19, %get3A_14, %dot_general3A {dimension_numbers = #tpu.dot_dimension_numbers<[1], [0], [0], [1], [0, 0, 1, 1], [], []>, transpose_lhs_hint = false} : vector<1000x128xf32>, vector<128x64xf32>, vector<1000x64xf32> -> vector<1000x64xf32>
    %get3A_21 = arith.constant 1 : index
    %get3A_22 = arith.constant 0 : index
    %get3A_23 = arith.constant 0 : index
    %get3A_24 = vector.load %arg1[%get3A_21, %get3A_22, %get3A_23] : memref<3x1000x128xf32, #tpu.memory_space<vmem>>, vector<1x1000x128xf32>
    %get3A_25 = vector.shape_cast %get3A_24 : vector<1x1000x128xf32> to vector<1000x128xf32>
    %dot_general3A_26 = arith.constant dense<0.000000e+00> : vector<1000x64xf32>
    %dot_general3A_27 = tpu.matmul %get3A_25, %get3A_14, %dot_general3A_26 {dimension_numbers = #tpu.dot_dimension_numbers<[1], [0], [0], [1], [0, 0, 1, 1], [], []>, transpose_lhs_hint = false} : vector<1000x128xf32>, vector<128x64xf32>, vector<1000x64xf32> -> vector<1000x64xf32>
    %get3A_28 = arith.constant 2 : index
    %get3A_29 = arith.constant 0 : index
    %get3A_30 = arith.constant 0 : index
    %get3A_31 = vector.load %arg1[%get3A_28, %get3A_29, %get3A_30] : memref<3x1000x128xf32, #tpu.memory_space<vmem>>, vector<1x1000x128xf32>
    %get3A_32 = vector.shape_cast %get3A_31 : vector<1x1000x128xf32> to vector<1000x128xf32>
    %dot_general3A_33 = arith.constant dense<0.000000e+00> : vector<1000x64xf32>
    %dot_general3A_34 = tpu.matmul %get3A_32, %get3A_14, %dot_general3A_33 {dimension_numbers = #tpu.dot_dimension_numbers<[1], [0], [0], [1], [0, 0, 1, 1], [], []>, transpose_lhs_hint = false} : vector<1000x128xf32>, vector<128x64xf32>, vector<1000x64xf32> -> vector<1000x64xf32>
    %concatenate3A = tpu.concatenate %dot_general3A_20, %dot_general3A_27, %dot_general3A_34 in 1 : vector<1000x64xf32>, vector<1000x64xf32>, vector<1000x64xf32> -> vector<1000x192xf32>
    %swap3A = arith.constant 0 : index
    %swap3A_35 = arith.constant 0 : index
    %swap3A_36 = vector.load %arg5[%swap3A, %swap3A_35] : memref<1000x192xf32, #tpu.memory_space<vmem>>, vector<1000x192xf32>
    tpu.vector_store %arg5[%swap3A, %swap3A_35], %concatenate3A {strides = array<i32>} : memref<1000x192xf32, #tpu.memory_space<vmem>>, vector<1000x192xf32>,
    %mul3A = vector.broadcast %rsqrt3A : vector<1000x1xf32> to vector<1000x192xf32>
    %mul3A_37 = arith.mulf %concatenate3A, %mul3A : vector<1000x192xf32>
    %slice3A = vector.extract_strided_slice %mul3A_37 {offsets = [0, 0], sizes = [1000, 96], strides = [1, 1]} : vector<1000x192xf32> to vector<1000x96xf32>
    %swap3A_38 = arith.constant 0 : index
    %swap3A_39 = arith.constant 0 : index
    %swap3A_40 = arith.constant 0 : index
    %swap3A_41 = vector.load %arg4[%swap3A_38, %swap3A_39, %swap3A_40] : memref<2x1000x96xf32, #tpu.memory_space<vmem>>, vector<1x1000x96xf32>
    %swap3A_42 = vector.shape_cast %swap3A_41 : vector<1x1000x96xf32> to vector<1000x96xf32>
    %swap3A_43 = vector.shape_cast %slice3A : vector<1000x96xf32> to vector<1x1000x96xf32>
    tpu.vector_store %arg4[%swap3A_38, %swap3A_39, %swap3A_40], %swap3A_43 {strides = array<i32>} : memref<2x1000x96xf32, #tpu.memory_space<vmem>>, vector<1x1000x96xf32>,
    %slice3A_44 = vector.extract_strided_slice %mul3A_37 {offsets = [0, 96], sizes = [1000, 96], strides = [1, 1]} : vector<1000x192xf32> to vector<1000x96xf32>
    %swap3A_45 = arith.constant 1 : index
    %swap3A_46 = arith.constant 0 : index
    %swap3A_47 = arith.constant 0 : index
    %swap3A_48 = vector.load %arg4[%swap3A_45, %swap3A_46, %swap3A_47] : memref<2x1000x96xf32, #tpu.memory_space<vmem>>, vector<1x1000x96xf32>
    %swap3A_49 = vector.shape_cast %swap3A_48 : vector<1x1000x96xf32> to vector<1000x96xf32>
    %swap3A_50 = vector.shape_cast %slice3A_44 : vector<1000x96xf32> to vector<1x1000x96xf32>
    tpu.vector_store %arg4[%swap3A_45, %swap3A_46, %swap3A_47], %swap3A_50 {strides = array<i32>} : memref<2x1000x96xf32, #tpu.memory_space<vmem>>, vector<1x1000x96xf32>,
    return
  }
  func.func @transform_0(%arg0: i32) -> (i32, i32, i32) {
    %c0_i32 = arith.constant 0 : i32
    %c0_i32_0 = arith.constant 0 : i32
    %c0_i32_1 = arith.constant 0 : i32
    return %c0_i32, %arg0, %c0_i32_0 : i32, i32, i32
  }
  func.func @transform_1(%arg0: i32) -> (i32, i32) {
    %c0_i32 = arith.constant 0 : i32
    %c0_i32_0 = arith.constant 0 : i32
    %c0_i32_1 = arith.constant 0 : i32
    return %c0_i32, %c0_i32_0 : i32, i32
  }
  func.func @transform_2(%arg0: i32) -> (i32, i32, i32) {
    %c0_i32 = arith.constant 0 : i32
    %c0_i32_0 = arith.constant 0 : i32
    %c0_i32_1 = arith.constant 0 : i32
    return %c0_i32, %arg0, %c0_i32_0 : i32, i32, i32
  }
  func.func @transform_3(%arg0: i32) -> (i32, i32, i32) {
    %c0_i32 = arith.constant 0 : i32
    %c0_i32_0 = arith.constant 0 : i32
    %c0_i32_1 = arith.constant 0 : i32
    return %c0_i32, %arg0, %c0_i32_0 : i32, i32, i32
  }
  func.func @transform_4(%arg0: i32) -> (i32, i32) {
    %c0_i32 = arith.constant 0 : i32
    %c0_i32_0 = arith.constant 0 : i32
    return %arg0, %c0_i32 : i32, i32
  }
}

module attributes {stable_mosaic.version = 14 : i64} {
  func.func @_kb_body(%arg0: i32, %arg1: memref<2x1000x96xf32, #tpu.memory_space<vmem>>, %arg2: memref<1000x192xf32, #tpu.memory_space<vmem>>, %arg3: memref<2x1000x16xf32, #tpu.memory_space<vmem>>, %arg4: memref<64x64xf32, #tpu.memory_space<vmem>>, %arg5: memref<1x192xf32, #tpu.memory_space<vmem>>, %arg6: memref<2x1000x96xf32, #tpu.memory_space<vmem>>, %arg7: memref<1000x192xf32, #tpu.memory_space<vmem>>) attributes {dimension_semantics = [#tpu.dimension_semantics<arbitrary>], iteration_bounds = array<i64: 10>, scalar_prefetch = 0 : i64, scratch_operands = 0 : i64, tpu.core_type = #tpu.core_type<tc>, window_params = [{transform_indices = @transform_0, window_bounds = array<i64: 2, 1000, 96>}, {transform_indices = @transform_1, window_bounds = array<i64: 1000, 192>}, {transform_indices = @transform_2, window_bounds = array<i64: 2, 1000, 16>}, {pipeline_mode = #tpu.pipeline_mode<synchronous>, transform_indices = @transform_3, window_bounds = array<i64: 64, 64>}, {pipeline_mode = #tpu.pipeline_mode<synchronous>, transform_indices = @transform_4, window_bounds = array<i64: 1, 192>}, {transform_indices = @transform_5, window_bounds = array<i64: 2, 1000, 96>}, {transform_indices = @transform_6, window_bounds = array<i64: 1000, 192>}]} {
    %get3A = arith.constant 0 : index
    %get3A_0 = arith.constant 0 : index
    %get3A_1 = arith.constant 0 : index
    %get3A_2 = vector.load %arg3[%get3A, %get3A_0, %get3A_1] : memref<2x1000x16xf32, #tpu.memory_space<vmem>>, vector<1x1000x1xf32>
    %get3A_3 = vector.shape_cast %get3A_2 : vector<1x1000x1xf32> to vector<1000x1xf32>
    %get3A_4 = arith.constant 1 : index
    %get3A_5 = arith.constant 0 : index
    %get3A_6 = arith.constant 0 : index
    %get3A_7 = vector.load %arg3[%get3A_4, %get3A_5, %get3A_6] : memref<2x1000x16xf32, #tpu.memory_space<vmem>>, vector<1x1000x1xf32>
    %get3A_8 = vector.shape_cast %get3A_7 : vector<1x1000x1xf32> to vector<1000x1xf32>
    %add3A = arith.addf %get3A_3, %get3A_8 : vector<1000x1xf32>
    %add3A_9 = arith.constant 1.000000e+00 : f32
    %add3A_10 = vector.broadcast %add3A_9 : f32 to vector<1000x1xf32>
    %add3A_11 = arith.addf %add3A, %add3A_10 : vector<1000x1xf32>
    %rsqrt3A = math.rsqrt %add3A_11 : vector<1000x1xf32>
    %div3A = arith.constant 1.000000e+00 : f32
    %div3A_12 = vector.broadcast %div3A : f32 to vector<1000x1xf32>
    %div3A_13 = arith.divf %div3A_12, %add3A_11 : vector<1000x1xf32>
    %get3A_14 = arith.constant 0 : index
    %get3A_15 = arith.constant 0 : index
    %get3A_16 = arith.constant 0 : index
    %get3A_17 = vector.load %arg1[%get3A_14, %get3A_15, %get3A_16] : memref<2x1000x96xf32, #tpu.memory_space<vmem>>, vector<1x1000x96xf32>
    %get3A_18 = vector.shape_cast %get3A_17 : vector<1x1000x96xf32> to vector<1000x96xf32>
    %get3A_19 = arith.constant 1 : index
    %get3A_20 = arith.constant 0 : index
    %get3A_21 = arith.constant 0 : index
    %get3A_22 = vector.load %arg1[%get3A_19, %get3A_20, %get3A_21] : memref<2x1000x96xf32, #tpu.memory_space<vmem>>, vector<1x1000x96xf32>
    %get3A_23 = vector.shape_cast %get3A_22 : vector<1x1000x96xf32> to vector<1000x96xf32>
    %concatenate3A = tpu.concatenate %get3A_18, %get3A_23 in 1 : vector<1000x96xf32>, vector<1000x96xf32> -> vector<1000x192xf32>
    %mul3A = vector.broadcast %rsqrt3A : vector<1000x1xf32> to vector<1000x192xf32>
    %mul3A_24 = arith.mulf %concatenate3A, %mul3A : vector<1000x192xf32>
    %get3A_25 = arith.constant 0 : index
    %get3A_26 = arith.constant 0 : index
    %get3A_27 = vector.load %arg2[%get3A_25, %get3A_26] : memref<1000x192xf32, #tpu.memory_space<vmem>>, vector<1000x192xf32>
    %mul3A_28 = vector.broadcast %div3A_13 : vector<1000x1xf32> to vector<1000x192xf32>
    %mul3A_29 = arith.mulf %get3A_27, %mul3A_28 : vector<1000x192xf32>
    %add3A_30 = arith.addf %mul3A_24, %mul3A_29 : vector<1000x192xf32>
    %get3A_31 = arith.constant 0 : index
    %get3A_32 = arith.constant 0 : index
    %get3A_33 = vector.load %arg5[%get3A_31, %get3A_32] : memref<1x192xf32, #tpu.memory_space<vmem>>, vector<1x192xf32>
    %add3A_34 = vector.broadcast %get3A_33 : vector<1x192xf32> to vector<1000x192xf32>
    %add3A_35 = arith.addf %add3A_30, %add3A_34 : vector<1000x192xf32>
    %max3A = arith.constant 0.000000e+00 : f32
    %max3A_36 = vector.broadcast %max3A : f32 to vector<1000x192xf32>
    %max3A_37 = arith.maximumf %add3A_35, %max3A_36 : vector<1000x192xf32>
    %get3A_38 = arith.constant 0 : index
    %get3A_39 = arith.constant 0 : index
    %get3A_40 = vector.load %arg4[%get3A_38, %get3A_39] : memref<64x64xf32, #tpu.memory_space<vmem>>, vector<64x64xf32>
    %slice3A = vector.extract_strided_slice %max3A_37 {offsets = [0, 0], sizes = [1000, 64], strides = [1, 1]} : vector<1000x192xf32> to vector<1000x64xf32>
    %dot_general3A = arith.constant dense<0.000000e+00> : vector<1000x64xf32>
    %dot_general3A_41 = tpu.matmul %slice3A, %get3A_40, %dot_general3A {dimension_numbers = #tpu.dot_dimension_numbers<[1], [0], [0], [1], [0, 0, 1, 1], [], []>, transpose_lhs_hint = false} : vector<1000x64xf32>, vector<64x64xf32>, vector<1000x64xf32> -> vector<1000x64xf32>
    %slice3A_42 = vector.extract_strided_slice %max3A_37 {offsets = [0, 64], sizes = [1000, 64], strides = [1, 1]} : vector<1000x192xf32> to vector<1000x64xf32>
    %dot_general3A_43 = arith.constant dense<0.000000e+00> : vector<1000x64xf32>
    %dot_general3A_44 = tpu.matmul %slice3A_42, %get3A_40, %dot_general3A_43 {dimension_numbers = #tpu.dot_dimension_numbers<[1], [0], [0], [1], [0, 0, 1, 1], [], []>, transpose_lhs_hint = false} : vector<1000x64xf32>, vector<64x64xf32>, vector<1000x64xf32> -> vector<1000x64xf32>
    %slice3A_45 = vector.extract_strided_slice %max3A_37 {offsets = [0, 128], sizes = [1000, 64], strides = [1, 1]} : vector<1000x192xf32> to vector<1000x64xf32>
    %dot_general3A_46 = arith.constant dense<0.000000e+00> : vector<1000x64xf32>
    %dot_general3A_47 = tpu.matmul %slice3A_45, %get3A_40, %dot_general3A_46 {dimension_numbers = #tpu.dot_dimension_numbers<[1], [0], [0], [1], [0, 0, 1, 1], [], []>, transpose_lhs_hint = false} : vector<1000x64xf32>, vector<64x64xf32>, vector<1000x64xf32> -> vector<1000x64xf32>
    %concatenate3A_48 = tpu.concatenate %dot_general3A_41, %dot_general3A_44, %dot_general3A_47 in 1 : vector<1000x64xf32>, vector<1000x64xf32>, vector<1000x64xf32> -> vector<1000x192xf32>
    %swap3A = arith.constant 0 : index
    %swap3A_49 = arith.constant 0 : index
    %swap3A_50 = vector.load %arg7[%swap3A, %swap3A_49] : memref<1000x192xf32, #tpu.memory_space<vmem>>, vector<1000x192xf32>
    tpu.vector_store %arg7[%swap3A, %swap3A_49], %concatenate3A_48 {strides = array<i32>} : memref<1000x192xf32, #tpu.memory_space<vmem>>, vector<1000x192xf32>,
    %mul3A_51 = vector.broadcast %rsqrt3A : vector<1000x1xf32> to vector<1000x192xf32>
    %mul3A_52 = arith.mulf %concatenate3A_48, %mul3A_51 : vector<1000x192xf32>
    %slice3A_53 = vector.extract_strided_slice %mul3A_52 {offsets = [0, 0], sizes = [1000, 96], strides = [1, 1]} : vector<1000x192xf32> to vector<1000x96xf32>
    %swap3A_54 = arith.constant 0 : index
    %swap3A_55 = arith.constant 0 : index
    %swap3A_56 = arith.constant 0 : index
    %swap3A_57 = vector.load %arg6[%swap3A_54, %swap3A_55, %swap3A_56] : memref<2x1000x96xf32, #tpu.memory_space<vmem>>, vector<1x1000x96xf32>
    %swap3A_58 = vector.shape_cast %swap3A_57 : vector<1x1000x96xf32> to vector<1000x96xf32>
    %swap3A_59 = vector.shape_cast %slice3A_53 : vector<1000x96xf32> to vector<1x1000x96xf32>
    tpu.vector_store %arg6[%swap3A_54, %swap3A_55, %swap3A_56], %swap3A_59 {strides = array<i32>} : memref<2x1000x96xf32, #tpu.memory_space<vmem>>, vector<1x1000x96xf32>,
    %slice3A_60 = vector.extract_strided_slice %mul3A_52 {offsets = [0, 96], sizes = [1000, 96], strides = [1, 1]} : vector<1000x192xf32> to vector<1000x96xf32>
    %swap3A_61 = arith.constant 1 : index
    %swap3A_62 = arith.constant 0 : index
    %swap3A_63 = arith.constant 0 : index
    %swap3A_64 = vector.load %arg6[%swap3A_61, %swap3A_62, %swap3A_63] : memref<2x1000x96xf32, #tpu.memory_space<vmem>>, vector<1x1000x96xf32>
    %swap3A_65 = vector.shape_cast %swap3A_64 : vector<1x1000x96xf32> to vector<1000x96xf32>
    %swap3A_66 = vector.shape_cast %slice3A_60 : vector<1000x96xf32> to vector<1x1000x96xf32>
    tpu.vector_store %arg6[%swap3A_61, %swap3A_62, %swap3A_63], %swap3A_66 {strides = array<i32>} : memref<2x1000x96xf32, #tpu.memory_space<vmem>>, vector<1x1000x96xf32>,
    return
  }
  func.func @transform_0(%arg0: i32) -> (i32, i32, i32) {
    %c0_i32 = arith.constant 0 : i32
    %c0_i32_0 = arith.constant 0 : i32
    %c0_i32_1 = arith.constant 0 : i32
    return %c0_i32, %arg0, %c0_i32_0 : i32, i32, i32
  }
  func.func @transform_1(%arg0: i32) -> (i32, i32) {
    %c0_i32 = arith.constant 0 : i32
    %c0_i32_0 = arith.constant 0 : i32
    return %arg0, %c0_i32 : i32, i32
  }
  func.func @transform_2(%arg0: i32) -> (i32, i32, i32) {
    %c0_i32 = arith.constant 0 : i32
    %c0_i32_0 = arith.constant 0 : i32
    %c0_i32_1 = arith.constant 0 : i32
    return %c0_i32, %arg0, %c0_i32_0 : i32, i32, i32
  }
  func.func @transform_3(%arg0: i32) -> (i32, i32) {
    %c0_i32 = arith.constant 0 : i32
    %c0_i32_0 = arith.constant 0 : i32
    %c0_i32_1 = arith.constant 0 : i32
    return %c0_i32, %c0_i32_0 : i32, i32
  }
  func.func @transform_4(%arg0: i32) -> (i32, i32) {
    %c0_i32 = arith.constant 0 : i32
    %c0_i32_0 = arith.constant 0 : i32
    %c0_i32_1 = arith.constant 0 : i32
    return %c0_i32, %c0_i32_0 : i32, i32
  }
  func.func @transform_5(%arg0: i32) -> (i32, i32, i32) {
    %c0_i32 = arith.constant 0 : i32
    %c0_i32_0 = arith.constant 0 : i32
    %c0_i32_1 = arith.constant 0 : i32
    return %c0_i32, %arg0, %c0_i32_0 : i32, i32, i32
  }
  func.func @transform_6(%arg0: i32) -> (i32, i32) {
    %c0_i32 = arith.constant 0 : i32
    %c0_i32_0 = arith.constant 0 : i32
    return %arg0, %c0_i32 : i32, i32
  }
}

module attributes {stable_mosaic.version = 14 : i64} {
  func.func @_kc_body(%arg0: i32, %arg1: memref<2x1000x96xf32, #tpu.memory_space<vmem>>, %arg2: memref<1000x192xf32, #tpu.memory_space<vmem>>, %arg3: memref<2x1000x16xf32, #tpu.memory_space<vmem>>, %arg4: memref<1x192xf32, #tpu.memory_space<vmem>>, %arg5: memref<192x32xf32, #tpu.memory_space<vmem>>, %arg6: memref<192x32xf32, #tpu.memory_space<vmem>>, %arg7: memref<64x32xf32, #tpu.memory_space<vmem>>, %arg8: memref<1x32xf32, #tpu.memory_space<vmem>>, %arg9: memref<1x32xf32, #tpu.memory_space<vmem>>, %arg10: memref<1x32xf32, #tpu.memory_space<vmem>>, %arg11: memref<1x1xf32, #tpu.memory_space<vmem>>, %arg12: memref<1000x1xf32, #tpu.memory_space<vmem>>) attributes {dimension_semantics = [#tpu.dimension_semantics<arbitrary>], iteration_bounds = array<i64: 10>, scalar_prefetch = 0 : i64, scratch_operands = 0 : i64, tpu.core_type = #tpu.core_type<tc>, window_params = [{transform_indices = @transform_0, window_bounds = array<i64: 2, 1000, 96>}, {transform_indices = @transform_1, window_bounds = array<i64: 1000, 192>}, {transform_indices = @transform_2, window_bounds = array<i64: 2, 1000, 16>}, {pipeline_mode = #tpu.pipeline_mode<synchronous>, transform_indices = @transform_3, window_bounds = array<i64: 1, 192>}, {pipeline_mode = #tpu.pipeline_mode<synchronous>, transform_indices = @transform_4, window_bounds = array<i64: 192, 32>}, {pipeline_mode = #tpu.pipeline_mode<synchronous>, transform_indices = @transform_5, window_bounds = array<i64: 192, 32>}, {pipeline_mode = #tpu.pipeline_mode<synchronous>, transform_indices = @transform_6, window_bounds = array<i64: 64, 32>}, {pipeline_mode = #tpu.pipeline_mode<synchronous>, transform_indices = @transform_7, window_bounds = array<i64: 1, 32>}, {pipeline_mode = #tpu.pipeline_mode<synchronous>, transform_indices = @transform_8, window_bounds = array<i64: 1, 32>}, {pipeline_mode = #tpu.pipeline_mode<synchronous>, transform_indices = @transform_9, window_bounds = array<i64: 1, 32>}, {pipeline_mode = #tpu.pipeline_mode<synchronous>, transform_indices = @transform_10, window_bounds = array<i64: 1, 1>}, {transform_indices = @transform_11, window_bounds = array<i64: 1000, 1>}]} {
    %get3A = arith.constant 0 : index
    %get3A_0 = arith.constant 0 : index
    %get3A_1 = arith.constant 0 : index
    %get3A_2 = vector.load %arg3[%get3A, %get3A_0, %get3A_1] : memref<2x1000x16xf32, #tpu.memory_space<vmem>>, vector<1x1000x1xf32>
    %get3A_3 = vector.shape_cast %get3A_2 : vector<1x1000x1xf32> to vector<1000x1xf32>
    %get3A_4 = arith.constant 1 : index
    %get3A_5 = arith.constant 0 : index
    %get3A_6 = arith.constant 0 : index
    %get3A_7 = vector.load %arg3[%get3A_4, %get3A_5, %get3A_6] : memref<2x1000x16xf32, #tpu.memory_space<vmem>>, vector<1x1000x1xf32>
    %get3A_8 = vector.shape_cast %get3A_7 : vector<1x1000x1xf32> to vector<1000x1xf32>
    %add3A = arith.addf %get3A_3, %get3A_8 : vector<1000x1xf32>
    %add3A_9 = arith.constant 1.000000e+00 : f32
    %add3A_10 = vector.broadcast %add3A_9 : f32 to vector<1000x1xf32>
    %add3A_11 = arith.addf %add3A, %add3A_10 : vector<1000x1xf32>
    %rsqrt3A = math.rsqrt %add3A_11 : vector<1000x1xf32>
    %div3A = arith.constant 1.000000e+00 : f32
    %div3A_12 = vector.broadcast %div3A : f32 to vector<1000x1xf32>
    %div3A_13 = arith.divf %div3A_12, %add3A_11 : vector<1000x1xf32>
    %get3A_14 = arith.constant 0 : index
    %get3A_15 = arith.constant 0 : index
    %get3A_16 = arith.constant 0 : index
    %get3A_17 = vector.load %arg1[%get3A_14, %get3A_15, %get3A_16] : memref<2x1000x96xf32, #tpu.memory_space<vmem>>, vector<1x1000x96xf32>
    %get3A_18 = vector.shape_cast %get3A_17 : vector<1x1000x96xf32> to vector<1000x96xf32>
    %get3A_19 = arith.constant 1 : index
    %get3A_20 = arith.constant 0 : index
    %get3A_21 = arith.constant 0 : index
    %get3A_22 = vector.load %arg1[%get3A_19, %get3A_20, %get3A_21] : memref<2x1000x96xf32, #tpu.memory_space<vmem>>, vector<1x1000x96xf32>
    %get3A_23 = vector.shape_cast %get3A_22 : vector<1x1000x96xf32> to vector<1000x96xf32>
    %concatenate3A = tpu.concatenate %get3A_18, %get3A_23 in 1 : vector<1000x96xf32>, vector<1000x96xf32> -> vector<1000x192xf32>
    %mul3A = vector.broadcast %rsqrt3A : vector<1000x1xf32> to vector<1000x192xf32>
    %mul3A_24 = arith.mulf %concatenate3A, %mul3A : vector<1000x192xf32>
    %get3A_25 = arith.constant 0 : index
    %get3A_26 = arith.constant 0 : index
    %get3A_27 = vector.load %arg2[%get3A_25, %get3A_26] : memref<1000x192xf32, #tpu.memory_space<vmem>>, vector<1000x192xf32>
    %mul3A_28 = vector.broadcast %div3A_13 : vector<1000x1xf32> to vector<1000x192xf32>
    %mul3A_29 = arith.mulf %get3A_27, %mul3A_28 : vector<1000x192xf32>
    %add3A_30 = arith.addf %mul3A_24, %mul3A_29 : vector<1000x192xf32>
    %get3A_31 = arith.constant 0 : index
    %get3A_32 = arith.constant 0 : index
    %get3A_33 = vector.load %arg4[%get3A_31, %get3A_32] : memref<1x192xf32, #tpu.memory_space<vmem>>, vector<1x192xf32>
    %add3A_34 = vector.broadcast %get3A_33 : vector<1x192xf32> to vector<1000x192xf32>
    %add3A_35 = arith.addf %add3A_30, %add3A_34 : vector<1000x192xf32>
    %max3A = arith.constant 0.000000e+00 : f32
    %max3A_36 = vector.broadcast %max3A : f32 to vector<1000x192xf32>
    %max3A_37 = arith.maximumf %add3A_35, %max3A_36 : vector<1000x192xf32>
    %get3A_38 = arith.constant 0 : index
    %get3A_39 = arith.constant 0 : index
    %get3A_40 = vector.load %arg5[%get3A_38, %get3A_39] : memref<192x32xf32, #tpu.memory_space<vmem>>, vector<192x32xf32>
    %dot_general3A = arith.constant dense<0.000000e+00> : vector<1000x32xf32>
    %dot_general3A_41 = tpu.matmul %max3A_37, %get3A_40, %dot_general3A {dimension_numbers = #tpu.dot_dimension_numbers<[1], [0], [0], [1], [0, 0, 1, 1], [], []>, transpose_lhs_hint = false} : vector<1000x192xf32>, vector<192x32xf32>, vector<1000x32xf32> -> vector<1000x32xf32>
    %get3A_42 = arith.constant 0 : index
    %get3A_43 = arith.constant 0 : index
    %get3A_44 = vector.load %arg8[%get3A_42, %get3A_43] : memref<1x32xf32, #tpu.memory_space<vmem>>, vector<1x32xf32>
    %add3A_45 = vector.broadcast %get3A_44 : vector<1x32xf32> to vector<1000x32xf32>
    %add3A_46 = arith.addf %dot_general3A_41, %add3A_45 : vector<1000x32xf32>
    %max3A_47 = arith.constant 0.000000e+00 : f32
    %max3A_48 = vector.broadcast %max3A_47 : f32 to vector<1000x32xf32>
    %max3A_49 = arith.maximumf %add3A_46, %max3A_48 : vector<1000x32xf32>
    %get3A_50 = arith.constant 0 : index
    %get3A_51 = arith.constant 0 : index
    %get3A_52 = vector.load %arg6[%get3A_50, %get3A_51] : memref<192x32xf32, #tpu.memory_space<vmem>>, vector<192x32xf32>
    %dot_general3A_53 = arith.constant dense<0.000000e+00> : vector<1000x32xf32>
    %dot_general3A_54 = tpu.matmul %max3A_37, %get3A_52, %dot_general3A_53 {dimension_numbers = #tpu.dot_dimension_numbers<[1], [0], [0], [1], [0, 0, 1, 1], [], []>, transpose_lhs_hint = false} : vector<1000x192xf32>, vector<192x32xf32>, vector<1000x32xf32> -> vector<1000x32xf32>
    %get3A_55 = arith.constant 0 : index
    %get3A_56 = arith.constant 0 : index
    %get3A_57 = vector.load %arg8[%get3A_55, %get3A_56] : memref<1x32xf32, #tpu.memory_space<vmem>>, vector<1x32xf32>
    %add3A_58 = vector.broadcast %get3A_57 : vector<1x32xf32> to vector<1000x32xf32>
    %add3A_59 = arith.addf %dot_general3A_54, %add3A_58 : vector<1000x32xf32>
    %max3A_60 = arith.constant 0.000000e+00 : f32
    %max3A_61 = vector.broadcast %max3A_60 : f32 to vector<1000x32xf32>
    %max3A_62 = arith.maximumf %add3A_59, %max3A_61 : vector<1000x32xf32>
    %concatenate3A_63 = tpu.concatenate %max3A_49, %max3A_62 in 1 : vector<1000x32xf32>, vector<1000x32xf32> -> vector<1000x64xf32>
    %get3A_64 = arith.constant 0 : index
    %get3A_65 = arith.constant 0 : index
    %get3A_66 = vector.load %arg7[%get3A_64, %get3A_65] : memref<64x32xf32, #tpu.memory_space<vmem>>, vector<64x32xf32>
    %dot_general3A_67 = arith.constant dense<0.000000e+00> : vector<1000x32xf32>
    %dot_general3A_68 = tpu.matmul %concatenate3A_63, %get3A_66, %dot_general3A_67 {dimension_numbers = #tpu.dot_dimension_numbers<[1], [0], [0], [1], [0, 0, 1, 1], [], []>, transpose_lhs_hint = false} : vector<1000x64xf32>, vector<64x32xf32>, vector<1000x32xf32> -> vector<1000x32xf32>
    %get3A_69 = arith.constant 0 : index
    %get3A_70 = arith.constant 0 : index
    %get3A_71 = vector.load %arg9[%get3A_69, %get3A_70] : memref<1x32xf32, #tpu.memory_space<vmem>>, vector<1x32xf32>
    %add3A_72 = vector.broadcast %get3A_71 : vector<1x32xf32> to vector<1000x32xf32>
    %add3A_73 = arith.addf %dot_general3A_68, %add3A_72 : vector<1000x32xf32>
    %max3A_74 = arith.constant 0.000000e+00 : f32
    %max3A_75 = vector.broadcast %max3A_74 : f32 to vector<1000x32xf32>
    %max3A_76 = arith.maximumf %add3A_73, %max3A_75 : vector<1000x32xf32>
    %get3A_77 = arith.constant 0 : index
    %get3A_78 = arith.constant 0 : index
    %get3A_79 = vector.load %arg10[%get3A_77, %get3A_78] : memref<1x32xf32, #tpu.memory_space<vmem>>, vector<1x32xf32>
    %mul3A_80 = vector.broadcast %get3A_79 : vector<1x32xf32> to vector<1000x32xf32>
    %mul3A_81 = arith.mulf %max3A_76, %mul3A_80 : vector<1000x32xf32>
    %reduce_sum3A = arith.constant dense<0.000000e+00> : vector<1000xf32>
    %reduce_sum3A_82 = vector.multi_reduction <add>, %mul3A_81, %reduce_sum3A [1] : vector<1000x32xf32> to vector<1000xf32>
    %broadcast_in_dim3A = vector.shape_cast %reduce_sum3A_82 : vector<1000xf32> to vector<1000x1xf32>
    %get3A_83 = arith.constant 0 : index
    %get3A_84 = arith.constant 0 : index
    %get3A_85 = vector.load %arg11[%get3A_83, %get3A_84] : memref<1x1xf32, #tpu.memory_space<vmem>>, vector<1x1xf32>
    %get3A_86 = vector.extract %get3A_85[0, 0] : f32 from vector<1x1xf32>
    %add3A_87 = vector.broadcast %get3A_86 : f32 to vector<1000x1xf32>
    %add3A_88 = arith.addf %broadcast_in_dim3A, %add3A_87 : vector<1000x1xf32>
    %swap3A = arith.constant 0 : index
    %swap3A_89 = arith.constant 0 : index
    %swap3A_90 = vector.load %arg12[%swap3A, %swap3A_89] : memref<1000x1xf32, #tpu.memory_space<vmem>>, vector<1000x1xf32>
    tpu.vector_store %arg12[%swap3A, %swap3A_89], %add3A_88 {strides = array<i32>} : memref<1000x1xf32, #tpu.memory_space<vmem>>, vector<1000x1xf32>,
    return
  }
  func.func @transform_0(%arg0: i32) -> (i32, i32, i32) {
    %c0_i32 = arith.constant 0 : i32
    %c0_i32_0 = arith.constant 0 : i32
    %c0_i32_1 = arith.constant 0 : i32
    return %c0_i32, %arg0, %c0_i32_0 : i32, i32, i32
  }
  func.func @transform_1(%arg0: i32) -> (i32, i32) {
    %c0_i32 = arith.constant 0 : i32
    %c0_i32_0 = arith.constant 0 : i32
    return %arg0, %c0_i32 : i32, i32
  }
  func.func @transform_2(%arg0: i32) -> (i32, i32, i32) {
    %c0_i32 = arith.constant 0 : i32
    %c0_i32_0 = arith.constant 0 : i32
    %c0_i32_1 = arith.constant 0 : i32
    return %c0_i32, %arg0, %c0_i32_0 : i32, i32, i32
  }
  func.func @transform_3(%arg0: i32) -> (i32, i32) {
    %c0_i32 = arith.constant 0 : i32
    %c0_i32_0 = arith.constant 0 : i32
    %c0_i32_1 = arith.constant 0 : i32
    return %c0_i32, %c0_i32_0 : i32, i32
  }
  func.func @transform_4(%arg0: i32) -> (i32, i32) {
    %c0_i32 = arith.constant 0 : i32
    %c0_i32_0 = arith.constant 0 : i32
    %c0_i32_1 = arith.constant 0 : i32
    return %c0_i32, %c0_i32_0 : i32, i32
  }
  func.func @transform_5(%arg0: i32) -> (i32, i32) {
    %c0_i32 = arith.constant 0 : i32
    %c0_i32_0 = arith.constant 0 : i32
    %c0_i32_1 = arith.constant 0 : i32
    return %c0_i32, %c0_i32_0 : i32, i32
  }
  func.func @transform_6(%arg0: i32) -> (i32, i32) {
    %c0_i32 = arith.constant 0 : i32
    %c0_i32_0 = arith.constant 0 : i32
    %c0_i32_1 = arith.constant 0 : i32
    return %c0_i32, %c0_i32_0 : i32, i32
  }
  func.func @transform_7(%arg0: i32) -> (i32, i32) {
    %c0_i32 = arith.constant 0 : i32
    %c0_i32_0 = arith.constant 0 : i32
    %c0_i32_1 = arith.constant 0 : i32
    return %c0_i32, %c0_i32_0 : i32, i32
  }
  func.func @transform_8(%arg0: i32) -> (i32, i32) {
    %c0_i32 = arith.constant 0 : i32
    %c0_i32_0 = arith.constant 0 : i32
    %c0_i32_1 = arith.constant 0 : i32
    return %c0_i32, %c0_i32_0 : i32, i32
  }
  func.func @transform_9(%arg0: i32) -> (i32, i32) {
    %c0_i32 = arith.constant 0 : i32
    %c0_i32_0 = arith.constant 0 : i32
    %c0_i32_1 = arith.constant 0 : i32
    return %c0_i32, %c0_i32_0 : i32, i32
  }
  func.func @transform_10(%arg0: i32) -> (i32, i32) {
    %c0_i32 = arith.constant 0 : i32
    %c0_i32_0 = arith.constant 0 : i32
    %c0_i32_1 = arith.constant 0 : i32
    return %c0_i32, %c0_i32_0 : i32, i32
  }
  func.func @transform_11(%arg0: i32) -> (i32, i32) {
    %c0_i32 = arith.constant 0 : i32
    %c0_i32_0 = arith.constant 0 : i32
    return %arg0, %c0_i32 : i32, i32
  }
}

</mosaic_0001>

<sc_bundles>
// kernel: kernel.11.cloned.1.call-start
scs
__scs_entry_jumppad:
0x0: {  	(pc) =	sbr.rel $0x88, $3  }
0x1: {  	(tag) =	ssettag $0x0;
	lr =	simm.s32 $0x1  }
0x2: {  	[smem:$0x3F95] =	sst lr;
	_ =	strace $0xD0000000  }
0x3: {  	_ = 	snop  }
0x4: {  	_ = 	snop  }
0x5: {  	_ = 	snop  }
0x6: {  	_ = 	snop  }
0x7: {  	_ = 	snop  }
__scs_overlays_trampoline_lowered:
0x8: {  	[smem:$0x3FA4] =	sst s0  }
0x9: {  	[smem:$0x3FA5] =	sst s1  }
0xa: {  	[smem:$0x3FA6] =	sst s2  }
0xb: {  	[smem:$0x3FA7] =	sst s3  }
0xc: {  	[smem:$0x3FA8] =	sst s4  }
0xd: {  	[smem:$0x3FA9] =	sst s5  }
0xe: {  	[smem:$0x3FAA] =	sst s6  }
0xf: {  	[smem:$0x3FAB] =	sst s7  }
0x10: {  	[smem:$0x3FAC] =	sst s8  }
0x11: {  	[smem:$0x3FAD] =	sst s9;
	s0 =	simm.s32 @!p0 $0x0  }
0x12: {  	s1 =	sld [smem:$0x3F93];
	s0 =	simm.s32 @p0 $0x1  }
0x13: {  	[smem:$0x3FAE] =	sst s0;
	s0 =	simm.s32 @!p1 $0x0  }
0x14: {  	s2 =	sld [smem:$0x3F92];
	s0 =	simm.s32 @p1 $0x1  }
0x15: {  	[smem:$0x3FAF] =	sst s0;
	s0 =	simm.s32 @!p2 $0x0  }
0x16: {  	s3 =	sld [smem:$0x3FDB];
	s0 =	simm.s32 @p2 $0x1  }
0x17: {  	s4 =	simm.s32 $0x1BF5;
	[smem:$0x3FB1] =	sst s0  }
0x18: {  	s0 =	sld [smem:$0x3F94];
	_ =	swait.ge [sflag:s4], $0x0  }
0x19: {  	s7 =	sld [smem:$0x3F95]  }
0x1a: {  	s8 =	sadd.s32 $0xFFFFE003, lr  }
0x1b: {  	s9 =	sadd.s32 $0xFFFFFEF7, lr;
	s5 =	simm.s32 $0xFFFFFFFF;
	p2 =	slt.u32 s8, $0xFFFFF086  }
0x1c: {  	p1 =	slt.u32 s9, $0xF7A;
	s5 =	simm.s32 @!p2 $0x0  }
0x1d: {  	s5 =	simm.s32 @p1 $0x1;
	p0 =	seq.s32 s7, s2  }
0x1e: {  	s7 =	smul.u32 @!p0 $0xF7A, s2;
	p2 =	seq.s32 @!p0 s5, $0x0  }
0x1f: {  	s9 =	smul.u32 $0xF7A, s1;
	s8 =	simm.s32 @!p0 $0x1BF5;
	p2 =	por !p2, p0  }
0x20: {  	[sflag:s8] =	ssyncset.s32 @!p0 $0xFFFFF086;
	s6 =	sadd.s32 @!p0 s3, s7;
	s7 =	simm.s32 @!p0 $0x108  }
0x21: {  	s3 =	sadd.s32 s3, s9;
	s6 =	sadd.s32 @!p0 $0x88, s6;
	s7 =	simm.s32 @p2 $0x1082  }
0x22: {  	[simem:s7], [sflag:s8] =	dma.local @!p0 [hbm:s6], $0xF7A  }
0x23: {  	s9 =	sor.u32 $0xD0000000, s2;
	s6 =	simm.s32 $0x108;
	_ =	swait.ge @!p0 [sflag:s8], $0x0  }
0x24: {  	s3 =	sadd.s32 $0x88, s3;
	s6 =	simm.s32 @!p1 $0x1082;
	[sflag:s4] =	ssyncset.s32 $0xFFFFF086  }
0x25: {  	[simem:s6], [sflag:s4] =	dma.local [hbm:s3], $0xF7A  }
0x26: {  	[smem:$0x3F95] =	sst s1;
	(tag) =	ssettag s2;
	_ =	strace s9  }
0x27: {  	s1 =	sld [smem:$0x3FA5]  }
0x28: {  	s2 =	sld [smem:$0x3FA6]  }
0x29: {  	s4 =	sld [smem:$0x3FA8]  }
0x2a: {  	p0 =	seq.s32 s5, $0x0;
	s5 =	sld [smem:$0x3FA9]  }
0x2b: {  	s6 =	sld [smem:$0x3FAA]  }
0x2c: {  	s7 =	sld [smem:$0x3FAB]  }
0x2d: {  	s3 =	simm.s32 $0x108;
	s8 =	sld [smem:$0x3FAC]  }
0x2e: {  	s3 =	simm.s32 @!p0 $0x1082;
	s9 =	sld [smem:$0x3FAD]  }
0x2f: {  	lr =	sadd.s32 s0, s3;
	s0 =	sld [smem:$0x3FA4]  }
0x30: {  	s3 =	sld [smem:$0x3FA7]  }
0x31: {  	[smem:$0x3FB0] =	sst s10  }
0x32: {  	s10 =	sld [smem:$0x3FAE];
	_ =	sdelay $0x3  }
0x33: {  	p0 =	seq.s32 s10, $0x1;
	s10 =	sld [smem:$0x3FB0];
	_ =	sdelay $0x3  }
0x34: {  	[smem:$0x3FB0] =	sst s10  }
0x35: {  	s10 =	sld [smem:$0x3FAF];
	_ =	sdelay $0x3  }
0x36: {  	p1 =	seq.s32 s10, $0x1;
	s10 =	sld [smem:$0x3FB0];
	_ =	sdelay $0x3  }
0x37: {  	[smem:$0x3FB0] =	sst s10  }
0x38: {  	s10 =	sld [smem:$0x3FB1]  }
0x39: {  	_ = 	snop;
	(pc) =	sbr.ind lr, $3  }
0x3a: {  	_ = 	snop  }
0x3b: {  	_ = 	snop  }
0x3c: {  	p2 =	seq.s32 s10, $0x1;
	s10 =	sld [smem:$0x3FB0]  }
0x3d: {  	_ =	shalt  }
0x3e: {  	_ =	shalt  }
0x3f: {  	_ =	shalt  }
0x40: {  	_ =	shalt  }
0x41: {  	_ =	shalt  }
0x42: {  	_ =	shalt  }
0x43: {  	_ =	shalt  }
0x44: {  	_ =	shalt  }
0x45: {  	_ =	shalt  }
0x46: {  	_ =	shalt  }
0x47: {  	_ =	shalt  }
0x48: {  	_ =	shalt  }
0x49: {  	_ =	shalt  }
0x4a: {  	_ =	shalt  }
0x4b: {  	_ =	shalt  }
0x4c: {  	_ =	shalt  }
0x4d: {  	_ =	shalt  }
0x4e: {  	_ =	shalt  }
0x4f: {  	_ =	shalt  }
0x50: {  	_ =	shalt  }
0x51: {  	_ =	shalt  }
0x52: {  	_ =	shalt  }
0x53: {  	_ =	shalt  }
0x54: {  	_ =	shalt  }
0x55: {  	_ =	shalt  }
0x56: {  	_ =	shalt  }
0x57: {  	_ =	shalt  }
0x58: {  	_ =	shalt  }
0x59: {  	_ =	shalt  }
0x5a: {  	_ =	shalt  }
0x5b: {  	_ =	shalt  }
0x5c: {  	_ =	shalt  }
0x5d: {  	_ =	shalt  }
0x5e: {  	_ =	shalt  }
0x5f: {  	_ =	shalt  }
0x60: {  	_ =	shalt  }
0x61: {  	_ =	shalt  }
0x62: {  	_ =	shalt  }
0x63: {  	_ =	shalt  }
0x64: {  	_ =	shalt  }
0x65: {  	_ =	shalt  }
0x66: {  	_ =	shalt  }
0x67: {  	_ =	shalt  }
0x68: {  	_ =	shalt  }
0x69: {  	_ =	shalt  }
0x6a: {  	_ =	shalt  }
0x6b: {  	_ =	shalt  }
0x6c: {  	_ =	shalt  }
0x6d: {  	_ =	shalt  }
0x6e: {  	_ =	shalt  }
0x6f: {  	_ =	shalt  }
0x70: {  	_ =	shalt  }
0x71: {  	_ =	shalt  }
0x72: {  	_ =	shalt  }
0x73: {  	_ =	shalt  }
0x74: {  	_ =	shalt  }
0x75: {  	_ =	shalt  }
0x76: {  	_ =	shalt  }
0x77: {  	_ =	shalt  }
0x78: {  	_ =	shalt  }
0x79: {  	_ =	shalt  }
0x7a: {  	_ =	shalt  }
0x7b: {  	_ =	shalt  }
0x7c: {  	_ =	shalt  }
0x7d: {  	_ =	shalt  }
0x7e: {  	_ =	shalt  }
0x7f: {  	_ =	shalt  }
0x80: {  	_ =	shalt  }
0x81: {  	_ =	shalt  }
0x82: {  	_ =	shalt  }
0x83: {  	_ =	shalt  }
0x84: {  	_ =	shalt  }
0x85: {  	_ =	shalt  }
0x86: {  	_ =	shalt  }
0x87: {  	_ =	shalt  }
.Lfunc_end0:
.L_simem_size_0:
called_computation.1_lowered:
.L_overlay_start_0:
0x88: {  	s2 =	sld [smem:$0x3FD9]  }
0x89: {  	s3 =	sld [smem:$0x3FFE];
	_ =	sdelay $0x1  }
0x8a: {  	s1 =	srdreg.scid  }
0x8b: {  	s0 =	sand.u32 $0x1, s1  }
0x8c: {  	s16 =	sshll.u32 s0, $0xA;
	s2 =	sadd.s32 s3, s2  }
0x8d: {  	s2 =	sadd.s32 s2, s16  }
0x8e: {  	[smem:$0x3FBC] =	sst s2  }
0x8f: {  	_ = 	snop  }
0x90: {  	(tm) =	ssettm $0x1  }
0x91: {  	s17 =	sld [smem:$0x3FFB];
	_ =	sdelay $0x3  }
0x92: {  	_ =	strace s17  }
0x93: {  	s2 =	sld [smem:$0x3FFC];
	_ =	sdelay $0x3  }
0x94: {  	_ =	strace s2  }
0x95: {  	s2 =	sld [smem:$0x3FFD];
	_ =	sdelay $0x3  }
0x96: {  	_ =	strace s2  }
0x97: {  	_ =	strace $0x8FFFFFFF  }
0x98: {  	s18 =	sld [smem:$0x3FDB];
	_ =	sdelay $0x1  }
0x99: {  	s19 =	simm.s32 $_scs_section_size  }
0x9a: {  	s4 =	simm.s32 $_size__tile_overlayer_lowered;
	s5 =	simm.s32 $_tile_overlayer_lowered  }
0x9b: {  	s22 =	simm.s32 $0x1BFF;
	s21 =	sshll.u32 s5, $0x1;
	s2 =	sadd.s32 s19, s18  }
0x9c: {  	s6 =	simm.s32 $0x0;
	s20 =	sshll.u32 s4, $0x1;
	s4 =	sadd.s32 s21, s2  }
0x9d: {  	[timem:s6], [sflag:s22] =	dma.local [hbm:s4], s20  }
0x9e: {  	_ =	swait.ge [sflag:s22], s20  }
0x9f: {  	s3 =	ssub.s32 $0x0, s20;
	[sflag:s22] =	ssyncset.done $0x0  }
0xa0: {  	[sflag:s22] =	ssyncadd.s32 s3;
	_ =	sdelay $0x1  }
0xa1: {  	s23 =	simm.s32 $0x1B8B  }
0xa2: {  	_ =	swait.ge [sflag:s23], $0x1  }
0xa3: {  	[sflag:s23] =	ssyncset.done $0x0  }
0xa4: {  	s25 =	simm.s32 $0x1B8E;
	s24 =	sld [smem:$0x3FFE];
	[sflag:s23] =	ssyncadd.s32 $0xFFFFFFFF  }
0xa5: {  	s26 =	simm.s32 $execute0_lowered;
	[smem:$0x3FD2] =	sst s25  }
0xa6: {  	s4 =	sshll.u32 s26, $0x1;
	_ =	strace $0x80000049;
	[dreg:$0x1] =	wrdreg $0xFFFFFFFF  }
0xa7: {  	s28 =	simm.s32 $_size_execute0_lowered;
	s2 =	sadd.s32 s2, s4;
	[dreg:$0x0] =	wrdreg $0x0  }
0xa8: {  	s4 =	sshll.u32 s28, $0x1;
	[dreg:$0x2] =	wrdreg s2  }
0xa9: {  	[dreg:$0x3] =	wrdreg s4  }
0xaa: {  	[dreg:$0x4] =	wrdreg $0xC0  }
0xab: {  	_ =	task [dreg:s6], $0x5FFFF  }
0xac: {  	[dreg:$0x1] =	wrdreg $0xFFFFFFFF  }
0xad: {  	[dreg:$0x0] =	wrdreg $0x60  }
0xae: {  	[dreg:$0x2] =	wrdreg s24  }
0xaf: {  	[dreg:$0x3] =	wrdreg $0xF3200  }
0xb0: {  	[dreg:$0x4] =	wrdreg $0x9  }
0xb1: {  	_ =	task.clear_ibuf [dreg:s6], $0x5FFFF;
	_ =	strace $0x90000049  }
0xb2: {  	s29 =	simm.s32 $0x9;
	_ =	strace $0x8000004B  }
0xb3: {  	_ =	swait.ge [sflag:s29], $0x1  }
0xb4: {  	[sflag:s29] =	ssyncadd.s32 $0xFFFFFFFF  }
0xb5: {  	_ =	strace $0x9000004B  }
0xb6: {  	_ =	sfence  }
0xb7: {  	s30 =	sld [smem:$0x0];
	_ =	sdelay $0x2  }
0xb8: {  	s31 =	sshll.u32 s1, $0xD;
	s1 =	sshrl.u32 s1, $0x2  }
0xb9: {  	s3 =	sand.u32 $0x4000, s31;
	s1 =	sadd.s32 s1, s30  }
0xba: {  	s0 =	sor.u32 s3, s0;
	s1 =	sshll.u32 s1, $0x11  }
0xbb: {  	s0 =	sor.u32 s1, s0  }
0xbc: {  	s0 =	sadd.s32 $0x8F2B, s0  }
0xbd: {  	[sflag:s0] =	ssyncadd.remote.s32 $0x1  }
0xbe: {  	_ =	sfence.sel $0xFFFF  }
0xbf: {  	[dreg:$0x0] =	wrdreg $0xFFFFFFFF;
	(pc) =	sbr.abs _section_cstart, $3  }
0xc0: {  	[dreg:$0x1] =	wrdreg $0xFFFFFFFF  }
0xc1: {  	_ =	task.clear_ibuf [dreg:s6], $0x2FFFF;
	_ =	strace $0x9FFFFFFF  }
0xc2: {  	(tm) =	ssettm $0x7FFFFFFF  }
0xc3: {  	_ =	shalt  }
tec
execute0_lowered:
.L_overlay_start_1:
0x0: {  	(tag) =	ssettag $0x1  }
0x1: {  	s0 =	rddreg [dreg:$0x0]  }
0x2: {  	s1 =	rddreg [dreg:$0x1];
	s11 =	stileid.u32  }
0x3: {  	s2 =	simm.s32 $0x0;
	s3 =	srdreg.scid;
	s7 =	smul.u32 $0x1D40, s11  }
0x4: {  	[smem:$0x7FF] =	sst s2;
	s3 =	sand.u32 $0x1, s3;
	s23 =	smul.u32 $0x4E20, s11  }
0x5: {  	s4 =	sadd.s32 $0xECA00, s0;
	s8 =	sadd.s32 $0x15A00, s0;
	s25 =	smul.u32 $0x9C4, s11  }
0x6: {  	s9 =	sadd.s32 $0x1E00, s0;
	s26 =	smul.u32 $0x3A800, s11;
	s6 =	sshll.u32 s3, $0x4  }
0x7: {  	s5 =	smul.u32 $0x1D4C0, s3;
	s3 =	ssub.s32 $0x2, s3;
	s6 =	sor.u32 s11, s6  }
0x8: {  	_ =	strace $0x8000004A;
	s22 =	sshrl.u32 s3, $0x1;
	s10 =	smul.u32 $0x9C4, s6  }
0x9: {  	s5 =	sadd.s32 s7, s5;
	s6 =	smul.u32 $0x4E20, s6;
	s3 =	ssub.s32 s3, s22  }
0xa: {  	s7 =	sshrl.u32 s23, $0x3;
	s0 =	sadd.s32 s5, s0;
	s5 =	sadd.s32 s9, s25  }
0xb: {  	s11 =	smax.u32 s3, $0x1;
	s24 =	sadd.s32 s8, s10;
	[dreg:$0x4] =	wrdreg s5  }
0xc: {  	s6 =	sshrl.u32 s6, $0x3;
	s10 =	sshrl.u32 s26, $0x2;
	[dreg:$0x8] =	wrdreg s11  }
0xd: {  	s0 =	sadd.s32 $0x127400, s0;
	[dreg:$0x3] =	wrdreg s24;
	s6 =	sadd.s32 s8, s6  }
0xe: {  	s8 =	sadd.s32 s9, s7;
	[dreg:$0x7] =	wrdreg s0;
	s5 =	sadd.s32 $0x4E2, s6  }
0xf: {  	s10 =	sadd.s32 s10, s1;
	s9 =	sadd.s32 $0x4E2, s8;
	[dreg:$0x5] =	wrdreg s5  }
0x10: {  	s12 =	sadd.s32 $0xF00, s10;
	[dreg:$0x6] =	wrdreg s9  }
0x11: {  	s13 =	sadd.s32 $0x1E00, s10;
	[dreg:$0x9] =	wrdreg s12  }
0x12: {  	s14 =	sadd.s32 $0x2D00, s10;
	[dreg:$0xa] =	wrdreg s13  }
0x13: {  	s15 =	sadd.s32 $0x3C00, s10;
	[dreg:$0xb] =	wrdreg s14  }
0x14: {  	s16 =	sadd.s32 $0x4B00, s10;
	[dreg:$0xc] =	wrdreg s15  }
0x15: {  	s17 =	sadd.s32 $0x5A00, s10;
	[dreg:$0xd] =	wrdreg s16  }
0x16: {  	s18 =	sadd.s32 $0x6900, s10;
	[dreg:$0xe] =	wrdreg s17  }
0x17: {  	s19 =	sadd.s32 $0x7800, s10;
	[dreg:$0xf] =	wrdreg s18  }
0x18: {  	s28 =	simm.s32 $0xE420;
	s20 =	sadd.s32 $0x8700, s10;
	[dreg:$0x10] =	wrdreg s19  }
0x19: {  	s29 =	simm.s32 $0xB;
	s21 =	sadd.s32 $0x9600, s10;
	[dreg:$0x11] =	wrdreg s20  }
0x1a: {  	s31 =	simm.s32 $0x50;
	s22 =	sadd.s32 $0xA500, s10;
	[dreg:$0x12] =	wrdreg s21  }
0x1b: {  	s30 =	simm.s32 $0xA;
	s23 =	sadd.s32 $0xB400, s10;
	[dreg:$0x13] =	wrdreg s22  }
0x1c: {  	s3 =	simm.s32 $0x6C20;
	s24 =	sadd.s32 $0xC300, s10;
	[dreg:$0x14] =	wrdreg s23  }
0x1d: {  	s11 =	simm.s32 $0xC620;
	s25 =	sadd.s32 $0xD200, s10;
	[dreg:$0x15] =	wrdreg s24  }
0x1e: {  	s0 =	simm.s32 $0x4E20;
	s26 =	sadd.s32 $0xE100, s10;
	[dreg:$0x16] =	wrdreg s25  }
0x1f: {  	s6 =	simm.s32 $0x8A20;
	s8 =	simm.s32 $0xA820;
	[dreg:$0x17] =	wrdreg s26  }
0x20: {  	s9 =	simm.s32 $0x140;
	s12 =	simm.s32 $0x1;
	s13 =	simm.s32 $0x2  }
0x21: {  	s14 =	simm.s32 $0x3;
	s15 =	simm.s32 $0x4;
	s16 =	simm.s32 $0x5  }
0x22: {  	s17 =	simm.s32 $0x6;
	s18 =	simm.s32 $0x7;
	s19 =	simm.s32 $0x8  }
0x23: {  	s20 =	simm.s32 $0x9;
	s21 =	simm.s32 $0x4C90;
	s22 =	simm.s32 $0x4CE0  }
0x24: {  	v0 =	vimm.f32 $0.0e+00;
	s23 =	simm.s32 $0x4D30;
	s24 =	simm.s32 $0x4D80;
	s5 =	simm.s32 $0x4DD0  }
.LBB2_1:
0x25: {  	s25 =	simm.s32 $0x50  }
0x26: {  	[tilespmem:s25+$0xE420] =	vst v0  }
0x27: {  	[tilespmem:s25+$0xE3D0] =	vst v0  }
0x28: {  	[tilespmem:s25+$0xE3E0] =	vst v0  }
0x29: {  	[tilespmem:s25+$0xE3F0] =	vst v0  }
0x2a: {  	s26 =	simm.s32 $0x2C0;
	[tilespmem:s25+$0xE400] =	vst v0  }
.LBB2_2:
0x2b: {  	p0 =	sne.s32 s26, $0x3BC0;
	[tilespmem:s25+$0xE410] =	vst v0;
	s25 =	sshra.s32 s26, $0x2;
	s26 =	sadd.s32 $0x180, s26  }
.Ltmp0:
0x2c: {  	[tilespmem:s25+$0xE420] =	vst v0;
	(pc) =	sbr.rel @p0 .LBB2_2-.Ltmp0, $4  }
0x2d: {  	[tilespmem:s25+$0xE3D0] =	vst v0  }
0x2e: {  	[tilespmem:s25+$0xE3E0] =	vst v0  }
0x2f: {  	[tilespmem:s25+$0xE3F0] =	vst v0  }
0x30: {  	[tilespmem:s25+$0xE400] =	vst v0  }
0x31: {  	[tilespmem:s25+$0xE410] =	vst v0  }
0x32: {  	[spmem:s10] =	stream.linear.scatter [tilespmem:s28], [sflag:$0xB], $0xF00, $0x38;
	[tilespmem:$0x1DD80] =	vst v63  }
0x33: {  	_ =	swait.ge [sflag:s29], $0xF00  }
0x34: {  	[sflag:s29] =	ssyncset.done $0x0  }
0x35: {  	s7 =	rddreg [dreg:$0x9];
	[sflag:s29] =	ssyncadd.s32 $0xFFFFF100  }
0x36: {  	[spmem:s7] =	stream.linear.scatter [tilespmem:s28], [sflag:$0xB], $0xF00, $0x38;
	[tilespmem:$0x1DD80] =	vst v63  }
0x37: {  	_ =	swait.ge [sflag:s29], $0xF00  }
0x38: {  	[sflag:s29] =	ssyncset.done $0x0  }
0x39: {  	s26 =	rddreg [dreg:$0xa];
	[sflag:s29] =	ssyncadd.s32 $0xFFFFF100  }
0x3a: {  	[spmem:s26] =	stream.linear.scatter [tilespmem:s28], [sflag:$0xB], $0xF00, $0x38;
	[tilespmem:$0x1DD80] =	vst v63  }
0x3b: {  	_ =	swait.ge [sflag:s29], $0xF00  }
0x3c: {  	[sflag:s29] =	ssyncset.done $0x0  }
0x3d: {  	s25 =	rddreg [dreg:$0xb];
	[sflag:s29] =	ssyncadd.s32 $0xFFFFF100  }
0x3e: {  	[spmem:s25] =	stream.linear.scatter [tilespmem:s28], [sflag:$0xB], $0xF00, $0x38;
	[tilespmem:$0x1DD80] =	vst v63  }
0x3f: {  	_ =	swait.ge [sflag:s29], $0xF00  }
0x40: {  	[sflag:s29] =	ssyncset.done $0x0  }
0x41: {  	s26 =	rddreg [dreg:$0xc];
	[sflag:s29] =	ssyncadd.s32 $0xFFFFF100  }
0x42: {  	[spmem:s26] =	stream.linear.scatter [tilespmem:s28], [sflag:$0xB], $0xF00, $0x38;
	[tilespmem:$0x1DD80] =	vst v63  }
0x43: {  	_ =	swait.ge [sflag:s29], $0xF00  }
0x44: {  	[sflag:s29] =	ssyncset.done $0x0  }
0x45: {  	s25 =	rddreg [dreg:$0xd];
	[sflag:s29] =	ssyncadd.s32 $0xFFFFF100  }
0x46: {  	[spmem:s25] =	stream.linear.scatter [tilespmem:s28], [sflag:$0xB], $0xF00, $0x38;
	[tilespmem:$0x1DD80] =	vst v63  }
0x47: {  	_ =	swait.ge [sflag:s29], $0xF00  }
0x48: {  	[sflag:s29] =	ssyncset.done $0x0  }
0x49: {  	s26 =	rddreg [dreg:$0xe];
	[sflag:s29] =	ssyncadd.s32 $0xFFFFF100  }
0x4a: {  	[spmem:s26] =	stream.linear.scatter [tilespmem:s28], [sflag:$0xB], $0xF00, $0x38;
	[tilespmem:$0x1DD80] =	vst v63  }
0x4b: {  	_ =	swait.ge [sflag:s29], $0xF00  }
0x4c: {  	[sflag:s29] =	ssyncset.done $0x0  }
0x4d: {  	s25 =	rddreg [dreg:$0xf];
	[sflag:s29] =	ssyncadd.s32 $0xFFFFF100  }
0x4e: {  	[spmem:s25] =	stream.linear.scatter [tilespmem:s28], [sflag:$0xB], $0xF00, $0x38;
	[tilespmem:$0x1DD80] =	vst v63  }
0x4f: {  	_ =	swait.ge [sflag:s29], $0xF00  }
0x50: {  	[sflag:s29] =	ssyncset.done $0x0  }
0x51: {  	s26 =	rddreg [dreg:$0x10];
	[sflag:s29] =	ssyncadd.s32 $0xFFFFF100  }
0x52: {  	[spmem:s26] =	stream.linear.scatter [tilespmem:s28], [sflag:$0xB], $0xF00, $0x38;
	[tilespmem:$0x1DD80] =	vst v63  }
0x53: {  	_ =	swait.ge [sflag:s29], $0xF00  }
0x54: {  	[sflag:s29] =	ssyncset.done $0x0  }
0x55: {  	s25 =	rddreg [dreg:$0x11];
	[sflag:s29] =	ssyncadd.s32 $0xFFFFF100  }
0x56: {  	[spmem:s25] =	stream.linear.scatter [tilespmem:s28], [sflag:$0xB], $0xF00, $0x38;
	[tilespmem:$0x1DD80] =	vst v63  }
0x57: {  	_ =	swait.ge [sflag:s29], $0xF00  }
0x58: {  	[sflag:s29] =	ssyncset.done $0x0  }
0x59: {  	s26 =	rddreg [dreg:$0x12];
	[sflag:s29] =	ssyncadd.s32 $0xFFFFF100  }
0x5a: {  	[spmem:s26] =	stream.linear.scatter [tilespmem:s28], [sflag:$0xB], $0xF00, $0x38;
	[tilespmem:$0x1DD80] =	vst v63  }
0x5b: {  	_ =	swait.ge [sflag:s29], $0xF00  }
0x5c: {  	[sflag:s29] =	ssyncset.done $0x0  }
0x5d: {  	s25 =	rddreg [dreg:$0x13];
	[sflag:s29] =	ssyncadd.s32 $0xFFFFF100  }
0x5e: {  	[spmem:s25] =	stream.linear.scatter [tilespmem:s28], [sflag:$0xB], $0xF00, $0x38;
	[tilespmem:$0x1DD80] =	vst v63  }
0x5f: {  	_ =	swait.ge [sflag:s29], $0xF00  }
0x60: {  	[sflag:s29] =	ssyncset.done $0x0  }
0x61: {  	s26 =	rddreg [dreg:$0x14];
	[sflag:s29] =	ssyncadd.s32 $0xFFFFF100  }
0x62: {  	[spmem:s26] =	stream.linear.scatter [tilespmem:s28], [sflag:$0xB], $0xF00, $0x38;
	[tilespmem:$0x1DD80] =	vst v63  }
0x63: {  	_ =	swait.ge [sflag:s29], $0xF00  }
0x64: {  	[sflag:s29] =	ssyncset.done $0x0  }
0x65: {  	s25 =	rddreg [dreg:$0x15];
	[sflag:s29] =	ssyncadd.s32 $0xFFFFF100  }
0x66: {  	[spmem:s25] =	stream.linear.scatter [tilespmem:s28], [sflag:$0xB], $0xF00, $0x38;
	[tilespmem:$0x1DD80] =	vst v63  }
0x67: {  	_ =	swait.ge [sflag:s29], $0xF00  }
0x68: {  	[sflag:s29] =	ssyncset.done $0x0  }
0x69: {  	s26 =	rddreg [dreg:$0x16];
	[sflag:s29] =	ssyncadd.s32 $0xFFFFF100  }
0x6a: {  	[spmem:s26] =	stream.linear.scatter [tilespmem:s28], [sflag:$0xB], $0xF00, $0x38;
	[tilespmem:$0x1DD80] =	vst v63  }
0x6b: {  	_ =	swait.ge [sflag:s29], $0xF00  }
0x6c: {  	[sflag:s29] =	ssyncset.done $0x0  }
0x6d: {  	s25 =	rddreg [dreg:$0x17];
	[sflag:s29] =	ssyncadd.s32 $0xFFFFF100  }
0x6e: {  	[spmem:s25] =	stream.linear.scatter [tilespmem:s28], [sflag:$0xB], $0xF00, $0x38;
	[tilespmem:$0x1DD80] =	vst v63  }
0x6f: {  	_ =	swait.ge [sflag:s29], $0xF00  }
0x70: {  	[sflag:s29] =	ssyncset.done $0x0  }
0x71: {  	[sflag:s29] =	ssyncadd.s32 $0xFFFFF100  }
0x72: {  	[bflag:$0x0] =	sbarrier.arrive $0xFFFF  }
0x73: {  	s25 =	simm.s32 $0x0;
	s26 =	rddreg [dreg:$0x3]  }
0x74: {  	[tilespmem:s25], [sflag:$0xB] =	stream.linear.gather [hbm4b:s26+s25], $0x2710, $0x38;
	[tilespmem:$0x1DD80] =	vst v63  }
0x75: {  	_ =	swait.ge [sflag:s29], $0x2710  }
0x76: {  	[sflag:s29] =	ssyncset.done $0x0  }
0x77: {  	s26 =	simm.s32 $0x2710;
	s7 =	rddreg [dreg:$0x4];
	[sflag:s29] =	ssyncadd.s32 $0xFFFFD8F0  }
0x78: {  	[tilespmem:s26], [sflag:$0xB] =	stream.linear.gather [hbm4b:s7+s25], $0x2710, $0x38;
	[tilespmem:$0x1DD80] =	vst v63  }
0x79: {  	_ =	swait.ge [sflag:s29], $0x2710  }
0x7a: {  	[sflag:s29] =	ssyncset.done $0x0  }
0x7b: {  	[sflag:s29] =	ssyncadd.s32 $0xFFFFD8F0  }
0x7c: {  	[tilespmem:s0], [sflag:$0x1] =	stream.indirect.gather [hbm4b:s4+s31], $0x60, s25, s31, $0xb8;
	[tilespmem:$0x1DD80] =	vst v63  }
0x7d: {  	_ = 	snop  }
0x7e: {  	[tilespmem:s3], [sflag:$0x2] =	stream.indirect.gather [hbm4b:s4+s31], $0x60, s31, s31, $0xb8;
	[tilespmem:$0x1DD80] =	vst v63  }
0x7f: {  	s26 =	simm.s32 $0xA0  }
0x80: {  	[tilespmem:s6], [sflag:$0x3] =	stream.indirect.gather [hbm4b:s4+s31], $0x60, s26, s31, $0xb8;
	[tilespmem:$0x1DD80] =	vst v63  }
0x81: {  	s25 =	simm.s32 $0xF0  }
0x82: {  	[tilespmem:s8], [sflag:$0x4] =	stream.indirect.gather [hbm4b:s4+s31], $0x60, s25, s31, $0xb8;
	[tilespmem:$0x1DD80] =	vst v63  }
0x83: {  	_ = 	snop  }
0x84: {  	[tilespmem:s11], [sflag:$0x5] =	stream.indirect.gather [hbm4b:s4+s31], $0x60, s9, s31, $0xb8;
	[tilespmem:$0x1DD80] =	vst v63  }
0x85: {  	_ =	swait.ge [sflag:s12], $0x1E00  }
0x86: {  	[sflag:s12] =	ssyncset.done $0x0  }
0x87: {  	s26 =	simm.s32 $0x2710;
	[sflag:s12] =	ssyncadd.s32 $0xFFFFE200  }
0x88: {  	[spmem:s1] =	stream.indirect.scatter.add.f32 [tilespmem:s0], [sflag:$0x6], $0x60, s26, s31, $0xb8;
	[tilespmem:$0x1DD80] =	vst v63  }
0x89: {  	_ =	swait.ge [sflag:s13], $0x1E00  }
0x8a: {  	[sflag:s13] =	ssyncset.done $0x0  }
0x8b: {  	s7 =	simm.s32 $0x2760;
	[sflag:s13] =	ssyncadd.s32 $0xFFFFE200  }
0x8c: {  	[spmem:s1] =	stream.indirect.scatter.add.f32 [tilespmem:s3], [sflag:$0x7], $0x60, s7, s31, $0xb8;
	[tilespmem:$0x1DD80] =	vst v63  }
0x8d: {  	_ =	swait.ge [sflag:s14], $0x1E00  }
0x8e: {  	[sflag:s14] =	ssyncset.done $0x0  }
0x8f: {  	s26 =	simm.s32 $0x27B0;
	[sflag:s14] =	ssyncadd.s32 $0xFFFFE200  }
0x90: {  	[spmem:s1] =	stream.indirect.scatter.add.f32 [tilespmem:s6], [sflag:$0x8], $0x60, s26, s31, $0xb8;
	[tilespmem:$0x1DD80] =	vst v63  }
0x91: {  	_ =	swait.ge [sflag:s15], $0x1E00  }
0x92: {  	[sflag:s15] =	ssyncset.done $0x0  }
0x93: {  	s7 =	simm.s32 $0x2800;
	[sflag:s15] =	ssyncadd.s32 $0xFFFFE200  }
0x94: {  	[spmem:s1] =	stream.indirect.scatter.add.f32 [tilespmem:s8], [sflag:$0x9], $0x60, s7, s31, $0xb8;
	[tilespmem:$0x1DD80] =	vst v63  }
0x95: {  	_ =	swait.ge [sflag:s16], $0x1E00  }
0x96: {  	[sflag:s16] =	ssyncset.done $0x0  }
0x97: {  	s26 =	simm.s32 $0x2850;
	[sflag:s16] =	ssyncadd.s32 $0xFFFFE200  }
0x98: {  	[spmem:s1] =	stream.indirect.scatter.add.f32 [tilespmem:s11], [sflag:$0xA], $0x60, s26, s31, $0xb8;
	[tilespmem:$0x1DD80] =	vst v63  }
0x99: {  	_ =	swait.ge [sflag:s17], $0x1E00  }
0x9a: {  	[sflag:s17] =	ssyncset.done $0x0  }
0x9b: {  	s7 =	simm.s32 $0x190;
	[sflag:s17] =	ssyncadd.s32 $0xFFFFE200  }
0x9c: {  	[tilespmem:s0], [sflag:$0x1] =	stream.indirect.gather [hbm4b:s4+s31], $0x60, s7, s31, $0xb8;
	[tilespmem:$0x1DD80] =	vst v63  }
0x9d: {  	_ =	swait.ge [sflag:s18], $0x1E00  }
0x9e: {  	[sflag:s18] =	ssyncset.done $0x0  }
0x9f: {  	s26 =	simm.s32 $0x1E0;
	[sflag:s18] =	ssyncadd.s32 $0xFFFFE200  }
0xa0: {  	[tilespmem:s3], [sflag:$0x2] =	stream.indirect.gather [hbm4b:s4+s31], $0x60, s26, s31, $0xb8;
	[tilespmem:$0x1DD80] =	vst v63  }
0xa1: {  	_ =	swait.ge [sflag:s19], $0x1E00  }
0xa2: {  	[sflag:s19] =	ssyncset.done $0x0  }
0xa3: {  	s7 =	simm.s32 $0x230;
	[sflag:s19] =	ssyncadd.s32 $0xFFFFE200  }
0xa4: {  	[tilespmem:s6], [sflag:$0x3] =	stream.indirect.gather [hbm4b:s4+s31], $0x60, s7, s31, $0xb8;
	[tilespmem:$0x1DD80] =	vst v63  }
0xa5: {  	_ =	swait.ge [sflag:s20], $0x1E00  }
0xa6: {  	[sflag:s20] =	ssyncset.done $0x0  }
0xa7: {  	s26 =	simm.s32 $0x280;
	[sflag:s20] =	ssyncadd.s32 $0xFFFFE200  }
0xa8: {  	[tilespmem:s8], [sflag:$0x4] =	stream.indirect.gather [hbm4b:s4+s31], $0x60, s26, s31, $0xb8;
	[tilespmem:$0x1DD80] =	vst v63  }
0xa9: {  	_ =	swait.ge [sflag:s30], $0x1E00  }
0xaa: {  	[sflag:s30] =	ssyncset.done $0x0  }
0xab: {  	s25 =	simm.s32 $0x640;
	s26 =	simm.s32 $0x2D0;
	[sflag:s30] =	ssyncadd.s32 $0xFFFFE200  }
.LBB2_4:
0xac: {  	[tilespmem:s11], [sflag:$0x5] =	stream.indirect.gather [hbm4b:s4+s31], $0x60, s26, s31, $0xb8;
	[tilespmem:$0x1DD80] =	vst v63  }
0xad: {  	s26 =	smov.u32 s25  }
0xae: {  	p0 =	sne.s32 s25, $0x8FC0;
	s25 =	sadd.s32 $0x640, s25;
	_ =	swait.ge [sflag:s12], $0x1E00  }
0xaf: {  	s26 =	sshra.s32 s26, $0x2;
	[sflag:s12] =	ssyncset.done $0x0  }
0xb0: {  	s7 =	sadd.s32 $0x2710, s26;
	[sflag:s12] =	ssyncadd.s32 $0xFFFFE200  }
0xb1: {  	[spmem:s1] =	stream.indirect.scatter.add.f32 [tilespmem:s0], [sflag:$0x6], $0x60, s7, s31, $0xb8;
	[tilespmem:$0x1DD80] =	vst v63  }
0xb2: {  	_ =	swait.ge [sflag:s13], $0x1E00  }
0xb3: {  	[sflag:s13] =	ssyncset.done $0x0  }
0xb4: {  	s7 =	sadd.s32 $0x2760, s26;
	[sflag:s13] =	ssyncadd.s32 $0xFFFFE200  }
0xb5: {  	[spmem:s1] =	stream.indirect.scatter.add.f32 [tilespmem:s3], [sflag:$0x7], $0x60, s7, s31, $0xb8;
	[tilespmem:$0x1DD80] =	vst v63  }
0xb6: {  	_ =	swait.ge [sflag:s14], $0x1E00  }
0xb7: {  	[sflag:s14] =	ssyncset.done $0x0  }
0xb8: {  	s7 =	sadd.s32 $0x27B0, s26;
	[sflag:s14] =	ssyncadd.s32 $0xFFFFE200  }
0xb9: {  	[spmem:s1] =	stream.indirect.scatter.add.f32 [tilespmem:s6], [sflag:$0x8], $0x60, s7, s31, $0xb8;
	[tilespmem:$0x1DD80] =	vst v63  }
0xba: {  	_ =	swait.ge [sflag:s15], $0x1E00  }
0xbb: {  	[sflag:s15] =	ssyncset.done $0x0  }
0xbc: {  	s7 =	sadd.s32 $0x2800, s26;
	[sflag:s15] =	ssyncadd.s32 $0xFFFFE200  }
0xbd: {  	[spmem:s1] =	stream.indirect.scatter.add.f32 [tilespmem:s8], [sflag:$0x9], $0x60, s7, s31, $0xb8;
	[tilespmem:$0x1DD80] =	vst v63  }
0xbe: {  	_ =	swait.ge [sflag:s16], $0x1E00  }
0xbf: {  	[sflag:s16] =	ssyncset.done $0x0  }
0xc0: {  	s7 =	sadd.s32 $0x2850, s26;
	[sflag:s16] =	ssyncadd.s32 $0xFFFFE200  }
0xc1: {  	[spmem:s1] =	stream.indirect.scatter.add.f32 [tilespmem:s11], [sflag:$0xA], $0x60, s7, s31, $0xb8;
	[tilespmem:$0x1DD80] =	vst v63  }
0xc2: {  	_ =	swait.ge [sflag:s17], $0x1E00  }
0xc3: {  	[sflag:s17] =	ssyncset.done $0x0  }
0xc4: {  	s7 =	sadd.s32 $0x190, s26;
	[sflag:s17] =	ssyncadd.s32 $0xFFFFE200  }
0xc5: {  	[tilespmem:s0], [sflag:$0x1] =	stream.indirect.gather [hbm4b:s4+s31], $0x60, s7, s31, $0xb8;
	[tilespmem:$0x1DD80] =	vst v63  }
0xc6: {  	_ =	swait.ge [sflag:s18], $0x1E00  }
0xc7: {  	[sflag:s18] =	ssyncset.done $0x0  }
0xc8: {  	s7 =	sadd.s32 $0x1E0, s26;
	[sflag:s18] =	ssyncadd.s32 $0xFFFFE200  }
0xc9: {  	[tilespmem:s3], [sflag:$0x2] =	stream.indirect.gather [hbm4b:s4+s31], $0x60, s7, s31, $0xb8;
	[tilespmem:$0x1DD80] =	vst v63  }
0xca: {  	_ =	swait.ge [sflag:s19], $0x1E00  }
0xcb: {  	[sflag:s19] =	ssyncset.done $0x0  }
0xcc: {  	s7 =	sadd.s32 $0x230, s26;
	[sflag:s19] =	ssyncadd.s32 $0xFFFFE200  }
0xcd: {  	[tilespmem:s6], [sflag:$0x3] =	stream.indirect.gather [hbm4b:s4+s31], $0x60, s7, s31, $0xb8;
	[tilespmem:$0x1DD80] =	vst v63  }
0xce: {  	_ =	swait.ge [sflag:s20], $0x1E00  }
0xcf: {  	[sflag:s20] =	ssyncset.done $0x0  }
.Ltmp1:
0xd0: {  	s7 =	sadd.s32 $0x280, s26;
	[sflag:s20] =	ssyncadd.s32 $0xFFFFE200;
	(pc) =	sbr.rel @p0 .LBB2_4-.Ltmp1, $4  }
0xd1: {  	[tilespmem:s8], [sflag:$0x4] =	stream.indirect.gather [hbm4b:s4+s31], $0x60, s7, s31, $0xb8;
	[tilespmem:$0x1DD80] =	vst v63  }
0xd2: {  	_ =	swait.ge [sflag:s30], $0x1E00  }
0xd3: {  	[sflag:s30] =	ssyncset.done $0x0  }
0xd4: {  	s26 =	sadd.s32 $0x2D0, s26;
	[sflag:s30] =	ssyncadd.s32 $0xFFFFE200  }
0xd5: {  	[tilespmem:s11], [sflag:$0x5] =	stream.indirect.gather [hbm4b:s4+s31], $0x60, s26, s31, $0xb8;
	[tilespmem:$0x1DD80] =	vst v63  }
0xd6: {  	_ =	swait.ge [sflag:s12], $0x1E00  }
0xd7: {  	[sflag:s12] =	ssyncset.done $0x0  }
0xd8: {  	[sflag:s12] =	ssyncadd.s32 $0xFFFFE200  }
0xd9: {  	[spmem:s1] =	stream.indirect.scatter.add.f32 [tilespmem:s0], [sflag:$0x6], $0x60, s21, s31, $0xb8;
	[tilespmem:$0x1DD80] =	vst v63  }
0xda: {  	_ =	swait.ge [sflag:s13], $0x1E00  }
0xdb: {  	[sflag:s13] =	ssyncset.done $0x0  }
0xdc: {  	[sflag:s13] =	ssyncadd.s32 $0xFFFFE200  }
0xdd: {  	[spmem:s1] =	stream.indirect.scatter.add.f32 [tilespmem:s3], [sflag:$0x7], $0x60, s22, s31, $0xb8;
	[tilespmem:$0x1DD80] =	vst v63  }
0xde: {  	_ =	swait.ge [sflag:s14], $0x1E00  }
0xdf: {  	[sflag:s14] =	ssyncset.done $0x0  }
0xe0: {  	[sflag:s14] =	ssyncadd.s32 $0xFFFFE200  }
0xe1: {  	[spmem:s1] =	stream.indirect.scatter.add.f32 [tilespmem:s6], [sflag:$0x8], $0x60, s23, s31, $0xb8;
	[tilespmem:$0x1DD80] =	vst v63  }
0xe2: {  	_ =	swait.ge [sflag:s15], $0x1E00  }
0xe3: {  	[sflag:s15] =	ssyncset.done $0x0  }
0xe4: {  	[sflag:s15] =	ssyncadd.s32 $0xFFFFE200  }
0xe5: {  	[spmem:s1] =	stream.indirect.scatter.add.f32 [tilespmem:s8], [sflag:$0x9], $0x60, s24, s31, $0xb8;
	[tilespmem:$0x1DD80] =	vst v63  }
0xe6: {  	_ =	swait.ge [sflag:s16], $0x1E00  }
0xe7: {  	[sflag:s16] =	ssyncset.done $0x0  }
0xe8: {  	[sflag:s16] =	ssyncadd.s32 $0xFFFFE200  }
0xe9: {  	[spmem:s1] =	stream.indirect.scatter.add.f32 [tilespmem:s11], [sflag:$0xA], $0x60, s5, s31, $0xb8;
	[tilespmem:$0x1DD80] =	vst v63  }
0xea: {  	_ =	swait.ge [sflag:s17], $0x1E00  }
0xeb: {  	[sflag:s17] =	ssyncset.done $0x0  }
0xec: {  	[sflag:s17] =	ssyncadd.s32 $0xFFFFE200  }
0xed: {  	_ =	swait.ge [sflag:s18], $0x1E00  }
0xee: {  	[sflag:s18] =	ssyncset.done $0x0  }
0xef: {  	[sflag:s18] =	ssyncadd.s32 $0xFFFFE200  }
0xf0: {  	_ =	swait.ge [sflag:s19], $0x1E00  }
0xf1: {  	[sflag:s19] =	ssyncset.done $0x0  }
0xf2: {  	[sflag:s19] =	ssyncadd.s32 $0xFFFFE200  }
0xf3: {  	_ =	swait.ge [sflag:s20], $0x1E00  }
0xf4: {  	[sflag:s20] =	ssyncset.done $0x0  }
0xf5: {  	[sflag:s20] =	ssyncadd.s32 $0xFFFFE200  }
0xf6: {  	_ =	swait.ge [sflag:s30], $0x1E00  }
0xf7: {  	[sflag:s30] =	ssyncset.done $0x0  }
0xf8: {  	s7 =	simm.s32 $0x0;
	s25 =	rddreg [dreg:$0x5];
	[sflag:s30] =	ssyncadd.s32 $0xFFFFE200  }
0xf9: {  	[tilespmem:s7], [sflag:$0xB] =	stream.linear.gather [hbm4b:s25+s7], $0x2710, $0x38;
	[tilespmem:$0x1DD80] =	vst v63  }
0xfa: {  	_ =	swait.ge [sflag:s29], $0x2710  }
0xfb: {  	[sflag:s29] =	ssyncset.done $0x0  }
0xfc: {  	s26 =	simm.s32 $0x2710;
	s25 =	rddreg [dreg:$0x6];
	[sflag:s29] =	ssyncadd.s32 $0xFFFFD8F0  }
0xfd: {  	[tilespmem:s26], [sflag:$0xB] =	stream.linear.gather [hbm4b:s25+s7], $0x2710, $0x38;
	[tilespmem:$0x1DD80] =	vst v63  }
0xfe: {  	_ =	swait.ge [sflag:s29], $0x2710  }
0xff: {  	[sflag:s29] =	ssyncset.done $0x0  }
0x100: {  	[sflag:s29] =	ssyncadd.s32 $0xFFFFD8F0  }
0x101: {  	[tilespmem:s0], [sflag:$0x1] =	stream.indirect.gather [hbm4b:s4+s31], $0x60, s7, s31, $0xb8;
	[tilespmem:$0x1DD80] =	vst v63  }
0x102: {  	_ = 	snop  }
0x103: {  	[tilespmem:s3], [sflag:$0x2] =	stream.indirect.gather [hbm4b:s4+s31], $0x60, s31, s31, $0xb8;
	[tilespmem:$0x1DD80] =	vst v63  }
0x104: {  	s26 =	simm.s32 $0xA0  }
0x105: {  	[tilespmem:s6], [sflag:$0x3] =	stream.indirect.gather [hbm4b:s4+s31], $0x60, s26, s31, $0xb8;
	[tilespmem:$0x1DD80] =	vst v63  }
0x106: {  	s25 =	simm.s32 $0xF0  }
0x107: {  	[tilespmem:s8], [sflag:$0x4] =	stream.indirect.gather [hbm4b:s4+s31], $0x60, s25, s31, $0xb8;
	[tilespmem:$0x1DD80] =	vst v63  }
0x108: {  	_ = 	snop  }
0x109: {  	[tilespmem:s11], [sflag:$0x5] =	stream.indirect.gather [hbm4b:s4+s31], $0x60, s9, s31, $0xb8;
	[tilespmem:$0x1DD80] =	vst v63  }
0x10a: {  	_ =	swait.ge [sflag:s12], $0x1E00  }
0x10b: {  	[sflag:s12] =	ssyncset.done $0x0  }
0x10c: {  	s26 =	simm.s32 $0x2710;
	[sflag:s12] =	ssyncadd.s32 $0xFFFFE200  }
0x10d: {  	[spmem:s1] =	stream.indirect.scatter.add.f32 [tilespmem:s0], [sflag:$0x6], $0x60, s26, s31, $0xb8;
	[tilespmem:$0x1DD80] =	vst v63  }
0x10e: {  	_ =	swait.ge [sflag:s13], $0x1E00  }
0x10f: {  	[sflag:s13] =	ssyncset.done $0x0  }
0x110: {  	s25 =	simm.s32 $0x2760;
	[sflag:s13] =	ssyncadd.s32 $0xFFFFE200  }
0x111: {  	[spmem:s1] =	stream.indirect.scatter.add.f32 [tilespmem:s3], [sflag:$0x7], $0x60, s25, s31, $0xb8;
	[tilespmem:$0x1DD80] =	vst v63  }
0x112: {  	_ =	swait.ge [sflag:s14], $0x1E00  }
0x113: {  	[sflag:s14] =	ssyncset.done $0x0  }
0x114: {  	s26 =	simm.s32 $0x27B0;
	[sflag:s14] =	ssyncadd.s32 $0xFFFFE200  }
0x115: {  	[spmem:s1] =	stream.indirect.scatter.add.f32 [tilespmem:s6], [sflag:$0x8], $0x60, s26, s31, $0xb8;
	[tilespmem:$0x1DD80] =	vst v63  }
0x116: {  	_ =	swait.ge [sflag:s15], $0x1E00  }
0x117: {  	[sflag:s15] =	ssyncset.done $0x0  }
0x118: {  	s25 =	simm.s32 $0x2800;
	[sflag:s15] =	ssyncadd.s32 $0xFFFFE200  }
0x119: {  	[spmem:s1] =	stream.indirect.scatter.add.f32 [tilespmem:s8], [sflag:$0x9], $0x60, s25, s31, $0xb8;
	[tilespmem:$0x1DD80] =	vst v63  }
0x11a: {  	_ =	swait.ge [sflag:s16], $0x1E00  }
0x11b: {  	[sflag:s16] =	ssyncset.done $0x0  }
0x11c: {  	s26 =	simm.s32 $0x2850;
	[sflag:s16] =	ssyncadd.s32 $0xFFFFE200  }
0x11d: {  	[spmem:s1] =	stream.indirect.scatter.add.f32 [tilespmem:s11], [sflag:$0xA], $0x60, s26, s31, $0xb8;
	[tilespmem:$0x1DD80] =	vst v63  }
0x11e: {  	_ =	swait.ge [sflag:s17], $0x1E00  }
0x11f: {  	[sflag:s17] =	ssyncset.done $0x0  }
0x120: {  	s25 =	simm.s32 $0x190;
	[sflag:s17] =	ssyncadd.s32 $0xFFFFE200  }
0x121: {  	[tilespmem:s0], [sflag:$0x1] =	stream.indirect.gather [hbm4b:s4+s31], $0x60, s25, s31, $0xb8;
	[tilespmem:$0x1DD80] =	vst v63  }
0x122: {  	_ =	swait.ge [sflag:s18], $0x1E00  }
0x123: {  	[sflag:s18] =	ssyncset.done $0x0  }
0x124: {  	s26 =	simm.s32 $0x1E0;
	[sflag:s18] =	ssyncadd.s32 $0xFFFFE200  }
0x125: {  	[tilespmem:s3], [sflag:$0x2] =	stream.indirect.gather [hbm4b:s4+s31], $0x60, s26, s31, $0xb8;
	[tilespmem:$0x1DD80] =	vst v63  }
0x126: {  	_ =	swait.ge [sflag:s19], $0x1E00  }
0x127: {  	[sflag:s19] =	ssyncset.done $0x0  }
0x128: {  	s25 =	simm.s32 $0x230;
	[sflag:s19] =	ssyncadd.s32 $0xFFFFE200  }
0x129: {  	[tilespmem:s6], [sflag:$0x3] =	stream.indirect.gather [hbm4b:s4+s31], $0x60, s25, s31, $0xb8;
	[tilespmem:$0x1DD80] =	vst v63  }
0x12a: {  	_ =	swait.ge [sflag:s20], $0x1E00  }
0x12b: {  	[sflag:s20] =	ssyncset.done $0x0  }
0x12c: {  	s26 =	simm.s32 $0x280;
	[sflag:s20] =	ssyncadd.s32 $0xFFFFE200  }
0x12d: {  	[tilespmem:s8], [sflag:$0x4] =	stream.indirect.gather [hbm4b:s4+s31], $0x60, s26, s31, $0xb8;
	[tilespmem:$0x1DD80] =	vst v63  }
0x12e: {  	_ =	swait.ge [sflag:s30], $0x1E00  }
0x12f: {  	[sflag:s30] =	ssyncset.done $0x0  }
0x130: {  	s25 =	simm.s32 $0x640;
	s26 =	simm.s32 $0x2D0;
	[sflag:s30] =	ssyncadd.s32 $0xFFFFE200  }
.LBB2_6:
0x131: {  	[tilespmem:s11], [sflag:$0x5] =	stream.indirect.gather [hbm4b:s4+s31], $0x60, s26, s31, $0xb8;
	[tilespmem:$0x1DD80] =	vst v63  }
0x132: {  	s7 =	smov.u32 s25  }
0x133: {  	p0 =	sne.s32 s25, $0x8FC0;
	s25 =	sadd.s32 $0x640, s25;
	_ =	swait.ge [sflag:s12], $0x1E00  }
0x134: {  	s26 =	sshra.s32 s7, $0x2;
	[sflag:s12] =	ssyncset.done $0x0  }
0x135: {  	s7 =	sadd.s32 $0x2710, s26;
	[sflag:s12] =	ssyncadd.s32 $0xFFFFE200  }
0x136: {  	[spmem:s1] =	stream.indirect.scatter.add.f32 [tilespmem:s0], [sflag:$0x6], $0x60, s7, s31, $0xb8;
	[tilespmem:$0x1DD80] =	vst v63  }
0x137: {  	_ =	swait.ge [sflag:s13], $0x1E00  }
0x138: {  	[sflag:s13] =	ssyncset.done $0x0  }
0x139: {  	s7 =	sadd.s32 $0x2760, s26;
	[sflag:s13] =	ssyncadd.s32 $0xFFFFE200  }
0x13a: {  	[spmem:s1] =	stream.indirect.scatter.add.f32 [tilespmem:s3], [sflag:$0x7], $0x60, s7, s31, $0xb8;
	[tilespmem:$0x1DD80] =	vst v63  }
0x13b: {  	_ =	swait.ge [sflag:s14], $0x1E00  }
0x13c: {  	[sflag:s14] =	ssyncset.done $0x0  }
0x13d: {  	s7 =	sadd.s32 $0x27B0, s26;
	[sflag:s14] =	ssyncadd.s32 $0xFFFFE200  }
0x13e: {  	[spmem:s1] =	stream.indirect.scatter.add.f32 [tilespmem:s6], [sflag:$0x8], $0x60, s7, s31, $0xb8;
	[tilespmem:$0x1DD80] =	vst v63  }
0x13f: {  	_ =	swait.ge [sflag:s15], $0x1E00  }
0x140: {  	[sflag:s15] =	ssyncset.done $0x0  }
0x141: {  	s7 =	sadd.s32 $0x2800, s26;
	[sflag:s15] =	ssyncadd.s32 $0xFFFFE200  }
0x142: {  	[spmem:s1] =	stream.indirect.scatter.add.f32 [tilespmem:s8], [sflag:$0x9], $0x60, s7, s31, $0xb8;
	[tilespmem:$0x1DD80] =	vst v63  }
0x143: {  	_ =	swait.ge [sflag:s16], $0x1E00  }
0x144: {  	[sflag:s16] =	ssyncset.done $0x0  }
0x145: {  	s7 =	sadd.s32 $0x2850, s26;
	[sflag:s16] =	ssyncadd.s32 $0xFFFFE200  }
0x146: {  	[spmem:s1] =	stream.indirect.scatter.add.f32 [tilespmem:s11], [sflag:$0xA], $0x60, s7, s31, $0xb8;
	[tilespmem:$0x1DD80] =	vst v63  }
0x147: {  	_ =	swait.ge [sflag:s17], $0x1E00  }
0x148: {  	[sflag:s17] =	ssyncset.done $0x0  }
0x149: {  	s7 =	sadd.s32 $0x190, s26;
	[sflag:s17] =	ssyncadd.s32 $0xFFFFE200  }
0x14a: {  	[tilespmem:s0], [sflag:$0x1] =	stream.indirect.gather [hbm4b:s4+s31], $0x60, s7, s31, $0xb8;
	[tilespmem:$0x1DD80] =	vst v63  }
0x14b: {  	_ =	swait.ge [sflag:s18], $0x1E00  }
0x14c: {  	[sflag:s18] =	ssyncset.done $0x0  }
0x14d: {  	s7 =	sadd.s32 $0x1E0, s26;
	[sflag:s18] =	ssyncadd.s32 $0xFFFFE200  }
0x14e: {  	[tilespmem:s3], [sflag:$0x2] =	stream.indirect.gather [hbm4b:s4+s31], $0x60, s7, s31, $0xb8;
	[tilespmem:$0x1DD80] =	vst v63  }
0x14f: {  	_ =	swait.ge [sflag:s19], $0x1E00  }
0x150: {  	[sflag:s19] =	ssyncset.done $0x0  }
0x151: {  	s7 =	sadd.s32 $0x230, s26;
	[sflag:s19] =	ssyncadd.s32 $0xFFFFE200  }
0x152: {  	[tilespmem:s6], [sflag:$0x3] =	stream.indirect.gather [hbm4b:s4+s31], $0x60, s7, s31, $0xb8;
	[tilespmem:$0x1DD80] =	vst v63  }
0x153: {  	_ =	swait.ge [sflag:s20], $0x1E00  }
0x154: {  	[sflag:s20] =	ssyncset.done $0x0  }
.Ltmp2:
0x155: {  	s7 =	sadd.s32 $0x280, s26;
	[sflag:s20] =	ssyncadd.s32 $0xFFFFE200;
	(pc) =	sbr.rel @p0 .LBB2_6-.Ltmp2, $4  }
0x156: {  	[tilespmem:s8], [sflag:$0x4] =	stream.indirect.gather [hbm4b:s4+s31], $0x60, s7, s31, $0xb8;
	[tilespmem:$0x1DD80] =	vst v63  }
0x157: {  	_ =	swait.ge [sflag:s30], $0x1E00  }
0x158: {  	[sflag:s30] =	ssyncset.done $0x0  }
0x159: {  	s26 =	sadd.s32 $0x2D0, s26;
	[sflag:s30] =	ssyncadd.s32 $0xFFFFE200  }
0x15a: {  	[tilespmem:s11], [sflag:$0x5] =	stream.indirect.gather [hbm4b:s4+s31], $0x60, s26, s31, $0xb8;
	[tilespmem:$0x1DD80] =	vst v63  }
0x15b: {  	_ =	swait.ge [sflag:s12], $0x1E00  }
0x15c: {  	[sflag:s12] =	ssyncset.done $0x0  }
0x15d: {  	[sflag:s12] =	ssyncadd.s32 $0xFFFFE200  }
0x15e: {  	[spmem:s1] =	stream.indirect.scatter.add.f32 [tilespmem:s0], [sflag:$0x6], $0x60, s21, s31, $0xb8;
	[tilespmem:$0x1DD80] =	vst v63  }
0x15f: {  	_ =	swait.ge [sflag:s13], $0x1E00  }
0x160: {  	[sflag:s13] =	ssyncset.done $0x0  }
0x161: {  	[sflag:s13] =	ssyncadd.s32 $0xFFFFE200  }
0x162: {  	[spmem:s1] =	stream.indirect.scatter.add.f32 [tilespmem:s3], [sflag:$0x7], $0x60, s22, s31, $0xb8;
	[tilespmem:$0x1DD80] =	vst v63  }
0x163: {  	_ =	swait.ge [sflag:s14], $0x1E00  }
0x164: {  	[sflag:s14] =	ssyncset.done $0x0  }
0x165: {  	[sflag:s14] =	ssyncadd.s32 $0xFFFFE200  }
0x166: {  	[spmem:s1] =	stream.indirect.scatter.add.f32 [tilespmem:s6], [sflag:$0x8], $0x60, s23, s31, $0xb8;
	[tilespmem:$0x1DD80] =	vst v63  }
0x167: {  	_ =	swait.ge [sflag:s15], $0x1E00  }
0x168: {  	[sflag:s15] =	ssyncset.done $0x0  }
0x169: {  	[sflag:s15] =	ssyncadd.s32 $0xFFFFE200  }
0x16a: {  	[spmem:s1] =	stream.indirect.scatter.add.f32 [tilespmem:s8], [sflag:$0x9], $0x60, s24, s31, $0xb8;
	[tilespmem:$0x1DD80] =	vst v63  }
0x16b: {  	_ =	swait.ge [sflag:s16], $0x1E00  }
0x16c: {  	[sflag:s16] =	ssyncset.done $0x0  }
0x16d: {  	[sflag:s16] =	ssyncadd.s32 $0xFFFFE200  }
0x16e: {  	[spmem:s1] =	stream.indirect.scatter.add.f32 [tilespmem:s11], [sflag:$0xA], $0x60, s5, s31, $0xb8;
	[tilespmem:$0x1DD80] =	vst v63  }
0x16f: {  	_ =	swait.ge [sflag:s17], $0x1E00  }
0x170: {  	[sflag:s17] =	ssyncset.done $0x0  }
0x171: {  	[sflag:s17] =	ssyncadd.s32 $0xFFFFE200  }
0x172: {  	_ =	swait.ge [sflag:s18], $0x1E00  }
0x173: {  	[sflag:s18] =	ssyncset.done $0x0  }
0x174: {  	[sflag:s18] =	ssyncadd.s32 $0xFFFFE200  }
0x175: {  	_ =	swait.ge [sflag:s19], $0x1E00  }
0x176: {  	[sflag:s19] =	ssyncset.done $0x0  }
0x177: {  	[sflag:s19] =	ssyncadd.s32 $0xFFFFE200  }
0x178: {  	_ =	swait.ge [sflag:s20], $0x1E00  }
0x179: {  	[sflag:s20] =	ssyncset.done $0x0  }
0x17a: {  	[sflag:s20] =	ssyncadd.s32 $0xFFFFE200  }
0x17b: {  	_ =	swait.ge [sflag:s30], $0x1E00  }
0x17c: {  	[sflag:s30] =	ssyncset.done $0x0  }
0x17d: {  	s7 =	stileid.u32;
	[sflag:s30] =	ssyncadd.s32 $0xFFFFE200  }
0x17e: {  	s7 =	sshll.u32 s7, $0x6;
	[bflag:$0x0] =	sbarrier.arrive $0xFFFF  }
0x17f: {  	s25 =	sshrl.u32 s10, $0x3;
	s7 =	sor.u32 $0x1C0B, s7;
	s26 =	rddreg [dreg:$0x7]  }
0x180: {  	[hbm:s26], [sflag:s7] =	dma.local [spmem:s25], $0x1E00  }
0x181: {  	_ =	swait.ge [sflag:s29], $0x1E00  }
0x182: {  	s2 =	sadd.s32 $0x1, s2;
	s26 =	rddreg [dreg:$0x8]  }
0x183: {  	p0 =	sne.s32 s2, s26  }
.Ltmp3:
0x184: {  	_ = 	snop;
	(pc) =	sbr.rel @p0 .LBB2_1-.Ltmp3, $3  }
0x185: {  	_ =	sdelay $0x1  }
0x186: {  	[sflag:s29] =	ssyncset.done $0x0  }
0x187: {  	[sflag:s29] =	ssyncadd.s32 $0xFFFFE200  }
0x188: {  	_ =	sfence.sel $0x180000  }
0x189: {  	[bflag:$0x0] =	sbarrier.arrive $0xFFFF  }
0x18a: {  	_ =	strace $0x9000004A  }
0x18b: {  	s0 =	stileid.u32;
	[bflag:$0x2] =	sbarrier.arrive $0xFFFF  }
0x18c: {  	p0 =	sne.s32 s0, $0x0;
	s0 =	rddreg [dreg:$0x2]  }
0x18d: {  	s0 =	sadd.s32 @!p0 $0x100000, s0  }
0x18e: {  	[sflag:s0] =	ssyncadd.tile.s32 @!p0 $0x1;
	_ =	shalt  }
.Lfunc_end2:
_tile_overlayer_lowered:
.L_overlay_start_2:
0x18f: {  	(tag) =	ssettag $0x2  }
0x190: {  	s0 =	rddreg [dreg:$0x0];
	s2 =	stileid.u32  }
0x191: {  	s1 =	rddreg [dreg:$0x1];
	p0 =	sne.s32 s2, $0x0  }
0x192: {  	s3 =	rddreg [dreg:$0x2];
	[bflag:$0x3] =	sbarrier.arrive $0xFFFF;
	s2 =	simm.s32 @!p0 $0x1C0B  }
0x193: {  	[timem:s3], [sflag:s2] =	dma.local @!p0 [hbm:s0], s1  }
0x194: {  	s0 =	simm.s32 @!p0 $0xB  }
0x195: {  	_ =	swait.ge @!p0 [sflag:s0], s1  }
0x196: {  	s1 =	ssub.s32 @!p0 $0x0, s1;
	[sflag:s0] =	ssyncset.done @!p0 $0x0  }
0x197: {  	[sflag:s0] =	ssyncadd.s32 @!p0 s1  }
0x198: {  	[bflag:$0x3] =	sbarrier.arrive $0xFFFF  }
0x199: {  	_ =	shalt  }

// kernel: kernel.14.cloned.1.call-start
scs
__scs_entry_jumppad:
0x0: {  	(pc) =	sbr.rel $0x88, $3  }
0x1: {  	(tag) =	ssettag $0x0;
	lr =	simm.s32 $0x1  }
0x2: {  	[smem:$0x3F95] =	sst lr;
	_ =	strace $0xD0000000  }
0x3: {  	_ = 	snop  }
0x4: {  	_ = 	snop  }
0x5: {  	_ = 	snop  }
0x6: {  	_ = 	snop  }
0x7: {  	_ = 	snop  }
__scs_overlays_trampoline_lowered:
0x8: {  	[smem:$0x3FA4] =	sst s0  }
0x9: {  	[smem:$0x3FA5] =	sst s1  }
0xa: {  	[smem:$0x3FA6] =	sst s2  }
0xb: {  	[smem:$0x3FA7] =	sst s3  }
0xc: {  	[smem:$0x3FA8] =	sst s4  }
0xd: {  	[smem:$0x3FA9] =	sst s5  }
0xe: {  	[smem:$0x3FAA] =	sst s6  }
0xf: {  	[smem:$0x3FAB] =	sst s7  }
0x10: {  	[smem:$0x3FAC] =	sst s8  }
0x11: {  	[smem:$0x3FAD] =	sst s9;
	s0 =	simm.s32 @!p0 $0x0  }
0x12: {  	s1 =	sld [smem:$0x3F93];
	s0 =	simm.s32 @p0 $0x1  }
0x13: {  	[smem:$0x3FAE] =	sst s0;
	s0 =	simm.s32 @!p1 $0x0  }
0x14: {  	s2 =	sld [smem:$0x3F92];
	s0 =	simm.s32 @p1 $0x1  }
0x15: {  	[smem:$0x3FAF] =	sst s0;
	s0 =	simm.s32 @!p2 $0x0  }
0x16: {  	s3 =	sld [smem:$0x3FDB];
	s0 =	simm.s32 @p2 $0x1  }
0x17: {  	s4 =	simm.s32 $0x1BF5;
	[smem:$0x3FB1] =	sst s0  }
0x18: {  	s0 =	sld [smem:$0x3F94];
	_ =	swait.ge [sflag:s4], $0x0  }
0x19: {  	s7 =	sld [smem:$0x3F95]  }
0x1a: {  	s8 =	sadd.s32 $0xFFFFE003, lr  }
0x1b: {  	s9 =	sadd.s32 $0xFFFFFEF7, lr;
	s5 =	simm.s32 $0xFFFFFFFF;
	p2 =	slt.u32 s8, $0xFFFFF086  }
0x1c: {  	p1 =	slt.u32 s9, $0xF7A;
	s5 =	simm.s32 @!p2 $0x0  }
0x1d: {  	s5 =	simm.s32 @p1 $0x1;
	p0 =	seq.s32 s7, s2  }
0x1e: {  	s7 =	smul.u32 @!p0 $0xF7A, s2;
	p2 =	seq.s32 @!p0 s5, $0x0  }
0x1f: {  	s9 =	smul.u32 $0xF7A, s1;
	s8 =	simm.s32 @!p0 $0x1BF5;
	p2 =	por !p2, p0  }
0x20: {  	[sflag:s8] =	ssyncset.s32 @!p0 $0xFFFFF086;
	s6 =	sadd.s32 @!p0 s3, s7;
	s7 =	simm.s32 @!p0 $0x108  }
0x21: {  	s3 =	sadd.s32 s3, s9;
	s6 =	sadd.s32 @!p0 $0x88, s6;
	s7 =	simm.s32 @p2 $0x1082  }
0x22: {  	[simem:s7], [sflag:s8] =	dma.local @!p0 [hbm:s6], $0xF7A  }
0x23: {  	s9 =	sor.u32 $0xD0000000, s2;
	s6 =	simm.s32 $0x108;
	_ =	swait.ge @!p0 [sflag:s8], $0x0  }
0x24: {  	s3 =	sadd.s32 $0x88, s3;
	s6 =	simm.s32 @!p1 $0x1082;
	[sflag:s4] =	ssyncset.s32 $0xFFFFF086  }
0x25: {  	[simem:s6], [sflag:s4] =	dma.local [hbm:s3], $0xF7A  }
0x26: {  	[smem:$0x3F95] =	sst s1;
	(tag) =	ssettag s2;
	_ =	strace s9  }
0x27: {  	s1 =	sld [smem:$0x3FA5]  }
0x28: {  	s2 =	sld [smem:$0x3FA6]  }
0x29: {  	s4 =	sld [smem:$0x3FA8]  }
0x2a: {  	p0 =	seq.s32 s5, $0x0;
	s5 =	sld [smem:$0x3FA9]  }
0x2b: {  	s6 =	sld [smem:$0x3FAA]  }
0x2c: {  	s7 =	sld [smem:$0x3FAB]  }
0x2d: {  	s3 =	simm.s32 $0x108;
	s8 =	sld [smem:$0x3FAC]  }
0x2e: {  	s3 =	simm.s32 @!p0 $0x1082;
	s9 =	sld [smem:$0x3FAD]  }
0x2f: {  	lr =	sadd.s32 s0, s3;
	s0 =	sld [smem:$0x3FA4]  }
0x30: {  	s3 =	sld [smem:$0x3FA7]  }
0x31: {  	[smem:$0x3FB0] =	sst s10  }
0x32: {  	s10 =	sld [smem:$0x3FAE];
	_ =	sdelay $0x3  }
0x33: {  	p0 =	seq.s32 s10, $0x1;
	s10 =	sld [smem:$0x3FB0];
	_ =	sdelay $0x3  }
0x34: {  	[smem:$0x3FB0] =	sst s10  }
0x35: {  	s10 =	sld [smem:$0x3FAF];
	_ =	sdelay $0x3  }
0x36: {  	p1 =	seq.s32 s10, $0x1;
	s10 =	sld [smem:$0x3FB0];
	_ =	sdelay $0x3  }
0x37: {  	[smem:$0x3FB0] =	sst s10  }
0x38: {  	s10 =	sld [smem:$0x3FB1]  }
0x39: {  	_ = 	snop;
	(pc) =	sbr.ind lr, $3  }
0x3a: {  	_ = 	snop  }
0x3b: {  	_ = 	snop  }
0x3c: {  	p2 =	seq.s32 s10, $0x1;
	s10 =	sld [smem:$0x3FB0]  }
0x3d: {  	_ =	shalt  }
0x3e: {  	_ =	shalt  }
0x3f: {  	_ =	shalt  }
0x40: {  	_ =	shalt  }
0x41: {  	_ =	shalt  }
0x42: {  	_ =	shalt  }
0x43: {  	_ =	shalt  }
0x44: {  	_ =	shalt  }
0x45: {  	_ =	shalt  }
0x46: {  	_ =	shalt  }
0x47: {  	_ =	shalt  }
0x48: {  	_ =	shalt  }
0x49: {  	_ =	shalt  }
0x4a: {  	_ =	shalt  }
0x4b: {  	_ =	shalt  }
0x4c: {  	_ =	shalt  }
0x4d: {  	_ =	shalt  }
0x4e: {  	_ =	shalt  }
0x4f: {  	_ =	shalt  }
0x50: {  	_ =	shalt  }
0x51: {  	_ =	shalt  }
0x52: {  	_ =	shalt  }
0x53: {  	_ =	shalt  }
0x54: {  	_ =	shalt  }
0x55: {  	_ =	shalt  }
0x56: {  	_ =	shalt  }
0x57: {  	_ =	shalt  }
0x58: {  	_ =	shalt  }
0x59: {  	_ =	shalt  }
0x5a: {  	_ =	shalt  }
0x5b: {  	_ =	shalt  }
0x5c: {  	_ =	shalt  }
0x5d: {  	_ =	shalt  }
0x5e: {  	_ =	shalt  }
0x5f: {  	_ =	shalt  }
0x60: {  	_ =	shalt  }
0x61: {  	_ =	shalt  }
0x62: {  	_ =	shalt  }
0x63: {  	_ =	shalt  }
0x64: {  	_ =	shalt  }
0x65: {  	_ =	shalt  }
0x66: {  	_ =	shalt  }
0x67: {  	_ =	shalt  }
0x68: {  	_ =	shalt  }
0x69: {  	_ =	shalt  }
0x6a: {  	_ =	shalt  }
0x6b: {  	_ =	shalt  }
0x6c: {  	_ =	shalt  }
0x6d: {  	_ =	shalt  }
0x6e: {  	_ =	shalt  }
0x6f: {  	_ =	shalt  }
0x70: {  	_ =	shalt  }
0x71: {  	_ =	shalt  }
0x72: {  	_ =	shalt  }
0x73: {  	_ =	shalt  }
0x74: {  	_ =	shalt  }
0x75: {  	_ =	shalt  }
0x76: {  	_ =	shalt  }
0x77: {  	_ =	shalt  }
0x78: {  	_ =	shalt  }
0x79: {  	_ =	shalt  }
0x7a: {  	_ =	shalt  }
0x7b: {  	_ =	shalt  }
0x7c: {  	_ =	shalt  }
0x7d: {  	_ =	shalt  }
0x7e: {  	_ =	shalt  }
0x7f: {  	_ =	shalt  }
0x80: {  	_ =	shalt  }
0x81: {  	_ =	shalt  }
0x82: {  	_ =	shalt  }
0x83: {  	_ =	shalt  }
0x84: {  	_ =	shalt  }
0x85: {  	_ =	shalt  }
0x86: {  	_ =	shalt  }
0x87: {  	_ =	shalt  }
.Lfunc_end0:
.L_simem_size_0:
called_computation.2_lowered:
.L_overlay_start_0:
0x88: {  	s2 =	sld [smem:$0x3FD9]  }
0x89: {  	s3 =	sld [smem:$0x3FFE];
	_ =	sdelay $0x1  }
0x8a: {  	s1 =	srdreg.scid  }
0x8b: {  	s0 =	sand.u32 $0x1, s1  }
0x8c: {  	s16 =	sshll.u32 s0, $0xA;
	s2 =	sadd.s32 s3, s2  }
0x8d: {  	s2 =	sadd.s32 s2, s16  }
0x8e: {  	[smem:$0x3FBC] =	sst s2  }
0x8f: {  	_ = 	snop  }
0x90: {  	(tm) =	ssettm $0x1  }
0x91: {  	s17 =	sld [smem:$0x3FFB];
	_ =	sdelay $0x3  }
0x92: {  	_ =	strace s17  }
0x93: {  	s2 =	sld [smem:$0x3FFC];
	_ =	sdelay $0x3  }
0x94: {  	_ =	strace s2  }
0x95: {  	s2 =	sld [smem:$0x3FFD];
	_ =	sdelay $0x3  }
0x96: {  	_ =	strace s2  }
0x97: {  	_ =	strace $0x8FFFFFFF  }
0x98: {  	s18 =	sld [smem:$0x3FDB];
	_ =	sdelay $0x1  }
0x99: {  	s19 =	simm.s32 $_scs_section_size  }
0x9a: {  	s4 =	simm.s32 $_size__tile_overlayer_lowered;
	s5 =	simm.s32 $_tile_overlayer_lowered  }
0x9b: {  	s22 =	simm.s32 $0x1BFF;
	s21 =	sshll.u32 s5, $0x1;
	s2 =	sadd.s32 s19, s18  }
0x9c: {  	s6 =	simm.s32 $0x0;
	s20 =	sshll.u32 s4, $0x1;
	s4 =	sadd.s32 s21, s2  }
0x9d: {  	[timem:s6], [sflag:s22] =	dma.local [hbm:s4], s20  }
0x9e: {  	_ =	swait.ge [sflag:s22], s20  }
0x9f: {  	s3 =	ssub.s32 $0x0, s20;
	[sflag:s22] =	ssyncset.done $0x0  }
0xa0: {  	[sflag:s22] =	ssyncadd.s32 s3;
	_ =	sdelay $0x1  }
0xa1: {  	s23 =	simm.s32 $0x1B8B  }
0xa2: {  	_ =	swait.ge [sflag:s23], $0x1  }
0xa3: {  	[sflag:s23] =	ssyncset.done $0x0  }
0xa4: {  	s25 =	simm.s32 $0x1B8E;
	s24 =	sld [smem:$0x3FFE];
	[sflag:s23] =	ssyncadd.s32 $0xFFFFFFFF  }
0xa5: {  	s26 =	simm.s32 $execute0_lowered;
	[smem:$0x3FD2] =	sst s25  }
0xa6: {  	s4 =	sshll.u32 s26, $0x1;
	_ =	strace $0x8000004C;
	[dreg:$0x1] =	wrdreg $0xFFFFFFFF  }
0xa7: {  	s28 =	simm.s32 $_size_execute0_lowered;
	s2 =	sadd.s32 s2, s4;
	[dreg:$0x0] =	wrdreg $0x0  }
0xa8: {  	s4 =	sshll.u32 s28, $0x1;
	[dreg:$0x2] =	wrdreg s2  }
0xa9: {  	[dreg:$0x3] =	wrdreg s4  }
0xaa: {  	[dreg:$0x4] =	wrdreg $0xC0  }
0xab: {  	_ =	task [dreg:s6], $0x5FFFF  }
0xac: {  	[dreg:$0x1] =	wrdreg $0xFFFFFFFF  }
0xad: {  	[dreg:$0x0] =	wrdreg $0x60  }
0xae: {  	[dreg:$0x2] =	wrdreg s24  }
0xaf: {  	[dreg:$0x3] =	wrdreg $0xF3200  }
0xb0: {  	[dreg:$0x4] =	wrdreg $0x9  }
0xb1: {  	_ =	task.clear_ibuf [dreg:s6], $0x5FFFF;
	_ =	strace $0x9000004C  }
0xb2: {  	s29 =	simm.s32 $0x9;
	_ =	strace $0x8000004E  }
0xb3: {  	_ =	swait.ge [sflag:s29], $0x1  }
0xb4: {  	[sflag:s29] =	ssyncadd.s32 $0xFFFFFFFF  }
0xb5: {  	_ =	strace $0x9000004E  }
0xb6: {  	_ =	sfence  }
0xb7: {  	s30 =	sld [smem:$0x0];
	_ =	sdelay $0x2  }
0xb8: {  	s31 =	sshll.u32 s1, $0xD;
	s1 =	sshrl.u32 s1, $0x2  }
0xb9: {  	s3 =	sand.u32 $0x4000, s31;
	s1 =	sadd.s32 s1, s30  }
0xba: {  	s0 =	sor.u32 s3, s0;
	s1 =	sshll.u32 s1, $0x11  }
0xbb: {  	s0 =	sor.u32 s1, s0  }
0xbc: {  	s0 =	sadd.s32 $0x8F2B, s0  }
0xbd: {  	[sflag:s0] =	ssyncadd.remote.s32 $0x1  }
0xbe: {  	_ =	sfence.sel $0xFFFF  }
0xbf: {  	[dreg:$0x0] =	wrdreg $0xFFFFFFFF;
	(pc) =	sbr.abs _section_cstart, $3  }
0xc0: {  	[dreg:$0x1] =	wrdreg $0xFFFFFFFF  }
0xc1: {  	_ =	task.clear_ibuf [dreg:s6], $0x2FFFF;
	_ =	strace $0x9FFFFFFF  }
0xc2: {  	(tm) =	ssettm $0x7FFFFFFF  }
0xc3: {  	_ =	shalt  }
tec
execute0_lowered:
.L_overlay_start_1:
0x0: {  	(tag) =	ssettag $0x1  }
0x1: {  	s0 =	rddreg [dreg:$0x0]  }
0x2: {  	s1 =	rddreg [dreg:$0x1];
	s11 =	stileid.u32  }
0x3: {  	s2 =	simm.s32 $0x0;
	s3 =	srdreg.scid;
	s7 =	smul.u32 $0x1D40, s11  }
0x4: {  	[smem:$0x7FF] =	sst s2;
	s3 =	sand.u32 $0x1, s3;
	s23 =	smul.u32 $0x4E20, s11  }
0x5: {  	s4 =	sadd.s32 $0xECA00, s0;
	s8 =	sadd.s32 $0x15A00, s0;
	s25 =	smul.u32 $0x9C4, s11  }
0x6: {  	s9 =	sadd.s32 $0x1E00, s0;
	s26 =	smul.u32 $0x3A800, s11;
	s6 =	sshll.u32 s3, $0x4  }
0x7: {  	s5 =	smul.u32 $0x1D4C0, s3;
	s3 =	ssub.s32 $0x2, s3;
	s6 =	sor.u32 s11, s6  }
0x8: {  	_ =	strace $0x8000004D;
	s22 =	sshrl.u32 s3, $0x1;
	s10 =	smul.u32 $0x9C4, s6  }
0x9: {  	s5 =	sadd.s32 s7, s5;
	s6 =	smul.u32 $0x4E20, s6;
	s3 =	ssub.s32 s3, s22  }
0xa: {  	s7 =	sshrl.u32 s23, $0x3;
	s0 =	sadd.s32 s5, s0;
	s5 =	sadd.s32 s9, s25  }
0xb: {  	s11 =	smax.u32 s3, $0x1;
	s24 =	sadd.s32 s8, s10;
	[dreg:$0x4] =	wrdreg s5  }
0xc: {  	s6 =	sshrl.u32 s6, $0x3;
	s10 =	sshrl.u32 s26, $0x2;
	[dreg:$0x8] =	wrdreg s11  }
0xd: {  	s0 =	sadd.s32 $0x127400, s0;
	[dreg:$0x3] =	wrdreg s24;
	s6 =	sadd.s32 s8, s6  }
0xe: {  	s8 =	sadd.s32 s9, s7;
	[dreg:$0x7] =	wrdreg s0;
	s5 =	sadd.s32 $0x4E2, s6  }
0xf: {  	s10 =	sadd.s32 s10, s1;
	s9 =	sadd.s32 $0x4E2, s8;
	[dreg:$0x5] =	wrdreg s5  }
0x10: {  	s12 =	sadd.s32 $0xF00, s10;
	[dreg:$0x6] =	wrdreg s9  }
0x11: {  	s13 =	sadd.s32 $0x1E00, s10;
	[dreg:$0x9] =	wrdreg s12  }
0x12: {  	s14 =	sadd.s32 $0x2D00, s10;
	[dreg:$0xa] =	wrdreg s13  }
0x13: {  	s15 =	sadd.s32 $0x3C00, s10;
	[dreg:$0xb] =	wrdreg s14  }
0x14: {  	s16 =	sadd.s32 $0x4B00, s10;
	[dreg:$0xc] =	wrdreg s15  }
0x15: {  	s17 =	sadd.s32 $0x5A00, s10;
	[dreg:$0xd] =	wrdreg s16  }
0x16: {  	s18 =	sadd.s32 $0x6900, s10;
	[dreg:$0xe] =	wrdreg s17  }
0x17: {  	s19 =	sadd.s32 $0x7800, s10;
	[dreg:$0xf] =	wrdreg s18  }
0x18: {  	s28 =	simm.s32 $0xE420;
	s20 =	sadd.s32 $0x8700, s10;
	[dreg:$0x10] =	wrdreg s19  }
0x19: {  	s29 =	simm.s32 $0xB;
	s21 =	sadd.s32 $0x9600, s10;
	[dreg:$0x11] =	wrdreg s20  }
0x1a: {  	s31 =	simm.s32 $0x50;
	s22 =	sadd.s32 $0xA500, s10;
	[dreg:$0x12] =	wrdreg s21  }
0x1b: {  	s30 =	simm.s32 $0xA;
	s23 =	sadd.s32 $0xB400, s10;
	[dreg:$0x13] =	wrdreg s22  }
0x1c: {  	s3 =	simm.s32 $0x6C20;
	s24 =	sadd.s32 $0xC300, s10;
	[dreg:$0x14] =	wrdreg s23  }
0x1d: {  	s11 =	simm.s32 $0xC620;
	s25 =	sadd.s32 $0xD200, s10;
	[dreg:$0x15] =	wrdreg s24  }
0x1e: {  	s0 =	simm.s32 $0x4E20;
	s26 =	sadd.s32 $0xE100, s10;
	[dreg:$0x16] =	wrdreg s25  }
0x1f: {  	s6 =	simm.s32 $0x8A20;
	s8 =	simm.s32 $0xA820;
	[dreg:$0x17] =	wrdreg s26  }
0x20: {  	s9 =	simm.s32 $0x140;
	s12 =	simm.s32 $0x1;
	s13 =	simm.s32 $0x2  }
0x21: {  	s14 =	simm.s32 $0x3;
	s15 =	simm.s32 $0x4;
	s16 =	simm.s32 $0x5  }
0x22: {  	s17 =	simm.s32 $0x6;
	s18 =	simm.s32 $0x7;
	s19 =	simm.s32 $0x8  }
0x23: {  	s20 =	simm.s32 $0x9;
	s21 =	simm.s32 $0x4C90;
	s22 =	simm.s32 $0x4CE0  }
0x24: {  	v0 =	vimm.f32 $0.0e+00;
	s23 =	simm.s32 $0x4D30;
	s24 =	simm.s32 $0x4D80;
	s5 =	simm.s32 $0x4DD0  }
.LBB2_1:
0x25: {  	s25 =	simm.s32 $0x50  }
0x26: {  	[tilespmem:s25+$0xE420] =	vst v0  }
0x27: {  	[tilespmem:s25+$0xE3D0] =	vst v0  }
0x28: {  	[tilespmem:s25+$0xE3E0] =	vst v0  }
0x29: {  	[tilespmem:s25+$0xE3F0] =	vst v0  }
0x2a: {  	s26 =	simm.s32 $0x2C0;
	[tilespmem:s25+$0xE400] =	vst v0  }
.LBB2_2:
0x2b: {  	p0 =	sne.s32 s26, $0x3BC0;
	[tilespmem:s25+$0xE410] =	vst v0;
	s25 =	sshra.s32 s26, $0x2;
	s26 =	sadd.s32 $0x180, s26  }
.Ltmp0:
0x2c: {  	[tilespmem:s25+$0xE420] =	vst v0;
	(pc) =	sbr.rel @p0 .LBB2_2-.Ltmp0, $4  }
0x2d: {  	[tilespmem:s25+$0xE3D0] =	vst v0  }
0x2e: {  	[tilespmem:s25+$0xE3E0] =	vst v0  }
0x2f: {  	[tilespmem:s25+$0xE3F0] =	vst v0  }
0x30: {  	[tilespmem:s25+$0xE400] =	vst v0  }
0x31: {  	[tilespmem:s25+$0xE410] =	vst v0  }
0x32: {  	[spmem:s10] =	stream.linear.scatter [tilespmem:s28], [sflag:$0xB], $0xF00, $0x38;
	[tilespmem:$0x1DD80] =	vst v63  }
0x33: {  	_ =	swait.ge [sflag:s29], $0xF00  }
0x34: {  	[sflag:s29] =	ssyncset.done $0x0  }
0x35: {  	s7 =	rddreg [dreg:$0x9];
	[sflag:s29] =	ssyncadd.s32 $0xFFFFF100  }
0x36: {  	[spmem:s7] =	stream.linear.scatter [tilespmem:s28], [sflag:$0xB], $0xF00, $0x38;
	[tilespmem:$0x1DD80] =	vst v63  }
0x37: {  	_ =	swait.ge [sflag:s29], $0xF00  }
0x38: {  	[sflag:s29] =	ssyncset.done $0x0  }
0x39: {  	s26 =	rddreg [dreg:$0xa];
	[sflag:s29] =	ssyncadd.s32 $0xFFFFF100  }
0x3a: {  	[spmem:s26] =	stream.linear.scatter [tilespmem:s28], [sflag:$0xB], $0xF00, $0x38;
	[tilespmem:$0x1DD80] =	vst v63  }
0x3b: {  	_ =	swait.ge [sflag:s29], $0xF00  }
0x3c: {  	[sflag:s29] =	ssyncset.done $0x0  }
0x3d: {  	s25 =	rddreg [dreg:$0xb];
	[sflag:s29] =	ssyncadd.s32 $0xFFFFF100  }
0x3e: {  	[spmem:s25] =	stream.linear.scatter [tilespmem:s28], [sflag:$0xB], $0xF00, $0x38;
	[tilespmem:$0x1DD80] =	vst v63  }
0x3f: {  	_ =	swait.ge [sflag:s29], $0xF00  }
0x40: {  	[sflag:s29] =	ssyncset.done $0x0  }
0x41: {  	s26 =	rddreg [dreg:$0xc];
	[sflag:s29] =	ssyncadd.s32 $0xFFFFF100  }
0x42: {  	[spmem:s26] =	stream.linear.scatter [tilespmem:s28], [sflag:$0xB], $0xF00, $0x38;
	[tilespmem:$0x1DD80] =	vst v63  }
0x43: {  	_ =	swait.ge [sflag:s29], $0xF00  }
0x44: {  	[sflag:s29] =	ssyncset.done $0x0  }
0x45: {  	s25 =	rddreg [dreg:$0xd];
	[sflag:s29] =	ssyncadd.s32 $0xFFFFF100  }
0x46: {  	[spmem:s25] =	stream.linear.scatter [tilespmem:s28], [sflag:$0xB], $0xF00, $0x38;
	[tilespmem:$0x1DD80] =	vst v63  }
0x47: {  	_ =	swait.ge [sflag:s29], $0xF00  }
0x48: {  	[sflag:s29] =	ssyncset.done $0x0  }
0x49: {  	s26 =	rddreg [dreg:$0xe];
	[sflag:s29] =	ssyncadd.s32 $0xFFFFF100  }
0x4a: {  	[spmem:s26] =	stream.linear.scatter [tilespmem:s28], [sflag:$0xB], $0xF00, $0x38;
	[tilespmem:$0x1DD80] =	vst v63  }
0x4b: {  	_ =	swait.ge [sflag:s29], $0xF00  }
0x4c: {  	[sflag:s29] =	ssyncset.done $0x0  }
0x4d: {  	s25 =	rddreg [dreg:$0xf];
	[sflag:s29] =	ssyncadd.s32 $0xFFFFF100  }
0x4e: {  	[spmem:s25] =	stream.linear.scatter [tilespmem:s28], [sflag:$0xB], $0xF00, $0x38;
	[tilespmem:$0x1DD80] =	vst v63  }
0x4f: {  	_ =	swait.ge [sflag:s29], $0xF00  }
0x50: {  	[sflag:s29] =	ssyncset.done $0x0  }
0x51: {  	s26 =	rddreg [dreg:$0x10];
	[sflag:s29] =	ssyncadd.s32 $0xFFFFF100  }
0x52: {  	[spmem:s26] =	stream.linear.scatter [tilespmem:s28], [sflag:$0xB], $0xF00, $0x38;
	[tilespmem:$0x1DD80] =	vst v63  }
0x53: {  	_ =	swait.ge [sflag:s29], $0xF00  }
0x54: {  	[sflag:s29] =	ssyncset.done $0x0  }
0x55: {  	s25 =	rddreg [dreg:$0x11];
	[sflag:s29] =	ssyncadd.s32 $0xFFFFF100  }
0x56: {  	[spmem:s25] =	stream.linear.scatter [tilespmem:s28], [sflag:$0xB], $0xF00, $0x38;
	[tilespmem:$0x1DD80] =	vst v63  }
0x57: {  	_ =	swait.ge [sflag:s29], $0xF00  }
0x58: {  	[sflag:s29] =	ssyncset.done $0x0  }
0x59: {  	s26 =	rddreg [dreg:$0x12];
	[sflag:s29] =	ssyncadd.s32 $0xFFFFF100  }
0x5a: {  	[spmem:s26] =	stream.linear.scatter [tilespmem:s28], [sflag:$0xB], $0xF00, $0x38;
	[tilespmem:$0x1DD80] =	vst v63  }
0x5b: {  	_ =	swait.ge [sflag:s29], $0xF00  }
0x5c: {  	[sflag:s29] =	ssyncset.done $0x0  }
0x5d: {  	s25 =	rddreg [dreg:$0x13];
	[sflag:s29] =	ssyncadd.s32 $0xFFFFF100  }
0x5e: {  	[spmem:s25] =	stream.linear.scatter [tilespmem:s28], [sflag:$0xB], $0xF00, $0x38;
	[tilespmem:$0x1DD80] =	vst v63  }
0x5f: {  	_ =	swait.ge [sflag:s29], $0xF00  }
0x60: {  	[sflag:s29] =	ssyncset.done $0x0  }
0x61: {  	s26 =	rddreg [dreg:$0x14];
	[sflag:s29] =	ssyncadd.s32 $0xFFFFF100  }
0x62: {  	[spmem:s26] =	stream.linear.scatter [tilespmem:s28], [sflag:$0xB], $0xF00, $0x38;
	[tilespmem:$0x1DD80] =	vst v63  }
0x63: {  	_ =	swait.ge [sflag:s29], $0xF00  }
0x64: {  	[sflag:s29] =	ssyncset.done $0x0  }
0x65: {  	s25 =	rddreg [dreg:$0x15];
	[sflag:s29] =	ssyncadd.s32 $0xFFFFF100  }
0x66: {  	[spmem:s25] =	stream.linear.scatter [tilespmem:s28], [sflag:$0xB], $0xF00, $0x38;
	[tilespmem:$0x1DD80] =	vst v63  }
0x67: {  	_ =	swait.ge [sflag:s29], $0xF00  }
0x68: {  	[sflag:s29] =	ssyncset.done $0x0  }
0x69: {  	s26 =	rddreg [dreg:$0x16];
	[sflag:s29] =	ssyncadd.s32 $0xFFFFF100  }
0x6a: {  	[spmem:s26] =	stream.linear.scatter [tilespmem:s28], [sflag:$0xB], $0xF00, $0x38;
	[tilespmem:$0x1DD80] =	vst v63  }
0x6b: {  	_ =	swait.ge [sflag:s29], $0xF00  }
0x6c: {  	[sflag:s29] =	ssyncset.done $0x0  }
0x6d: {  	s25 =	rddreg [dreg:$0x17];
	[sflag:s29] =	ssyncadd.s32 $0xFFFFF100  }
0x6e: {  	[spmem:s25] =	stream.linear.scatter [tilespmem:s28], [sflag:$0xB], $0xF00, $0x38;
	[tilespmem:$0x1DD80] =	vst v63  }
0x6f: {  	_ =	swait.ge [sflag:s29], $0xF00  }
0x70: {  	[sflag:s29] =	ssyncset.done $0x0  }
0x71: {  	[sflag:s29] =	ssyncadd.s32 $0xFFFFF100  }
0x72: {  	[bflag:$0x0] =	sbarrier.arrive $0xFFFF  }
0x73: {  	s25 =	simm.s32 $0x0;
	s26 =	rddreg [dreg:$0x3]  }
0x74: {  	[tilespmem:s25], [sflag:$0xB] =	stream.linear.gather [hbm4b:s26+s25], $0x2710, $0x38;
	[tilespmem:$0x1DD80] =	vst v63  }
0x75: {  	_ =	swait.ge [sflag:s29], $0x2710  }
0x76: {  	[sflag:s29] =	ssyncset.done $0x0  }
0x77: {  	s26 =	simm.s32 $0x2710;
	s7 =	rddreg [dreg:$0x4];
	[sflag:s29] =	ssyncadd.s32 $0xFFFFD8F0  }
0x78: {  	[tilespmem:s26], [sflag:$0xB] =	stream.linear.gather [hbm4b:s7+s25], $0x2710, $0x38;
	[tilespmem:$0x1DD80] =	vst v63  }
0x79: {  	_ =	swait.ge [sflag:s29], $0x2710  }
0x7a: {  	[sflag:s29] =	ssyncset.done $0x0  }
0x7b: {  	[sflag:s29] =	ssyncadd.s32 $0xFFFFD8F0  }
0x7c: {  	[tilespmem:s0], [sflag:$0x1] =	stream.indirect.gather [hbm4b:s4+s31], $0x60, s25, s31, $0xb8;
	[tilespmem:$0x1DD80] =	vst v63  }
0x7d: {  	_ = 	snop  }
0x7e: {  	[tilespmem:s3], [sflag:$0x2] =	stream.indirect.gather [hbm4b:s4+s31], $0x60, s31, s31, $0xb8;
	[tilespmem:$0x1DD80] =	vst v63  }
0x7f: {  	s26 =	simm.s32 $0xA0  }
0x80: {  	[tilespmem:s6], [sflag:$0x3] =	stream.indirect.gather [hbm4b:s4+s31], $0x60, s26, s31, $0xb8;
	[tilespmem:$0x1DD80] =	vst v63  }
0x81: {  	s25 =	simm.s32 $0xF0  }
0x82: {  	[tilespmem:s8], [sflag:$0x4] =	stream.indirect.gather [hbm4b:s4+s31], $0x60, s25, s31, $0xb8;
	[tilespmem:$0x1DD80] =	vst v63  }
0x83: {  	_ = 	snop  }
0x84: {  	[tilespmem:s11], [sflag:$0x5] =	stream.indirect.gather [hbm4b:s4+s31], $0x60, s9, s31, $0xb8;
	[tilespmem:$0x1DD80] =	vst v63  }
0x85: {  	_ =	swait.ge [sflag:s12], $0x1E00  }
0x86: {  	[sflag:s12] =	ssyncset.done $0x0  }
0x87: {  	s26 =	simm.s32 $0x2710;
	[sflag:s12] =	ssyncadd.s32 $0xFFFFE200  }
0x88: {  	[spmem:s1] =	stream.indirect.scatter.add.f32 [tilespmem:s0], [sflag:$0x6], $0x60, s26, s31, $0xb8;
	[tilespmem:$0x1DD80] =	vst v63  }
0x89: {  	_ =	swait.ge [sflag:s13], $0x1E00  }
0x8a: {  	[sflag:s13] =	ssyncset.done $0x0  }
0x8b: {  	s7 =	simm.s32 $0x2760;
	[sflag:s13] =	ssyncadd.s32 $0xFFFFE200  }
0x8c: {  	[spmem:s1] =	stream.indirect.scatter.add.f32 [tilespmem:s3], [sflag:$0x7], $0x60, s7, s31, $0xb8;
	[tilespmem:$0x1DD80] =	vst v63  }
0x8d: {  	_ =	swait.ge [sflag:s14], $0x1E00  }
0x8e: {  	[sflag:s14] =	ssyncset.done $0x0  }
0x8f: {  	s26 =	simm.s32 $0x27B0;
	[sflag:s14] =	ssyncadd.s32 $0xFFFFE200  }
0x90: {  	[spmem:s1] =	stream.indirect.scatter.add.f32 [tilespmem:s6], [sflag:$0x8], $0x60, s26, s31, $0xb8;
	[tilespmem:$0x1DD80] =	vst v63  }
0x91: {  	_ =	swait.ge [sflag:s15], $0x1E00  }
0x92: {  	[sflag:s15] =	ssyncset.done $0x0  }
0x93: {  	s7 =	simm.s32 $0x2800;
	[sflag:s15] =	ssyncadd.s32 $0xFFFFE200  }
0x94: {  	[spmem:s1] =	stream.indirect.scatter.add.f32 [tilespmem:s8], [sflag:$0x9], $0x60, s7, s31, $0xb8;
	[tilespmem:$0x1DD80] =	vst v63  }
0x95: {  	_ =	swait.ge [sflag:s16], $0x1E00  }
0x96: {  	[sflag:s16] =	ssyncset.done $0x0  }
0x97: {  	s26 =	simm.s32 $0x2850;
	[sflag:s16] =	ssyncadd.s32 $0xFFFFE200  }
0x98: {  	[spmem:s1] =	stream.indirect.scatter.add.f32 [tilespmem:s11], [sflag:$0xA], $0x60, s26, s31, $0xb8;
	[tilespmem:$0x1DD80] =	vst v63  }
0x99: {  	_ =	swait.ge [sflag:s17], $0x1E00  }
0x9a: {  	[sflag:s17] =	ssyncset.done $0x0  }
0x9b: {  	s7 =	simm.s32 $0x190;
	[sflag:s17] =	ssyncadd.s32 $0xFFFFE200  }
0x9c: {  	[tilespmem:s0], [sflag:$0x1] =	stream.indirect.gather [hbm4b:s4+s31], $0x60, s7, s31, $0xb8;
	[tilespmem:$0x1DD80] =	vst v63  }
0x9d: {  	_ =	swait.ge [sflag:s18], $0x1E00  }
0x9e: {  	[sflag:s18] =	ssyncset.done $0x0  }
0x9f: {  	s26 =	simm.s32 $0x1E0;
	[sflag:s18] =	ssyncadd.s32 $0xFFFFE200  }
0xa0: {  	[tilespmem:s3], [sflag:$0x2] =	stream.indirect.gather [hbm4b:s4+s31], $0x60, s26, s31, $0xb8;
	[tilespmem:$0x1DD80] =	vst v63  }
0xa1: {  	_ =	swait.ge [sflag:s19], $0x1E00  }
0xa2: {  	[sflag:s19] =	ssyncset.done $0x0  }
0xa3: {  	s7 =	simm.s32 $0x230;
	[sflag:s19] =	ssyncadd.s32 $0xFFFFE200  }
0xa4: {  	[tilespmem:s6], [sflag:$0x3] =	stream.indirect.gather [hbm4b:s4+s31], $0x60, s7, s31, $0xb8;
	[tilespmem:$0x1DD80] =	vst v63  }
0xa5: {  	_ =	swait.ge [sflag:s20], $0x1E00  }
0xa6: {  	[sflag:s20] =	ssyncset.done $0x0  }
0xa7: {  	s26 =	simm.s32 $0x280;
	[sflag:s20] =	ssyncadd.s32 $0xFFFFE200  }
0xa8: {  	[tilespmem:s8], [sflag:$0x4] =	stream.indirect.gather [hbm4b:s4+s31], $0x60, s26, s31, $0xb8;
	[tilespmem:$0x1DD80] =	vst v63  }
0xa9: {  	_ =	swait.ge [sflag:s30], $0x1E00  }
0xaa: {  	[sflag:s30] =	ssyncset.done $0x0  }
0xab: {  	s25 =	simm.s32 $0x640;
	s26 =	simm.s32 $0x2D0;
	[sflag:s30] =	ssyncadd.s32 $0xFFFFE200  }
.LBB2_4:
0xac: {  	[tilespmem:s11], [sflag:$0x5] =	stream.indirect.gather [hbm4b:s4+s31], $0x60, s26, s31, $0xb8;
	[tilespmem:$0x1DD80] =	vst v63  }
0xad: {  	s26 =	smov.u32 s25  }
0xae: {  	p0 =	sne.s32 s25, $0x8FC0;
	s25 =	sadd.s32 $0x640, s25;
	_ =	swait.ge [sflag:s12], $0x1E00  }
0xaf: {  	s26 =	sshra.s32 s26, $0x2;
	[sflag:s12] =	ssyncset.done $0x0  }
0xb0: {  	s7 =	sadd.s32 $0x2710, s26;
	[sflag:s12] =	ssyncadd.s32 $0xFFFFE200  }
0xb1: {  	[spmem:s1] =	stream.indirect.scatter.add.f32 [tilespmem:s0], [sflag:$0x6], $0x60, s7, s31, $0xb8;
	[tilespmem:$0x1DD80] =	vst v63  }
0xb2: {  	_ =	swait.ge [sflag:s13], $0x1E00  }
0xb3: {  	[sflag:s13] =	ssyncset.done $0x0  }
0xb4: {  	s7 =	sadd.s32 $0x2760, s26;
	[sflag:s13] =	ssyncadd.s32 $0xFFFFE200  }
0xb5: {  	[spmem:s1] =	stream.indirect.scatter.add.f32 [tilespmem:s3], [sflag:$0x7], $0x60, s7, s31, $0xb8;
	[tilespmem:$0x1DD80] =	vst v63  }
0xb6: {  	_ =	swait.ge [sflag:s14], $0x1E00  }
0xb7: {  	[sflag:s14] =	ssyncset.done $0x0  }
0xb8: {  	s7 =	sadd.s32 $0x27B0, s26;
	[sflag:s14] =	ssyncadd.s32 $0xFFFFE200  }
0xb9: {  	[spmem:s1] =	stream.indirect.scatter.add.f32 [tilespmem:s6], [sflag:$0x8], $0x60, s7, s31, $0xb8;
	[tilespmem:$0x1DD80] =	vst v63  }
0xba: {  	_ =	swait.ge [sflag:s15], $0x1E00  }
0xbb: {  	[sflag:s15] =	ssyncset.done $0x0  }
0xbc: {  	s7 =	sadd.s32 $0x2800, s26;
	[sflag:s15] =	ssyncadd.s32 $0xFFFFE200  }
0xbd: {  	[spmem:s1] =	stream.indirect.scatter.add.f32 [tilespmem:s8], [sflag:$0x9], $0x60, s7, s31, $0xb8;
	[tilespmem:$0x1DD80] =	vst v63  }
0xbe: {  	_ =	swait.ge [sflag:s16], $0x1E00  }
0xbf: {  	[sflag:s16] =	ssyncset.done $0x0  }
0xc0: {  	s7 =	sadd.s32 $0x2850, s26;
	[sflag:s16] =	ssyncadd.s32 $0xFFFFE200  }
0xc1: {  	[spmem:s1] =	stream.indirect.scatter.add.f32 [tilespmem:s11], [sflag:$0xA], $0x60, s7, s31, $0xb8;
	[tilespmem:$0x1DD80] =	vst v63  }
0xc2: {  	_ =	swait.ge [sflag:s17], $0x1E00  }
0xc3: {  	[sflag:s17] =	ssyncset.done $0x0  }
0xc4: {  	s7 =	sadd.s32 $0x190, s26;
	[sflag:s17] =	ssyncadd.s32 $0xFFFFE200  }
0xc5: {  	[tilespmem:s0], [sflag:$0x1] =	stream.indirect.gather [hbm4b:s4+s31], $0x60, s7, s31, $0xb8;
	[tilespmem:$0x1DD80] =	vst v63  }
0xc6: {  	_ =	swait.ge [sflag:s18], $0x1E00  }
0xc7: {  	[sflag:s18] =	ssyncset.done $0x0  }
0xc8: {  	s7 =	sadd.s32 $0x1E0, s26;
	[sflag:s18] =	ssyncadd.s32 $0xFFFFE200  }
0xc9: {  	[tilespmem:s3], [sflag:$0x2] =	stream.indirect.gather [hbm4b:s4+s31], $0x60, s7, s31, $0xb8;
	[tilespmem:$0x1DD80] =	vst v63  }
0xca: {  	_ =	swait.ge [sflag:s19], $0x1E00  }
0xcb: {  	[sflag:s19] =	ssyncset.done $0x0  }
0xcc: {  	s7 =	sadd.s32 $0x230, s26;
	[sflag:s19] =	ssyncadd.s32 $0xFFFFE200  }
0xcd: {  	[tilespmem:s6], [sflag:$0x3] =	stream.indirect.gather [hbm4b:s4+s31], $0x60, s7, s31, $0xb8;
	[tilespmem:$0x1DD80] =	vst v63  }
0xce: {  	_ =	swait.ge [sflag:s20], $0x1E00  }
0xcf: {  	[sflag:s20] =	ssyncset.done $0x0  }
.Ltmp1:
0xd0: {  	s7 =	sadd.s32 $0x280, s26;
	[sflag:s20] =	ssyncadd.s32 $0xFFFFE200;
	(pc) =	sbr.rel @p0 .LBB2_4-.Ltmp1, $4  }
0xd1: {  	[tilespmem:s8], [sflag:$0x4] =	stream.indirect.gather [hbm4b:s4+s31], $0x60, s7, s31, $0xb8;
	[tilespmem:$0x1DD80] =	vst v63  }
0xd2: {  	_ =	swait.ge [sflag:s30], $0x1E00  }
0xd3: {  	[sflag:s30] =	ssyncset.done $0x0  }
0xd4: {  	s26 =	sadd.s32 $0x2D0, s26;
	[sflag:s30] =	ssyncadd.s32 $0xFFFFE200  }
0xd5: {  	[tilespmem:s11], [sflag:$0x5] =	stream.indirect.gather [hbm4b:s4+s31], $0x60, s26, s31, $0xb8;
	[tilespmem:$0x1DD80] =	vst v63  }
0xd6: {  	_ =	swait.ge [sflag:s12], $0x1E00  }
0xd7: {  	[sflag:s12] =	ssyncset.done $0x0  }
0xd8: {  	[sflag:s12] =	ssyncadd.s32 $0xFFFFE200  }
0xd9: {  	[spmem:s1] =	stream.indirect.scatter.add.f32 [tilespmem:s0], [sflag:$0x6], $0x60, s21, s31, $0xb8;
	[tilespmem:$0x1DD80] =	vst v63  }
0xda: {  	_ =	swait.ge [sflag:s13], $0x1E00  }
0xdb: {  	[sflag:s13] =	ssyncset.done $0x0  }
0xdc: {  	[sflag:s13] =	ssyncadd.s32 $0xFFFFE200  }
0xdd: {  	[spmem:s1] =	stream.indirect.scatter.add.f32 [tilespmem:s3], [sflag:$0x7], $0x60, s22, s31, $0xb8;
	[tilespmem:$0x1DD80] =	vst v63  }
0xde: {  	_ =	swait.ge [sflag:s14], $0x1E00  }
0xdf: {  	[sflag:s14] =	ssyncset.done $0x0  }
0xe0: {  	[sflag:s14] =	ssyncadd.s32 $0xFFFFE200  }
0xe1: {  	[spmem:s1] =	stream.indirect.scatter.add.f32 [tilespmem:s6], [sflag:$0x8], $0x60, s23, s31, $0xb8;
	[tilespmem:$0x1DD80] =	vst v63  }
0xe2: {  	_ =	swait.ge [sflag:s15], $0x1E00  }
0xe3: {  	[sflag:s15] =	ssyncset.done $0x0  }
0xe4: {  	[sflag:s15] =	ssyncadd.s32 $0xFFFFE200  }
0xe5: {  	[spmem:s1] =	stream.indirect.scatter.add.f32 [tilespmem:s8], [sflag:$0x9], $0x60, s24, s31, $0xb8;
	[tilespmem:$0x1DD80] =	vst v63  }
0xe6: {  	_ =	swait.ge [sflag:s16], $0x1E00  }
0xe7: {  	[sflag:s16] =	ssyncset.done $0x0  }
0xe8: {  	[sflag:s16] =	ssyncadd.s32 $0xFFFFE200  }
0xe9: {  	[spmem:s1] =	stream.indirect.scatter.add.f32 [tilespmem:s11], [sflag:$0xA], $0x60, s5, s31, $0xb8;
	[tilespmem:$0x1DD80] =	vst v63  }
0xea: {  	_ =	swait.ge [sflag:s17], $0x1E00  }
0xeb: {  	[sflag:s17] =	ssyncset.done $0x0  }
0xec: {  	[sflag:s17] =	ssyncadd.s32 $0xFFFFE200  }
0xed: {  	_ =	swait.ge [sflag:s18], $0x1E00  }
0xee: {  	[sflag:s18] =	ssyncset.done $0x0  }
0xef: {  	[sflag:s18] =	ssyncadd.s32 $0xFFFFE200  }
0xf0: {  	_ =	swait.ge [sflag:s19], $0x1E00  }
0xf1: {  	[sflag:s19] =	ssyncset.done $0x0  }
0xf2: {  	[sflag:s19] =	ssyncadd.s32 $0xFFFFE200  }
0xf3: {  	_ =	swait.ge [sflag:s20], $0x1E00  }
0xf4: {  	[sflag:s20] =	ssyncset.done $0x0  }
0xf5: {  	[sflag:s20] =	ssyncadd.s32 $0xFFFFE200  }
0xf6: {  	_ =	swait.ge [sflag:s30], $0x1E00  }
0xf7: {  	[sflag:s30] =	ssyncset.done $0x0  }
0xf8: {  	s7 =	simm.s32 $0x0;
	s25 =	rddreg [dreg:$0x5];
	[sflag:s30] =	ssyncadd.s32 $0xFFFFE200  }
0xf9: {  	[tilespmem:s7], [sflag:$0xB] =	stream.linear.gather [hbm4b:s25+s7], $0x2710, $0x38;
	[tilespmem:$0x1DD80] =	vst v63  }
0xfa: {  	_ =	swait.ge [sflag:s29], $0x2710  }
0xfb: {  	[sflag:s29] =	ssyncset.done $0x0  }
0xfc: {  	s26 =	simm.s32 $0x2710;
	s25 =	rddreg [dreg:$0x6];
	[sflag:s29] =	ssyncadd.s32 $0xFFFFD8F0  }
0xfd: {  	[tilespmem:s26], [sflag:$0xB] =	stream.linear.gather [hbm4b:s25+s7], $0x2710, $0x38;
	[tilespmem:$0x1DD80] =	vst v63  }
0xfe: {  	_ =	swait.ge [sflag:s29], $0x2710  }
0xff: {  	[sflag:s29] =	ssyncset.done $0x0  }
0x100: {  	[sflag:s29] =	ssyncadd.s32 $0xFFFFD8F0  }
0x101: {  	[tilespmem:s0], [sflag:$0x1] =	stream.indirect.gather [hbm4b:s4+s31], $0x60, s7, s31, $0xb8;
	[tilespmem:$0x1DD80] =	vst v63  }
0x102: {  	_ = 	snop  }
0x103: {  	[tilespmem:s3], [sflag:$0x2] =	stream.indirect.gather [hbm4b:s4+s31], $0x60, s31, s31, $0xb8;
	[tilespmem:$0x1DD80] =	vst v63  }
0x104: {  	s26 =	simm.s32 $0xA0  }
0x105: {  	[tilespmem:s6], [sflag:$0x3] =	stream.indirect.gather [hbm4b:s4+s31], $0x60, s26, s31, $0xb8;
	[tilespmem:$0x1DD80] =	vst v63  }
0x106: {  	s25 =	simm.s32 $0xF0  }
0x107: {  	[tilespmem:s8], [sflag:$0x4] =	stream.indirect.gather [hbm4b:s4+s31], $0x60, s25, s31, $0xb8;
	[tilespmem:$0x1DD80] =	vst v63  }
0x108: {  	_ = 	snop  }
0x109: {  	[tilespmem:s11], [sflag:$0x5] =	stream.indirect.gather [hbm4b:s4+s31], $0x60, s9, s31, $0xb8;
	[tilespmem:$0x1DD80] =	vst v63  }
0x10a: {  	_ =	swait.ge [sflag:s12], $0x1E00  }
0x10b: {  	[sflag:s12] =	ssyncset.done $0x0  }
0x10c: {  	s26 =	simm.s32 $0x2710;
	[sflag:s12] =	ssyncadd.s32 $0xFFFFE200  }
0x10d: {  	[spmem:s1] =	stream.indirect.scatter.add.f32 [tilespmem:s0], [sflag:$0x6], $0x60, s26, s31, $0xb8;
	[tilespmem:$0x1DD80] =	vst v63  }
0x10e: {  	_ =	swait.ge [sflag:s13], $0x1E00  }
0x10f: {  	[sflag:s13] =	ssyncset.done $0x0  }
0x110: {  	s25 =	simm.s32 $0x2760;
	[sflag:s13] =	ssyncadd.s32 $0xFFFFE200  }
0x111: {  	[spmem:s1] =	stream.indirect.scatter.add.f32 [tilespmem:s3], [sflag:$0x7], $0x60, s25, s31, $0xb8;
	[tilespmem:$0x1DD80] =	vst v63  }
0x112: {  	_ =	swait.ge [sflag:s14], $0x1E00  }
0x113: {  	[sflag:s14] =	ssyncset.done $0x0  }
0x114: {  	s26 =	simm.s32 $0x27B0;
	[sflag:s14] =	ssyncadd.s32 $0xFFFFE200  }
0x115: {  	[spmem:s1] =	stream.indirect.scatter.add.f32 [tilespmem:s6], [sflag:$0x8], $0x60, s26, s31, $0xb8;
	[tilespmem:$0x1DD80] =	vst v63  }
0x116: {  	_ =	swait.ge [sflag:s15], $0x1E00  }
0x117: {  	[sflag:s15] =	ssyncset.done $0x0  }
0x118: {  	s25 =	simm.s32 $0x2800;
	[sflag:s15] =	ssyncadd.s32 $0xFFFFE200  }
0x119: {  	[spmem:s1] =	stream.indirect.scatter.add.f32 [tilespmem:s8], [sflag:$0x9], $0x60, s25, s31, $0xb8;
	[tilespmem:$0x1DD80] =	vst v63  }
0x11a: {  	_ =	swait.ge [sflag:s16], $0x1E00  }
0x11b: {  	[sflag:s16] =	ssyncset.done $0x0  }
0x11c: {  	s26 =	simm.s32 $0x2850;
	[sflag:s16] =	ssyncadd.s32 $0xFFFFE200  }
0x11d: {  	[spmem:s1] =	stream.indirect.scatter.add.f32 [tilespmem:s11], [sflag:$0xA], $0x60, s26, s31, $0xb8;
	[tilespmem:$0x1DD80] =	vst v63  }
0x11e: {  	_ =	swait.ge [sflag:s17], $0x1E00  }
0x11f: {  	[sflag:s17] =	ssyncset.done $0x0  }
0x120: {  	s25 =	simm.s32 $0x190;
	[sflag:s17] =	ssyncadd.s32 $0xFFFFE200  }
0x121: {  	[tilespmem:s0], [sflag:$0x1] =	stream.indirect.gather [hbm4b:s4+s31], $0x60, s25, s31, $0xb8;
	[tilespmem:$0x1DD80] =	vst v63  }
0x122: {  	_ =	swait.ge [sflag:s18], $0x1E00  }
0x123: {  	[sflag:s18] =	ssyncset.done $0x0  }
0x124: {  	s26 =	simm.s32 $0x1E0;
	[sflag:s18] =	ssyncadd.s32 $0xFFFFE200  }
0x125: {  	[tilespmem:s3], [sflag:$0x2] =	stream.indirect.gather [hbm4b:s4+s31], $0x60, s26, s31, $0xb8;
	[tilespmem:$0x1DD80] =	vst v63  }
0x126: {  	_ =	swait.ge [sflag:s19], $0x1E00  }
0x127: {  	[sflag:s19] =	ssyncset.done $0x0  }
0x128: {  	s25 =	simm.s32 $0x230;
	[sflag:s19] =	ssyncadd.s32 $0xFFFFE200  }
0x129: {  	[tilespmem:s6], [sflag:$0x3] =	stream.indirect.gather [hbm4b:s4+s31], $0x60, s25, s31, $0xb8;
	[tilespmem:$0x1DD80] =	vst v63  }
0x12a: {  	_ =	swait.ge [sflag:s20], $0x1E00  }
0x12b: {  	[sflag:s20] =	ssyncset.done $0x0  }
0x12c: {  	s26 =	simm.s32 $0x280;
	[sflag:s20] =	ssyncadd.s32 $0xFFFFE200  }
0x12d: {  	[tilespmem:s8], [sflag:$0x4] =	stream.indirect.gather [hbm4b:s4+s31], $0x60, s26, s31, $0xb8;
	[tilespmem:$0x1DD80] =	vst v63  }
0x12e: {  	_ =	swait.ge [sflag:s30], $0x1E00  }
0x12f: {  	[sflag:s30] =	ssyncset.done $0x0  }
0x130: {  	s25 =	simm.s32 $0x640;
	s26 =	simm.s32 $0x2D0;
	[sflag:s30] =	ssyncadd.s32 $0xFFFFE200  }
.LBB2_6:
0x131: {  	[tilespmem:s11], [sflag:$0x5] =	stream.indirect.gather [hbm4b:s4+s31], $0x60, s26, s31, $0xb8;
	[tilespmem:$0x1DD80] =	vst v63  }
0x132: {  	s7 =	smov.u32 s25  }
0x133: {  	p0 =	sne.s32 s25, $0x8FC0;
	s25 =	sadd.s32 $0x640, s25;
	_ =	swait.ge [sflag:s12], $0x1E00  }
0x134: {  	s26 =	sshra.s32 s7, $0x2;
	[sflag:s12] =	ssyncset.done $0x0  }
0x135: {  	s7 =	sadd.s32 $0x2710, s26;
	[sflag:s12] =	ssyncadd.s32 $0xFFFFE200  }
0x136: {  	[spmem:s1] =	stream.indirect.scatter.add.f32 [tilespmem:s0], [sflag:$0x6], $0x60, s7, s31, $0xb8;
	[tilespmem:$0x1DD80] =	vst v63  }
0x137: {  	_ =	swait.ge [sflag:s13], $0x1E00  }
0x138: {  	[sflag:s13] =	ssyncset.done $0x0  }
0x139: {  	s7 =	sadd.s32 $0x2760, s26;
	[sflag:s13] =	ssyncadd.s32 $0xFFFFE200  }
0x13a: {  	[spmem:s1] =	stream.indirect.scatter.add.f32 [tilespmem:s3], [sflag:$0x7], $0x60, s7, s31, $0xb8;
	[tilespmem:$0x1DD80] =	vst v63  }
0x13b: {  	_ =	swait.ge [sflag:s14], $0x1E00  }
0x13c: {  	[sflag:s14] =	ssyncset.done $0x0  }
0x13d: {  	s7 =	sadd.s32 $0x27B0, s26;
	[sflag:s14] =	ssyncadd.s32 $0xFFFFE200  }
0x13e: {  	[spmem:s1] =	stream.indirect.scatter.add.f32 [tilespmem:s6], [sflag:$0x8], $0x60, s7, s31, $0xb8;
	[tilespmem:$0x1DD80] =	vst v63  }
0x13f: {  	_ =	swait.ge [sflag:s15], $0x1E00  }
0x140: {  	[sflag:s15] =	ssyncset.done $0x0  }
0x141: {  	s7 =	sadd.s32 $0x2800, s26;
	[sflag:s15] =	ssyncadd.s32 $0xFFFFE200  }
0x142: {  	[spmem:s1] =	stream.indirect.scatter.add.f32 [tilespmem:s8], [sflag:$0x9], $0x60, s7, s31, $0xb8;
	[tilespmem:$0x1DD80] =	vst v63  }
0x143: {  	_ =	swait.ge [sflag:s16], $0x1E00  }
0x144: {  	[sflag:s16] =	ssyncset.done $0x0  }
0x145: {  	s7 =	sadd.s32 $0x2850, s26;
	[sflag:s16] =	ssyncadd.s32 $0xFFFFE200  }
0x146: {  	[spmem:s1] =	stream.indirect.scatter.add.f32 [tilespmem:s11], [sflag:$0xA], $0x60, s7, s31, $0xb8;
	[tilespmem:$0x1DD80] =	vst v63  }
0x147: {  	_ =	swait.ge [sflag:s17], $0x1E00  }
0x148: {  	[sflag:s17] =	ssyncset.done $0x0  }
0x149: {  	s7 =	sadd.s32 $0x190, s26;
	[sflag:s17] =	ssyncadd.s32 $0xFFFFE200  }
0x14a: {  	[tilespmem:s0], [sflag:$0x1] =	stream.indirect.gather [hbm4b:s4+s31], $0x60, s7, s31, $0xb8;
	[tilespmem:$0x1DD80] =	vst v63  }
0x14b: {  	_ =	swait.ge [sflag:s18], $0x1E00  }
0x14c: {  	[sflag:s18] =	ssyncset.done $0x0  }
0x14d: {  	s7 =	sadd.s32 $0x1E0, s26;
	[sflag:s18] =	ssyncadd.s32 $0xFFFFE200  }
0x14e: {  	[tilespmem:s3], [sflag:$0x2] =	stream.indirect.gather [hbm4b:s4+s31], $0x60, s7, s31, $0xb8;
	[tilespmem:$0x1DD80] =	vst v63  }
0x14f: {  	_ =	swait.ge [sflag:s19], $0x1E00  }
0x150: {  	[sflag:s19] =	ssyncset.done $0x0  }
0x151: {  	s7 =	sadd.s32 $0x230, s26;
	[sflag:s19] =	ssyncadd.s32 $0xFFFFE200  }
0x152: {  	[tilespmem:s6], [sflag:$0x3] =	stream.indirect.gather [hbm4b:s4+s31], $0x60, s7, s31, $0xb8;
	[tilespmem:$0x1DD80] =	vst v63  }
0x153: {  	_ =	swait.ge [sflag:s20], $0x1E00  }
0x154: {  	[sflag:s20] =	ssyncset.done $0x0  }
.Ltmp2:
0x155: {  	s7 =	sadd.s32 $0x280, s26;
	[sflag:s20] =	ssyncadd.s32 $0xFFFFE200;
	(pc) =	sbr.rel @p0 .LBB2_6-.Ltmp2, $4  }
0x156: {  	[tilespmem:s8], [sflag:$0x4] =	stream.indirect.gather [hbm4b:s4+s31], $0x60, s7, s31, $0xb8;
	[tilespmem:$0x1DD80] =	vst v63  }
0x157: {  	_ =	swait.ge [sflag:s30], $0x1E00  }
0x158: {  	[sflag:s30] =	ssyncset.done $0x0  }
0x159: {  	s26 =	sadd.s32 $0x2D0, s26;
	[sflag:s30] =	ssyncadd.s32 $0xFFFFE200  }
0x15a: {  	[tilespmem:s11], [sflag:$0x5] =	stream.indirect.gather [hbm4b:s4+s31], $0x60, s26, s31, $0xb8;
	[tilespmem:$0x1DD80] =	vst v63  }
0x15b: {  	_ =	swait.ge [sflag:s12], $0x1E00  }
0x15c: {  	[sflag:s12] =	ssyncset.done $0x0  }
0x15d: {  	[sflag:s12] =	ssyncadd.s32 $0xFFFFE200  }
0x15e: {  	[spmem:s1] =	stream.indirect.scatter.add.f32 [tilespmem:s0], [sflag:$0x6], $0x60, s21, s31, $0xb8;
	[tilespmem:$0x1DD80] =	vst v63  }
0x15f: {  	_ =	swait.ge [sflag:s13], $0x1E00  }
0x160: {  	[sflag:s13] =	ssyncset.done $0x0  }
0x161: {  	[sflag:s13] =	ssyncadd.s32 $0xFFFFE200  }
0x162: {  	[spmem:s1] =	stream.indirect.scatter.add.f32 [tilespmem:s3], [sflag:$0x7], $0x60, s22, s31, $0xb8;
	[tilespmem:$0x1DD80] =	vst v63  }
0x163: {  	_ =	swait.ge [sflag:s14], $0x1E00  }
0x164: {  	[sflag:s14] =	ssyncset.done $0x0  }
0x165: {  	[sflag:s14] =	ssyncadd.s32 $0xFFFFE200  }
0x166: {  	[spmem:s1] =	stream.indirect.scatter.add.f32 [tilespmem:s6], [sflag:$0x8], $0x60, s23, s31, $0xb8;
	[tilespmem:$0x1DD80] =	vst v63  }
0x167: {  	_ =	swait.ge [sflag:s15], $0x1E00  }
0x168: {  	[sflag:s15] =	ssyncset.done $0x0  }
0x169: {  	[sflag:s15] =	ssyncadd.s32 $0xFFFFE200  }
0x16a: {  	[spmem:s1] =	stream.indirect.scatter.add.f32 [tilespmem:s8], [sflag:$0x9], $0x60, s24, s31, $0xb8;
	[tilespmem:$0x1DD80] =	vst v63  }
0x16b: {  	_ =	swait.ge [sflag:s16], $0x1E00  }
0x16c: {  	[sflag:s16] =	ssyncset.done $0x0  }
0x16d: {  	[sflag:s16] =	ssyncadd.s32 $0xFFFFE200  }
0x16e: {  	[spmem:s1] =	stream.indirect.scatter.add.f32 [tilespmem:s11], [sflag:$0xA], $0x60, s5, s31, $0xb8;
	[tilespmem:$0x1DD80] =	vst v63  }
0x16f: {  	_ =	swait.ge [sflag:s17], $0x1E00  }
0x170: {  	[sflag:s17] =	ssyncset.done $0x0  }
0x171: {  	[sflag:s17] =	ssyncadd.s32 $0xFFFFE200  }
0x172: {  	_ =	swait.ge [sflag:s18], $0x1E00  }
0x173: {  	[sflag:s18] =	ssyncset.done $0x0  }
0x174: {  	[sflag:s18] =	ssyncadd.s32 $0xFFFFE200  }
0x175: {  	_ =	swait.ge [sflag:s19], $0x1E00  }
0x176: {  	[sflag:s19] =	ssyncset.done $0x0  }
0x177: {  	[sflag:s19] =	ssyncadd.s32 $0xFFFFE200  }
0x178: {  	_ =	swait.ge [sflag:s20], $0x1E00  }
0x179: {  	[sflag:s20] =	ssyncset.done $0x0  }
0x17a: {  	[sflag:s20] =	ssyncadd.s32 $0xFFFFE200  }
0x17b: {  	_ =	swait.ge [sflag:s30], $0x1E00  }
0x17c: {  	[sflag:s30] =	ssyncset.done $0x0  }
0x17d: {  	s7 =	stileid.u32;
	[sflag:s30] =	ssyncadd.s32 $0xFFFFE200  }
0x17e: {  	s7 =	sshll.u32 s7, $0x6;
	[bflag:$0x0] =	sbarrier.arrive $0xFFFF  }
0x17f: {  	s25 =	sshrl.u32 s10, $0x3;
	s7 =	sor.u32 $0x1C0B, s7;
	s26 =	rddreg [dreg:$0x7]  }
0x180: {  	[hbm:s26], [sflag:s7] =	dma.local [spmem:s25], $0x1E00  }
0x181: {  	_ =	swait.ge [sflag:s29], $0x1E00  }
0x182: {  	s2 =	sadd.s32 $0x1, s2;
	s26 =	rddreg [dreg:$0x8]  }
0x183: {  	p0 =	sne.s32 s2, s26  }
.Ltmp3:
0x184: {  	_ = 	snop;
	(pc) =	sbr.rel @p0 .LBB2_1-.Ltmp3, $3  }
0x185: {  	_ =	sdelay $0x1  }
0x186: {  	[sflag:s29] =	ssyncset.done $0x0  }
0x187: {  	[sflag:s29] =	ssyncadd.s32 $0xFFFFE200  }
0x188: {  	_ =	sfence.sel $0x180000  }
0x189: {  	[bflag:$0x0] =	sbarrier.arrive $0xFFFF  }
0x18a: {  	_ =	strace $0x9000004D  }
0x18b: {  	s0 =	stileid.u32;
	[bflag:$0x2] =	sbarrier.arrive $0xFFFF  }
0x18c: {  	p0 =	sne.s32 s0, $0x0;
	s0 =	rddreg [dreg:$0x2]  }
0x18d: {  	s0 =	sadd.s32 @!p0 $0x100000, s0  }
0x18e: {  	[sflag:s0] =	ssyncadd.tile.s32 @!p0 $0x1;
	_ =	shalt  }
.Lfunc_end2:
_tile_overlayer_lowered:
.L_overlay_start_2:
0x18f: {  	(tag) =	ssettag $0x2  }
0x190: {  	s0 =	rddreg [dreg:$0x0];
	s2 =	stileid.u32  }
0x191: {  	s1 =	rddreg [dreg:$0x1];
	p0 =	sne.s32 s2, $0x0  }
0x192: {  	s3 =	rddreg [dreg:$0x2];
	[bflag:$0x3] =	sbarrier.arrive $0xFFFF;
	s2 =	simm.s32 @!p0 $0x1C0B  }
0x193: {  	[timem:s3], [sflag:s2] =	dma.local @!p0 [hbm:s0], s1  }
0x194: {  	s0 =	simm.s32 @!p0 $0xB  }
0x195: {  	_ =	swait.ge @!p0 [sflag:s0], s1  }
0x196: {  	s1 =	ssub.s32 @!p0 $0x0, s1;
	[sflag:s0] =	ssyncset.done @!p0 $0x0  }
0x197: {  	[sflag:s0] =	ssyncadd.s32 @!p0 s1  }
0x198: {  	[bflag:$0x3] =	sbarrier.arrive $0xFFFF  }
0x199: {  	_ =	shalt  }

// kernel: kernel.8.cloned.1.call-start
scs
__scs_entry_jumppad:
0x0: {  	(pc) =	sbr.rel $0x88, $3  }
0x1: {  	(tag) =	ssettag $0x0;
	lr =	simm.s32 $0x1  }
0x2: {  	[smem:$0x3F95] =	sst lr;
	_ =	strace $0xD0000000  }
0x3: {  	_ = 	snop  }
0x4: {  	_ = 	snop  }
0x5: {  	_ = 	snop  }
0x6: {  	_ = 	snop  }
0x7: {  	_ = 	snop  }
__scs_overlays_trampoline_lowered:
0x8: {  	[smem:$0x3FA4] =	sst s0  }
0x9: {  	[smem:$0x3FA5] =	sst s1  }
0xa: {  	[smem:$0x3FA6] =	sst s2  }
0xb: {  	[smem:$0x3FA7] =	sst s3  }
0xc: {  	[smem:$0x3FA8] =	sst s4  }
0xd: {  	[smem:$0x3FA9] =	sst s5  }
0xe: {  	[smem:$0x3FAA] =	sst s6  }
0xf: {  	[smem:$0x3FAB] =	sst s7  }
0x10: {  	[smem:$0x3FAC] =	sst s8  }
0x11: {  	[smem:$0x3FAD] =	sst s9;
	s0 =	simm.s32 @!p0 $0x0  }
0x12: {  	s1 =	sld [smem:$0x3F93];
	s0 =	simm.s32 @p0 $0x1  }
0x13: {  	[smem:$0x3FAE] =	sst s0;
	s0 =	simm.s32 @!p1 $0x0  }
0x14: {  	s2 =	sld [smem:$0x3F92];
	s0 =	simm.s32 @p1 $0x1  }
0x15: {  	[smem:$0x3FAF] =	sst s0;
	s0 =	simm.s32 @!p2 $0x0  }
0x16: {  	s3 =	sld [smem:$0x3FDB];
	s0 =	simm.s32 @p2 $0x1  }
0x17: {  	s4 =	simm.s32 $0x1BF5;
	[smem:$0x3FB1] =	sst s0  }
0x18: {  	s0 =	sld [smem:$0x3F94];
	_ =	swait.ge [sflag:s4], $0x0  }
0x19: {  	s7 =	sld [smem:$0x3F95]  }
0x1a: {  	s8 =	sadd.s32 $0xFFFFE003, lr  }
0x1b: {  	s9 =	sadd.s32 $0xFFFFFEF7, lr;
	s5 =	simm.s32 $0xFFFFFFFF;
	p2 =	slt.u32 s8, $0xFFFFF086  }
0x1c: {  	p1 =	slt.u32 s9, $0xF7A;
	s5 =	simm.s32 @!p2 $0x0  }
0x1d: {  	s5 =	simm.s32 @p1 $0x1;
	p0 =	seq.s32 s7, s2  }
0x1e: {  	s7 =	smul.u32 @!p0 $0xF7A, s2;
	p2 =	seq.s32 @!p0 s5, $0x0  }
0x1f: {  	s9 =	smul.u32 $0xF7A, s1;
	s8 =	simm.s32 @!p0 $0x1BF5;
	p2 =	por !p2, p0  }
0x20: {  	[sflag:s8] =	ssyncset.s32 @!p0 $0xFFFFF086;
	s6 =	sadd.s32 @!p0 s3, s7;
	s7 =	simm.s32 @!p0 $0x108  }
0x21: {  	s3 =	sadd.s32 s3, s9;
	s6 =	sadd.s32 @!p0 $0x88, s6;
	s7 =	simm.s32 @p2 $0x1082  }
0x22: {  	[simem:s7], [sflag:s8] =	dma.local @!p0 [hbm:s6], $0xF7A  }
0x23: {  	s9 =	sor.u32 $0xD0000000, s2;
	s6 =	simm.s32 $0x108;
	_ =	swait.ge @!p0 [sflag:s8], $0x0  }
0x24: {  	s3 =	sadd.s32 $0x88, s3;
	s6 =	simm.s32 @!p1 $0x1082;
	[sflag:s4] =	ssyncset.s32 $0xFFFFF086  }
0x25: {  	[simem:s6], [sflag:s4] =	dma.local [hbm:s3], $0xF7A  }
0x26: {  	[smem:$0x3F95] =	sst s1;
	(tag) =	ssettag s2;
	_ =	strace s9  }
0x27: {  	s1 =	sld [smem:$0x3FA5]  }
0x28: {  	s2 =	sld [smem:$0x3FA6]  }
0x29: {  	s4 =	sld [smem:$0x3FA8]  }
0x2a: {  	p0 =	seq.s32 s5, $0x0;
	s5 =	sld [smem:$0x3FA9]  }
0x2b: {  	s6 =	sld [smem:$0x3FAA]  }
0x2c: {  	s7 =	sld [smem:$0x3FAB]  }
0x2d: {  	s3 =	simm.s32 $0x108;
	s8 =	sld [smem:$0x3FAC]  }
0x2e: {  	s3 =	simm.s32 @!p0 $0x1082;
	s9 =	sld [smem:$0x3FAD]  }
0x2f: {  	lr =	sadd.s32 s0, s3;
	s0 =	sld [smem:$0x3FA4]  }
0x30: {  	s3 =	sld [smem:$0x3FA7]  }
0x31: {  	[smem:$0x3FB0] =	sst s10  }
0x32: {  	s10 =	sld [smem:$0x3FAE];
	_ =	sdelay $0x3  }
0x33: {  	p0 =	seq.s32 s10, $0x1;
	s10 =	sld [smem:$0x3FB0];
	_ =	sdelay $0x3  }
0x34: {  	[smem:$0x3FB0] =	sst s10  }
0x35: {  	s10 =	sld [smem:$0x3FAF];
	_ =	sdelay $0x3  }
0x36: {  	p1 =	seq.s32 s10, $0x1;
	s10 =	sld [smem:$0x3FB0];
	_ =	sdelay $0x3  }
0x37: {  	[smem:$0x3FB0] =	sst s10  }
0x38: {  	s10 =	sld [smem:$0x3FB1]  }
0x39: {  	_ = 	snop;
	(pc) =	sbr.ind lr, $3  }
0x3a: {  	_ = 	snop  }
0x3b: {  	_ = 	snop  }
0x3c: {  	p2 =	seq.s32 s10, $0x1;
	s10 =	sld [smem:$0x3FB0]  }
0x3d: {  	_ =	shalt  }
0x3e: {  	_ =	shalt  }
0x3f: {  	_ =	shalt  }
0x40: {  	_ =	shalt  }
0x41: {  	_ =	shalt  }
0x42: {  	_ =	shalt  }
0x43: {  	_ =	shalt  }
0x44: {  	_ =	shalt  }
0x45: {  	_ =	shalt  }
0x46: {  	_ =	shalt  }
0x47: {  	_ =	shalt  }
0x48: {  	_ =	shalt  }
0x49: {  	_ =	shalt  }
0x4a: {  	_ =	shalt  }
0x4b: {  	_ =	shalt  }
0x4c: {  	_ =	shalt  }
0x4d: {  	_ =	shalt  }
0x4e: {  	_ =	shalt  }
0x4f: {  	_ =	shalt  }
0x50: {  	_ =	shalt  }
0x51: {  	_ =	shalt  }
0x52: {  	_ =	shalt  }
0x53: {  	_ =	shalt  }
0x54: {  	_ =	shalt  }
0x55: {  	_ =	shalt  }
0x56: {  	_ =	shalt  }
0x57: {  	_ =	shalt  }
0x58: {  	_ =	shalt  }
0x59: {  	_ =	shalt  }
0x5a: {  	_ =	shalt  }
0x5b: {  	_ =	shalt  }
0x5c: {  	_ =	shalt  }
0x5d: {  	_ =	shalt  }
0x5e: {  	_ =	shalt  }
0x5f: {  	_ =	shalt  }
0x60: {  	_ =	shalt  }
0x61: {  	_ =	shalt  }
0x62: {  	_ =	shalt  }
0x63: {  	_ =	shalt  }
0x64: {  	_ =	shalt  }
0x65: {  	_ =	shalt  }
0x66: {  	_ =	shalt  }
0x67: {  	_ =	shalt  }
0x68: {  	_ =	shalt  }
0x69: {  	_ =	shalt  }
0x6a: {  	_ =	shalt  }
0x6b: {  	_ =	shalt  }
0x6c: {  	_ =	shalt  }
0x6d: {  	_ =	shalt  }
0x6e: {  	_ =	shalt  }
0x6f: {  	_ =	shalt  }
0x70: {  	_ =	shalt  }
0x71: {  	_ =	shalt  }
0x72: {  	_ =	shalt  }
0x73: {  	_ =	shalt  }
0x74: {  	_ =	shalt  }
0x75: {  	_ =	shalt  }
0x76: {  	_ =	shalt  }
0x77: {  	_ =	shalt  }
0x78: {  	_ =	shalt  }
0x79: {  	_ =	shalt  }
0x7a: {  	_ =	shalt  }
0x7b: {  	_ =	shalt  }
0x7c: {  	_ =	shalt  }
0x7d: {  	_ =	shalt  }
0x7e: {  	_ =	shalt  }
0x7f: {  	_ =	shalt  }
0x80: {  	_ =	shalt  }
0x81: {  	_ =	shalt  }
0x82: {  	_ =	shalt  }
0x83: {  	_ =	shalt  }
0x84: {  	_ =	shalt  }
0x85: {  	_ =	shalt  }
0x86: {  	_ =	shalt  }
0x87: {  	_ =	shalt  }
.Lfunc_end0:
.L_simem_size_0:
called_computation_lowered:
.L_overlay_start_0:
0x88: {  	s2 =	sld [smem:$0x3FD9]  }
0x89: {  	s3 =	sld [smem:$0x3FFE];
	_ =	sdelay $0x1  }
0x8a: {  	s1 =	srdreg.scid  }
0x8b: {  	s0 =	sand.u32 $0x1, s1  }
0x8c: {  	s16 =	sshll.u32 s0, $0xA;
	s2 =	sadd.s32 s3, s2  }
0x8d: {  	s2 =	sadd.s32 s2, s16  }
0x8e: {  	[smem:$0x3FBC] =	sst s2  }
0x8f: {  	_ = 	snop  }
0x90: {  	(tm) =	ssettm $0x1  }
0x91: {  	s17 =	sld [smem:$0x3FFB];
	_ =	sdelay $0x3  }
0x92: {  	_ =	strace s17  }
0x93: {  	s2 =	sld [smem:$0x3FFC];
	_ =	sdelay $0x3  }
0x94: {  	_ =	strace s2  }
0x95: {  	s2 =	sld [smem:$0x3FFD];
	_ =	sdelay $0x3  }
0x96: {  	_ =	strace s2  }
0x97: {  	_ =	strace $0x8FFFFFFF  }
0x98: {  	s18 =	sld [smem:$0x3FDB];
	_ =	sdelay $0x1  }
0x99: {  	s19 =	simm.s32 $_scs_section_size  }
0x9a: {  	s4 =	simm.s32 $_size__tile_overlayer_lowered;
	s5 =	simm.s32 $_tile_overlayer_lowered  }
0x9b: {  	s22 =	simm.s32 $0x1BFF;
	s21 =	sshll.u32 s5, $0x1;
	s2 =	sadd.s32 s19, s18  }
0x9c: {  	s6 =	simm.s32 $0x0;
	s20 =	sshll.u32 s4, $0x1;
	s4 =	sadd.s32 s21, s2  }
0x9d: {  	[timem:s6], [sflag:s22] =	dma.local [hbm:s4], s20  }
0x9e: {  	_ =	swait.ge [sflag:s22], s20  }
0x9f: {  	s3 =	ssub.s32 $0x0, s20;
	[sflag:s22] =	ssyncset.done $0x0  }
0xa0: {  	[sflag:s22] =	ssyncadd.s32 s3;
	_ =	sdelay $0x1  }
0xa1: {  	s23 =	simm.s32 $0x1B8B  }
0xa2: {  	_ =	swait.ge [sflag:s23], $0x1  }
0xa3: {  	[sflag:s23] =	ssyncset.done $0x0  }
0xa4: {  	s25 =	simm.s32 $0x1B8E;
	s24 =	sld [smem:$0x3FFE];
	[sflag:s23] =	ssyncadd.s32 $0xFFFFFFFF  }
0xa5: {  	s26 =	simm.s32 $execute0_lowered;
	[smem:$0x3FD2] =	sst s25  }
0xa6: {  	s4 =	sshll.u32 s26, $0x1;
	_ =	strace $0x80000046;
	[dreg:$0x1] =	wrdreg $0xFFFFFFFF  }
0xa7: {  	s28 =	simm.s32 $_size_execute0_lowered;
	s2 =	sadd.s32 s2, s4;
	[dreg:$0x0] =	wrdreg $0x0  }
0xa8: {  	s4 =	sshll.u32 s28, $0x1;
	[dreg:$0x2] =	wrdreg s2  }
0xa9: {  	[dreg:$0x3] =	wrdreg s4  }
0xaa: {  	[dreg:$0x4] =	wrdreg $0xC0  }
0xab: {  	_ =	task [dreg:s6], $0x5FFFF  }
0xac: {  	[dreg:$0x1] =	wrdreg $0xFFFFFFFF  }
0xad: {  	[dreg:$0x0] =	wrdreg $0x60  }
0xae: {  	[dreg:$0x2] =	wrdreg s24  }
0xaf: {  	[dreg:$0x3] =	wrdreg $0x54100  }
0xb0: {  	[dreg:$0x4] =	wrdreg $0x9  }
0xb1: {  	_ =	task.clear_ibuf [dreg:s6], $0x5FFFF;
	_ =	strace $0x90000046  }
0xb2: {  	s29 =	simm.s32 $0x9;
	_ =	strace $0x80000048  }
0xb3: {  	_ =	swait.ge [sflag:s29], $0x1  }
0xb4: {  	[sflag:s29] =	ssyncadd.s32 $0xFFFFFFFF  }
0xb5: {  	_ =	strace $0x90000048  }
0xb6: {  	_ =	sfence  }
0xb7: {  	s30 =	sld [smem:$0x0];
	_ =	sdelay $0x2  }
0xb8: {  	s31 =	sshll.u32 s1, $0xD;
	s1 =	sshrl.u32 s1, $0x2  }
0xb9: {  	s3 =	sand.u32 $0x4000, s31;
	s1 =	sadd.s32 s1, s30  }
0xba: {  	s0 =	sor.u32 s3, s0;
	s1 =	sshll.u32 s1, $0x11  }
0xbb: {  	s0 =	sor.u32 s1, s0  }
0xbc: {  	s0 =	sadd.s32 $0x8F2B, s0  }
0xbd: {  	[sflag:s0] =	ssyncadd.remote.s32 $0x1  }
0xbe: {  	_ =	sfence.sel $0xFFFF  }
0xbf: {  	[dreg:$0x0] =	wrdreg $0xFFFFFFFF;
	(pc) =	sbr.abs _section_cstart, $3  }
0xc0: {  	[dreg:$0x1] =	wrdreg $0xFFFFFFFF  }
0xc1: {  	_ =	task.clear_ibuf [dreg:s6], $0x2FFFF;
	_ =	strace $0x9FFFFFFF  }
0xc2: {  	(tm) =	ssettm $0x7FFFFFFF  }
0xc3: {  	_ =	shalt  }
tec
execute0_lowered:
.L_overlay_start_1:
0x0: {  	(tag) =	ssettag $0x1  }
0x1: {  	s5 =	rddreg [dreg:$0x0]  }
0x2: {  	s0 =	srdreg.scid;
	s2 =	rddreg [dreg:$0x1];
	s3 =	simm.s32 $0x0  }
0x3: {  	s10 =	simm.s32 $0x50;
	s4 =	sand.u32 $0x1, s0;
	s0 =	stileid.u32  }
0x4: {  	s11 =	simm.s32 $0x2710;
	s12 =	simm.s32 $0x1;
	s7 =	smul.u32 $0x4E0, s0  }
0x5: {  	[smem:$0x7FF] =	sst s3;
	s1 =	sshll.u32 s4, $0x4;
	s8 =	smul.u32 $0x4E20, s4  }
0x6: {  	s4 =	ssub.s32 $0x2, s4;
	s9 =	smul.u32 $0x9C00, s0;
	s13 =	sshll.u32 s0, $0x6  }
0x7: {  	s1 =	sor.u32 s0, s1;
	s30 =	sshrl.u32 s4, $0x1;
	s13 =	sor.u32 $0x1C02, s13  }
0x8: {  	s6 =	smul.u32 $0x4E2, s1;
	s1 =	rddreg [dreg:$0x2];
	_ =	strace $0x80000047  }
0x9: {  	s7 =	sadd.s32 s7, s8;
	s8 =	ssub.s32 s4, s30;
	s31 =	sshrl.u32 s9, $0x2  }
0xa: {  	s9 =	simm.s32 $0x2;
	s4 =	sadd.s32 s31, s2;
	s6 =	sadd.s32 s6, s5  }
0xb: {  	s7 =	sadd.s32 s7, s5;
	s14 =	sshrl.u32 s4, $0x3;
	s5 =	sadd.s32 $0x1E00, s6  }
0xc: {  	v0 =	vimm.f32 $1.000000000e+00;
	v1 =	vimm.f32 $0.0e+00;
	s6 =	sadd.s32 $0xBC00, s7;
	s7 =	smax.u32 s8, $0x1;
	s8 =	simm.s32 $0x2C10  }
.LBB2_1:
0xd: {  	s15 =	simm.s32 $0x0  }
.LBB2_2:
0xe: {  	p0 =	sne.s32 s15, $0x13C0  }
.Ltmp0:
0xf: {  	_ = 	snop;
	(pc) =	sbr.rel @p0 .LBB2_2-.Ltmp0, $3  }
0x10: {  	_ =	sdelay $0x1  }
0x11: {  	s16 =	sshra.s32 s15, $0x2  }
0x12: {  	s15 =	sadd.s32 $0x40, s15;
	[tilespmem:s16+$0x2710] =	vst v0  }
0x13: {  	s15 =	simm.s32 $0x40;
	s16 =	simm.s32 $0x0  }
.LBB2_4:
0x14: {  	p0 =	sne.s32 s15, $0x9FC0;
	[tilespmem:s16+$0x2C10] =	vst v1;
	s16 =	smov.u32 s15;
	s15 =	sadd.s32 $0x40, s15  }
.Ltmp1:
0x15: {  	(pc) =	sbr.rel @p0 .LBB2_4-.Ltmp1, $2  }
0x16: {  	_ =	sdelay $0x2  }
0x17: {  	s16 =	sshra.s32 s16, $0x2  }
0x18: {  	[tilespmem:s16+$0x2C10] =	vst v1  }
0x19: {  	[spmem:s4] =	stream.linear.scatter [tilespmem:s8], [sflag:$0x2], $0x2800, $0x38;
	[tilespmem:$0x7B20] =	vst v63  }
0x1a: {  	_ =	swait.ge [sflag:s9], $0x2800  }
0x1b: {  	[sflag:s9] =	ssyncset.done $0x0  }
0x1c: {  	s15 =	simm.s32 $0x0;
	[sflag:s9] =	ssyncadd.s32 $0xFFFFD800  }
0x1d: {  	[tilespmem:s15], [sflag:$0x2] =	stream.linear.gather [hbm4b:s5+s15], $0x2710, $0x38;
	[tilespmem:$0x7B20] =	vst v63  }
0x1e: {  	_ =	swait.ge [sflag:s9], $0x2710  }
0x1f: {  	[sflag:s9] =	ssyncset.done $0x0  }
0x20: {  	[sflag:s9] =	ssyncadd.s32 $0xFFFFD8F0  }
0x21: {  	s26 =	simm.s32 $0x0;
	[bflag:$0x0] =	sbarrier.arrive $0xFFFF  }
0x22: {  	[spmem:s2] =	stream.indirect.scatter.add.f32 [tilespmem:s11], [sflag:$0x1], $0x10, s26, s10, $0xb8;
	[tilespmem:$0x7B20] =	vst v63  }
0x23: {  	s28 =	simm.s32 $0x50  }
0x24: {  	[spmem:s2] =	stream.indirect.scatter.add.f32 [tilespmem:s11], [sflag:$0x1], $0x10, s28, s10, $0xb8;
	[tilespmem:$0x7B20] =	vst v63  }
0x25: {  	s29 =	simm.s32 $0xA0  }
0x26: {  	[spmem:s2] =	stream.indirect.scatter.add.f32 [tilespmem:s11], [sflag:$0x1], $0x10, s29, s10, $0xb8;
	[tilespmem:$0x7B20] =	vst v63  }
0x27: {  	s30 =	simm.s32 $0xF0  }
0x28: {  	[spmem:s2] =	stream.indirect.scatter.add.f32 [tilespmem:s11], [sflag:$0x1], $0x10, s30, s10, $0xb8;
	[tilespmem:$0x7B20] =	vst v63  }
0x29: {  	s31 =	simm.s32 $0x140  }
0x2a: {  	[spmem:s2] =	stream.indirect.scatter.add.f32 [tilespmem:s11], [sflag:$0x1], $0x10, s31, s10, $0xb8;
	[tilespmem:$0x7B20] =	vst v63  }
0x2b: {  	_ =	swait.ge [sflag:s12], $0x500  }
0x2c: {  	[sflag:s12] =	ssyncset.done $0x0  }
0x2d: {  	[sflag:s12] =	ssyncadd.s32 $0xFFFFFB00  }
0x2e: {  	_ =	swait.ge [sflag:s12], $0x500  }
0x2f: {  	[sflag:s12] =	ssyncset.done $0x0  }
0x30: {  	[sflag:s12] =	ssyncadd.s32 $0xFFFFFB00  }
0x31: {  	_ =	swait.ge [sflag:s12], $0x500  }
0x32: {  	[sflag:s12] =	ssyncset.done $0x0  }
0x33: {  	[sflag:s12] =	ssyncadd.s32 $0xFFFFFB00  }
0x34: {  	_ =	swait.ge [sflag:s12], $0x500  }
0x35: {  	[sflag:s12] =	ssyncset.done $0x0  }
0x36: {  	[sflag:s12] =	ssyncadd.s32 $0xFFFFFB00  }
0x37: {  	_ =	swait.ge [sflag:s12], $0x500  }
0x38: {  	s16 =	simm.s32 $0xC80;
	s15 =	simm.s32 $0x640;
	[sflag:s12] =	ssyncset.done $0x0  }
.LBB2_6:
0x39: {  	s17 =	sshra.s32 s15, $0x2  }
0x3a: {  	[sflag:s12] =	ssyncadd.s32 $0xFFFFFB00;
	s15 =	smov.u32 s16;
	s18 =	sadd.s32 $0x640, s16  }
0x3b: {  	[spmem:s2] =	stream.indirect.scatter.add.f32 [tilespmem:s11], [sflag:$0x1], $0x10, s17, s10, $0xb8;
	[tilespmem:$0x7B20] =	vst v63  }
0x3c: {  	p0 =	sne.s32 s16, $0x9600;
	s16 =	sadd.s32 $0x50, s17  }
0x3d: {  	[spmem:s2] =	stream.indirect.scatter.add.f32 [tilespmem:s11], [sflag:$0x1], $0x10, s16, s10, $0xb8;
	[tilespmem:$0x7B20] =	vst v63  }
0x3e: {  	s16 =	sadd.s32 $0xA0, s17  }
0x3f: {  	[spmem:s2] =	stream.indirect.scatter.add.f32 [tilespmem:s11], [sflag:$0x1], $0x10, s16, s10, $0xb8;
	[tilespmem:$0x7B20] =	vst v63  }
0x40: {  	s16 =	sadd.s32 $0xF0, s17  }
0x41: {  	[spmem:s2] =	stream.indirect.scatter.add.f32 [tilespmem:s11], [sflag:$0x1], $0x10, s16, s10, $0xb8;
	[tilespmem:$0x7B20] =	vst v63  }
0x42: {  	s16 =	sadd.s32 $0x140, s17  }
0x43: {  	[spmem:s2] =	stream.indirect.scatter.add.f32 [tilespmem:s11], [sflag:$0x1], $0x10, s16, s10, $0xb8;
	[tilespmem:$0x7B20] =	vst v63  }
0x44: {  	_ =	swait.ge [sflag:s12], $0x500  }
0x45: {  	[sflag:s12] =	ssyncset.done $0x0  }
0x46: {  	[sflag:s12] =	ssyncadd.s32 $0xFFFFFB00  }
0x47: {  	_ =	swait.ge [sflag:s12], $0x500  }
0x48: {  	[sflag:s12] =	ssyncset.done $0x0  }
0x49: {  	[sflag:s12] =	ssyncadd.s32 $0xFFFFFB00  }
0x4a: {  	_ =	swait.ge [sflag:s12], $0x500  }
0x4b: {  	[sflag:s12] =	ssyncset.done $0x0  }
0x4c: {  	[sflag:s12] =	ssyncadd.s32 $0xFFFFFB00  }
.Ltmp2:
0x4d: {  	_ =	swait.ge [sflag:s12], $0x500;
	(pc) =	sbr.rel @p0 .LBB2_6-.Ltmp2, $4  }
0x4e: {  	[sflag:s12] =	ssyncset.done $0x0  }
0x4f: {  	[sflag:s12] =	ssyncadd.s32 $0xFFFFFB00  }
0x50: {  	_ =	swait.ge [sflag:s12], $0x500  }
0x51: {  	s16 =	smov.u32 s18;
	[sflag:s12] =	ssyncset.done $0x0  }
0x52: {  	s15 =	sshra.s32 s15, $0x2;
	[sflag:s12] =	ssyncadd.s32 $0xFFFFFB00  }
0x53: {  	[spmem:s2] =	stream.indirect.scatter.add.f32 [tilespmem:s11], [sflag:$0x1], $0x10, s15, s10, $0xb8;
	[tilespmem:$0x7B20] =	vst v63  }
0x54: {  	s16 =	sadd.s32 $0x50, s15  }
0x55: {  	[spmem:s2] =	stream.indirect.scatter.add.f32 [tilespmem:s11], [sflag:$0x1], $0x10, s16, s10, $0xb8;
	[tilespmem:$0x7B20] =	vst v63  }
0x56: {  	s30 =	sadd.s32 $0xA0, s15  }
0x57: {  	[spmem:s2] =	stream.indirect.scatter.add.f32 [tilespmem:s11], [sflag:$0x1], $0x10, s30, s10, $0xb8;
	[tilespmem:$0x7B20] =	vst v63  }
0x58: {  	s31 =	sadd.s32 $0xF0, s15  }
0x59: {  	[spmem:s2] =	stream.indirect.scatter.add.f32 [tilespmem:s11], [sflag:$0x1], $0x10, s31, s10, $0xb8;
	[tilespmem:$0x7B20] =	vst v63  }
0x5a: {  	s15 =	sadd.s32 $0x140, s15  }
0x5b: {  	[spmem:s2] =	stream.indirect.scatter.add.f32 [tilespmem:s11], [sflag:$0x1], $0x10, s15, s10, $0xb8;
	[tilespmem:$0x7B20] =	vst v63  }
0x5c: {  	_ =	swait.ge [sflag:s12], $0x500  }
0x5d: {  	[sflag:s12] =	ssyncset.done $0x0  }
0x5e: {  	[sflag:s12] =	ssyncadd.s32 $0xFFFFFB00  }
0x5f: {  	_ =	swait.ge [sflag:s12], $0x500  }
0x60: {  	[sflag:s12] =	ssyncset.done $0x0  }
0x61: {  	[sflag:s12] =	ssyncadd.s32 $0xFFFFFB00  }
0x62: {  	_ =	swait.ge [sflag:s12], $0x500  }
0x63: {  	[sflag:s12] =	ssyncset.done $0x0  }
0x64: {  	[sflag:s12] =	ssyncadd.s32 $0xFFFFFB00  }
0x65: {  	_ =	swait.ge [sflag:s12], $0x500  }
0x66: {  	[sflag:s12] =	ssyncset.done $0x0  }
0x67: {  	[sflag:s12] =	ssyncadd.s32 $0xFFFFFB00  }
0x68: {  	_ =	swait.ge [sflag:s12], $0x500  }
0x69: {  	s3 =	sadd.s32 $0x1, s3;
	[sflag:s12] =	ssyncset.done $0x0  }
0x6a: {  	p0 =	sne.s32 s3, s7;
	[sflag:s12] =	ssyncadd.s32 $0xFFFFFB00  }
.Ltmp3:
0x6b: {  	[bflag:$0x0] =	sbarrier.arrive $0xFFFF;
	(pc) =	sbr.rel @p0 .LBB2_1-.Ltmp3, $4  }
0x6c: {  	[hbm:s6], [sflag:s13] =	dma.local [spmem:s14], $0x500  }
0x6d: {  	_ =	swait.ge [sflag:s9], $0x500  }
0x6e: {  	[sflag:s9] =	ssyncset.done $0x0  }
0x6f: {  	[sflag:s9] =	ssyncadd.s32 $0xFFFFFB00  }
0x70: {  	_ =	sfence.sel $0x180000  }
0x71: {  	[bflag:$0x0] =	sbarrier.arrive $0xFFFF  }
0x72: {  	p0 =	sne.s32 s0, $0x0;
	_ =	strace $0x90000047  }
0x73: {  	s0 =	sadd.s32 @!p0 $0x100000, s1;
	[bflag:$0x2] =	sbarrier.arrive $0xFFFF  }
0x74: {  	[sflag:s0] =	ssyncadd.tile.s32 @!p0 $0x1;
	_ =	shalt  }
.Lfunc_end2:
_tile_overlayer_lowered:
.L_overlay_start_2:
0x75: {  	(tag) =	ssettag $0x2  }
0x76: {  	s0 =	rddreg [dreg:$0x0];
	s2 =	stileid.u32  }
0x77: {  	s1 =	rddreg [dreg:$0x1];
	p0 =	sne.s32 s2, $0x0  }
0x78: {  	s3 =	rddreg [dreg:$0x2];
	[bflag:$0x3] =	sbarrier.arrive $0xFFFF;
	s2 =	simm.s32 @!p0 $0x1C02  }
0x79: {  	[timem:s3], [sflag:s2] =	dma.local @!p0 [hbm:s0], s1  }
0x7a: {  	s0 =	simm.s32 @!p0 $0x2  }
0x7b: {  	_ =	swait.ge @!p0 [sflag:s0], s1  }
0x7c: {  	s1 =	ssub.s32 @!p0 $0x0, s1;
	[sflag:s0] =	ssyncset.done @!p0 $0x0  }
0x7d: {  	[sflag:s0] =	ssyncadd.s32 @!p0 s1  }
0x7e: {  	[bflag:$0x3] =	sbarrier.arrive $0xFFFF  }
0x7f: {  	_ =	shalt  }

</sc_bundles>
